<compile_context>
chip_gen: v7x
topology: tpu7x:2x2x1
jax: 0.10.2.dev20260603
libtpu: 0.0.44.dev20260713+nightly
codegen_flags: <defaults>
</compile_context>

<pallas_src>
import functools

import jax
import jax.numpy as jnp
from jax import lax
from jax.experimental import pallas as pl
from jax.experimental.pallas import tpu as pltpu
from jax.experimental.pallas import tpu_sc as plsc

_N = 10000
_NPAD = 10240
_E = 320000
_H = 128
_B = 4096
_NC = 2
_NS = 16
_CH = 80
_EPT = _E // (_NC * _NS)
_NCH = _EPT // _CH
_RPT = _NPAD // _NS
_GC = 64
_GPT = _B // _NS

_f32 = jnp.float32


def _mesh():
    return plsc.VectorSubcoreMesh(core_axis_name="c", subcore_axis_name="s")


def _edge_sweep(tab, src, dst, base, src_all, slots, acc, scat_x):
    def fire(i, b):
        dch, rows, semd, semg = slots[b]
        pltpu.async_copy(dst.at[pl.ds(base + i * _CH, _CH)], dch, semd)
        pltpu.async_copy(tab.at[src_all.at[pl.ds(i * _CH, _CH)]],
                         rows, semg)

    def drain_scat(b):
        dch, rows, semd, semg = slots[b]
        pltpu.make_async_copy(dst.at[pl.ds(base, _CH)], dch, semd).wait()
        pltpu.make_async_copy(tab.at[src_all.at[pl.ds(0, _CH)]],
                              rows, semg).wait()
        pltpu.sync_copy(rows, acc.at[dch], add=True)
        scat_x(dch)

    pltpu.sync_copy(src.at[pl.ds(base, _EPT)], src_all)
    fire(0, 0)
    fire(1, 1)

    def step(k, carry):
        i0 = k * 3
        for b in range(3):
            fire(i0 + b + 2, (b + 2) % 3)
            drain_scat(b)
        return carry

    lax.fori_loop(0, (_NCH - 2) // 3, step, 0)
    drain_scat(0)
    drain_scat(1)


def _seg0_body(tab, src, dst, zrows, zc, ones_h, out_sum, out_cnt,
               acc, cacc, rows0, rows1, rows2, dch0, dch1, dch2, src_all,
               ones_v, semg0, semg1, semg2, semd0, semd1, semd2):
    c = lax.axis_index("c")
    s = lax.axis_index("s")
    pltpu.sync_copy(zrows, acc.at[pl.ds(s * _RPT, _RPT)])
    pltpu.sync_copy(zc, cacc.at[pl.ds(s * _RPT, _RPT)])
    pltpu.sync_copy(ones_h, ones_v)
    base = c * (_E // _NC) + s * _EPT
    plsc.subcore_barrier()

    def scat_cnt(dch):
        pltpu.sync_copy(ones_v, cacc.at[dch], add=True)

    slots = [(dch0, rows0, semd0, semg0), (dch1, rows1, semd1, semg1),
             (dch2, rows2, semd2, semg2)]
    _edge_sweep(tab, src, dst, base, src_all, slots, acc, scat_cnt)
    plsc.subcore_barrier()
    pltpu.sync_copy(acc.at[pl.ds(s * _RPT, _RPT)],
                    out_sum.at[pl.ds(c * _NPAD + s * _RPT, _RPT)])
    pltpu.sync_copy(cacc.at[pl.ds(s * _RPT, _RPT)],
                    out_cnt.at[pl.ds(c * _NPAD + s * _RPT, _RPT)])


_seg0 = functools.partial(
    pl.kernel,
    _seg0_body,
    out_type=[jax.ShapeDtypeStruct((_NC * _NPAD, _H), _f32),
              jax.ShapeDtypeStruct((_NC * _NPAD,), _f32)],
    mesh=_mesh(),
    scratch_types=[
        pltpu.VMEM_SHARED((_NPAD, _H), _f32),
        pltpu.VMEM_SHARED((_NPAD,), _f32),
        pltpu.VMEM((_CH, _H), _f32),
        pltpu.VMEM((_CH, _H), _f32),
        pltpu.VMEM((_CH, _H), _f32),
        pltpu.VMEM((_CH,), jnp.int32),
        pltpu.VMEM((_CH,), jnp.int32),
        pltpu.VMEM((_CH,), jnp.int32),
        pltpu.VMEM((_EPT,), jnp.int32),
        pltpu.VMEM((_CH,), _f32),
    ] + [pltpu.SemaphoreType.DMA] * 6,
)()


def _seg1_body(tab, src, dst, zrows, selfh, rch, gidx,
               gsum, gx, grc,
               acc, rows0, rows1, rows2, dch0, dch1, dch2, src_all, idxb,
               semg0, semg1, semg2, semd0, semd1, semd2):
    c = lax.axis_index("c")
    s = lax.axis_index("s")
    pltpu.sync_copy(zrows, acc.at[pl.ds(s * _RPT, _RPT)])
    base = c * (_E // _NC) + s * _EPT
    plsc.subcore_barrier()
    slots = [(dch0, rows0, semd0, semg0), (dch1, rows1, semd1, semg1),
             (dch2, rows2, semd2, semg2)]
    _edge_sweep(tab, src, dst, base, src_all, slots, acc, lambda dch: None)
    plsc.subcore_barrier()
    g0 = rows0.at[pl.ds(0, _GC)]
    g1 = rows1.at[pl.ds(0, _GC)]
    for t in range(_GPT // _GC):
        off = s * _GPT + t * _GC
        pltpu.sync_copy(gidx.at[pl.ds(off, _GC)], idxb)
        pltpu.async_copy(acc.at[idxb], g0, semg0).wait()
        pltpu.sync_copy(g0, gsum.at[pl.ds(c * _B + off, _GC)])

        @pl.when(c == 0)
        def _():
            pltpu.async_copy(selfh.at[idxb], g1, semg1).wait()
            pltpu.sync_copy(g1, gx.at[pl.ds(off, _GC)])

        @pl.when(c == 1)
        def _():
            pltpu.async_copy(rch.at[idxb], g1, semg1).wait()
            pltpu.sync_copy(g1, grc.at[pl.ds(off, _GC)])


_seg1 = functools.partial(
    pl.kernel,
    _seg1_body,
    out_type=[jax.ShapeDtypeStruct((_NC * _B, _H), _f32),
              jax.ShapeDtypeStruct((_B, _H), _f32),
              jax.ShapeDtypeStruct((_B, _H), _f32)],
    mesh=_mesh(),
    scratch_types=[
        pltpu.VMEM_SHARED((_NPAD, _H), _f32),
        pltpu.VMEM((_CH, _H), _f32),
        pltpu.VMEM((_CH, _H), _f32),
        pltpu.VMEM((_CH, _H), _f32),
        pltpu.VMEM((_CH,), jnp.int32),
        pltpu.VMEM((_CH,), jnp.int32),
        pltpu.VMEM((_CH,), jnp.int32),
        pltpu.VMEM((_EPT,), jnp.int32),
        pltpu.VMEM((_GC,), jnp.int32),
    ] + [pltpu.SemaphoreType.DMA] * 6,
)()


def _d0_body(sa_dis, sb_dis, cda, cdb, xt_dis, sa_drug, sb_drug, cga, cgb,
             xt_drug, w_dis, b_dis, w_drug, b_drug,
             xs0, xs1, xd0, xd1, rc_dis, rc_drug):
    dot = functools.partial(jnp.dot, preferred_element_type=_f32)
    rcd = 1.0 / jnp.maximum(cda[:, 0:1] + cdb[:, 0:1], 1.0)
    rcg = 1.0 / jnp.maximum(cga[:, 0:1] + cgb[:, 0:1], 1.0)
    rc_dis[...] = jnp.broadcast_to(rcd, rc_dis.shape)
    rc_drug[...] = jnp.broadcast_to(rcg, rc_drug.shape)
    agg_dis = (sa_dis[...] + sb_dis[...]) * rcd
    agg_drug = (sa_drug[...] + sb_drug[...]) * rcg
    xs0[...] = jnp.maximum(
        dot(agg_dis, w_dis[0]) + b_dis[0] + dot(xt_dis[...], w_dis[1]), 0.0)
    xs1[...] = jnp.maximum(
        dot(agg_dis, w_dis[2]) + b_dis[1] + dot(xt_dis[...], w_dis[3]), 0.0)
    xd0[...] = jnp.maximum(
        dot(agg_drug, w_drug[0]) + b_drug[0] + dot(xt_drug[...], w_drug[1]), 0.0)
    xd1[...] = jnp.maximum(
        dot(agg_drug, w_drug[2]) + b_drug[1] + dot(xt_drug[...], w_drug[3]), 0.0)


def _run_d0(sa_dis, sb_dis, cda, cdb, xt_dis, sa_drug, sb_drug, cga, cgb,
            xt_drug, w_dis, b_dis, w_drug, b_drug):
    r = 1000
    grid = (_N // r,)
    row = pl.BlockSpec((r, _H), lambda i: (i, 0))
    cblk = pl.BlockSpec((r, 1), lambda i: (i, 0))
    wblk = pl.BlockSpec((4, _H, _H), lambda i: (0, 0, 0))
    bblk = pl.BlockSpec((2, _H), lambda i: (0, 0))
    return pl.pallas_call(
        _d0_body,
        grid=grid,
        in_specs=[row, row, cblk, cblk, row, row, row, cblk, cblk, row,
                  wblk, bblk, wblk, bblk],
        out_specs=[row, row, row, row, row, row],
        out_shape=[jax.ShapeDtypeStruct((_N, _H), _f32)] * 6,
    )(sa_dis, sb_dis, cda, cdb, xt_dis, sa_drug, sb_drug, cga, cgb,
      xt_drug, w_dis, b_dis, w_drug, b_drug)


def _d1_body(gd0, gd1, gdx, gcd, gs0, gs1, gsx, gcs,
             w_d, b_d, w_s, b_s, wv_t, bv, wo_t, bo,
             w1, b1, w2, b2, w3r, out):
    dot = functools.partial(jnp.dot, preferred_element_type=_f32)
    demb = jnp.maximum(
        dot((gd0[...] + gd1[...]) * gcd[...], w_d[0])
        + b_d[0] + dot(gdx[...], w_d[1]), 0.0)
    semb = jnp.maximum(
        dot((gs0[...] + gs1[...]) * gcs[...], w_s[0])
        + b_s[0] + dot(gsx[...], w_s[1]), 0.0)
    datt = dot(dot(semb, wv_t[0]) + bv[0], wo_t[0]) + bo[0]
    satt = dot(dot(demb, wv_t[1]) + bv[1], wo_t[1]) + bo[1]
    li = jnp.concatenate([demb, semb, datt, satt], axis=-1)
    h = jnp.maximum(dot(li, w1[...]) + b1[0], 0.0)
    h = jnp.maximum(dot(h, w2[...]) + b2[0], 0.0)
    o = jnp.sum(h * w3r[0:1, :], axis=-1) + w3r[1, 0]
    out[...] = o.reshape(out.shape)


def _run_d1(gsum_d, gx_d, grc_d, gsum_s, gx_s, grc_s,
            w_d, b_d, w_s, b_s, wv_t, bv, wo_t, bo, w1, b1, w2, b2, w3r):
    r = 1024
    nb = _B // r
    arow = pl.BlockSpec((r, _H), lambda i: (i, 0))
    brow = pl.BlockSpec((r, _H), lambda i: (nb + i, 0))
    w2blk = pl.BlockSpec((2, _H, _H), lambda i: (0, 0, 0))
    bblk = pl.BlockSpec((2, _H), lambda i: (0, 0))
    full = lambda a: pl.BlockSpec(a.shape, lambda i: tuple(0 for _ in a.shape))
    return pl.pallas_call(
        _d1_body,
        grid=(nb,),
        in_specs=[arow, brow, arow, arow, arow, brow, arow, arow,
                  w2blk, bblk, w2blk, bblk, w2blk, bblk, w2blk, bblk,
                  full(w1), full(b1), full(w2), full(b2), full(w3r)],
        out_specs=[pl.BlockSpec((r // _H, _H), lambda i: (i, 0))],
        out_shape=[jax.ShapeDtypeStruct((_B // _H, _H), _f32)],
    )(gsum_d, gsum_d, gx_d, grc_d, gsum_s, gsum_s, gx_s, grc_s,
      w_d, b_d, w_s, b_s, wv_t, bv, wo_t, bo, w1, b1, w2, b2, w3r)[0]


def kernel(edge_index_dd, edge_index_rev, drug_idx, disease_idx, drug_table,
           disease_table, sage_wl, sage_bl, sage_wr, attn_in_w, attn_in_b,
           attn_out_w, attn_out_b, mlp_w1, mlp_b1, mlp_w2, mlp_b2, mlp_w3,
           mlp_b3):
    i32 = jnp.int32
    h = _H
    src_dd = edge_index_dd[0].astype(i32)
    dst_dd = edge_index_dd[1].astype(i32)
    src_rv = edge_index_rev[0].astype(i32)
    dst_rv = edge_index_rev[1].astype(i32)
    di = drug_idx.astype(i32)
    si = disease_idx.astype(i32)

    zrows = jnp.zeros((_RPT, _H), _f32)
    zc = jnp.zeros((_RPT,), _f32)
    ones_h = jnp.ones((_CH,), _f32)

    sum_dis0, cnt_dd = _seg0(drug_table, src_dd, dst_dd, zrows, zc, ones_h)
    sum_drug0, cnt_rv = _seg0(disease_table, src_rv, dst_rv, zrows, zc, ones_h)

    w_dis = jnp.stack([sage_wl[0, 0, 0], sage_wr[0, 0, 0],
                       sage_wl[1, 0, 0], sage_wr[1, 0, 0]])
    b_dis = jnp.stack([sage_bl[0, 0, 0], sage_bl[1, 0, 0]])
    w_drug = jnp.stack([sage_wl[0, 0, 1], sage_wr[0, 0, 1],
                        sage_wl[1, 0, 1], sage_wr[1, 0, 1]])
    b_drug = jnp.stack([sage_bl[0, 0, 1], sage_bl[1, 0, 1]])

    xs0, xs1, xd0, xd1, rc_dis, rc_drug = _run_d0(
        sum_dis0[:_N], sum_dis0[_NPAD:_NPAD + _N],
        cnt_dd[:_N].reshape(_N, 1), cnt_dd[_NPAD:_NPAD + _N].reshape(_N, 1),
        disease_table,
        sum_drug0[:_N], sum_drug0[_NPAD:_NPAD + _N],
        cnt_rv[:_N].reshape(_N, 1), cnt_rv[_NPAD:_NPAD + _N].reshape(_N, 1),
        drug_table,
        w_dis, b_dis, w_drug, b_drug)

    gsum_d, gx_d, grc_d = _seg1(xs0, src_rv, dst_rv, zrows, xd0, rc_drug, di)
    gsum_s, gx_s, grc_s = _seg1(xd1, src_dd, dst_dd, zrows, xs1, rc_dis, si)

    w_d = jnp.stack([sage_wl[0, 1, 1], sage_wr[0, 1, 1]])
    b_d = jnp.stack([sage_bl[0, 1, 1], sage_bl[0, 1, 1]])
    w_s = jnp.stack([sage_wl[1, 1, 0], sage_wr[1, 1, 0]])
    b_s = jnp.stack([sage_bl[1, 1, 0], sage_bl[1, 1, 0]])
    wv_t = jnp.stack([attn_in_w[0, 2 * h:3 * h].T, attn_in_w[1, 2 * h:3 * h].T])
    bv = jnp.stack([attn_in_b[0, 2 * h:3 * h], attn_in_b[1, 2 * h:3 * h]])
    wo_t = jnp.stack([attn_out_w[0].T, attn_out_w[1].T])
    bo = jnp.stack([attn_out_b[0], attn_out_b[1]])
    b1 = mlp_b1.reshape(1, -1)
    b2 = mlp_b2.reshape(1, -1)
    w3r = jnp.concatenate(
        [mlp_w3[:, 0:1].T, jnp.full((1, _H), mlp_b3[0], _f32)], axis=0)

    out = _run_d1(gsum_d, gx_d, grc_d, gsum_s, gx_s, grc_s,
                  w_d, b_d, w_s, b_s, wv_t, bv, wo_t, bo,
                  mlp_w1, b1, mlp_w2, b2, w3r)
    return out.reshape(_B)

# --- scband reference (transcript-rebuilt; emitter-appended) ---
"""Pipeline reference for scband-dual-encoder-module-57363583205828 (READ-ONLY COPY).

The authoritative reference and input builder live on the scoring server;
editing this copy changes nothing except your own understanding.
"""

import jax, jax.numpy as jnp
import numpy as np

N_DRUG = 10000
N_DIS = 10000
E = 320000
B = 4096
H = 128
NH = 4
DH = H // NH


def seg_mean(vals, idx, num):
    s = jax.ops.segment_sum(vals, idx, num_segments=num)
    c = jax.ops.segment_sum(jnp.ones((idx.shape[0],), vals.dtype), idx, num_segments=num)
    return s / jnp.maximum(c, 1.0)[:, None]


def setup_inputs(seed: int = 0):
    key = jax.random.key(seed)
    ks = jax.random.split(key, 16)
    sc = 0.05
    return {
        "edge_index_dd": jax.random.randint(ks[0], (2, E), 0, N_DRUG),
        "edge_index_rev": jax.random.randint(ks[1], (2, E), 0, N_DIS),
        "drug_idx": jax.random.randint(ks[2], (B,), 0, N_DRUG),
        "disease_idx": jax.random.randint(ks[3], (B,), 0, N_DIS),
        "drug_table": jax.random.normal(ks[4], (N_DRUG, H), dtype=jnp.float32) * sc,
        "disease_table": jax.random.normal(ks[5], (N_DIS, H), dtype=jnp.float32) * sc,
        "sage_wl": jax.random.normal(ks[6], (2, 2, 2, H, H), dtype=jnp.float32) * sc,
        "sage_bl": jnp.zeros((2, 2, 2, H), dtype=jnp.float32),
        "sage_wr": jax.random.normal(ks[7], (2, 2, 2, H, H), dtype=jnp.float32) * sc,
        "attn_in_w": jax.random.normal(ks[8], (2, 3 * H, H), dtype=jnp.float32) * sc,
        "attn_in_b": jnp.zeros((2, 3 * H), dtype=jnp.float32),
        "attn_out_w": jax.random.normal(ks[9], (2, H, H), dtype=jnp.float32) * sc,
        "attn_out_b": jnp.zeros((2, H), dtype=jnp.float32),
        "mlp_w1": jax.random.normal(ks[10], (4 * H, 2 * H), dtype=jnp.float32) * sc,
        "mlp_b1": jnp.zeros((2 * H,), dtype=jnp.float32),
        "mlp_w2": jax.random.normal(ks[11], (2 * H, H), dtype=jnp.float32) * sc,
        "mlp_b2": jnp.zeros((H,), dtype=jnp.float32),
        "mlp_w3": jax.random.normal(ks[12], (H, 1), dtype=jnp.float32) * sc,
        "mlp_b3": jnp.zeros((1,), dtype=jnp.float32),
    }


def _encode(e, drug_table, disease_table, ei_dd, ei_rev, wl, bl, wr):
    # HeteroConv stack: edge type 0 = drug->disease, edge type 1 = disease->drug.
    # SAGEConv: out = lin_l(mean_aggr(x_src)) + lin_r(x_dst); HeteroConv mean aggr
    # is identity here (one edge type per dst node type).
    xd, xs = drug_table, disease_table
    for l in range(2):
        agg_dis = seg_mean(xd[ei_dd[0]], ei_dd[1], N_DIS)
        out_dis = agg_dis @ wl[e, l, 0] + bl[e, l, 0] + xs @ wr[e, l, 0]
        agg_drug = seg_mean(xs[ei_rev[0]], ei_rev[1], N_DRUG)
        out_drug = agg_drug @ wl[e, l, 1] + bl[e, l, 1] + xd @ wr[e, l, 1]
        xd = jax.nn.relu(out_drug)
        xs = jax.nn.relu(out_dis)
    return xd, xs


def _mha(a, q_in, kv_in, in_w, in_b, out_w, out_b):
    # torch MultiheadAttention with seq_len 1 on both sides (batch_first).
    q = q_in @ in_w[a, 0:H].T + in_b[a, 0:H]
    k = kv_in @ in_w[a, H:2 * H].T + in_b[a, H:2 * H]
    v = kv_in @ in_w[a, 2 * H:3 * H].T + in_b[a, 2 * H:3 * H]
    qh = q.reshape(-1, NH, DH)
    kh = k.reshape(-1, NH, DH)
    vh = v.reshape(-1, NH, DH)
    scores = jnp.sum(qh * kh, axis=-1, keepdims=True) / np.sqrt(DH)
    attn = jax.nn.softmax(scores, axis=-1)
    out = (attn * vh).reshape(-1, H)
    return out @ out_w[a].T + out_b[a]


def reference(edge_index_dd, edge_index_rev, drug_idx, disease_idx, drug_table, disease_table, sage_wl, sage_bl, sage_wr, attn_in_w, attn_in_b, attn_out_w, attn_out_b, mlp_w1, mlp_b1, mlp_w2, mlp_b2, mlp_w3, mlp_b3):
    xd0, _ = _encode(0, drug_table, disease_table, edge_index_dd, edge_index_rev, sage_wl, sage_bl, sage_wr)
    _, xs1 = _encode(1, drug_table, disease_table, edge_index_dd, edge_index_rev, sage_wl, sage_bl, sage_wr)
    drug_emb = xd0[drug_idx]
    disease_emb = xs1[disease_idx]
    drug_att = _mha(0, drug_emb, disease_emb, attn_in_w, attn_in_b, attn_out_w, attn_out_b)
    dis_att = _mha(1, disease_emb, drug_emb, attn_in_w, attn_in_b, attn_out_w, attn_out_b)
    li = jnp.concatenate([drug_emb, disease_emb, drug_att, dis_att], axis=-1)
    h = jax.nn.relu(li @ mlp_w1 + mlp_b1)
    h = jax.nn.relu(h @ mlp_w2 + mlp_b2)
    return (h @ mlp_w3 + mlp_b3).squeeze(-1)

if __name__ == "__main__":
    import jax
    _d = setup_inputs()
    print(jax.jit(kernel)(*tuple(_d.values())))

</pallas_src>

<mosaic_0001>
#map = affine_map<(d0, d1) -> (0, 0)>
#map1 = affine_map<(d0, d1) -> (0)>
module attributes {stable_mosaic.version = 14 : i64} {
  func.func @_seg1_body(%arg0: i32, %arg1: i32, %arg2: memref<10000x128xf32, #tpu.memory_space<hbm>>, %arg3: memref<320000xi32, #tpu.memory_space<hbm>>, %arg4: memref<320000xi32, #tpu.memory_space<hbm>>, %arg5: memref<640x128xf32, #tpu.memory_space<hbm>>, %arg6: memref<10000x128xf32, #tpu.memory_space<hbm>>, %arg7: memref<10000x128xf32, #tpu.memory_space<hbm>>, %arg8: memref<4096xi32, #tpu.memory_space<hbm>>, %arg9: memref<8192x128xf32, #tpu.memory_space<hbm>>, %arg10: memref<4096x128xf32, #tpu.memory_space<hbm>>, %arg11: memref<4096x128xf32, #tpu.memory_space<hbm>>, %arg12: memref<10240x128xf32, #tpu.memory_space<vmem_shared>>, %arg13: memref<80x128xf32, #tpu.memory_space<vmem>>, %arg14: memref<80x128xf32, #tpu.memory_space<vmem>>, %arg15: memref<80x128xf32, #tpu.memory_space<vmem>>, %arg16: memref<80xi32, #tpu.memory_space<vmem>>, %arg17: memref<80xi32, #tpu.memory_space<vmem>>, %arg18: memref<80xi32, #tpu.memory_space<vmem>>, %arg19: memref<10000xi32, #tpu.memory_space<vmem>>, %arg20: memref<64xi32, #tpu.memory_space<vmem>>, %arg21: memref<!tpu.dma_semaphore, #tpu.memory_space<semaphore_mem>>, %arg22: memref<!tpu.dma_semaphore, #tpu.memory_space<semaphore_mem>>, %arg23: memref<!tpu.dma_semaphore, #tpu.memory_space<semaphore_mem>>, %arg24: memref<!tpu.dma_semaphore, #tpu.memory_space<semaphore_mem>>, %arg25: memref<!tpu.dma_semaphore, #tpu.memory_space<semaphore_mem>>, %arg26: memref<!tpu.dma_semaphore, #tpu.memory_space<semaphore_mem>>) attributes {dimension_semantics = [#tpu.dimension_semantics<core_parallel>, #tpu.dimension_semantics<subcore_parallel>], iteration_bounds = array<i64: 2, 16>, scalar_prefetch = 0 : i64, scratch_operands = 15 : i64, tpu.core_type = #tpu.core_type<sc_vector_subcore>, window_params = [{transform_indices = #map}, {transform_indices = #map1}, {transform_indices = #map1}, {transform_indices = #map}, {transform_indices = #map}, {transform_indices = #map}, {transform_indices = #map1}, {transform_indices = #map}, {transform_indices = #map}, {transform_indices = #map}]} {
    %mul3A = arith.constant 640 : i32
    %mul3A_0 = arith.muli %arg1, %mul3A : i32
    "tpu.region"() ({
      %run_scoped3A = tpu.sem_alloc : memref<!tpu.dma_semaphore, #tpu.memory_space<semaphore_mem>>
      %dma_start3A_154 = arith.constant 0 : i32
      %dma_start3A_155 = tpu.memref_slice %arg12[%mul3A_0, %dma_start3A_154] : memref<10240x128xf32, #tpu.memory_space<vmem_shared>> -> memref<640x128xf32, #tpu.memory_space<vmem_shared>>
      tpu.enqueue_dma source(%arg5 : memref<640x128xf32, #tpu.memory_space<hbm>>) target(%dma_start3A_155 : memref<640x128xf32, #tpu.memory_space<vmem_shared>>) target_semaphore(%run_scoped3A : memref<!tpu.dma_semaphore, #tpu.memory_space<semaphore_mem>>)
      %dma_wait3A_156 = arith.constant 0 : i32
      %dma_wait3A_157 = tpu.memref_slice %arg12[%mul3A_0, %dma_wait3A_156] : memref<10240x128xf32, #tpu.memory_space<vmem_shared>> -> memref<640x128xf32, #tpu.memory_space<vmem_shared>>
      tpu.wait_dma2 semaphore(%run_scoped3A : memref<!tpu.dma_semaphore, #tpu.memory_space<semaphore_mem>>) src(%arg5 : memref<640x128xf32, #tpu.memory_space<hbm>>) dst(%dma_wait3A_157 : memref<640x128xf32, #tpu.memory_space<vmem_shared>>)
      tpu.yield
    }) : () -> ()
    %mul3A_1 = arith.constant 160000 : i32
    %mul3A_2 = arith.muli %arg0, %mul3A_1 : i32
    %mul3A_3 = arith.constant 10000 : i32
    %mul3A_4 = arith.muli %arg1, %mul3A_3 : i32
    %add3A = arith.addi %mul3A_2, %mul3A_4 : i32
    %barrier3A = arith.constant 0 : index
    tpu.barrier barrier_id(%barrier3A)
    "tpu.region"() ({
      %run_scoped3A = tpu.sem_alloc : memref<!tpu.dma_semaphore, #tpu.memory_space<semaphore_mem>>
      %dma_start3A_154 = tpu.memref_slice %arg3[%add3A] : memref<320000xi32, #tpu.memory_space<hbm>> -> memref<10000xi32, #tpu.memory_space<hbm>>
      %dma_start3A_155 = tpu.memref_slice %arg3[%add3A] : memref<320000xi32, #tpu.memory_space<hbm>> -> memref<10000xi32, #tpu.memory_space<hbm>>
      tpu.enqueue_dma source(%dma_start3A_155 : memref<10000xi32, #tpu.memory_space<hbm>>) target(%arg19 : memref<10000xi32, #tpu.memory_space<vmem>>) target_semaphore(%run_scoped3A : memref<!tpu.dma_semaphore, #tpu.memory_space<semaphore_mem>>)
      %dma_wait3A_156 = tpu.memref_slice %arg3[%add3A] : memref<320000xi32, #tpu.memory_space<hbm>> -> memref<10000xi32, #tpu.memory_space<hbm>>
      %dma_wait3A_157 = tpu.memref_slice %arg3[%add3A] : memref<320000xi32, #tpu.memory_space<hbm>> -> memref<10000xi32, #tpu.memory_space<hbm>>
      tpu.wait_dma2 semaphore(%run_scoped3A : memref<!tpu.dma_semaphore, #tpu.memory_space<semaphore_mem>>) src(%dma_wait3A_157 : memref<10000xi32, #tpu.memory_space<hbm>>) dst(%arg19 : memref<10000xi32, #tpu.memory_space<vmem>>)
      tpu.yield
    }) : () -> ()
    %add3A_5 = arith.constant 0 : i32
    %add3A_6 = arith.addi %add3A, %add3A_5 : i32
    %dma_start3A = tpu.memref_slice %arg4[%add3A_6] : memref<320000xi32, #tpu.memory_space<hbm>> -> memref<80xi32, #tpu.memory_space<hbm>>
    %dma_start3A_7 = tpu.memref_slice %arg4[%add3A_6] : memref<320000xi32, #tpu.memory_space<hbm>> -> memref<80xi32, #tpu.memory_space<hbm>>
    tpu.enqueue_dma source(%dma_start3A_7 : memref<80xi32, #tpu.memory_space<hbm>>) target(%arg16 : memref<80xi32, #tpu.memory_space<vmem>>) target_semaphore(%arg24 : memref<!tpu.dma_semaphore, #tpu.memory_space<semaphore_mem>>)
    %dma_start3A_8 = arith.constant 0 : i32
    %dma_start3A_9 = tpu.memref_slice %arg19[%dma_start3A_8] : memref<10000xi32, #tpu.memory_space<vmem>> -> memref<80xi32, #tpu.memory_space<vmem>>
    %dma_start3A_10 = arith.constant 0 : i32
    %dma_start3A_11 = arith.constant 0 : i32
    %dma_start3A_12 = tpu.memref_slice %arg2[%dma_start3A_10, %dma_start3A_11] : memref<10000x128xf32, #tpu.memory_space<hbm>> -> memref<10000x128xf32, #tpu.memory_space<hbm>>
    tpu.enqueue_indirect_dma source(%dma_start3A_12 : memref<10000x128xf32, #tpu.memory_space<hbm>>) target(%arg13 : memref<80x128xf32, #tpu.memory_space<vmem>>) offsets(%dma_start3A_9 : memref<80xi32, #tpu.memory_space<vmem>>) semaphore(%arg21 : memref<!tpu.dma_semaphore, #tpu.memory_space<semaphore_mem>>)
    %add3A_13 = arith.constant 80 : i32
    %add3A_14 = arith.addi %add3A, %add3A_13 : i32
    %dma_start3A_15 = tpu.memref_slice %arg4[%add3A_14] : memref<320000xi32, #tpu.memory_space<hbm>> -> memref<80xi32, #tpu.memory_space<hbm>>
    %dma_start3A_16 = tpu.memref_slice %arg4[%add3A_14] : memref<320000xi32, #tpu.memory_space<hbm>> -> memref<80xi32, #tpu.memory_space<hbm>>
    tpu.enqueue_dma source(%dma_start3A_16 : memref<80xi32, #tpu.memory_space<hbm>>) target(%arg17 : memref<80xi32, #tpu.memory_space<vmem>>) target_semaphore(%arg25 : memref<!tpu.dma_semaphore, #tpu.memory_space<semaphore_mem>>)
    %dma_start3A_17 = arith.constant 80 : i32
    %dma_start3A_18 = tpu.memref_slice %arg19[%dma_start3A_17] : memref<10000xi32, #tpu.memory_space<vmem>> -> memref<80xi32, #tpu.memory_space<vmem>>
    %dma_start3A_19 = arith.constant 0 : i32
    %dma_start3A_20 = arith.constant 0 : i32
    %dma_start3A_21 = tpu.memref_slice %arg2[%dma_start3A_19, %dma_start3A_20] : memref<10000x128xf32, #tpu.memory_space<hbm>> -> memref<10000x128xf32, #tpu.memory_space<hbm>>
    tpu.enqueue_indirect_dma source(%dma_start3A_21 : memref<10000x128xf32, #tpu.memory_space<hbm>>) target(%arg14 : memref<80x128xf32, #tpu.memory_space<vmem>>) offsets(%dma_start3A_18 : memref<80xi32, #tpu.memory_space<vmem>>) semaphore(%arg22 : memref<!tpu.dma_semaphore, #tpu.memory_space<semaphore_mem>>)
    %scan3A = arith.constant 0 : i32
    %scan3A_22 = arith.constant 0 : i32
    %scan3A_23 = arith.constant 41 : i32
    %scan3A_24 = arith.addi %scan3A_22, %scan3A_23 : i32
    %scan3A_25 = arith.constant 1 : i32
    scf.for %scan3A_154 = %scan3A_22 to %scan3A_24 step %scan3A_25  : i32 {
      %mul3A_155 = arith.constant 3 : i32
      %mul3A_156 = arith.muli %scan3A_154, %mul3A_155 : i32
      %add3A_157 = arith.constant 0 : i32
      %add3A_158 = arith.addi %mul3A_156, %add3A_157 : i32
      %add3A_159 = arith.constant 2 : i32
      %add3A_160 = arith.addi %add3A_158, %add3A_159 : i32
      %mul3A_161 = arith.constant 80 : i32
      %mul3A_162 = arith.muli %add3A_160, %mul3A_161 : i32
      %add3A_163 = arith.addi %add3A, %mul3A_162 : i32
      %dma_start3A_164 = tpu.memref_slice %arg4[%add3A_163] : memref<320000xi32, #tpu.memory_space<hbm>> -> memref<80xi32, #tpu.memory_space<hbm>>
      %dma_start3A_165 = tpu.memref_slice %arg4[%add3A_163] : memref<320000xi32, #tpu.memory_space<hbm>> -> memref<80xi32, #tpu.memory_space<hbm>>
      tpu.enqueue_dma source(%dma_start3A_165 : memref<80xi32, #tpu.memory_space<hbm>>) target(%arg18 : memref<80xi32, #tpu.memory_space<vmem>>) target_semaphore(%arg26 : memref<!tpu.dma_semaphore, #tpu.memory_space<semaphore_mem>>)
      %mul3A_166 = arith.constant 80 : i32
      %mul3A_167 = arith.muli %add3A_160, %mul3A_166 : i32
      %dma_start3A_168 = tpu.memref_slice %arg19[%mul3A_167] : memref<10000xi32, #tpu.memory_space<vmem>> -> memref<80xi32, #tpu.memory_space<vmem>>
      %dma_start3A_169 = arith.constant 0 : i32
      %dma_start3A_170 = arith.constant 0 : i32
      %dma_start3A_171 = tpu.memref_slice %arg2[%dma_start3A_169, %dma_start3A_170] : memref<10000x128xf32, #tpu.memory_space<hbm>> -> memref<10000x128xf32, #tpu.memory_space<hbm>>
      tpu.enqueue_indirect_dma source(%dma_start3A_171 : memref<10000x128xf32, #tpu.memory_space<hbm>>) target(%arg15 : memref<80x128xf32, #tpu.memory_space<vmem>>) offsets(%dma_start3A_168 : memref<80xi32, #tpu.memory_space<vmem>>) semaphore(%arg23 : memref<!tpu.dma_semaphore, #tpu.memory_space<semaphore_mem>>)
      %dma_wait3A_172 = tpu.memref_slice %arg4[%add3A] : memref<320000xi32, #tpu.memory_space<hbm>> -> memref<80xi32, #tpu.memory_space<hbm>>
      %dma_wait3A_173 = tpu.memref_slice %arg4[%add3A] : memref<320000xi32, #tpu.memory_space<hbm>> -> memref<80xi32, #tpu.memory_space<hbm>>
      tpu.wait_dma2 semaphore(%arg24 : memref<!tpu.dma_semaphore, #tpu.memory_space<semaphore_mem>>) src(%dma_wait3A_173 : memref<80xi32, #tpu.memory_space<hbm>>) dst(%arg16 : memref<80xi32, #tpu.memory_space<vmem>>)
      %dma_wait3A_174 = arith.constant 0 : i32
      %dma_wait3A_175 = tpu.memref_slice %arg19[%dma_wait3A_174] : memref<10000xi32, #tpu.memory_space<vmem>> -> memref<80xi32, #tpu.memory_space<vmem>>
      %dma_wait3A_176 = arith.constant 0 : i32
      %dma_wait3A_177 = arith.constant 0 : i32
      %dma_wait3A_178 = tpu.memref_slice %arg2[%dma_wait3A_176, %dma_wait3A_177] : memref<10000x128xf32, #tpu.memory_space<hbm>> -> memref<10000x128xf32, #tpu.memory_space<hbm>>
      tpu.wait_indirect_dma semaphore(%arg21 : memref<!tpu.dma_semaphore, #tpu.memory_space<semaphore_mem>>) src(%dma_wait3A_178 : memref<10000x128xf32, #tpu.memory_space<hbm>>) dst(%arg13 : memref<80x128xf32, #tpu.memory_space<vmem>>)
      "tpu.region"() ({
        %run_scoped3A = tpu.sem_alloc : memref<!tpu.dma_semaphore, #tpu.memory_space<semaphore_mem>>
        %dma_start3A_223 = arith.constant 0 : i32
        %dma_start3A_224 = arith.constant 0 : i32
        %dma_start3A_225 = tpu.memref_slice %arg12[%dma_start3A_223, %dma_start3A_224] : memref<10240x128xf32, #tpu.memory_space<vmem_shared>> -> memref<10240x128xf32, #tpu.memory_space<vmem_shared>>
        tpu.enqueue_indirect_dma source(%arg13 : memref<80x128xf32, #tpu.memory_space<vmem>>) target(%dma_start3A_225 : memref<10240x128xf32, #tpu.memory_space<vmem_shared>>) offsets(%arg16 : memref<80xi32, #tpu.memory_space<vmem>>) semaphore(%run_scoped3A : memref<!tpu.dma_semaphore, #tpu.memory_space<semaphore_mem>>) {add = true}
        %dma_wait3A_226 = arith.constant 0 : i32
        %dma_wait3A_227 = arith.constant 0 : i32
        %dma_wait3A_228 = tpu.memref_slice %arg12[%dma_wait3A_226, %dma_wait3A_227] : memref<10240x128xf32, #tpu.memory_space<vmem_shared>> -> memref<10240x128xf32, #tpu.memory_space<vmem_shared>>
        tpu.wait_indirect_dma semaphore(%run_scoped3A : memref<!tpu.dma_semaphore, #tpu.memory_space<semaphore_mem>>) src(%arg13 : memref<80x128xf32, #tpu.memory_space<vmem>>) dst(%dma_wait3A_228 : memref<10240x128xf32, #tpu.memory_space<vmem_shared>>)
        tpu.yield
      }) : () -> ()
      %add3A_179 = arith.constant 1 : i32
      %add3A_180 = arith.addi %mul3A_156, %add3A_179 : i32
      %add3A_181 = arith.constant 2 : i32
      %add3A_182 = arith.addi %add3A_180, %add3A_181 : i32
      %mul3A_183 = arith.constant 80 : i32
      %mul3A_184 = arith.muli %add3A_182, %mul3A_183 : i32
      %add3A_185 = arith.addi %add3A, %mul3A_184 : i32
      %dma_start3A_186 = tpu.memref_slice %arg4[%add3A_185] : memref<320000xi32, #tpu.memory_space<hbm>> -> memref<80xi32, #tpu.memory_space<hbm>>
      %dma_start3A_187 = tpu.memref_slice %arg4[%add3A_185] : memref<320000xi32, #tpu.memory_space<hbm>> -> memref<80xi32, #tpu.memory_space<hbm>>
      tpu.enqueue_dma source(%dma_start3A_187 : memref<80xi32, #tpu.memory_space<hbm>>) target(%arg16 : memref<80xi32, #tpu.memory_space<vmem>>) target_semaphore(%arg24 : memref<!tpu.dma_semaphore, #tpu.memory_space<semaphore_mem>>)
      %mul3A_188 = arith.constant 80 : i32
      %mul3A_189 = arith.muli %add3A_182, %mul3A_188 : i32
      %dma_start3A_190 = tpu.memref_slice %arg19[%mul3A_189] : memref<10000xi32, #tpu.memory_space<vmem>> -> memref<80xi32, #tpu.memory_space<vmem>>
      %dma_start3A_191 = arith.constant 0 : i32
      %dma_start3A_192 = arith.constant 0 : i32
      %dma_start3A_193 = tpu.memref_slice %arg2[%dma_start3A_191, %dma_start3A_192] : memref<10000x128xf32, #tpu.memory_space<hbm>> -> memref<10000x128xf32, #tpu.memory_space<hbm>>
      tpu.enqueue_indirect_dma source(%dma_start3A_193 : memref<10000x128xf32, #tpu.memory_space<hbm>>) target(%arg13 : memref<80x128xf32, #tpu.memory_space<vmem>>) offsets(%dma_start3A_190 : memref<80xi32, #tpu.memory_space<vmem>>) semaphore(%arg21 : memref<!tpu.dma_semaphore, #tpu.memory_space<semaphore_mem>>)
      %dma_wait3A_194 = tpu.memref_slice %arg4[%add3A] : memref<320000xi32, #tpu.memory_space<hbm>> -> memref<80xi32, #tpu.memory_space<hbm>>
      %dma_wait3A_195 = tpu.memref_slice %arg4[%add3A] : memref<320000xi32, #tpu.memory_space<hbm>> -> memref<80xi32, #tpu.memory_space<hbm>>
      tpu.wait_dma2 semaphore(%arg25 : memref<!tpu.dma_semaphore, #tpu.memory_space<semaphore_mem>>) src(%dma_wait3A_195 : memref<80xi32, #tpu.memory_space<hbm>>) dst(%arg17 : memref<80xi32, #tpu.memory_space<vmem>>)
      %dma_wait3A_196 = arith.constant 0 : i32
      %dma_wait3A_197 = tpu.memref_slice %arg19[%dma_wait3A_196] : memref<10000xi32, #tpu.memory_space<vmem>> -> memref<80xi32, #tpu.memory_space<vmem>>
      %dma_wait3A_198 = arith.constant 0 : i32
      %dma_wait3A_199 = arith.constant 0 : i32
      %dma_wait3A_200 = tpu.memref_slice %arg2[%dma_wait3A_198, %dma_wait3A_199] : memref<10000x128xf32, #tpu.memory_space<hbm>> -> memref<10000x128xf32, #tpu.memory_space<hbm>>
      tpu.wait_indirect_dma semaphore(%arg22 : memref<!tpu.dma_semaphore, #tpu.memory_space<semaphore_mem>>) src(%dma_wait3A_200 : memref<10000x128xf32, #tpu.memory_space<hbm>>) dst(%arg14 : memref<80x128xf32, #tpu.memory_space<vmem>>)
      "tpu.region"() ({
        %run_scoped3A = tpu.sem_alloc : memref<!tpu.dma_semaphore, #tpu.memory_space<semaphore_mem>>
        %dma_start3A_223 = arith.constant 0 : i32
        %dma_start3A_224 = arith.constant 0 : i32
        %dma_start3A_225 = tpu.memref_slice %arg12[%dma_start3A_223, %dma_start3A_224] : memref<10240x128xf32, #tpu.memory_space<vmem_shared>> -> memref<10240x128xf32, #tpu.memory_space<vmem_shared>>
        tpu.enqueue_indirect_dma source(%arg14 : memref<80x128xf32, #tpu.memory_space<vmem>>) target(%dma_start3A_225 : memref<10240x128xf32, #tpu.memory_space<vmem_shared>>) offsets(%arg17 : memref<80xi32, #tpu.memory_space<vmem>>) semaphore(%run_scoped3A : memref<!tpu.dma_semaphore, #tpu.memory_space<semaphore_mem>>) {add = true}
        %dma_wait3A_226 = arith.constant 0 : i32
        %dma_wait3A_227 = arith.constant 0 : i32
        %dma_wait3A_228 = tpu.memref_slice %arg12[%dma_wait3A_226, %dma_wait3A_227] : memref<10240x128xf32, #tpu.memory_space<vmem_shared>> -> memref<10240x128xf32, #tpu.memory_space<vmem_shared>>
        tpu.wait_indirect_dma semaphore(%run_scoped3A : memref<!tpu.dma_semaphore, #tpu.memory_space<semaphore_mem>>) src(%arg14 : memref<80x128xf32, #tpu.memory_space<vmem>>) dst(%dma_wait3A_228 : memref<10240x128xf32, #tpu.memory_space<vmem_shared>>)
        tpu.yield
      }) : () -> ()
      %add3A_201 = arith.constant 2 : i32
      %add3A_202 = arith.addi %mul3A_156, %add3A_201 : i32
      %add3A_203 = arith.constant 2 : i32
      %add3A_204 = arith.addi %add3A_202, %add3A_203 : i32
      %mul3A_205 = arith.constant 80 : i32
      %mul3A_206 = arith.muli %add3A_204, %mul3A_205 : i32
      %add3A_207 = arith.addi %add3A, %mul3A_206 : i32
      %dma_start3A_208 = tpu.memref_slice %arg4[%add3A_207] : memref<320000xi32, #tpu.memory_space<hbm>> -> memref<80xi32, #tpu.memory_space<hbm>>
      %dma_start3A_209 = tpu.memref_slice %arg4[%add3A_207] : memref<320000xi32, #tpu.memory_space<hbm>> -> memref<80xi32, #tpu.memory_space<hbm>>
      tpu.enqueue_dma source(%dma_start3A_209 : memref<80xi32, #tpu.memory_space<hbm>>) target(%arg17 : memref<80xi32, #tpu.memory_space<vmem>>) target_semaphore(%arg25 : memref<!tpu.dma_semaphore, #tpu.memory_space<semaphore_mem>>)
      %mul3A_210 = arith.constant 80 : i32
      %mul3A_211 = arith.muli %add3A_204, %mul3A_210 : i32
      %dma_start3A_212 = tpu.memref_slice %arg19[%mul3A_211] : memref<10000xi32, #tpu.memory_space<vmem>> -> memref<80xi32, #tpu.memory_space<vmem>>
      %dma_start3A_213 = arith.constant 0 : i32
      %dma_start3A_214 = arith.constant 0 : i32
      %dma_start3A_215 = tpu.memref_slice %arg2[%dma_start3A_213, %dma_start3A_214] : memref<10000x128xf32, #tpu.memory_space<hbm>> -> memref<10000x128xf32, #tpu.memory_space<hbm>>
      tpu.enqueue_indirect_dma source(%dma_start3A_215 : memref<10000x128xf32, #tpu.memory_space<hbm>>) target(%arg14 : memref<80x128xf32, #tpu.memory_space<vmem>>) offsets(%dma_start3A_212 : memref<80xi32, #tpu.memory_space<vmem>>) semaphore(%arg22 : memref<!tpu.dma_semaphore, #tpu.memory_space<semaphore_mem>>)
      %dma_wait3A_216 = tpu.memref_slice %arg4[%add3A] : memref<320000xi32, #tpu.memory_space<hbm>> -> memref<80xi32, #tpu.memory_space<hbm>>
      %dma_wait3A_217 = tpu.memref_slice %arg4[%add3A] : memref<320000xi32, #tpu.memory_space<hbm>> -> memref<80xi32, #tpu.memory_space<hbm>>
      tpu.wait_dma2 semaphore(%arg26 : memref<!tpu.dma_semaphore, #tpu.memory_space<semaphore_mem>>) src(%dma_wait3A_217 : memref<80xi32, #tpu.memory_space<hbm>>) dst(%arg18 : memref<80xi32, #tpu.memory_space<vmem>>)
      %dma_wait3A_218 = arith.constant 0 : i32
      %dma_wait3A_219 = tpu.memref_slice %arg19[%dma_wait3A_218] : memref<10000xi32, #tpu.memory_space<vmem>> -> memref<80xi32, #tpu.memory_space<vmem>>
      %dma_wait3A_220 = arith.constant 0 : i32
      %dma_wait3A_221 = arith.constant 0 : i32
      %dma_wait3A_222 = tpu.memref_slice %arg2[%dma_wait3A_220, %dma_wait3A_221] : memref<10000x128xf32, #tpu.memory_space<hbm>> -> memref<10000x128xf32, #tpu.memory_space<hbm>>
      tpu.wait_indirect_dma semaphore(%arg23 : memref<!tpu.dma_semaphore, #tpu.memory_space<semaphore_mem>>) src(%dma_wait3A_222 : memref<10000x128xf32, #tpu.memory_space<hbm>>) dst(%arg15 : memref<80x128xf32, #tpu.memory_space<vmem>>)
      "tpu.region"() ({
        %run_scoped3A = tpu.sem_alloc : memref<!tpu.dma_semaphore, #tpu.memory_space<semaphore_mem>>
        %dma_start3A_223 = arith.constant 0 : i32
        %dma_start3A_224 = arith.constant 0 : i32
        %dma_start3A_225 = tpu.memref_slice %arg12[%dma_start3A_223, %dma_start3A_224] : memref<10240x128xf32, #tpu.memory_space<vmem_shared>> -> memref<10240x128xf32, #tpu.memory_space<vmem_shared>>
        tpu.enqueue_indirect_dma source(%arg15 : memref<80x128xf32, #tpu.memory_space<vmem>>) target(%dma_start3A_225 : memref<10240x128xf32, #tpu.memory_space<vmem_shared>>) offsets(%arg18 : memref<80xi32, #tpu.memory_space<vmem>>) semaphore(%run_scoped3A : memref<!tpu.dma_semaphore, #tpu.memory_space<semaphore_mem>>) {add = true}
        %dma_wait3A_226 = arith.constant 0 : i32
        %dma_wait3A_227 = arith.constant 0 : i32
        %dma_wait3A_228 = tpu.memref_slice %arg12[%dma_wait3A_226, %dma_wait3A_227] : memref<10240x128xf32, #tpu.memory_space<vmem_shared>> -> memref<10240x128xf32, #tpu.memory_space<vmem_shared>>
        tpu.wait_indirect_dma semaphore(%run_scoped3A : memref<!tpu.dma_semaphore, #tpu.memory_space<semaphore_mem>>) src(%arg15 : memref<80x128xf32, #tpu.memory_space<vmem>>) dst(%dma_wait3A_228 : memref<10240x128xf32, #tpu.memory_space<vmem_shared>>)
        tpu.yield
      }) : () -> ()
    }
    %scan3A_26 = arith.constant 41 : i32
    %dma_wait3A = tpu.memref_slice %arg4[%add3A] : memref<320000xi32, #tpu.memory_space<hbm>> -> memref<80xi32, #tpu.memory_space<hbm>>
    %dma_wait3A_27 = tpu.memref_slice %arg4[%add3A] : memref<320000xi32, #tpu.memory_space<hbm>> -> memref<80xi32, #tpu.memory_space<hbm>>
    tpu.wait_dma2 semaphore(%arg24 : memref<!tpu.dma_semaphore, #tpu.memory_space<semaphore_mem>>) src(%dma_wait3A_27 : memref<80xi32, #tpu.memory_space<hbm>>) dst(%arg16 : memref<80xi32, #tpu.memory_space<vmem>>)
    %dma_wait3A_28 = arith.constant 0 : i32
    %dma_wait3A_29 = tpu.memref_slice %arg19[%dma_wait3A_28] : memref<10000xi32, #tpu.memory_space<vmem>> -> memref<80xi32, #tpu.memory_space<vmem>>
    %dma_wait3A_30 = arith.constant 0 : i32
    %dma_wait3A_31 = arith.constant 0 : i32
    %dma_wait3A_32 = tpu.memref_slice %arg2[%dma_wait3A_30, %dma_wait3A_31] : memref<10000x128xf32, #tpu.memory_space<hbm>> -> memref<10000x128xf32, #tpu.memory_space<hbm>>
    tpu.wait_indirect_dma semaphore(%arg21 : memref<!tpu.dma_semaphore, #tpu.memory_space<semaphore_mem>>) src(%dma_wait3A_32 : memref<10000x128xf32, #tpu.memory_space<hbm>>) dst(%arg13 : memref<80x128xf32, #tpu.memory_space<vmem>>)
    "tpu.region"() ({
      %run_scoped3A = tpu.sem_alloc : memref<!tpu.dma_semaphore, #tpu.memory_space<semaphore_mem>>
      %dma_start3A_154 = arith.constant 0 : i32
      %dma_start3A_155 = arith.constant 0 : i32
      %dma_start3A_156 = tpu.memref_slice %arg12[%dma_start3A_154, %dma_start3A_155] : memref<10240x128xf32, #tpu.memory_space<vmem_shared>> -> memref<10240x128xf32, #tpu.memory_space<vmem_shared>>
      tpu.enqueue_indirect_dma source(%arg13 : memref<80x128xf32, #tpu.memory_space<vmem>>) target(%dma_start3A_156 : memref<10240x128xf32, #tpu.memory_space<vmem_shared>>) offsets(%arg16 : memref<80xi32, #tpu.memory_space<vmem>>) semaphore(%run_scoped3A : memref<!tpu.dma_semaphore, #tpu.memory_space<semaphore_mem>>) {add = true}
      %dma_wait3A_157 = arith.constant 0 : i32
      %dma_wait3A_158 = arith.constant 0 : i32
      %dma_wait3A_159 = tpu.memref_slice %arg12[%dma_wait3A_157, %dma_wait3A_158] : memref<10240x128xf32, #tpu.memory_space<vmem_shared>> -> memref<10240x128xf32, #tpu.memory_space<vmem_shared>>
      tpu.wait_indirect_dma semaphore(%run_scoped3A : memref<!tpu.dma_semaphore, #tpu.memory_space<semaphore_mem>>) src(%arg13 : memref<80x128xf32, #tpu.memory_space<vmem>>) dst(%dma_wait3A_159 : memref<10240x128xf32, #tpu.memory_space<vmem_shared>>)
      tpu.yield
    }) : () -> ()
    %dma_wait3A_33 = tpu.memref_slice %arg4[%add3A] : memref<320000xi32, #tpu.memory_space<hbm>> -> memref<80xi32, #tpu.memory_space<hbm>>
    %dma_wait3A_34 = tpu.memref_slice %arg4[%add3A] : memref<320000xi32, #tpu.memory_space<hbm>> -> memref<80xi32, #tpu.memory_space<hbm>>
    tpu.wait_dma2 semaphore(%arg25 : memref<!tpu.dma_semaphore, #tpu.memory_space<semaphore_mem>>) src(%dma_wait3A_34 : memref<80xi32, #tpu.memory_space<hbm>>) dst(%arg17 : memref<80xi32, #tpu.memory_space<vmem>>)
    %dma_wait3A_35 = arith.constant 0 : i32
    %dma_wait3A_36 = tpu.memref_slice %arg19[%dma_wait3A_35] : memref<10000xi32, #tpu.memory_space<vmem>> -> memref<80xi32, #tpu.memory_space<vmem>>
    %dma_wait3A_37 = arith.constant 0 : i32
    %dma_wait3A_38 = arith.constant 0 : i32
    %dma_wait3A_39 = tpu.memref_slice %arg2[%dma_wait3A_37, %dma_wait3A_38] : memref<10000x128xf32, #tpu.memory_space<hbm>> -> memref<10000x128xf32, #tpu.memory_space<hbm>>
    tpu.wait_indirect_dma semaphore(%arg22 : memref<!tpu.dma_semaphore, #tpu.memory_space<semaphore_mem>>) src(%dma_wait3A_39 : memref<10000x128xf32, #tpu.memory_space<hbm>>) dst(%arg14 : memref<80x128xf32, #tpu.memory_space<vmem>>)
    "tpu.region"() ({
      %run_scoped3A = tpu.sem_alloc : memref<!tpu.dma_semaphore, #tpu.memory_space<semaphore_mem>>
      %dma_start3A_154 = arith.constant 0 : i32
      %dma_start3A_155 = arith.constant 0 : i32
      %dma_start3A_156 = tpu.memref_slice %arg12[%dma_start3A_154, %dma_start3A_155] : memref<10240x128xf32, #tpu.memory_space<vmem_shared>> -> memref<10240x128xf32, #tpu.memory_space<vmem_shared>>
      tpu.enqueue_indirect_dma source(%arg14 : memref<80x128xf32, #tpu.memory_space<vmem>>) target(%dma_start3A_156 : memref<10240x128xf32, #tpu.memory_space<vmem_shared>>) offsets(%arg17 : memref<80xi32, #tpu.memory_space<vmem>>) semaphore(%run_scoped3A : memref<!tpu.dma_semaphore, #tpu.memory_space<semaphore_mem>>) {add = true}
      %dma_wait3A_157 = arith.constant 0 : i32
      %dma_wait3A_158 = arith.constant 0 : i32
      %dma_wait3A_159 = tpu.memref_slice %arg12[%dma_wait3A_157, %dma_wait3A_158] : memref<10240x128xf32, #tpu.memory_space<vmem_shared>> -> memref<10240x128xf32, #tpu.memory_space<vmem_shared>>
      tpu.wait_indirect_dma semaphore(%run_scoped3A : memref<!tpu.dma_semaphore, #tpu.memory_space<semaphore_mem>>) src(%arg14 : memref<80x128xf32, #tpu.memory_space<vmem>>) dst(%dma_wait3A_159 : memref<10240x128xf32, #tpu.memory_space<vmem_shared>>)
      tpu.yield
    }) : () -> ()
    %barrier3A_40 = arith.constant 0 : index
    tpu.barrier barrier_id(%barrier3A_40)
    %mul3A_41 = arith.constant 256 : i32
    %mul3A_42 = arith.muli %arg1, %mul3A_41 : i32
    %add3A_43 = arith.constant 0 : i32
    %add3A_44 = arith.addi %mul3A_42, %add3A_43 : i32
    "tpu.region"() ({
      %run_scoped3A = tpu.sem_alloc : memref<!tpu.dma_semaphore, #tpu.memory_space<semaphore_mem>>
      %dma_start3A_154 = tpu.memref_slice %arg8[%add3A_44] : memref<4096xi32, #tpu.memory_space<hbm>> -> memref<64xi32, #tpu.memory_space<hbm>>
      %dma_start3A_155 = tpu.memref_slice %arg8[%add3A_44] : memref<4096xi32, #tpu.memory_space<hbm>> -> memref<64xi32, #tpu.memory_space<hbm>>
      tpu.enqueue_dma source(%dma_start3A_155 : memref<64xi32, #tpu.memory_space<hbm>>) target(%arg20 : memref<64xi32, #tpu.memory_space<vmem>>) target_semaphore(%run_scoped3A : memref<!tpu.dma_semaphore, #tpu.memory_space<semaphore_mem>>)
      %dma_wait3A_156 = tpu.memref_slice %arg8[%add3A_44] : memref<4096xi32, #tpu.memory_space<hbm>> -> memref<64xi32, #tpu.memory_space<hbm>>
      %dma_wait3A_157 = tpu.memref_slice %arg8[%add3A_44] : memref<4096xi32, #tpu.memory_space<hbm>> -> memref<64xi32, #tpu.memory_space<hbm>>
      tpu.wait_dma2 semaphore(%run_scoped3A : memref<!tpu.dma_semaphore, #tpu.memory_space<semaphore_mem>>) src(%dma_wait3A_157 : memref<64xi32, #tpu.memory_space<hbm>>) dst(%arg20 : memref<64xi32, #tpu.memory_space<vmem>>)
      tpu.yield
    }) : () -> ()
    %dma_start3A_45 = arith.constant 0 : i32
    %dma_start3A_46 = arith.constant 0 : i32
    %dma_start3A_47 = tpu.memref_slice %arg13[%dma_start3A_45, %dma_start3A_46] : memref<80x128xf32, #tpu.memory_space<vmem>> -> memref<64x128xf32, #tpu.memory_space<vmem>>
    %dma_start3A_48 = arith.constant 0 : i32
    %dma_start3A_49 = arith.constant 0 : i32
    %dma_start3A_50 = tpu.memref_slice %arg12[%dma_start3A_48, %dma_start3A_49] : memref<10240x128xf32, #tpu.memory_space<vmem_shared>> -> memref<10240x128xf32, #tpu.memory_space<vmem_shared>>
    tpu.enqueue_indirect_dma source(%dma_start3A_50 : memref<10240x128xf32, #tpu.memory_space<vmem_shared>>) target(%dma_start3A_47 : memref<64x128xf32, #tpu.memory_space<vmem>>) offsets(%arg20 : memref<64xi32, #tpu.memory_space<vmem>>) semaphore(%arg21 : memref<!tpu.dma_semaphore, #tpu.memory_space<semaphore_mem>>)
    %dma_wait3A_51 = arith.constant 0 : i32
    %dma_wait3A_52 = arith.constant 0 : i32
    %dma_wait3A_53 = tpu.memref_slice %arg13[%dma_wait3A_51, %dma_wait3A_52] : memref<80x128xf32, #tpu.memory_space<vmem>> -> memref<64x128xf32, #tpu.memory_space<vmem>>
    %dma_wait3A_54 = arith.constant 0 : i32
    %dma_wait3A_55 = arith.constant 0 : i32
    %dma_wait3A_56 = tpu.memref_slice %arg12[%dma_wait3A_54, %dma_wait3A_55] : memref<10240x128xf32, #tpu.memory_space<vmem_shared>> -> memref<10240x128xf32, #tpu.memory_space<vmem_shared>>
    tpu.wait_indirect_dma semaphore(%arg21 : memref<!tpu.dma_semaphore, #tpu.memory_space<semaphore_mem>>) src(%dma_wait3A_56 : memref<10240x128xf32, #tpu.memory_space<vmem_shared>>) dst(%dma_wait3A_53 : memref<64x128xf32, #tpu.memory_space<vmem>>)
    %mul3A_57 = arith.constant 4096 : i32
    %mul3A_58 = arith.muli %arg0, %mul3A_57 : i32
    %add3A_59 = arith.addi %mul3A_58, %add3A_44 : i32
    "tpu.region"() ({
      %run_scoped3A = tpu.sem_alloc : memref<!tpu.dma_semaphore, #tpu.memory_space<semaphore_mem>>
      %dma_start3A_154 = arith.constant 0 : i32
      %dma_start3A_155 = arith.constant 0 : i32
      %dma_start3A_156 = tpu.memref_slice %arg13[%dma_start3A_154, %dma_start3A_155] : memref<80x128xf32, #tpu.memory_space<vmem>> -> memref<64x128xf32, #tpu.memory_space<vmem>>
      %dma_start3A_157 = arith.constant 0 : i32
      %dma_start3A_158 = tpu.memref_slice %arg9[%add3A_59, %dma_start3A_157] : memref<8192x128xf32, #tpu.memory_space<hbm>> -> memref<64x128xf32, #tpu.memory_space<hbm>>
      %dma_start3A_159 = arith.constant 0 : i32
      %dma_start3A_160 = tpu.memref_slice %arg9[%add3A_59, %dma_start3A_159] : memref<8192x128xf32, #tpu.memory_space<hbm>> -> memref<64x128xf32, #tpu.memory_space<hbm>>
      %dma_start3A_161 = arith.constant 0 : i32
      %dma_start3A_162 = arith.constant 0 : i32
      %dma_start3A_163 = tpu.memref_slice %arg13[%dma_start3A_161, %dma_start3A_162] : memref<80x128xf32, #tpu.memory_space<vmem>> -> memref<64x128xf32, #tpu.memory_space<vmem>>
      tpu.enqueue_dma source(%dma_start3A_163 : memref<64x128xf32, #tpu.memory_space<vmem>>) target(%dma_start3A_160 : memref<64x128xf32, #tpu.memory_space<hbm>>) target_semaphore(%run_scoped3A : memref<!tpu.dma_semaphore, #tpu.memory_space<semaphore_mem>>)
      %dma_wait3A_164 = arith.constant 0 : i32
      %dma_wait3A_165 = arith.constant 0 : i32
      %dma_wait3A_166 = tpu.memref_slice %arg13[%dma_wait3A_164, %dma_wait3A_165] : memref<80x128xf32, #tpu.memory_space<vmem>> -> memref<64x128xf32, #tpu.memory_space<vmem>>
      %dma_wait3A_167 = arith.constant 0 : i32
      %dma_wait3A_168 = tpu.memref_slice %arg9[%add3A_59, %dma_wait3A_167] : memref<8192x128xf32, #tpu.memory_space<hbm>> -> memref<64x128xf32, #tpu.memory_space<hbm>>
      %dma_wait3A_169 = arith.constant 0 : i32
      %dma_wait3A_170 = tpu.memref_slice %arg9[%add3A_59, %dma_wait3A_169] : memref<8192x128xf32, #tpu.memory_space<hbm>> -> memref<64x128xf32, #tpu.memory_space<hbm>>
      %dma_wait3A_171 = arith.constant 0 : i32
      %dma_wait3A_172 = arith.constant 0 : i32
      %dma_wait3A_173 = tpu.memref_slice %arg13[%dma_wait3A_171, %dma_wait3A_172] : memref<80x128xf32, #tpu.memory_space<vmem>> -> memref<64x128xf32, #tpu.memory_space<vmem>>
      tpu.wait_dma2 semaphore(%run_scoped3A : memref<!tpu.dma_semaphore, #tpu.memory_space<semaphore_mem>>) src(%dma_wait3A_173 : memref<64x128xf32, #tpu.memory_space<vmem>>) dst(%dma_wait3A_170 : memref<64x128xf32, #tpu.memory_space<hbm>>)
      tpu.yield
    }) : () -> ()
    %eq3A = arith.constant 0 : i32
    %eq3A_60 = arith.cmpi eq, %arg0, %eq3A : i32
    %convert_element_type3A = arith.extui %eq3A_60 : i1 to i32
    %cond3A = arith.constant 0 : i32
    %cond3A_61 = arith.cmpi ne, %convert_element_type3A, %cond3A : i32
    scf.if %cond3A_61 {
      %dma_start3A_154 = arith.constant 0 : i32
      %dma_start3A_155 = arith.constant 0 : i32
      %dma_start3A_156 = tpu.memref_slice %arg14[%dma_start3A_154, %dma_start3A_155] : memref<80x128xf32, #tpu.memory_space<vmem>> -> memref<64x128xf32, #tpu.memory_space<vmem>>
      %dma_start3A_157 = arith.constant 0 : i32
      %dma_start3A_158 = arith.constant 0 : i32
      %dma_start3A_159 = tpu.memref_slice %arg6[%dma_start3A_157, %dma_start3A_158] : memref<10000x128xf32, #tpu.memory_space<hbm>> -> memref<10000x128xf32, #tpu.memory_space<hbm>>
      tpu.enqueue_indirect_dma source(%dma_start3A_159 : memref<10000x128xf32, #tpu.memory_space<hbm>>) target(%dma_start3A_156 : memref<64x128xf32, #tpu.memory_space<vmem>>) offsets(%arg20 : memref<64xi32, #tpu.memory_space<vmem>>) semaphore(%arg22 : memref<!tpu.dma_semaphore, #tpu.memory_space<semaphore_mem>>)
      %dma_wait3A_160 = arith.constant 0 : i32
      %dma_wait3A_161 = arith.constant 0 : i32
      %dma_wait3A_162 = tpu.memref_slice %arg14[%dma_wait3A_160, %dma_wait3A_161] : memref<80x128xf32, #tpu.memory_space<vmem>> -> memref<64x128xf32, #tpu.memory_space<vmem>>
      %dma_wait3A_163 = arith.constant 0 : i32
      %dma_wait3A_164 = arith.constant 0 : i32
      %dma_wait3A_165 = tpu.memref_slice %arg6[%dma_wait3A_163, %dma_wait3A_164] : memref<10000x128xf32, #tpu.memory_space<hbm>> -> memref<10000x128xf32, #tpu.memory_space<hbm>>
      tpu.wait_indirect_dma semaphore(%arg22 : memref<!tpu.dma_semaphore, #tpu.memory_space<semaphore_mem>>) src(%dma_wait3A_165 : memref<10000x128xf32, #tpu.memory_space<hbm>>) dst(%dma_wait3A_162 : memref<64x128xf32, #tpu.memory_space<vmem>>)
      "tpu.region"() ({
        %run_scoped3A = tpu.sem_alloc : memref<!tpu.dma_semaphore, #tpu.memory_space<semaphore_mem>>
        %dma_start3A_166 = arith.constant 0 : i32
        %dma_start3A_167 = arith.constant 0 : i32
        %dma_start3A_168 = tpu.memref_slice %arg14[%dma_start3A_166, %dma_start3A_167] : memref<80x128xf32, #tpu.memory_space<vmem>> -> memref<64x128xf32, #tpu.memory_space<vmem>>
        %dma_start3A_169 = arith.constant 0 : i32
        %dma_start3A_170 = tpu.memref_slice %arg10[%add3A_44, %dma_start3A_169] : memref<4096x128xf32, #tpu.memory_space<hbm>> -> memref<64x128xf32, #tpu.memory_space<hbm>>
        %dma_start3A_171 = arith.constant 0 : i32
        %dma_start3A_172 = tpu.memref_slice %arg10[%add3A_44, %dma_start3A_171] : memref<4096x128xf32, #tpu.memory_space<hbm>> -> memref<64x128xf32, #tpu.memory_space<hbm>>
        %dma_start3A_173 = arith.constant 0 : i32
        %dma_start3A_174 = arith.constant 0 : i32
        %dma_start3A_175 = tpu.memref_slice %arg14[%dma_start3A_173, %dma_start3A_174] : memref<80x128xf32, #tpu.memory_space<vmem>> -> memref<64x128xf32, #tpu.memory_space<vmem>>
        tpu.enqueue_dma source(%dma_start3A_175 : memref<64x128xf32, #tpu.memory_space<vmem>>) target(%dma_start3A_172 : memref<64x128xf32, #tpu.memory_space<hbm>>) target_semaphore(%run_scoped3A : memref<!tpu.dma_semaphore, #tpu.memory_space<semaphore_mem>>)
        %dma_wait3A_176 = arith.constant 0 : i32
        %dma_wait3A_177 = arith.constant 0 : i32
        %dma_wait3A_178 = tpu.memref_slice %arg14[%dma_wait3A_176, %dma_wait3A_177] : memref<80x128xf32, #tpu.memory_space<vmem>> -> memref<64x128xf32, #tpu.memory_space<vmem>>
        %dma_wait3A_179 = arith.constant 0 : i32
        %dma_wait3A_180 = tpu.memref_slice %arg10[%add3A_44, %dma_wait3A_179] : memref<4096x128xf32, #tpu.memory_space<hbm>> -> memref<64x128xf32, #tpu.memory_space<hbm>>
        %dma_wait3A_181 = arith.constant 0 : i32
        %dma_wait3A_182 = tpu.memref_slice %arg10[%add3A_44, %dma_wait3A_181] : memref<4096x128xf32, #tpu.memory_space<hbm>> -> memref<64x128xf32, #tpu.memory_space<hbm>>
        %dma_wait3A_183 = arith.constant 0 : i32
        %dma_wait3A_184 = arith.constant 0 : i32
        %dma_wait3A_185 = tpu.memref_slice %arg14[%dma_wait3A_183, %dma_wait3A_184] : memref<80x128xf32, #tpu.memory_space<vmem>> -> memref<64x128xf32, #tpu.memory_space<vmem>>
        tpu.wait_dma2 semaphore(%run_scoped3A : memref<!tpu.dma_semaphore, #tpu.memory_space<semaphore_mem>>) src(%dma_wait3A_185 : memref<64x128xf32, #tpu.memory_space<vmem>>) dst(%dma_wait3A_182 : memref<64x128xf32, #tpu.memory_space<hbm>>)
        tpu.yield
      }) : () -> ()
    } else {
    }
    %eq3A_62 = arith.constant 1 : i32
    %eq3A_63 = arith.cmpi eq, %arg0, %eq3A_62 : i32
    %convert_element_type3A_64 = arith.extui %eq3A_63 : i1 to i32
    %cond3A_65 = arith.constant 0 : i32
    %cond3A_66 = arith.cmpi ne, %convert_element_type3A_64, %cond3A_65 : i32
    scf.if %cond3A_66 {
      %dma_start3A_154 = arith.constant 0 : i32
      %dma_start3A_155 = arith.constant 0 : i32
      %dma_start3A_156 = tpu.memref_slice %arg14[%dma_start3A_154, %dma_start3A_155] : memref<80x128xf32, #tpu.memory_space<vmem>> -> memref<64x128xf32, #tpu.memory_space<vmem>>
      %dma_start3A_157 = arith.constant 0 : i32
      %dma_start3A_158 = arith.constant 0 : i32
      %dma_start3A_159 = tpu.memref_slice %arg7[%dma_start3A_157, %dma_start3A_158] : memref<10000x128xf32, #tpu.memory_space<hbm>> -> memref<10000x128xf32, #tpu.memory_space<hbm>>
      tpu.enqueue_indirect_dma source(%dma_start3A_159 : memref<10000x128xf32, #tpu.memory_space<hbm>>) target(%dma_start3A_156 : memref<64x128xf32, #tpu.memory_space<vmem>>) offsets(%arg20 : memref<64xi32, #tpu.memory_space<vmem>>) semaphore(%arg22 : memref<!tpu.dma_semaphore, #tpu.memory_space<semaphore_mem>>)
      %dma_wait3A_160 = arith.constant 0 : i32
      %dma_wait3A_161 = arith.constant 0 : i32
      %dma_wait3A_162 = tpu.memref_slice %arg14[%dma_wait3A_160, %dma_wait3A_161] : memref<80x128xf32, #tpu.memory_space<vmem>> -> memref<64x128xf32, #tpu.memory_space<vmem>>
      %dma_wait3A_163 = arith.constant 0 : i32
      %dma_wait3A_164 = arith.constant 0 : i32
      %dma_wait3A_165 = tpu.memref_slice %arg7[%dma_wait3A_163, %dma_wait3A_164] : memref<10000x128xf32, #tpu.memory_space<hbm>> -> memref<10000x128xf32, #tpu.memory_space<hbm>>
      tpu.wait_indirect_dma semaphore(%arg22 : memref<!tpu.dma_semaphore, #tpu.memory_space<semaphore_mem>>) src(%dma_wait3A_165 : memref<10000x128xf32, #tpu.memory_space<hbm>>) dst(%dma_wait3A_162 : memref<64x128xf32, #tpu.memory_space<vmem>>)
      "tpu.region"() ({
        %run_scoped3A = tpu.sem_alloc : memref<!tpu.dma_semaphore, #tpu.memory_space<semaphore_mem>>
        %dma_start3A_166 = arith.constant 0 : i32
        %dma_start3A_167 = arith.constant 0 : i32
        %dma_start3A_168 = tpu.memref_slice %arg14[%dma_start3A_166, %dma_start3A_167] : memref<80x128xf32, #tpu.memory_space<vmem>> -> memref<64x128xf32, #tpu.memory_space<vmem>>
        %dma_start3A_169 = arith.constant 0 : i32
        %dma_start3A_170 = tpu.memref_slice %arg11[%add3A_44, %dma_start3A_169] : memref<4096x128xf32, #tpu.memory_space<hbm>> -> memref<64x128xf32, #tpu.memory_space<hbm>>
        %dma_start3A_171 = arith.constant 0 : i32
        %dma_start3A_172 = tpu.memref_slice %arg11[%add3A_44, %dma_start3A_171] : memref<4096x128xf32, #tpu.memory_space<hbm>> -> memref<64x128xf32, #tpu.memory_space<hbm>>
        %dma_start3A_173 = arith.constant 0 : i32
        %dma_start3A_174 = arith.constant 0 : i32
        %dma_start3A_175 = tpu.memref_slice %arg14[%dma_start3A_173, %dma_start3A_174] : memref<80x128xf32, #tpu.memory_space<vmem>> -> memref<64x128xf32, #tpu.memory_space<vmem>>
        tpu.enqueue_dma source(%dma_start3A_175 : memref<64x128xf32, #tpu.memory_space<vmem>>) target(%dma_start3A_172 : memref<64x128xf32, #tpu.memory_space<hbm>>) target_semaphore(%run_scoped3A : memref<!tpu.dma_semaphore, #tpu.memory_space<semaphore_mem>>)
        %dma_wait3A_176 = arith.constant 0 : i32
        %dma_wait3A_177 = arith.constant 0 : i32
        %dma_wait3A_178 = tpu.memref_slice %arg14[%dma_wait3A_176, %dma_wait3A_177] : memref<80x128xf32, #tpu.memory_space<vmem>> -> memref<64x128xf32, #tpu.memory_space<vmem>>
        %dma_wait3A_179 = arith.constant 0 : i32
        %dma_wait3A_180 = tpu.memref_slice %arg11[%add3A_44, %dma_wait3A_179] : memref<4096x128xf32, #tpu.memory_space<hbm>> -> memref<64x128xf32, #tpu.memory_space<hbm>>
        %dma_wait3A_181 = arith.constant 0 : i32
        %dma_wait3A_182 = tpu.memref_slice %arg11[%add3A_44, %dma_wait3A_181] : memref<4096x128xf32, #tpu.memory_space<hbm>> -> memref<64x128xf32, #tpu.memory_space<hbm>>
        %dma_wait3A_183 = arith.constant 0 : i32
        %dma_wait3A_184 = arith.constant 0 : i32
        %dma_wait3A_185 = tpu.memref_slice %arg14[%dma_wait3A_183, %dma_wait3A_184] : memref<80x128xf32, #tpu.memory_space<vmem>> -> memref<64x128xf32, #tpu.memory_space<vmem>>
        tpu.wait_dma2 semaphore(%run_scoped3A : memref<!tpu.dma_semaphore, #tpu.memory_space<semaphore_mem>>) src(%dma_wait3A_185 : memref<64x128xf32, #tpu.memory_space<vmem>>) dst(%dma_wait3A_182 : memref<64x128xf32, #tpu.memory_space<hbm>>)
        tpu.yield
      }) : () -> ()
    } else {
    }
    %mul3A_67 = arith.constant 256 : i32
    %mul3A_68 = arith.muli %arg1, %mul3A_67 : i32
    %add3A_69 = arith.constant 64 : i32
    %add3A_70 = arith.addi %mul3A_68, %add3A_69 : i32
    "tpu.region"() ({
      %run_scoped3A = tpu.sem_alloc : memref<!tpu.dma_semaphore, #tpu.memory_space<semaphore_mem>>
      %dma_start3A_154 = tpu.memref_slice %arg8[%add3A_70] : memref<4096xi32, #tpu.memory_space<hbm>> -> memref<64xi32, #tpu.memory_space<hbm>>
      %dma_start3A_155 = tpu.memref_slice %arg8[%add3A_70] : memref<4096xi32, #tpu.memory_space<hbm>> -> memref<64xi32, #tpu.memory_space<hbm>>
      tpu.enqueue_dma source(%dma_start3A_155 : memref<64xi32, #tpu.memory_space<hbm>>) target(%arg20 : memref<64xi32, #tpu.memory_space<vmem>>) target_semaphore(%run_scoped3A : memref<!tpu.dma_semaphore, #tpu.memory_space<semaphore_mem>>)
      %dma_wait3A_156 = tpu.memref_slice %arg8[%add3A_70] : memref<4096xi32, #tpu.memory_space<hbm>> -> memref<64xi32, #tpu.memory_space<hbm>>
      %dma_wait3A_157 = tpu.memref_slice %arg8[%add3A_70] : memref<4096xi32, #tpu.memory_space<hbm>> -> memref<64xi32, #tpu.memory_space<hbm>>
      tpu.wait_dma2 semaphore(%run_scoped3A : memref<!tpu.dma_semaphore, #tpu.memory_space<semaphore_mem>>) src(%dma_wait3A_157 : memref<64xi32, #tpu.memory_space<hbm>>) dst(%arg20 : memref<64xi32, #tpu.memory_space<vmem>>)
      tpu.yield
    }) : () -> ()
    %dma_start3A_71 = arith.constant 0 : i32
    %dma_start3A_72 = arith.constant 0 : i32
    %dma_start3A_73 = tpu.memref_slice %arg13[%dma_start3A_71, %dma_start3A_72] : memref<80x128xf32, #tpu.memory_space<vmem>> -> memref<64x128xf32, #tpu.memory_space<vmem>>
    %dma_start3A_74 = arith.constant 0 : i32
    %dma_start3A_75 = arith.constant 0 : i32
    %dma_start3A_76 = tpu.memref_slice %arg12[%dma_start3A_74, %dma_start3A_75] : memref<10240x128xf32, #tpu.memory_space<vmem_shared>> -> memref<10240x128xf32, #tpu.memory_space<vmem_shared>>
    tpu.enqueue_indirect_dma source(%dma_start3A_76 : memref<10240x128xf32, #tpu.memory_space<vmem_shared>>) target(%dma_start3A_73 : memref<64x128xf32, #tpu.memory_space<vmem>>) offsets(%arg20 : memref<64xi32, #tpu.memory_space<vmem>>) semaphore(%arg21 : memref<!tpu.dma_semaphore, #tpu.memory_space<semaphore_mem>>)
    %dma_wait3A_77 = arith.constant 0 : i32
    %dma_wait3A_78 = arith.constant 0 : i32
    %dma_wait3A_79 = tpu.memref_slice %arg13[%dma_wait3A_77, %dma_wait3A_78] : memref<80x128xf32, #tpu.memory_space<vmem>> -> memref<64x128xf32, #tpu.memory_space<vmem>>
    %dma_wait3A_80 = arith.constant 0 : i32
    %dma_wait3A_81 = arith.constant 0 : i32
    %dma_wait3A_82 = tpu.memref_slice %arg12[%dma_wait3A_80, %dma_wait3A_81] : memref<10240x128xf32, #tpu.memory_space<vmem_shared>> -> memref<10240x128xf32, #tpu.memory_space<vmem_shared>>
    tpu.wait_indirect_dma semaphore(%arg21 : memref<!tpu.dma_semaphore, #tpu.memory_space<semaphore_mem>>) src(%dma_wait3A_82 : memref<10240x128xf32, #tpu.memory_space<vmem_shared>>) dst(%dma_wait3A_79 : memref<64x128xf32, #tpu.memory_space<vmem>>)
    %mul3A_83 = arith.constant 4096 : i32
    %mul3A_84 = arith.muli %arg0, %mul3A_83 : i32
    %add3A_85 = arith.addi %mul3A_84, %add3A_70 : i32
    "tpu.region"() ({
      %run_scoped3A = tpu.sem_alloc : memref<!tpu.dma_semaphore, #tpu.memory_space<semaphore_mem>>
      %dma_start3A_154 = arith.constant 0 : i32
      %dma_start3A_155 = arith.constant 0 : i32
      %dma_start3A_156 = tpu.memref_slice %arg13[%dma_start3A_154, %dma_start3A_155] : memref<80x128xf32, #tpu.memory_space<vmem>> -> memref<64x128xf32, #tpu.memory_space<vmem>>
      %dma_start3A_157 = arith.constant 0 : i32
      %dma_start3A_158 = tpu.memref_slice %arg9[%add3A_85, %dma_start3A_157] : memref<8192x128xf32, #tpu.memory_space<hbm>> -> memref<64x128xf32, #tpu.memory_space<hbm>>
      %dma_start3A_159 = arith.constant 0 : i32
      %dma_start3A_160 = tpu.memref_slice %arg9[%add3A_85, %dma_start3A_159] : memref<8192x128xf32, #tpu.memory_space<hbm>> -> memref<64x128xf32, #tpu.memory_space<hbm>>
      %dma_start3A_161 = arith.constant 0 : i32
      %dma_start3A_162 = arith.constant 0 : i32
      %dma_start3A_163 = tpu.memref_slice %arg13[%dma_start3A_161, %dma_start3A_162] : memref<80x128xf32, #tpu.memory_space<vmem>> -> memref<64x128xf32, #tpu.memory_space<vmem>>
      tpu.enqueue_dma source(%dma_start3A_163 : memref<64x128xf32, #tpu.memory_space<vmem>>) target(%dma_start3A_160 : memref<64x128xf32, #tpu.memory_space<hbm>>) target_semaphore(%run_scoped3A : memref<!tpu.dma_semaphore, #tpu.memory_space<semaphore_mem>>)
      %dma_wait3A_164 = arith.constant 0 : i32
      %dma_wait3A_165 = arith.constant 0 : i32
      %dma_wait3A_166 = tpu.memref_slice %arg13[%dma_wait3A_164, %dma_wait3A_165] : memref<80x128xf32, #tpu.memory_space<vmem>> -> memref<64x128xf32, #tpu.memory_space<vmem>>
      %dma_wait3A_167 = arith.constant 0 : i32
      %dma_wait3A_168 = tpu.memref_slice %arg9[%add3A_85, %dma_wait3A_167] : memref<8192x128xf32, #tpu.memory_space<hbm>> -> memref<64x128xf32, #tpu.memory_space<hbm>>
      %dma_wait3A_169 = arith.constant 0 : i32
      %dma_wait3A_170 = tpu.memref_slice %arg9[%add3A_85, %dma_wait3A_169] : memref<8192x128xf32, #tpu.memory_space<hbm>> -> memref<64x128xf32, #tpu.memory_space<hbm>>
      %dma_wait3A_171 = arith.constant 0 : i32
      %dma_wait3A_172 = arith.constant 0 : i32
      %dma_wait3A_173 = tpu.memref_slice %arg13[%dma_wait3A_171, %dma_wait3A_172] : memref<80x128xf32, #tpu.memory_space<vmem>> -> memref<64x128xf32, #tpu.memory_space<vmem>>
      tpu.wait_dma2 semaphore(%run_scoped3A : memref<!tpu.dma_semaphore, #tpu.memory_space<semaphore_mem>>) src(%dma_wait3A_173 : memref<64x128xf32, #tpu.memory_space<vmem>>) dst(%dma_wait3A_170 : memref<64x128xf32, #tpu.memory_space<hbm>>)
      tpu.yield
    }) : () -> ()
    %eq3A_86 = arith.constant 0 : i32
    %eq3A_87 = arith.cmpi eq, %arg0, %eq3A_86 : i32
    %convert_element_type3A_88 = arith.extui %eq3A_87 : i1 to i32
    %cond3A_89 = arith.constant 0 : i32
    %cond3A_90 = arith.cmpi ne, %convert_element_type3A_88, %cond3A_89 : i32
    scf.if %cond3A_90 {
      %dma_start3A_154 = arith.constant 0 : i32
      %dma_start3A_155 = arith.constant 0 : i32
      %dma_start3A_156 = tpu.memref_slice %arg14[%dma_start3A_154, %dma_start3A_155] : memref<80x128xf32, #tpu.memory_space<vmem>> -> memref<64x128xf32, #tpu.memory_space<vmem>>
      %dma_start3A_157 = arith.constant 0 : i32
      %dma_start3A_158 = arith.constant 0 : i32
      %dma_start3A_159 = tpu.memref_slice %arg6[%dma_start3A_157, %dma_start3A_158] : memref<10000x128xf32, #tpu.memory_space<hbm>> -> memref<10000x128xf32, #tpu.memory_space<hbm>>
      tpu.enqueue_indirect_dma source(%dma_start3A_159 : memref<10000x128xf32, #tpu.memory_space<hbm>>) target(%dma_start3A_156 : memref<64x128xf32, #tpu.memory_space<vmem>>) offsets(%arg20 : memref<64xi32, #tpu.memory_space<vmem>>) semaphore(%arg22 : memref<!tpu.dma_semaphore, #tpu.memory_space<semaphore_mem>>)
      %dma_wait3A_160 = arith.constant 0 : i32
      %dma_wait3A_161 = arith.constant 0 : i32
      %dma_wait3A_162 = tpu.memref_slice %arg14[%dma_wait3A_160, %dma_wait3A_161] : memref<80x128xf32, #tpu.memory_space<vmem>> -> memref<64x128xf32, #tpu.memory_space<vmem>>
      %dma_wait3A_163 = arith.constant 0 : i32
      %dma_wait3A_164 = arith.constant 0 : i32
      %dma_wait3A_165 = tpu.memref_slice %arg6[%dma_wait3A_163, %dma_wait3A_164] : memref<10000x128xf32, #tpu.memory_space<hbm>> -> memref<10000x128xf32, #tpu.memory_space<hbm>>
      tpu.wait_indirect_dma semaphore(%arg22 : memref<!tpu.dma_semaphore, #tpu.memory_space<semaphore_mem>>) src(%dma_wait3A_165 : memref<10000x128xf32, #tpu.memory_space<hbm>>) dst(%dma_wait3A_162 : memref<64x128xf32, #tpu.memory_space<vmem>>)
      "tpu.region"() ({
        %run_scoped3A = tpu.sem_alloc : memref<!tpu.dma_semaphore, #tpu.memory_space<semaphore_mem>>
        %dma_start3A_166 = arith.constant 0 : i32
        %dma_start3A_167 = arith.constant 0 : i32
        %dma_start3A_168 = tpu.memref_slice %arg14[%dma_start3A_166, %dma_start3A_167] : memref<80x128xf32, #tpu.memory_space<vmem>> -> memref<64x128xf32, #tpu.memory_space<vmem>>
        %dma_start3A_169 = arith.constant 0 : i32
        %dma_start3A_170 = tpu.memref_slice %arg10[%add3A_70, %dma_start3A_169] : memref<4096x128xf32, #tpu.memory_space<hbm>> -> memref<64x128xf32, #tpu.memory_space<hbm>>
        %dma_start3A_171 = arith.constant 0 : i32
        %dma_start3A_172 = tpu.memref_slice %arg10[%add3A_70, %dma_start3A_171] : memref<4096x128xf32, #tpu.memory_space<hbm>> -> memref<64x128xf32, #tpu.memory_space<hbm>>
        %dma_start3A_173 = arith.constant 0 : i32
        %dma_start3A_174 = arith.constant 0 : i32
        %dma_start3A_175 = tpu.memref_slice %arg14[%dma_start3A_173, %dma_start3A_174] : memref<80x128xf32, #tpu.memory_space<vmem>> -> memref<64x128xf32, #tpu.memory_space<vmem>>
        tpu.enqueue_dma source(%dma_start3A_175 : memref<64x128xf32, #tpu.memory_space<vmem>>) target(%dma_start3A_172 : memref<64x128xf32, #tpu.memory_space<hbm>>) target_semaphore(%run_scoped3A : memref<!tpu.dma_semaphore, #tpu.memory_space<semaphore_mem>>)
        %dma_wait3A_176 = arith.constant 0 : i32
        %dma_wait3A_177 = arith.constant 0 : i32
        %dma_wait3A_178 = tpu.memref_slice %arg14[%dma_wait3A_176, %dma_wait3A_177] : memref<80x128xf32, #tpu.memory_space<vmem>> -> memref<64x128xf32, #tpu.memory_space<vmem>>
        %dma_wait3A_179 = arith.constant 0 : i32
        %dma_wait3A_180 = tpu.memref_slice %arg10[%add3A_70, %dma_wait3A_179] : memref<4096x128xf32, #tpu.memory_space<hbm>> -> memref<64x128xf32, #tpu.memory_space<hbm>>
        %dma_wait3A_181 = arith.constant 0 : i32
        %dma_wait3A_182 = tpu.memref_slice %arg10[%add3A_70, %dma_wait3A_181] : memref<4096x128xf32, #tpu.memory_space<hbm>> -> memref<64x128xf32, #tpu.memory_space<hbm>>
        %dma_wait3A_183 = arith.constant 0 : i32
        %dma_wait3A_184 = arith.constant 0 : i32
        %dma_wait3A_185 = tpu.memref_slice %arg14[%dma_wait3A_183, %dma_wait3A_184] : memref<80x128xf32, #tpu.memory_space<vmem>> -> memref<64x128xf32, #tpu.memory_space<vmem>>
        tpu.wait_dma2 semaphore(%run_scoped3A : memref<!tpu.dma_semaphore, #tpu.memory_space<semaphore_mem>>) src(%dma_wait3A_185 : memref<64x128xf32, #tpu.memory_space<vmem>>) dst(%dma_wait3A_182 : memref<64x128xf32, #tpu.memory_space<hbm>>)
        tpu.yield
      }) : () -> ()
    } else {
    }
    %eq3A_91 = arith.constant 1 : i32
    %eq3A_92 = arith.cmpi eq, %arg0, %eq3A_91 : i32
    %convert_element_type3A_93 = arith.extui %eq3A_92 : i1 to i32
    %cond3A_94 = arith.constant 0 : i32
    %cond3A_95 = arith.cmpi ne, %convert_element_type3A_93, %cond3A_94 : i32
    scf.if %cond3A_95 {
      %dma_start3A_154 = arith.constant 0 : i32
      %dma_start3A_155 = arith.constant 0 : i32
      %dma_start3A_156 = tpu.memref_slice %arg14[%dma_start3A_154, %dma_start3A_155] : memref<80x128xf32, #tpu.memory_space<vmem>> -> memref<64x128xf32, #tpu.memory_space<vmem>>
      %dma_start3A_157 = arith.constant 0 : i32
      %dma_start3A_158 = arith.constant 0 : i32
      %dma_start3A_159 = tpu.memref_slice %arg7[%dma_start3A_157, %dma_start3A_158] : memref<10000x128xf32, #tpu.memory_space<hbm>> -> memref<10000x128xf32, #tpu.memory_space<hbm>>
      tpu.enqueue_indirect_dma source(%dma_start3A_159 : memref<10000x128xf32, #tpu.memory_space<hbm>>) target(%dma_start3A_156 : memref<64x128xf32, #tpu.memory_space<vmem>>) offsets(%arg20 : memref<64xi32, #tpu.memory_space<vmem>>) semaphore(%arg22 : memref<!tpu.dma_semaphore, #tpu.memory_space<semaphore_mem>>)
      %dma_wait3A_160 = arith.constant 0 : i32
      %dma_wait3A_161 = arith.constant 0 : i32
      %dma_wait3A_162 = tpu.memref_slice %arg14[%dma_wait3A_160, %dma_wait3A_161] : memref<80x128xf32, #tpu.memory_space<vmem>> -> memref<64x128xf32, #tpu.memory_space<vmem>>
      %dma_wait3A_163 = arith.constant 0 : i32
      %dma_wait3A_164 = arith.constant 0 : i32
      %dma_wait3A_165 = tpu.memref_slice %arg7[%dma_wait3A_163, %dma_wait3A_164] : memref<10000x128xf32, #tpu.memory_space<hbm>> -> memref<10000x128xf32, #tpu.memory_space<hbm>>
      tpu.wait_indirect_dma semaphore(%arg22 : memref<!tpu.dma_semaphore, #tpu.memory_space<semaphore_mem>>) src(%dma_wait3A_165 : memref<10000x128xf32, #tpu.memory_space<hbm>>) dst(%dma_wait3A_162 : memref<64x128xf32, #tpu.memory_space<vmem>>)
      "tpu.region"() ({
        %run_scoped3A = tpu.sem_alloc : memref<!tpu.dma_semaphore, #tpu.memory_space<semaphore_mem>>
        %dma_start3A_166 = arith.constant 0 : i32
        %dma_start3A_167 = arith.constant 0 : i32
        %dma_start3A_168 = tpu.memref_slice %arg14[%dma_start3A_166, %dma_start3A_167] : memref<80x128xf32, #tpu.memory_space<vmem>> -> memref<64x128xf32, #tpu.memory_space<vmem>>
        %dma_start3A_169 = arith.constant 0 : i32
        %dma_start3A_170 = tpu.memref_slice %arg11[%add3A_70, %dma_start3A_169] : memref<4096x128xf32, #tpu.memory_space<hbm>> -> memref<64x128xf32, #tpu.memory_space<hbm>>
        %dma_start3A_171 = arith.constant 0 : i32
        %dma_start3A_172 = tpu.memref_slice %arg11[%add3A_70, %dma_start3A_171] : memref<4096x128xf32, #tpu.memory_space<hbm>> -> memref<64x128xf32, #tpu.memory_space<hbm>>
        %dma_start3A_173 = arith.constant 0 : i32
        %dma_start3A_174 = arith.constant 0 : i32
        %dma_start3A_175 = tpu.memref_slice %arg14[%dma_start3A_173, %dma_start3A_174] : memref<80x128xf32, #tpu.memory_space<vmem>> -> memref<64x128xf32, #tpu.memory_space<vmem>>
        tpu.enqueue_dma source(%dma_start3A_175 : memref<64x128xf32, #tpu.memory_space<vmem>>) target(%dma_start3A_172 : memref<64x128xf32, #tpu.memory_space<hbm>>) target_semaphore(%run_scoped3A : memref<!tpu.dma_semaphore, #tpu.memory_space<semaphore_mem>>)
        %dma_wait3A_176 = arith.constant 0 : i32
        %dma_wait3A_177 = arith.constant 0 : i32
        %dma_wait3A_178 = tpu.memref_slice %arg14[%dma_wait3A_176, %dma_wait3A_177] : memref<80x128xf32, #tpu.memory_space<vmem>> -> memref<64x128xf32, #tpu.memory_space<vmem>>
        %dma_wait3A_179 = arith.constant 0 : i32
        %dma_wait3A_180 = tpu.memref_slice %arg11[%add3A_70, %dma_wait3A_179] : memref<4096x128xf32, #tpu.memory_space<hbm>> -> memref<64x128xf32, #tpu.memory_space<hbm>>
        %dma_wait3A_181 = arith.constant 0 : i32
        %dma_wait3A_182 = tpu.memref_slice %arg11[%add3A_70, %dma_wait3A_181] : memref<4096x128xf32, #tpu.memory_space<hbm>> -> memref<64x128xf32, #tpu.memory_space<hbm>>
        %dma_wait3A_183 = arith.constant 0 : i32
        %dma_wait3A_184 = arith.constant 0 : i32
        %dma_wait3A_185 = tpu.memref_slice %arg14[%dma_wait3A_183, %dma_wait3A_184] : memref<80x128xf32, #tpu.memory_space<vmem>> -> memref<64x128xf32, #tpu.memory_space<vmem>>
        tpu.wait_dma2 semaphore(%run_scoped3A : memref<!tpu.dma_semaphore, #tpu.memory_space<semaphore_mem>>) src(%dma_wait3A_185 : memref<64x128xf32, #tpu.memory_space<vmem>>) dst(%dma_wait3A_182 : memref<64x128xf32, #tpu.memory_space<hbm>>)
        tpu.yield
      }) : () -> ()
    } else {
    }
    %mul3A_96 = arith.constant 256 : i32
    %mul3A_97 = arith.muli %arg1, %mul3A_96 : i32
    %add3A_98 = arith.constant 128 : i32
    %add3A_99 = arith.addi %mul3A_97, %add3A_98 : i32
    "tpu.region"() ({
      %run_scoped3A = tpu.sem_alloc : memref<!tpu.dma_semaphore, #tpu.memory_space<semaphore_mem>>
      %dma_start3A_154 = tpu.memref_slice %arg8[%add3A_99] : memref<4096xi32, #tpu.memory_space<hbm>> -> memref<64xi32, #tpu.memory_space<hbm>>
      %dma_start3A_155 = tpu.memref_slice %arg8[%add3A_99] : memref<4096xi32, #tpu.memory_space<hbm>> -> memref<64xi32, #tpu.memory_space<hbm>>
      tpu.enqueue_dma source(%dma_start3A_155 : memref<64xi32, #tpu.memory_space<hbm>>) target(%arg20 : memref<64xi32, #tpu.memory_space<vmem>>) target_semaphore(%run_scoped3A : memref<!tpu.dma_semaphore, #tpu.memory_space<semaphore_mem>>)
      %dma_wait3A_156 = tpu.memref_slice %arg8[%add3A_99] : memref<4096xi32, #tpu.memory_space<hbm>> -> memref<64xi32, #tpu.memory_space<hbm>>
      %dma_wait3A_157 = tpu.memref_slice %arg8[%add3A_99] : memref<4096xi32, #tpu.memory_space<hbm>> -> memref<64xi32, #tpu.memory_space<hbm>>
      tpu.wait_dma2 semaphore(%run_scoped3A : memref<!tpu.dma_semaphore, #tpu.memory_space<semaphore_mem>>) src(%dma_wait3A_157 : memref<64xi32, #tpu.memory_space<hbm>>) dst(%arg20 : memref<64xi32, #tpu.memory_space<vmem>>)
      tpu.yield
    }) : () -> ()
    %dma_start3A_100 = arith.constant 0 : i32
    %dma_start3A_101 = arith.constant 0 : i32
    %dma_start3A_102 = tpu.memref_slice %arg13[%dma_start3A_100, %dma_start3A_101] : memref<80x128xf32, #tpu.memory_space<vmem>> -> memref<64x128xf32, #tpu.memory_space<vmem>>
    %dma_start3A_103 = arith.constant 0 : i32
    %dma_start3A_104 = arith.constant 0 : i32
    %dma_start3A_105 = tpu.memref_slice %arg12[%dma_start3A_103, %dma_start3A_104] : memref<10240x128xf32, #tpu.memory_space<vmem_shared>> -> memref<10240x128xf32, #tpu.memory_space<vmem_shared>>
    tpu.enqueue_indirect_dma source(%dma_start3A_105 : memref<10240x128xf32, #tpu.memory_space<vmem_shared>>) target(%dma_start3A_102 : memref<64x128xf32, #tpu.memory_space<vmem>>) offsets(%arg20 : memref<64xi32, #tpu.memory_space<vmem>>) semaphore(%arg21 : memref<!tpu.dma_semaphore, #tpu.memory_space<semaphore_mem>>)
    %dma_wait3A_106 = arith.constant 0 : i32
    %dma_wait3A_107 = arith.constant 0 : i32
    %dma_wait3A_108 = tpu.memref_slice %arg13[%dma_wait3A_106, %dma_wait3A_107] : memref<80x128xf32, #tpu.memory_space<vmem>> -> memref<64x128xf32, #tpu.memory_space<vmem>>
    %dma_wait3A_109 = arith.constant 0 : i32
    %dma_wait3A_110 = arith.constant 0 : i32
    %dma_wait3A_111 = tpu.memref_slice %arg12[%dma_wait3A_109, %dma_wait3A_110] : memref<10240x128xf32, #tpu.memory_space<vmem_shared>> -> memref<10240x128xf32, #tpu.memory_space<vmem_shared>>
    tpu.wait_indirect_dma semaphore(%arg21 : memref<!tpu.dma_semaphore, #tpu.memory_space<semaphore_mem>>) src(%dma_wait3A_111 : memref<10240x128xf32, #tpu.memory_space<vmem_shared>>) dst(%dma_wait3A_108 : memref<64x128xf32, #tpu.memory_space<vmem>>)
    %mul3A_112 = arith.constant 4096 : i32
    %mul3A_113 = arith.muli %arg0, %mul3A_112 : i32
    %add3A_114 = arith.addi %mul3A_113, %add3A_99 : i32
    "tpu.region"() ({
      %run_scoped3A = tpu.sem_alloc : memref<!tpu.dma_semaphore, #tpu.memory_space<semaphore_mem>>
      %dma_start3A_154 = arith.constant 0 : i32
      %dma_start3A_155 = arith.constant 0 : i32
      %dma_start3A_156 = tpu.memref_slice %arg13[%dma_start3A_154, %dma_start3A_155] : memref<80x128xf32, #tpu.memory_space<vmem>> -> memref<64x128xf32, #tpu.memory_space<vmem>>
      %dma_start3A_157 = arith.constant 0 : i32
      %dma_start3A_158 = tpu.memref_slice %arg9[%add3A_114, %dma_start3A_157] : memref<8192x128xf32, #tpu.memory_space<hbm>> -> memref<64x128xf32, #tpu.memory_space<hbm>>
      %dma_start3A_159 = arith.constant 0 : i32
      %dma_start3A_160 = tpu.memref_slice %arg9[%add3A_114, %dma_start3A_159] : memref<8192x128xf32, #tpu.memory_space<hbm>> -> memref<64x128xf32, #tpu.memory_space<hbm>>
      %dma_start3A_161 = arith.constant 0 : i32
      %dma_start3A_162 = arith.constant 0 : i32
      %dma_start3A_163 = tpu.memref_slice %arg13[%dma_start3A_161, %dma_start3A_162] : memref<80x128xf32, #tpu.memory_space<vmem>> -> memref<64x128xf32, #tpu.memory_space<vmem>>
      tpu.enqueue_dma source(%dma_start3A_163 : memref<64x128xf32, #tpu.memory_space<vmem>>) target(%dma_start3A_160 : memref<64x128xf32, #tpu.memory_space<hbm>>) target_semaphore(%run_scoped3A : memref<!tpu.dma_semaphore, #tpu.memory_space<semaphore_mem>>)
      %dma_wait3A_164 = arith.constant 0 : i32
      %dma_wait3A_165 = arith.constant 0 : i32
      %dma_wait3A_166 = tpu.memref_slice %arg13[%dma_wait3A_164, %dma_wait3A_165] : memref<80x128xf32, #tpu.memory_space<vmem>> -> memref<64x128xf32, #tpu.memory_space<vmem>>
      %dma_wait3A_167 = arith.constant 0 : i32
      %dma_wait3A_168 = tpu.memref_slice %arg9[%add3A_114, %dma_wait3A_167] : memref<8192x128xf32, #tpu.memory_space<hbm>> -> memref<64x128xf32, #tpu.memory_space<hbm>>
      %dma_wait3A_169 = arith.constant 0 : i32
      %dma_wait3A_170 = tpu.memref_slice %arg9[%add3A_114, %dma_wait3A_169] : memref<8192x128xf32, #tpu.memory_space<hbm>> -> memref<64x128xf32, #tpu.memory_space<hbm>>
      %dma_wait3A_171 = arith.constant 0 : i32
      %dma_wait3A_172 = arith.constant 0 : i32
      %dma_wait3A_173 = tpu.memref_slice %arg13[%dma_wait3A_171, %dma_wait3A_172] : memref<80x128xf32, #tpu.memory_space<vmem>> -> memref<64x128xf32, #tpu.memory_space<vmem>>
      tpu.wait_dma2 semaphore(%run_scoped3A : memref<!tpu.dma_semaphore, #tpu.memory_space<semaphore_mem>>) src(%dma_wait3A_173 : memref<64x128xf32, #tpu.memory_space<vmem>>) dst(%dma_wait3A_170 : memref<64x128xf32, #tpu.memory_space<hbm>>)
      tpu.yield
    }) : () -> ()
    %eq3A_115 = arith.constant 0 : i32
    %eq3A_116 = arith.cmpi eq, %arg0, %eq3A_115 : i32
    %convert_element_type3A_117 = arith.extui %eq3A_116 : i1 to i32
    %cond3A_118 = arith.constant 0 : i32
    %cond3A_119 = arith.cmpi ne, %convert_element_type3A_117, %cond3A_118 : i32
    scf.if %cond3A_119 {
      %dma_start3A_154 = arith.constant 0 : i32
      %dma_start3A_155 = arith.constant 0 : i32
      %dma_start3A_156 = tpu.memref_slice %arg14[%dma_start3A_154, %dma_start3A_155] : memref<80x128xf32, #tpu.memory_space<vmem>> -> memref<64x128xf32, #tpu.memory_space<vmem>>
      %dma_start3A_157 = arith.constant 0 : i32
      %dma_start3A_158 = arith.constant 0 : i32
      %dma_start3A_159 = tpu.memref_slice %arg6[%dma_start3A_157, %dma_start3A_158] : memref<10000x128xf32, #tpu.memory_space<hbm>> -> memref<10000x128xf32, #tpu.memory_space<hbm>>
      tpu.enqueue_indirect_dma source(%dma_start3A_159 : memref<10000x128xf32, #tpu.memory_space<hbm>>) target(%dma_start3A_156 : memref<64x128xf32, #tpu.memory_space<vmem>>) offsets(%arg20 : memref<64xi32, #tpu.memory_space<vmem>>) semaphore(%arg22 : memref<!tpu.dma_semaphore, #tpu.memory_space<semaphore_mem>>)
      %dma_wait3A_160 = arith.constant 0 : i32
      %dma_wait3A_161 = arith.constant 0 : i32
      %dma_wait3A_162 = tpu.memref_slice %arg14[%dma_wait3A_160, %dma_wait3A_161] : memref<80x128xf32, #tpu.memory_space<vmem>> -> memref<64x128xf32, #tpu.memory_space<vmem>>
      %dma_wait3A_163 = arith.constant 0 : i32
      %dma_wait3A_164 = arith.constant 0 : i32
      %dma_wait3A_165 = tpu.memref_slice %arg6[%dma_wait3A_163, %dma_wait3A_164] : memref<10000x128xf32, #tpu.memory_space<hbm>> -> memref<10000x128xf32, #tpu.memory_space<hbm>>
      tpu.wait_indirect_dma semaphore(%arg22 : memref<!tpu.dma_semaphore, #tpu.memory_space<semaphore_mem>>) src(%dma_wait3A_165 : memref<10000x128xf32, #tpu.memory_space<hbm>>) dst(%dma_wait3A_162 : memref<64x128xf32, #tpu.memory_space<vmem>>)
      "tpu.region"() ({
        %run_scoped3A = tpu.sem_alloc : memref<!tpu.dma_semaphore, #tpu.memory_space<semaphore_mem>>
        %dma_start3A_166 = arith.constant 0 : i32
        %dma_start3A_167 = arith.constant 0 : i32
        %dma_start3A_168 = tpu.memref_slice %arg14[%dma_start3A_166, %dma_start3A_167] : memref<80x128xf32, #tpu.memory_space<vmem>> -> memref<64x128xf32, #tpu.memory_space<vmem>>
        %dma_start3A_169 = arith.constant 0 : i32
        %dma_start3A_170 = tpu.memref_slice %arg10[%add3A_99, %dma_start3A_169] : memref<4096x128xf32, #tpu.memory_space<hbm>> -> memref<64x128xf32, #tpu.memory_space<hbm>>
        %dma_start3A_171 = arith.constant 0 : i32
        %dma_start3A_172 = tpu.memref_slice %arg10[%add3A_99, %dma_start3A_171] : memref<4096x128xf32, #tpu.memory_space<hbm>> -> memref<64x128xf32, #tpu.memory_space<hbm>>
        %dma_start3A_173 = arith.constant 0 : i32
        %dma_start3A_174 = arith.constant 0 : i32
        %dma_start3A_175 = tpu.memref_slice %arg14[%dma_start3A_173, %dma_start3A_174] : memref<80x128xf32, #tpu.memory_space<vmem>> -> memref<64x128xf32, #tpu.memory_space<vmem>>
        tpu.enqueue_dma source(%dma_start3A_175 : memref<64x128xf32, #tpu.memory_space<vmem>>) target(%dma_start3A_172 : memref<64x128xf32, #tpu.memory_space<hbm>>) target_semaphore(%run_scoped3A : memref<!tpu.dma_semaphore, #tpu.memory_space<semaphore_mem>>)
        %dma_wait3A_176 = arith.constant 0 : i32
        %dma_wait3A_177 = arith.constant 0 : i32
        %dma_wait3A_178 = tpu.memref_slice %arg14[%dma_wait3A_176, %dma_wait3A_177] : memref<80x128xf32, #tpu.memory_space<vmem>> -> memref<64x128xf32, #tpu.memory_space<vmem>>
        %dma_wait3A_179 = arith.constant 0 : i32
        %dma_wait3A_180 = tpu.memref_slice %arg10[%add3A_99, %dma_wait3A_179] : memref<4096x128xf32, #tpu.memory_space<hbm>> -> memref<64x128xf32, #tpu.memory_space<hbm>>
        %dma_wait3A_181 = arith.constant 0 : i32
        %dma_wait3A_182 = tpu.memref_slice %arg10[%add3A_99, %dma_wait3A_181] : memref<4096x128xf32, #tpu.memory_space<hbm>> -> memref<64x128xf32, #tpu.memory_space<hbm>>
        %dma_wait3A_183 = arith.constant 0 : i32
        %dma_wait3A_184 = arith.constant 0 : i32
        %dma_wait3A_185 = tpu.memref_slice %arg14[%dma_wait3A_183, %dma_wait3A_184] : memref<80x128xf32, #tpu.memory_space<vmem>> -> memref<64x128xf32, #tpu.memory_space<vmem>>
        tpu.wait_dma2 semaphore(%run_scoped3A : memref<!tpu.dma_semaphore, #tpu.memory_space<semaphore_mem>>) src(%dma_wait3A_185 : memref<64x128xf32, #tpu.memory_space<vmem>>) dst(%dma_wait3A_182 : memref<64x128xf32, #tpu.memory_space<hbm>>)
        tpu.yield
      }) : () -> ()
    } else {
    }
    %eq3A_120 = arith.constant 1 : i32
    %eq3A_121 = arith.cmpi eq, %arg0, %eq3A_120 : i32
    %convert_element_type3A_122 = arith.extui %eq3A_121 : i1 to i32
    %cond3A_123 = arith.constant 0 : i32
    %cond3A_124 = arith.cmpi ne, %convert_element_type3A_122, %cond3A_123 : i32
    scf.if %cond3A_124 {
      %dma_start3A_154 = arith.constant 0 : i32
      %dma_start3A_155 = arith.constant 0 : i32
      %dma_start3A_156 = tpu.memref_slice %arg14[%dma_start3A_154, %dma_start3A_155] : memref<80x128xf32, #tpu.memory_space<vmem>> -> memref<64x128xf32, #tpu.memory_space<vmem>>
      %dma_start3A_157 = arith.constant 0 : i32
      %dma_start3A_158 = arith.constant 0 : i32
      %dma_start3A_159 = tpu.memref_slice %arg7[%dma_start3A_157, %dma_start3A_158] : memref<10000x128xf32, #tpu.memory_space<hbm>> -> memref<10000x128xf32, #tpu.memory_space<hbm>>
      tpu.enqueue_indirect_dma source(%dma_start3A_159 : memref<10000x128xf32, #tpu.memory_space<hbm>>) target(%dma_start3A_156 : memref<64x128xf32, #tpu.memory_space<vmem>>) offsets(%arg20 : memref<64xi32, #tpu.memory_space<vmem>>) semaphore(%arg22 : memref<!tpu.dma_semaphore, #tpu.memory_space<semaphore_mem>>)
      %dma_wait3A_160 = arith.constant 0 : i32
      %dma_wait3A_161 = arith.constant 0 : i32
      %dma_wait3A_162 = tpu.memref_slice %arg14[%dma_wait3A_160, %dma_wait3A_161] : memref<80x128xf32, #tpu.memory_space<vmem>> -> memref<64x128xf32, #tpu.memory_space<vmem>>
      %dma_wait3A_163 = arith.constant 0 : i32
      %dma_wait3A_164 = arith.constant 0 : i32
      %dma_wait3A_165 = tpu.memref_slice %arg7[%dma_wait3A_163, %dma_wait3A_164] : memref<10000x128xf32, #tpu.memory_space<hbm>> -> memref<10000x128xf32, #tpu.memory_space<hbm>>
      tpu.wait_indirect_dma semaphore(%arg22 : memref<!tpu.dma_semaphore, #tpu.memory_space<semaphore_mem>>) src(%dma_wait3A_165 : memref<10000x128xf32, #tpu.memory_space<hbm>>) dst(%dma_wait3A_162 : memref<64x128xf32, #tpu.memory_space<vmem>>)
      "tpu.region"() ({
        %run_scoped3A = tpu.sem_alloc : memref<!tpu.dma_semaphore, #tpu.memory_space<semaphore_mem>>
        %dma_start3A_166 = arith.constant 0 : i32
        %dma_start3A_167 = arith.constant 0 : i32
        %dma_start3A_168 = tpu.memref_slice %arg14[%dma_start3A_166, %dma_start3A_167] : memref<80x128xf32, #tpu.memory_space<vmem>> -> memref<64x128xf32, #tpu.memory_space<vmem>>
        %dma_start3A_169 = arith.constant 0 : i32
        %dma_start3A_170 = tpu.memref_slice %arg11[%add3A_99, %dma_start3A_169] : memref<4096x128xf32, #tpu.memory_space<hbm>> -> memref<64x128xf32, #tpu.memory_space<hbm>>
        %dma_start3A_171 = arith.constant 0 : i32
        %dma_start3A_172 = tpu.memref_slice %arg11[%add3A_99, %dma_start3A_171] : memref<4096x128xf32, #tpu.memory_space<hbm>> -> memref<64x128xf32, #tpu.memory_space<hbm>>
        %dma_start3A_173 = arith.constant 0 : i32
        %dma_start3A_174 = arith.constant 0 : i32
        %dma_start3A_175 = tpu.memref_slice %arg14[%dma_start3A_173, %dma_start3A_174] : memref<80x128xf32, #tpu.memory_space<vmem>> -> memref<64x128xf32, #tpu.memory_space<vmem>>
        tpu.enqueue_dma source(%dma_start3A_175 : memref<64x128xf32, #tpu.memory_space<vmem>>) target(%dma_start3A_172 : memref<64x128xf32, #tpu.memory_space<hbm>>) target_semaphore(%run_scoped3A : memref<!tpu.dma_semaphore, #tpu.memory_space<semaphore_mem>>)
        %dma_wait3A_176 = arith.constant 0 : i32
        %dma_wait3A_177 = arith.constant 0 : i32
        %dma_wait3A_178 = tpu.memref_slice %arg14[%dma_wait3A_176, %dma_wait3A_177] : memref<80x128xf32, #tpu.memory_space<vmem>> -> memref<64x128xf32, #tpu.memory_space<vmem>>
        %dma_wait3A_179 = arith.constant 0 : i32
        %dma_wait3A_180 = tpu.memref_slice %arg11[%add3A_99, %dma_wait3A_179] : memref<4096x128xf32, #tpu.memory_space<hbm>> -> memref<64x128xf32, #tpu.memory_space<hbm>>
        %dma_wait3A_181 = arith.constant 0 : i32
        %dma_wait3A_182 = tpu.memref_slice %arg11[%add3A_99, %dma_wait3A_181] : memref<4096x128xf32, #tpu.memory_space<hbm>> -> memref<64x128xf32, #tpu.memory_space<hbm>>
        %dma_wait3A_183 = arith.constant 0 : i32
        %dma_wait3A_184 = arith.constant 0 : i32
        %dma_wait3A_185 = tpu.memref_slice %arg14[%dma_wait3A_183, %dma_wait3A_184] : memref<80x128xf32, #tpu.memory_space<vmem>> -> memref<64x128xf32, #tpu.memory_space<vmem>>
        tpu.wait_dma2 semaphore(%run_scoped3A : memref<!tpu.dma_semaphore, #tpu.memory_space<semaphore_mem>>) src(%dma_wait3A_185 : memref<64x128xf32, #tpu.memory_space<vmem>>) dst(%dma_wait3A_182 : memref<64x128xf32, #tpu.memory_space<hbm>>)
        tpu.yield
      }) : () -> ()
    } else {
    }
    %mul3A_125 = arith.constant 256 : i32
    %mul3A_126 = arith.muli %arg1, %mul3A_125 : i32
    %add3A_127 = arith.constant 192 : i32
    %add3A_128 = arith.addi %mul3A_126, %add3A_127 : i32
    "tpu.region"() ({
      %run_scoped3A = tpu.sem_alloc : memref<!tpu.dma_semaphore, #tpu.memory_space<semaphore_mem>>
      %dma_start3A_154 = tpu.memref_slice %arg8[%add3A_128] : memref<4096xi32, #tpu.memory_space<hbm>> -> memref<64xi32, #tpu.memory_space<hbm>>
      %dma_start3A_155 = tpu.memref_slice %arg8[%add3A_128] : memref<4096xi32, #tpu.memory_space<hbm>> -> memref<64xi32, #tpu.memory_space<hbm>>
      tpu.enqueue_dma source(%dma_start3A_155 : memref<64xi32, #tpu.memory_space<hbm>>) target(%arg20 : memref<64xi32, #tpu.memory_space<vmem>>) target_semaphore(%run_scoped3A : memref<!tpu.dma_semaphore, #tpu.memory_space<semaphore_mem>>)
      %dma_wait3A_156 = tpu.memref_slice %arg8[%add3A_128] : memref<4096xi32, #tpu.memory_space<hbm>> -> memref<64xi32, #tpu.memory_space<hbm>>
      %dma_wait3A_157 = tpu.memref_slice %arg8[%add3A_128] : memref<4096xi32, #tpu.memory_space<hbm>> -> memref<64xi32, #tpu.memory_space<hbm>>
      tpu.wait_dma2 semaphore(%run_scoped3A : memref<!tpu.dma_semaphore, #tpu.memory_space<semaphore_mem>>) src(%dma_wait3A_157 : memref<64xi32, #tpu.memory_space<hbm>>) dst(%arg20 : memref<64xi32, #tpu.memory_space<vmem>>)
      tpu.yield
    }) : () -> ()
    %dma_start3A_129 = arith.constant 0 : i32
    %dma_start3A_130 = arith.constant 0 : i32
    %dma_start3A_131 = tpu.memref_slice %arg13[%dma_start3A_129, %dma_start3A_130] : memref<80x128xf32, #tpu.memory_space<vmem>> -> memref<64x128xf32, #tpu.memory_space<vmem>>
    %dma_start3A_132 = arith.constant 0 : i32
    %dma_start3A_133 = arith.constant 0 : i32
    %dma_start3A_134 = tpu.memref_slice %arg12[%dma_start3A_132, %dma_start3A_133] : memref<10240x128xf32, #tpu.memory_space<vmem_shared>> -> memref<10240x128xf32, #tpu.memory_space<vmem_shared>>
    tpu.enqueue_indirect_dma source(%dma_start3A_134 : memref<10240x128xf32, #tpu.memory_space<vmem_shared>>) target(%dma_start3A_131 : memref<64x128xf32, #tpu.memory_space<vmem>>) offsets(%arg20 : memref<64xi32, #tpu.memory_space<vmem>>) semaphore(%arg21 : memref<!tpu.dma_semaphore, #tpu.memory_space<semaphore_mem>>)
    %dma_wait3A_135 = arith.constant 0 : i32
    %dma_wait3A_136 = arith.constant 0 : i32
    %dma_wait3A_137 = tpu.memref_slice %arg13[%dma_wait3A_135, %dma_wait3A_136] : memref<80x128xf32, #tpu.memory_space<vmem>> -> memref<64x128xf32, #tpu.memory_space<vmem>>
    %dma_wait3A_138 = arith.constant 0 : i32
    %dma_wait3A_139 = arith.constant 0 : i32
    %dma_wait3A_140 = tpu.memref_slice %arg12[%dma_wait3A_138, %dma_wait3A_139] : memref<10240x128xf32, #tpu.memory_space<vmem_shared>> -> memref<10240x128xf32, #tpu.memory_space<vmem_shared>>
    tpu.wait_indirect_dma semaphore(%arg21 : memref<!tpu.dma_semaphore, #tpu.memory_space<semaphore_mem>>) src(%dma_wait3A_140 : memref<10240x128xf32, #tpu.memory_space<vmem_shared>>) dst(%dma_wait3A_137 : memref<64x128xf32, #tpu.memory_space<vmem>>)
    %mul3A_141 = arith.constant 4096 : i32
    %mul3A_142 = arith.muli %arg0, %mul3A_141 : i32
    %add3A_143 = arith.addi %mul3A_142, %add3A_128 : i32
    "tpu.region"() ({
      %run_scoped3A = tpu.sem_alloc : memref<!tpu.dma_semaphore, #tpu.memory_space<semaphore_mem>>
      %dma_start3A_154 = arith.constant 0 : i32
      %dma_start3A_155 = arith.constant 0 : i32
      %dma_start3A_156 = tpu.memref_slice %arg13[%dma_start3A_154, %dma_start3A_155] : memref<80x128xf32, #tpu.memory_space<vmem>> -> memref<64x128xf32, #tpu.memory_space<vmem>>
      %dma_start3A_157 = arith.constant 0 : i32
      %dma_start3A_158 = tpu.memref_slice %arg9[%add3A_143, %dma_start3A_157] : memref<8192x128xf32, #tpu.memory_space<hbm>> -> memref<64x128xf32, #tpu.memory_space<hbm>>
      %dma_start3A_159 = arith.constant 0 : i32
      %dma_start3A_160 = tpu.memref_slice %arg9[%add3A_143, %dma_start3A_159] : memref<8192x128xf32, #tpu.memory_space<hbm>> -> memref<64x128xf32, #tpu.memory_space<hbm>>
      %dma_start3A_161 = arith.constant 0 : i32
      %dma_start3A_162 = arith.constant 0 : i32
      %dma_start3A_163 = tpu.memref_slice %arg13[%dma_start3A_161, %dma_start3A_162] : memref<80x128xf32, #tpu.memory_space<vmem>> -> memref<64x128xf32, #tpu.memory_space<vmem>>
      tpu.enqueue_dma source(%dma_start3A_163 : memref<64x128xf32, #tpu.memory_space<vmem>>) target(%dma_start3A_160 : memref<64x128xf32, #tpu.memory_space<hbm>>) target_semaphore(%run_scoped3A : memref<!tpu.dma_semaphore, #tpu.memory_space<semaphore_mem>>)
      %dma_wait3A_164 = arith.constant 0 : i32
      %dma_wait3A_165 = arith.constant 0 : i32
      %dma_wait3A_166 = tpu.memref_slice %arg13[%dma_wait3A_164, %dma_wait3A_165] : memref<80x128xf32, #tpu.memory_space<vmem>> -> memref<64x128xf32, #tpu.memory_space<vmem>>
      %dma_wait3A_167 = arith.constant 0 : i32
      %dma_wait3A_168 = tpu.memref_slice %arg9[%add3A_143, %dma_wait3A_167] : memref<8192x128xf32, #tpu.memory_space<hbm>> -> memref<64x128xf32, #tpu.memory_space<hbm>>
      %dma_wait3A_169 = arith.constant 0 : i32
      %dma_wait3A_170 = tpu.memref_slice %arg9[%add3A_143, %dma_wait3A_169] : memref<8192x128xf32, #tpu.memory_space<hbm>> -> memref<64x128xf32, #tpu.memory_space<hbm>>
      %dma_wait3A_171 = arith.constant 0 : i32
      %dma_wait3A_172 = arith.constant 0 : i32
      %dma_wait3A_173 = tpu.memref_slice %arg13[%dma_wait3A_171, %dma_wait3A_172] : memref<80x128xf32, #tpu.memory_space<vmem>> -> memref<64x128xf32, #tpu.memory_space<vmem>>
      tpu.wait_dma2 semaphore(%run_scoped3A : memref<!tpu.dma_semaphore, #tpu.memory_space<semaphore_mem>>) src(%dma_wait3A_173 : memref<64x128xf32, #tpu.memory_space<vmem>>) dst(%dma_wait3A_170 : memref<64x128xf32, #tpu.memory_space<hbm>>)
      tpu.yield
    }) : () -> ()
    %eq3A_144 = arith.constant 0 : i32
    %eq3A_145 = arith.cmpi eq, %arg0, %eq3A_144 : i32
    %convert_element_type3A_146 = arith.extui %eq3A_145 : i1 to i32
    %cond3A_147 = arith.constant 0 : i32
    %cond3A_148 = arith.cmpi ne, %convert_element_type3A_146, %cond3A_147 : i32
    scf.if %cond3A_148 {
      %dma_start3A_154 = arith.constant 0 : i32
      %dma_start3A_155 = arith.constant 0 : i32
      %dma_start3A_156 = tpu.memref_slice %arg14[%dma_start3A_154, %dma_start3A_155] : memref<80x128xf32, #tpu.memory_space<vmem>> -> memref<64x128xf32, #tpu.memory_space<vmem>>
      %dma_start3A_157 = arith.constant 0 : i32
      %dma_start3A_158 = arith.constant 0 : i32
      %dma_start3A_159 = tpu.memref_slice %arg6[%dma_start3A_157, %dma_start3A_158] : memref<10000x128xf32, #tpu.memory_space<hbm>> -> memref<10000x128xf32, #tpu.memory_space<hbm>>
      tpu.enqueue_indirect_dma source(%dma_start3A_159 : memref<10000x128xf32, #tpu.memory_space<hbm>>) target(%dma_start3A_156 : memref<64x128xf32, #tpu.memory_space<vmem>>) offsets(%arg20 : memref<64xi32, #tpu.memory_space<vmem>>) semaphore(%arg22 : memref<!tpu.dma_semaphore, #tpu.memory_space<semaphore_mem>>)
      %dma_wait3A_160 = arith.constant 0 : i32
      %dma_wait3A_161 = arith.constant 0 : i32
      %dma_wait3A_162 = tpu.memref_slice %arg14[%dma_wait3A_160, %dma_wait3A_161] : memref<80x128xf32, #tpu.memory_space<vmem>> -> memref<64x128xf32, #tpu.memory_space<vmem>>
      %dma_wait3A_163 = arith.constant 0 : i32
      %dma_wait3A_164 = arith.constant 0 : i32
      %dma_wait3A_165 = tpu.memref_slice %arg6[%dma_wait3A_163, %dma_wait3A_164] : memref<10000x128xf32, #tpu.memory_space<hbm>> -> memref<10000x128xf32, #tpu.memory_space<hbm>>
      tpu.wait_indirect_dma semaphore(%arg22 : memref<!tpu.dma_semaphore, #tpu.memory_space<semaphore_mem>>) src(%dma_wait3A_165 : memref<10000x128xf32, #tpu.memory_space<hbm>>) dst(%dma_wait3A_162 : memref<64x128xf32, #tpu.memory_space<vmem>>)
      "tpu.region"() ({
        %run_scoped3A = tpu.sem_alloc : memref<!tpu.dma_semaphore, #tpu.memory_space<semaphore_mem>>
        %dma_start3A_166 = arith.constant 0 : i32
        %dma_start3A_167 = arith.constant 0 : i32
        %dma_start3A_168 = tpu.memref_slice %arg14[%dma_start3A_166, %dma_start3A_167] : memref<80x128xf32, #tpu.memory_space<vmem>> -> memref<64x128xf32, #tpu.memory_space<vmem>>
        %dma_start3A_169 = arith.constant 0 : i32
        %dma_start3A_170 = tpu.memref_slice %arg10[%add3A_128, %dma_start3A_169] : memref<4096x128xf32, #tpu.memory_space<hbm>> -> memref<64x128xf32, #tpu.memory_space<hbm>>
        %dma_start3A_171 = arith.constant 0 : i32
        %dma_start3A_172 = tpu.memref_slice %arg10[%add3A_128, %dma_start3A_171] : memref<4096x128xf32, #tpu.memory_space<hbm>> -> memref<64x128xf32, #tpu.memory_space<hbm>>
        %dma_start3A_173 = arith.constant 0 : i32
        %dma_start3A_174 = arith.constant 0 : i32
        %dma_start3A_175 = tpu.memref_slice %arg14[%dma_start3A_173, %dma_start3A_174] : memref<80x128xf32, #tpu.memory_space<vmem>> -> memref<64x128xf32, #tpu.memory_space<vmem>>
        tpu.enqueue_dma source(%dma_start3A_175 : memref<64x128xf32, #tpu.memory_space<vmem>>) target(%dma_start3A_172 : memref<64x128xf32, #tpu.memory_space<hbm>>) target_semaphore(%run_scoped3A : memref<!tpu.dma_semaphore, #tpu.memory_space<semaphore_mem>>)
        %dma_wait3A_176 = arith.constant 0 : i32
        %dma_wait3A_177 = arith.constant 0 : i32
        %dma_wait3A_178 = tpu.memref_slice %arg14[%dma_wait3A_176, %dma_wait3A_177] : memref<80x128xf32, #tpu.memory_space<vmem>> -> memref<64x128xf32, #tpu.memory_space<vmem>>
        %dma_wait3A_179 = arith.constant 0 : i32
        %dma_wait3A_180 = tpu.memref_slice %arg10[%add3A_128, %dma_wait3A_179] : memref<4096x128xf32, #tpu.memory_space<hbm>> -> memref<64x128xf32, #tpu.memory_space<hbm>>
        %dma_wait3A_181 = arith.constant 0 : i32
        %dma_wait3A_182 = tpu.memref_slice %arg10[%add3A_128, %dma_wait3A_181] : memref<4096x128xf32, #tpu.memory_space<hbm>> -> memref<64x128xf32, #tpu.memory_space<hbm>>
        %dma_wait3A_183 = arith.constant 0 : i32
        %dma_wait3A_184 = arith.constant 0 : i32
        %dma_wait3A_185 = tpu.memref_slice %arg14[%dma_wait3A_183, %dma_wait3A_184] : memref<80x128xf32, #tpu.memory_space<vmem>> -> memref<64x128xf32, #tpu.memory_space<vmem>>
        tpu.wait_dma2 semaphore(%run_scoped3A : memref<!tpu.dma_semaphore, #tpu.memory_space<semaphore_mem>>) src(%dma_wait3A_185 : memref<64x128xf32, #tpu.memory_space<vmem>>) dst(%dma_wait3A_182 : memref<64x128xf32, #tpu.memory_space<hbm>>)
        tpu.yield
      }) : () -> ()
    } else {
    }
    %eq3A_149 = arith.constant 1 : i32
    %eq3A_150 = arith.cmpi eq, %arg0, %eq3A_149 : i32
    %convert_element_type3A_151 = arith.extui %eq3A_150 : i1 to i32
    %cond3A_152 = arith.constant 0 : i32
    %cond3A_153 = arith.cmpi ne, %convert_element_type3A_151, %cond3A_152 : i32
    scf.if %cond3A_153 {
      %dma_start3A_154 = arith.constant 0 : i32
      %dma_start3A_155 = arith.constant 0 : i32
      %dma_start3A_156 = tpu.memref_slice %arg14[%dma_start3A_154, %dma_start3A_155] : memref<80x128xf32, #tpu.memory_space<vmem>> -> memref<64x128xf32, #tpu.memory_space<vmem>>
      %dma_start3A_157 = arith.constant 0 : i32
      %dma_start3A_158 = arith.constant 0 : i32
      %dma_start3A_159 = tpu.memref_slice %arg7[%dma_start3A_157, %dma_start3A_158] : memref<10000x128xf32, #tpu.memory_space<hbm>> -> memref<10000x128xf32, #tpu.memory_space<hbm>>
      tpu.enqueue_indirect_dma source(%dma_start3A_159 : memref<10000x128xf32, #tpu.memory_space<hbm>>) target(%dma_start3A_156 : memref<64x128xf32, #tpu.memory_space<vmem>>) offsets(%arg20 : memref<64xi32, #tpu.memory_space<vmem>>) semaphore(%arg22 : memref<!tpu.dma_semaphore, #tpu.memory_space<semaphore_mem>>)
      %dma_wait3A_160 = arith.constant 0 : i32
      %dma_wait3A_161 = arith.constant 0 : i32
      %dma_wait3A_162 = tpu.memref_slice %arg14[%dma_wait3A_160, %dma_wait3A_161] : memref<80x128xf32, #tpu.memory_space<vmem>> -> memref<64x128xf32, #tpu.memory_space<vmem>>
      %dma_wait3A_163 = arith.constant 0 : i32
      %dma_wait3A_164 = arith.constant 0 : i32
      %dma_wait3A_165 = tpu.memref_slice %arg7[%dma_wait3A_163, %dma_wait3A_164] : memref<10000x128xf32, #tpu.memory_space<hbm>> -> memref<10000x128xf32, #tpu.memory_space<hbm>>
      tpu.wait_indirect_dma semaphore(%arg22 : memref<!tpu.dma_semaphore, #tpu.memory_space<semaphore_mem>>) src(%dma_wait3A_165 : memref<10000x128xf32, #tpu.memory_space<hbm>>) dst(%dma_wait3A_162 : memref<64x128xf32, #tpu.memory_space<vmem>>)
      "tpu.region"() ({
        %run_scoped3A = tpu.sem_alloc : memref<!tpu.dma_semaphore, #tpu.memory_space<semaphore_mem>>
        %dma_start3A_166 = arith.constant 0 : i32
        %dma_start3A_167 = arith.constant 0 : i32
        %dma_start3A_168 = tpu.memref_slice %arg14[%dma_start3A_166, %dma_start3A_167] : memref<80x128xf32, #tpu.memory_space<vmem>> -> memref<64x128xf32, #tpu.memory_space<vmem>>
        %dma_start3A_169 = arith.constant 0 : i32
        %dma_start3A_170 = tpu.memref_slice %arg11[%add3A_128, %dma_start3A_169] : memref<4096x128xf32, #tpu.memory_space<hbm>> -> memref<64x128xf32, #tpu.memory_space<hbm>>
        %dma_start3A_171 = arith.constant 0 : i32
        %dma_start3A_172 = tpu.memref_slice %arg11[%add3A_128, %dma_start3A_171] : memref<4096x128xf32, #tpu.memory_space<hbm>> -> memref<64x128xf32, #tpu.memory_space<hbm>>
        %dma_start3A_173 = arith.constant 0 : i32
        %dma_start3A_174 = arith.constant 0 : i32
        %dma_start3A_175 = tpu.memref_slice %arg14[%dma_start3A_173, %dma_start3A_174] : memref<80x128xf32, #tpu.memory_space<vmem>> -> memref<64x128xf32, #tpu.memory_space<vmem>>
        tpu.enqueue_dma source(%dma_start3A_175 : memref<64x128xf32, #tpu.memory_space<vmem>>) target(%dma_start3A_172 : memref<64x128xf32, #tpu.memory_space<hbm>>) target_semaphore(%run_scoped3A : memref<!tpu.dma_semaphore, #tpu.memory_space<semaphore_mem>>)
        %dma_wait3A_176 = arith.constant 0 : i32
        %dma_wait3A_177 = arith.constant 0 : i32
        %dma_wait3A_178 = tpu.memref_slice %arg14[%dma_wait3A_176, %dma_wait3A_177] : memref<80x128xf32, #tpu.memory_space<vmem>> -> memref<64x128xf32, #tpu.memory_space<vmem>>
        %dma_wait3A_179 = arith.constant 0 : i32
        %dma_wait3A_180 = tpu.memref_slice %arg11[%add3A_128, %dma_wait3A_179] : memref<4096x128xf32, #tpu.memory_space<hbm>> -> memref<64x128xf32, #tpu.memory_space<hbm>>
        %dma_wait3A_181 = arith.constant 0 : i32
        %dma_wait3A_182 = tpu.memref_slice %arg11[%add3A_128, %dma_wait3A_181] : memref<4096x128xf32, #tpu.memory_space<hbm>> -> memref<64x128xf32, #tpu.memory_space<hbm>>
        %dma_wait3A_183 = arith.constant 0 : i32
        %dma_wait3A_184 = arith.constant 0 : i32
        %dma_wait3A_185 = tpu.memref_slice %arg14[%dma_wait3A_183, %dma_wait3A_184] : memref<80x128xf32, #tpu.memory_space<vmem>> -> memref<64x128xf32, #tpu.memory_space<vmem>>
        tpu.wait_dma2 semaphore(%run_scoped3A : memref<!tpu.dma_semaphore, #tpu.memory_space<semaphore_mem>>) src(%dma_wait3A_185 : memref<64x128xf32, #tpu.memory_space<vmem>>) dst(%dma_wait3A_182 : memref<64x128xf32, #tpu.memory_space<hbm>>)
        tpu.yield
      }) : () -> ()
    } else {
    }
    return
  }
}

#map = affine_map<(d0, d1) -> (0, 0)>
#map1 = affine_map<(d0, d1) -> (0)>
module attributes {stable_mosaic.version = 14 : i64} {
  func.func @_seg1_body(%arg0: i32, %arg1: i32, %arg2: memref<10000x128xf32, #tpu.memory_space<hbm>>, %arg3: memref<320000xi32, #tpu.memory_space<hbm>>, %arg4: memref<320000xi32, #tpu.memory_space<hbm>>, %arg5: memref<640x128xf32, #tpu.memory_space<hbm>>, %arg6: memref<10000x128xf32, #tpu.memory_space<hbm>>, %arg7: memref<10000x128xf32, #tpu.memory_space<hbm>>, %arg8: memref<4096xi32, #tpu.memory_space<hbm>>, %arg9: memref<8192x128xf32, #tpu.memory_space<hbm>>, %arg10: memref<4096x128xf32, #tpu.memory_space<hbm>>, %arg11: memref<4096x128xf32, #tpu.memory_space<hbm>>, %arg12: memref<10240x128xf32, #tpu.memory_space<vmem_shared>>, %arg13: memref<80x128xf32, #tpu.memory_space<vmem>>, %arg14: memref<80x128xf32, #tpu.memory_space<vmem>>, %arg15: memref<80x128xf32, #tpu.memory_space<vmem>>, %arg16: memref<80xi32, #tpu.memory_space<vmem>>, %arg17: memref<80xi32, #tpu.memory_space<vmem>>, %arg18: memref<80xi32, #tpu.memory_space<vmem>>, %arg19: memref<10000xi32, #tpu.memory_space<vmem>>, %arg20: memref<64xi32, #tpu.memory_space<vmem>>, %arg21: memref<!tpu.dma_semaphore, #tpu.memory_space<semaphore_mem>>, %arg22: memref<!tpu.dma_semaphore, #tpu.memory_space<semaphore_mem>>, %arg23: memref<!tpu.dma_semaphore, #tpu.memory_space<semaphore_mem>>, %arg24: memref<!tpu.dma_semaphore, #tpu.memory_space<semaphore_mem>>, %arg25: memref<!tpu.dma_semaphore, #tpu.memory_space<semaphore_mem>>, %arg26: memref<!tpu.dma_semaphore, #tpu.memory_space<semaphore_mem>>) attributes {dimension_semantics = [#tpu.dimension_semantics<core_parallel>, #tpu.dimension_semantics<subcore_parallel>], iteration_bounds = array<i64: 2, 16>, scalar_prefetch = 0 : i64, scratch_operands = 15 : i64, tpu.core_type = #tpu.core_type<sc_vector_subcore>, window_params = [{transform_indices = #map}, {transform_indices = #map1}, {transform_indices = #map1}, {transform_indices = #map}, {transform_indices = #map}, {transform_indices = #map}, {transform_indices = #map1}, {transform_indices = #map}, {transform_indices = #map}, {transform_indices = #map}]} {
    %mul3A = arith.constant 640 : i32
    %mul3A_0 = arith.muli %arg1, %mul3A : i32
    "tpu.region"() ({
      %run_scoped3A = tpu.sem_alloc : memref<!tpu.dma_semaphore, #tpu.memory_space<semaphore_mem>>
      %dma_start3A_154 = arith.constant 0 : i32
      %dma_start3A_155 = tpu.memref_slice %arg12[%mul3A_0, %dma_start3A_154] : memref<10240x128xf32, #tpu.memory_space<vmem_shared>> -> memref<640x128xf32, #tpu.memory_space<vmem_shared>>
      tpu.enqueue_dma source(%arg5 : memref<640x128xf32, #tpu.memory_space<hbm>>) target(%dma_start3A_155 : memref<640x128xf32, #tpu.memory_space<vmem_shared>>) target_semaphore(%run_scoped3A : memref<!tpu.dma_semaphore, #tpu.memory_space<semaphore_mem>>)
      %dma_wait3A_156 = arith.constant 0 : i32
      %dma_wait3A_157 = tpu.memref_slice %arg12[%mul3A_0, %dma_wait3A_156] : memref<10240x128xf32, #tpu.memory_space<vmem_shared>> -> memref<640x128xf32, #tpu.memory_space<vmem_shared>>
      tpu.wait_dma2 semaphore(%run_scoped3A : memref<!tpu.dma_semaphore, #tpu.memory_space<semaphore_mem>>) src(%arg5 : memref<640x128xf32, #tpu.memory_space<hbm>>) dst(%dma_wait3A_157 : memref<640x128xf32, #tpu.memory_space<vmem_shared>>)
      tpu.yield
    }) : () -> ()
    %mul3A_1 = arith.constant 160000 : i32
    %mul3A_2 = arith.muli %arg0, %mul3A_1 : i32
    %mul3A_3 = arith.constant 10000 : i32
    %mul3A_4 = arith.muli %arg1, %mul3A_3 : i32
    %add3A = arith.addi %mul3A_2, %mul3A_4 : i32
    %barrier3A = arith.constant 0 : index
    tpu.barrier barrier_id(%barrier3A)
    "tpu.region"() ({
      %run_scoped3A = tpu.sem_alloc : memref<!tpu.dma_semaphore, #tpu.memory_space<semaphore_mem>>
      %dma_start3A_154 = tpu.memref_slice %arg3[%add3A] : memref<320000xi32, #tpu.memory_space<hbm>> -> memref<10000xi32, #tpu.memory_space<hbm>>
      %dma_start3A_155 = tpu.memref_slice %arg3[%add3A] : memref<320000xi32, #tpu.memory_space<hbm>> -> memref<10000xi32, #tpu.memory_space<hbm>>
      tpu.enqueue_dma source(%dma_start3A_155 : memref<10000xi32, #tpu.memory_space<hbm>>) target(%arg19 : memref<10000xi32, #tpu.memory_space<vmem>>) target_semaphore(%run_scoped3A : memref<!tpu.dma_semaphore, #tpu.memory_space<semaphore_mem>>)
      %dma_wait3A_156 = tpu.memref_slice %arg3[%add3A] : memref<320000xi32, #tpu.memory_space<hbm>> -> memref<10000xi32, #tpu.memory_space<hbm>>
      %dma_wait3A_157 = tpu.memref_slice %arg3[%add3A] : memref<320000xi32, #tpu.memory_space<hbm>> -> memref<10000xi32, #tpu.memory_space<hbm>>
      tpu.wait_dma2 semaphore(%run_scoped3A : memref<!tpu.dma_semaphore, #tpu.memory_space<semaphore_mem>>) src(%dma_wait3A_157 : memref<10000xi32, #tpu.memory_space<hbm>>) dst(%arg19 : memref<10000xi32, #tpu.memory_space<vmem>>)
      tpu.yield
    }) : () -> ()
    %add3A_5 = arith.constant 0 : i32
    %add3A_6 = arith.addi %add3A, %add3A_5 : i32
    %dma_start3A = tpu.memref_slice %arg4[%add3A_6] : memref<320000xi32, #tpu.memory_space<hbm>> -> memref<80xi32, #tpu.memory_space<hbm>>
    %dma_start3A_7 = tpu.memref_slice %arg4[%add3A_6] : memref<320000xi32, #tpu.memory_space<hbm>> -> memref<80xi32, #tpu.memory_space<hbm>>
    tpu.enqueue_dma source(%dma_start3A_7 : memref<80xi32, #tpu.memory_space<hbm>>) target(%arg16 : memref<80xi32, #tpu.memory_space<vmem>>) target_semaphore(%arg24 : memref<!tpu.dma_semaphore, #tpu.memory_space<semaphore_mem>>)
    %dma_start3A_8 = arith.constant 0 : i32
    %dma_start3A_9 = tpu.memref_slice %arg19[%dma_start3A_8] : memref<10000xi32, #tpu.memory_space<vmem>> -> memref<80xi32, #tpu.memory_space<vmem>>
    %dma_start3A_10 = arith.constant 0 : i32
    %dma_start3A_11 = arith.constant 0 : i32
    %dma_start3A_12 = tpu.memref_slice %arg2[%dma_start3A_10, %dma_start3A_11] : memref<10000x128xf32, #tpu.memory_space<hbm>> -> memref<10000x128xf32, #tpu.memory_space<hbm>>
    tpu.enqueue_indirect_dma source(%dma_start3A_12 : memref<10000x128xf32, #tpu.memory_space<hbm>>) target(%arg13 : memref<80x128xf32, #tpu.memory_space<vmem>>) offsets(%dma_start3A_9 : memref<80xi32, #tpu.memory_space<vmem>>) semaphore(%arg21 : memref<!tpu.dma_semaphore, #tpu.memory_space<semaphore_mem>>)
    %add3A_13 = arith.constant 80 : i32
    %add3A_14 = arith.addi %add3A, %add3A_13 : i32
    %dma_start3A_15 = tpu.memref_slice %arg4[%add3A_14] : memref<320000xi32, #tpu.memory_space<hbm>> -> memref<80xi32, #tpu.memory_space<hbm>>
    %dma_start3A_16 = tpu.memref_slice %arg4[%add3A_14] : memref<320000xi32, #tpu.memory_space<hbm>> -> memref<80xi32, #tpu.memory_space<hbm>>
    tpu.enqueue_dma source(%dma_start3A_16 : memref<80xi32, #tpu.memory_space<hbm>>) target(%arg17 : memref<80xi32, #tpu.memory_space<vmem>>) target_semaphore(%arg25 : memref<!tpu.dma_semaphore, #tpu.memory_space<semaphore_mem>>)
    %dma_start3A_17 = arith.constant 80 : i32
    %dma_start3A_18 = tpu.memref_slice %arg19[%dma_start3A_17] : memref<10000xi32, #tpu.memory_space<vmem>> -> memref<80xi32, #tpu.memory_space<vmem>>
    %dma_start3A_19 = arith.constant 0 : i32
    %dma_start3A_20 = arith.constant 0 : i32
    %dma_start3A_21 = tpu.memref_slice %arg2[%dma_start3A_19, %dma_start3A_20] : memref<10000x128xf32, #tpu.memory_space<hbm>> -> memref<10000x128xf32, #tpu.memory_space<hbm>>
    tpu.enqueue_indirect_dma source(%dma_start3A_21 : memref<10000x128xf32, #tpu.memory_space<hbm>>) target(%arg14 : memref<80x128xf32, #tpu.memory_space<vmem>>) offsets(%dma_start3A_18 : memref<80xi32, #tpu.memory_space<vmem>>) semaphore(%arg22 : memref<!tpu.dma_semaphore, #tpu.memory_space<semaphore_mem>>)
    %scan3A = arith.constant 0 : i32
    %scan3A_22 = arith.constant 0 : i32
    %scan3A_23 = arith.constant 41 : i32
    %scan3A_24 = arith.addi %scan3A_22, %scan3A_23 : i32
    %scan3A_25 = arith.constant 1 : i32
    scf.for %scan3A_154 = %scan3A_22 to %scan3A_24 step %scan3A_25  : i32 {
      %mul3A_155 = arith.constant 3 : i32
      %mul3A_156 = arith.muli %scan3A_154, %mul3A_155 : i32
      %add3A_157 = arith.constant 0 : i32
      %add3A_158 = arith.addi %mul3A_156, %add3A_157 : i32
      %add3A_159 = arith.constant 2 : i32
      %add3A_160 = arith.addi %add3A_158, %add3A_159 : i32
      %mul3A_161 = arith.constant 80 : i32
      %mul3A_162 = arith.muli %add3A_160, %mul3A_161 : i32
      %add3A_163 = arith.addi %add3A, %mul3A_162 : i32
      %dma_start3A_164 = tpu.memref_slice %arg4[%add3A_163] : memref<320000xi32, #tpu.memory_space<hbm>> -> memref<80xi32, #tpu.memory_space<hbm>>
      %dma_start3A_165 = tpu.memref_slice %arg4[%add3A_163] : memref<320000xi32, #tpu.memory_space<hbm>> -> memref<80xi32, #tpu.memory_space<hbm>>
      tpu.enqueue_dma source(%dma_start3A_165 : memref<80xi32, #tpu.memory_space<hbm>>) target(%arg18 : memref<80xi32, #tpu.memory_space<vmem>>) target_semaphore(%arg26 : memref<!tpu.dma_semaphore, #tpu.memory_space<semaphore_mem>>)
      %mul3A_166 = arith.constant 80 : i32
      %mul3A_167 = arith.muli %add3A_160, %mul3A_166 : i32
      %dma_start3A_168 = tpu.memref_slice %arg19[%mul3A_167] : memref<10000xi32, #tpu.memory_space<vmem>> -> memref<80xi32, #tpu.memory_space<vmem>>
      %dma_start3A_169 = arith.constant 0 : i32
      %dma_start3A_170 = arith.constant 0 : i32
      %dma_start3A_171 = tpu.memref_slice %arg2[%dma_start3A_169, %dma_start3A_170] : memref<10000x128xf32, #tpu.memory_space<hbm>> -> memref<10000x128xf32, #tpu.memory_space<hbm>>
      tpu.enqueue_indirect_dma source(%dma_start3A_171 : memref<10000x128xf32, #tpu.memory_space<hbm>>) target(%arg15 : memref<80x128xf32, #tpu.memory_space<vmem>>) offsets(%dma_start3A_168 : memref<80xi32, #tpu.memory_space<vmem>>) semaphore(%arg23 : memref<!tpu.dma_semaphore, #tpu.memory_space<semaphore_mem>>)
      %dma_wait3A_172 = tpu.memref_slice %arg4[%add3A] : memref<320000xi32, #tpu.memory_space<hbm>> -> memref<80xi32, #tpu.memory_space<hbm>>
      %dma_wait3A_173 = tpu.memref_slice %arg4[%add3A] : memref<320000xi32, #tpu.memory_space<hbm>> -> memref<80xi32, #tpu.memory_space<hbm>>
      tpu.wait_dma2 semaphore(%arg24 : memref<!tpu.dma_semaphore, #tpu.memory_space<semaphore_mem>>) src(%dma_wait3A_173 : memref<80xi32, #tpu.memory_space<hbm>>) dst(%arg16 : memref<80xi32, #tpu.memory_space<vmem>>)
      %dma_wait3A_174 = arith.constant 0 : i32
      %dma_wait3A_175 = tpu.memref_slice %arg19[%dma_wait3A_174] : memref<10000xi32, #tpu.memory_space<vmem>> -> memref<80xi32, #tpu.memory_space<vmem>>
      %dma_wait3A_176 = arith.constant 0 : i32
      %dma_wait3A_177 = arith.constant 0 : i32
      %dma_wait3A_178 = tpu.memref_slice %arg2[%dma_wait3A_176, %dma_wait3A_177] : memref<10000x128xf32, #tpu.memory_space<hbm>> -> memref<10000x128xf32, #tpu.memory_space<hbm>>
      tpu.wait_indirect_dma semaphore(%arg21 : memref<!tpu.dma_semaphore, #tpu.memory_space<semaphore_mem>>) src(%dma_wait3A_178 : memref<10000x128xf32, #tpu.memory_space<hbm>>) dst(%arg13 : memref<80x128xf32, #tpu.memory_space<vmem>>)
      "tpu.region"() ({
        %run_scoped3A = tpu.sem_alloc : memref<!tpu.dma_semaphore, #tpu.memory_space<semaphore_mem>>
        %dma_start3A_223 = arith.constant 0 : i32
        %dma_start3A_224 = arith.constant 0 : i32
        %dma_start3A_225 = tpu.memref_slice %arg12[%dma_start3A_223, %dma_start3A_224] : memref<10240x128xf32, #tpu.memory_space<vmem_shared>> -> memref<10240x128xf32, #tpu.memory_space<vmem_shared>>
        tpu.enqueue_indirect_dma source(%arg13 : memref<80x128xf32, #tpu.memory_space<vmem>>) target(%dma_start3A_225 : memref<10240x128xf32, #tpu.memory_space<vmem_shared>>) offsets(%arg16 : memref<80xi32, #tpu.memory_space<vmem>>) semaphore(%run_scoped3A : memref<!tpu.dma_semaphore, #tpu.memory_space<semaphore_mem>>) {add = true}
        %dma_wait3A_226 = arith.constant 0 : i32
        %dma_wait3A_227 = arith.constant 0 : i32
        %dma_wait3A_228 = tpu.memref_slice %arg12[%dma_wait3A_226, %dma_wait3A_227] : memref<10240x128xf32, #tpu.memory_space<vmem_shared>> -> memref<10240x128xf32, #tpu.memory_space<vmem_shared>>
        tpu.wait_indirect_dma semaphore(%run_scoped3A : memref<!tpu.dma_semaphore, #tpu.memory_space<semaphore_mem>>) src(%arg13 : memref<80x128xf32, #tpu.memory_space<vmem>>) dst(%dma_wait3A_228 : memref<10240x128xf32, #tpu.memory_space<vmem_shared>>)
        tpu.yield
      }) : () -> ()
      %add3A_179 = arith.constant 1 : i32
      %add3A_180 = arith.addi %mul3A_156, %add3A_179 : i32
      %add3A_181 = arith.constant 2 : i32
      %add3A_182 = arith.addi %add3A_180, %add3A_181 : i32
      %mul3A_183 = arith.constant 80 : i32
      %mul3A_184 = arith.muli %add3A_182, %mul3A_183 : i32
      %add3A_185 = arith.addi %add3A, %mul3A_184 : i32
      %dma_start3A_186 = tpu.memref_slice %arg4[%add3A_185] : memref<320000xi32, #tpu.memory_space<hbm>> -> memref<80xi32, #tpu.memory_space<hbm>>
      %dma_start3A_187 = tpu.memref_slice %arg4[%add3A_185] : memref<320000xi32, #tpu.memory_space<hbm>> -> memref<80xi32, #tpu.memory_space<hbm>>
      tpu.enqueue_dma source(%dma_start3A_187 : memref<80xi32, #tpu.memory_space<hbm>>) target(%arg16 : memref<80xi32, #tpu.memory_space<vmem>>) target_semaphore(%arg24 : memref<!tpu.dma_semaphore, #tpu.memory_space<semaphore_mem>>)
      %mul3A_188 = arith.constant 80 : i32
      %mul3A_189 = arith.muli %add3A_182, %mul3A_188 : i32
      %dma_start3A_190 = tpu.memref_slice %arg19[%mul3A_189] : memref<10000xi32, #tpu.memory_space<vmem>> -> memref<80xi32, #tpu.memory_space<vmem>>
      %dma_start3A_191 = arith.constant 0 : i32
      %dma_start3A_192 = arith.constant 0 : i32
      %dma_start3A_193 = tpu.memref_slice %arg2[%dma_start3A_191, %dma_start3A_192] : memref<10000x128xf32, #tpu.memory_space<hbm>> -> memref<10000x128xf32, #tpu.memory_space<hbm>>
      tpu.enqueue_indirect_dma source(%dma_start3A_193 : memref<10000x128xf32, #tpu.memory_space<hbm>>) target(%arg13 : memref<80x128xf32, #tpu.memory_space<vmem>>) offsets(%dma_start3A_190 : memref<80xi32, #tpu.memory_space<vmem>>) semaphore(%arg21 : memref<!tpu.dma_semaphore, #tpu.memory_space<semaphore_mem>>)
      %dma_wait3A_194 = tpu.memref_slice %arg4[%add3A] : memref<320000xi32, #tpu.memory_space<hbm>> -> memref<80xi32, #tpu.memory_space<hbm>>
      %dma_wait3A_195 = tpu.memref_slice %arg4[%add3A] : memref<320000xi32, #tpu.memory_space<hbm>> -> memref<80xi32, #tpu.memory_space<hbm>>
      tpu.wait_dma2 semaphore(%arg25 : memref<!tpu.dma_semaphore, #tpu.memory_space<semaphore_mem>>) src(%dma_wait3A_195 : memref<80xi32, #tpu.memory_space<hbm>>) dst(%arg17 : memref<80xi32, #tpu.memory_space<vmem>>)
      %dma_wait3A_196 = arith.constant 0 : i32
      %dma_wait3A_197 = tpu.memref_slice %arg19[%dma_wait3A_196] : memref<10000xi32, #tpu.memory_space<vmem>> -> memref<80xi32, #tpu.memory_space<vmem>>
      %dma_wait3A_198 = arith.constant 0 : i32
      %dma_wait3A_199 = arith.constant 0 : i32
      %dma_wait3A_200 = tpu.memref_slice %arg2[%dma_wait3A_198, %dma_wait3A_199] : memref<10000x128xf32, #tpu.memory_space<hbm>> -> memref<10000x128xf32, #tpu.memory_space<hbm>>
      tpu.wait_indirect_dma semaphore(%arg22 : memref<!tpu.dma_semaphore, #tpu.memory_space<semaphore_mem>>) src(%dma_wait3A_200 : memref<10000x128xf32, #tpu.memory_space<hbm>>) dst(%arg14 : memref<80x128xf32, #tpu.memory_space<vmem>>)
      "tpu.region"() ({
        %run_scoped3A = tpu.sem_alloc : memref<!tpu.dma_semaphore, #tpu.memory_space<semaphore_mem>>
        %dma_start3A_223 = arith.constant 0 : i32
        %dma_start3A_224 = arith.constant 0 : i32
        %dma_start3A_225 = tpu.memref_slice %arg12[%dma_start3A_223, %dma_start3A_224] : memref<10240x128xf32, #tpu.memory_space<vmem_shared>> -> memref<10240x128xf32, #tpu.memory_space<vmem_shared>>
        tpu.enqueue_indirect_dma source(%arg14 : memref<80x128xf32, #tpu.memory_space<vmem>>) target(%dma_start3A_225 : memref<10240x128xf32, #tpu.memory_space<vmem_shared>>) offsets(%arg17 : memref<80xi32, #tpu.memory_space<vmem>>) semaphore(%run_scoped3A : memref<!tpu.dma_semaphore, #tpu.memory_space<semaphore_mem>>) {add = true}
        %dma_wait3A_226 = arith.constant 0 : i32
        %dma_wait3A_227 = arith.constant 0 : i32
        %dma_wait3A_228 = tpu.memref_slice %arg12[%dma_wait3A_226, %dma_wait3A_227] : memref<10240x128xf32, #tpu.memory_space<vmem_shared>> -> memref<10240x128xf32, #tpu.memory_space<vmem_shared>>
        tpu.wait_indirect_dma semaphore(%run_scoped3A : memref<!tpu.dma_semaphore, #tpu.memory_space<semaphore_mem>>) src(%arg14 : memref<80x128xf32, #tpu.memory_space<vmem>>) dst(%dma_wait3A_228 : memref<10240x128xf32, #tpu.memory_space<vmem_shared>>)
        tpu.yield
      }) : () -> ()
      %add3A_201 = arith.constant 2 : i32
      %add3A_202 = arith.addi %mul3A_156, %add3A_201 : i32
      %add3A_203 = arith.constant 2 : i32
      %add3A_204 = arith.addi %add3A_202, %add3A_203 : i32
      %mul3A_205 = arith.constant 80 : i32
      %mul3A_206 = arith.muli %add3A_204, %mul3A_205 : i32
      %add3A_207 = arith.addi %add3A, %mul3A_206 : i32
      %dma_start3A_208 = tpu.memref_slice %arg4[%add3A_207] : memref<320000xi32, #tpu.memory_space<hbm>> -> memref<80xi32, #tpu.memory_space<hbm>>
      %dma_start3A_209 = tpu.memref_slice %arg4[%add3A_207] : memref<320000xi32, #tpu.memory_space<hbm>> -> memref<80xi32, #tpu.memory_space<hbm>>
      tpu.enqueue_dma source(%dma_start3A_209 : memref<80xi32, #tpu.memory_space<hbm>>) target(%arg17 : memref<80xi32, #tpu.memory_space<vmem>>) target_semaphore(%arg25 : memref<!tpu.dma_semaphore, #tpu.memory_space<semaphore_mem>>)
      %mul3A_210 = arith.constant 80 : i32
      %mul3A_211 = arith.muli %add3A_204, %mul3A_210 : i32
      %dma_start3A_212 = tpu.memref_slice %arg19[%mul3A_211] : memref<10000xi32, #tpu.memory_space<vmem>> -> memref<80xi32, #tpu.memory_space<vmem>>
      %dma_start3A_213 = arith.constant 0 : i32
      %dma_start3A_214 = arith.constant 0 : i32
      %dma_start3A_215 = tpu.memref_slice %arg2[%dma_start3A_213, %dma_start3A_214] : memref<10000x128xf32, #tpu.memory_space<hbm>> -> memref<10000x128xf32, #tpu.memory_space<hbm>>
      tpu.enqueue_indirect_dma source(%dma_start3A_215 : memref<10000x128xf32, #tpu.memory_space<hbm>>) target(%arg14 : memref<80x128xf32, #tpu.memory_space<vmem>>) offsets(%dma_start3A_212 : memref<80xi32, #tpu.memory_space<vmem>>) semaphore(%arg22 : memref<!tpu.dma_semaphore, #tpu.memory_space<semaphore_mem>>)
      %dma_wait3A_216 = tpu.memref_slice %arg4[%add3A] : memref<320000xi32, #tpu.memory_space<hbm>> -> memref<80xi32, #tpu.memory_space<hbm>>
      %dma_wait3A_217 = tpu.memref_slice %arg4[%add3A] : memref<320000xi32, #tpu.memory_space<hbm>> -> memref<80xi32, #tpu.memory_space<hbm>>
      tpu.wait_dma2 semaphore(%arg26 : memref<!tpu.dma_semaphore, #tpu.memory_space<semaphore_mem>>) src(%dma_wait3A_217 : memref<80xi32, #tpu.memory_space<hbm>>) dst(%arg18 : memref<80xi32, #tpu.memory_space<vmem>>)
      %dma_wait3A_218 = arith.constant 0 : i32
      %dma_wait3A_219 = tpu.memref_slice %arg19[%dma_wait3A_218] : memref<10000xi32, #tpu.memory_space<vmem>> -> memref<80xi32, #tpu.memory_space<vmem>>
      %dma_wait3A_220 = arith.constant 0 : i32
      %dma_wait3A_221 = arith.constant 0 : i32
      %dma_wait3A_222 = tpu.memref_slice %arg2[%dma_wait3A_220, %dma_wait3A_221] : memref<10000x128xf32, #tpu.memory_space<hbm>> -> memref<10000x128xf32, #tpu.memory_space<hbm>>
      tpu.wait_indirect_dma semaphore(%arg23 : memref<!tpu.dma_semaphore, #tpu.memory_space<semaphore_mem>>) src(%dma_wait3A_222 : memref<10000x128xf32, #tpu.memory_space<hbm>>) dst(%arg15 : memref<80x128xf32, #tpu.memory_space<vmem>>)
      "tpu.region"() ({
        %run_scoped3A = tpu.sem_alloc : memref<!tpu.dma_semaphore, #tpu.memory_space<semaphore_mem>>
        %dma_start3A_223 = arith.constant 0 : i32
        %dma_start3A_224 = arith.constant 0 : i32
        %dma_start3A_225 = tpu.memref_slice %arg12[%dma_start3A_223, %dma_start3A_224] : memref<10240x128xf32, #tpu.memory_space<vmem_shared>> -> memref<10240x128xf32, #tpu.memory_space<vmem_shared>>
        tpu.enqueue_indirect_dma source(%arg15 : memref<80x128xf32, #tpu.memory_space<vmem>>) target(%dma_start3A_225 : memref<10240x128xf32, #tpu.memory_space<vmem_shared>>) offsets(%arg18 : memref<80xi32, #tpu.memory_space<vmem>>) semaphore(%run_scoped3A : memref<!tpu.dma_semaphore, #tpu.memory_space<semaphore_mem>>) {add = true}
        %dma_wait3A_226 = arith.constant 0 : i32
        %dma_wait3A_227 = arith.constant 0 : i32
        %dma_wait3A_228 = tpu.memref_slice %arg12[%dma_wait3A_226, %dma_wait3A_227] : memref<10240x128xf32, #tpu.memory_space<vmem_shared>> -> memref<10240x128xf32, #tpu.memory_space<vmem_shared>>
        tpu.wait_indirect_dma semaphore(%run_scoped3A : memref<!tpu.dma_semaphore, #tpu.memory_space<semaphore_mem>>) src(%arg15 : memref<80x128xf32, #tpu.memory_space<vmem>>) dst(%dma_wait3A_228 : memref<10240x128xf32, #tpu.memory_space<vmem_shared>>)
        tpu.yield
      }) : () -> ()
    }
    %scan3A_26 = arith.constant 41 : i32
    %dma_wait3A = tpu.memref_slice %arg4[%add3A] : memref<320000xi32, #tpu.memory_space<hbm>> -> memref<80xi32, #tpu.memory_space<hbm>>
    %dma_wait3A_27 = tpu.memref_slice %arg4[%add3A] : memref<320000xi32, #tpu.memory_space<hbm>> -> memref<80xi32, #tpu.memory_space<hbm>>
    tpu.wait_dma2 semaphore(%arg24 : memref<!tpu.dma_semaphore, #tpu.memory_space<semaphore_mem>>) src(%dma_wait3A_27 : memref<80xi32, #tpu.memory_space<hbm>>) dst(%arg16 : memref<80xi32, #tpu.memory_space<vmem>>)
    %dma_wait3A_28 = arith.constant 0 : i32
    %dma_wait3A_29 = tpu.memref_slice %arg19[%dma_wait3A_28] : memref<10000xi32, #tpu.memory_space<vmem>> -> memref<80xi32, #tpu.memory_space<vmem>>
    %dma_wait3A_30 = arith.constant 0 : i32
    %dma_wait3A_31 = arith.constant 0 : i32
    %dma_wait3A_32 = tpu.memref_slice %arg2[%dma_wait3A_30, %dma_wait3A_31] : memref<10000x128xf32, #tpu.memory_space<hbm>> -> memref<10000x128xf32, #tpu.memory_space<hbm>>
    tpu.wait_indirect_dma semaphore(%arg21 : memref<!tpu.dma_semaphore, #tpu.memory_space<semaphore_mem>>) src(%dma_wait3A_32 : memref<10000x128xf32, #tpu.memory_space<hbm>>) dst(%arg13 : memref<80x128xf32, #tpu.memory_space<vmem>>)
    "tpu.region"() ({
      %run_scoped3A = tpu.sem_alloc : memref<!tpu.dma_semaphore, #tpu.memory_space<semaphore_mem>>
      %dma_start3A_154 = arith.constant 0 : i32
      %dma_start3A_155 = arith.constant 0 : i32
      %dma_start3A_156 = tpu.memref_slice %arg12[%dma_start3A_154, %dma_start3A_155] : memref<10240x128xf32, #tpu.memory_space<vmem_shared>> -> memref<10240x128xf32, #tpu.memory_space<vmem_shared>>
      tpu.enqueue_indirect_dma source(%arg13 : memref<80x128xf32, #tpu.memory_space<vmem>>) target(%dma_start3A_156 : memref<10240x128xf32, #tpu.memory_space<vmem_shared>>) offsets(%arg16 : memref<80xi32, #tpu.memory_space<vmem>>) semaphore(%run_scoped3A : memref<!tpu.dma_semaphore, #tpu.memory_space<semaphore_mem>>) {add = true}
      %dma_wait3A_157 = arith.constant 0 : i32
      %dma_wait3A_158 = arith.constant 0 : i32
      %dma_wait3A_159 = tpu.memref_slice %arg12[%dma_wait3A_157, %dma_wait3A_158] : memref<10240x128xf32, #tpu.memory_space<vmem_shared>> -> memref<10240x128xf32, #tpu.memory_space<vmem_shared>>
      tpu.wait_indirect_dma semaphore(%run_scoped3A : memref<!tpu.dma_semaphore, #tpu.memory_space<semaphore_mem>>) src(%arg13 : memref<80x128xf32, #tpu.memory_space<vmem>>) dst(%dma_wait3A_159 : memref<10240x128xf32, #tpu.memory_space<vmem_shared>>)
      tpu.yield
    }) : () -> ()
    %dma_wait3A_33 = tpu.memref_slice %arg4[%add3A] : memref<320000xi32, #tpu.memory_space<hbm>> -> memref<80xi32, #tpu.memory_space<hbm>>
    %dma_wait3A_34 = tpu.memref_slice %arg4[%add3A] : memref<320000xi32, #tpu.memory_space<hbm>> -> memref<80xi32, #tpu.memory_space<hbm>>
    tpu.wait_dma2 semaphore(%arg25 : memref<!tpu.dma_semaphore, #tpu.memory_space<semaphore_mem>>) src(%dma_wait3A_34 : memref<80xi32, #tpu.memory_space<hbm>>) dst(%arg17 : memref<80xi32, #tpu.memory_space<vmem>>)
    %dma_wait3A_35 = arith.constant 0 : i32
    %dma_wait3A_36 = tpu.memref_slice %arg19[%dma_wait3A_35] : memref<10000xi32, #tpu.memory_space<vmem>> -> memref<80xi32, #tpu.memory_space<vmem>>
    %dma_wait3A_37 = arith.constant 0 : i32
    %dma_wait3A_38 = arith.constant 0 : i32
    %dma_wait3A_39 = tpu.memref_slice %arg2[%dma_wait3A_37, %dma_wait3A_38] : memref<10000x128xf32, #tpu.memory_space<hbm>> -> memref<10000x128xf32, #tpu.memory_space<hbm>>
    tpu.wait_indirect_dma semaphore(%arg22 : memref<!tpu.dma_semaphore, #tpu.memory_space<semaphore_mem>>) src(%dma_wait3A_39 : memref<10000x128xf32, #tpu.memory_space<hbm>>) dst(%arg14 : memref<80x128xf32, #tpu.memory_space<vmem>>)
    "tpu.region"() ({
      %run_scoped3A = tpu.sem_alloc : memref<!tpu.dma_semaphore, #tpu.memory_space<semaphore_mem>>
      %dma_start3A_154 = arith.constant 0 : i32
      %dma_start3A_155 = arith.constant 0 : i32
      %dma_start3A_156 = tpu.memref_slice %arg12[%dma_start3A_154, %dma_start3A_155] : memref<10240x128xf32, #tpu.memory_space<vmem_shared>> -> memref<10240x128xf32, #tpu.memory_space<vmem_shared>>
      tpu.enqueue_indirect_dma source(%arg14 : memref<80x128xf32, #tpu.memory_space<vmem>>) target(%dma_start3A_156 : memref<10240x128xf32, #tpu.memory_space<vmem_shared>>) offsets(%arg17 : memref<80xi32, #tpu.memory_space<vmem>>) semaphore(%run_scoped3A : memref<!tpu.dma_semaphore, #tpu.memory_space<semaphore_mem>>) {add = true}
      %dma_wait3A_157 = arith.constant 0 : i32
      %dma_wait3A_158 = arith.constant 0 : i32
      %dma_wait3A_159 = tpu.memref_slice %arg12[%dma_wait3A_157, %dma_wait3A_158] : memref<10240x128xf32, #tpu.memory_space<vmem_shared>> -> memref<10240x128xf32, #tpu.memory_space<vmem_shared>>
      tpu.wait_indirect_dma semaphore(%run_scoped3A : memref<!tpu.dma_semaphore, #tpu.memory_space<semaphore_mem>>) src(%arg14 : memref<80x128xf32, #tpu.memory_space<vmem>>) dst(%dma_wait3A_159 : memref<10240x128xf32, #tpu.memory_space<vmem_shared>>)
      tpu.yield
    }) : () -> ()
    %barrier3A_40 = arith.constant 0 : index
    tpu.barrier barrier_id(%barrier3A_40)
    %mul3A_41 = arith.constant 256 : i32
    %mul3A_42 = arith.muli %arg1, %mul3A_41 : i32
    %add3A_43 = arith.constant 0 : i32
    %add3A_44 = arith.addi %mul3A_42, %add3A_43 : i32
    "tpu.region"() ({
      %run_scoped3A = tpu.sem_alloc : memref<!tpu.dma_semaphore, #tpu.memory_space<semaphore_mem>>
      %dma_start3A_154 = tpu.memref_slice %arg8[%add3A_44] : memref<4096xi32, #tpu.memory_space<hbm>> -> memref<64xi32, #tpu.memory_space<hbm>>
      %dma_start3A_155 = tpu.memref_slice %arg8[%add3A_44] : memref<4096xi32, #tpu.memory_space<hbm>> -> memref<64xi32, #tpu.memory_space<hbm>>
      tpu.enqueue_dma source(%dma_start3A_155 : memref<64xi32, #tpu.memory_space<hbm>>) target(%arg20 : memref<64xi32, #tpu.memory_space<vmem>>) target_semaphore(%run_scoped3A : memref<!tpu.dma_semaphore, #tpu.memory_space<semaphore_mem>>)
      %dma_wait3A_156 = tpu.memref_slice %arg8[%add3A_44] : memref<4096xi32, #tpu.memory_space<hbm>> -> memref<64xi32, #tpu.memory_space<hbm>>
      %dma_wait3A_157 = tpu.memref_slice %arg8[%add3A_44] : memref<4096xi32, #tpu.memory_space<hbm>> -> memref<64xi32, #tpu.memory_space<hbm>>
      tpu.wait_dma2 semaphore(%run_scoped3A : memref<!tpu.dma_semaphore, #tpu.memory_space<semaphore_mem>>) src(%dma_wait3A_157 : memref<64xi32, #tpu.memory_space<hbm>>) dst(%arg20 : memref<64xi32, #tpu.memory_space<vmem>>)
      tpu.yield
    }) : () -> ()
    %dma_start3A_45 = arith.constant 0 : i32
    %dma_start3A_46 = arith.constant 0 : i32
    %dma_start3A_47 = tpu.memref_slice %arg13[%dma_start3A_45, %dma_start3A_46] : memref<80x128xf32, #tpu.memory_space<vmem>> -> memref<64x128xf32, #tpu.memory_space<vmem>>
    %dma_start3A_48 = arith.constant 0 : i32
    %dma_start3A_49 = arith.constant 0 : i32
    %dma_start3A_50 = tpu.memref_slice %arg12[%dma_start3A_48, %dma_start3A_49] : memref<10240x128xf32, #tpu.memory_space<vmem_shared>> -> memref<10240x128xf32, #tpu.memory_space<vmem_shared>>
    tpu.enqueue_indirect_dma source(%dma_start3A_50 : memref<10240x128xf32, #tpu.memory_space<vmem_shared>>) target(%dma_start3A_47 : memref<64x128xf32, #tpu.memory_space<vmem>>) offsets(%arg20 : memref<64xi32, #tpu.memory_space<vmem>>) semaphore(%arg21 : memref<!tpu.dma_semaphore, #tpu.memory_space<semaphore_mem>>)
    %dma_wait3A_51 = arith.constant 0 : i32
    %dma_wait3A_52 = arith.constant 0 : i32
    %dma_wait3A_53 = tpu.memref_slice %arg13[%dma_wait3A_51, %dma_wait3A_52] : memref<80x128xf32, #tpu.memory_space<vmem>> -> memref<64x128xf32, #tpu.memory_space<vmem>>
    %dma_wait3A_54 = arith.constant 0 : i32
    %dma_wait3A_55 = arith.constant 0 : i32
    %dma_wait3A_56 = tpu.memref_slice %arg12[%dma_wait3A_54, %dma_wait3A_55] : memref<10240x128xf32, #tpu.memory_space<vmem_shared>> -> memref<10240x128xf32, #tpu.memory_space<vmem_shared>>
    tpu.wait_indirect_dma semaphore(%arg21 : memref<!tpu.dma_semaphore, #tpu.memory_space<semaphore_mem>>) src(%dma_wait3A_56 : memref<10240x128xf32, #tpu.memory_space<vmem_shared>>) dst(%dma_wait3A_53 : memref<64x128xf32, #tpu.memory_space<vmem>>)
    %mul3A_57 = arith.constant 4096 : i32
    %mul3A_58 = arith.muli %arg0, %mul3A_57 : i32
    %add3A_59 = arith.addi %mul3A_58, %add3A_44 : i32
    "tpu.region"() ({
      %run_scoped3A = tpu.sem_alloc : memref<!tpu.dma_semaphore, #tpu.memory_space<semaphore_mem>>
      %dma_start3A_154 = arith.constant 0 : i32
      %dma_start3A_155 = arith.constant 0 : i32
      %dma_start3A_156 = tpu.memref_slice %arg13[%dma_start3A_154, %dma_start3A_155] : memref<80x128xf32, #tpu.memory_space<vmem>> -> memref<64x128xf32, #tpu.memory_space<vmem>>
      %dma_start3A_157 = arith.constant 0 : i32
      %dma_start3A_158 = tpu.memref_slice %arg9[%add3A_59, %dma_start3A_157] : memref<8192x128xf32, #tpu.memory_space<hbm>> -> memref<64x128xf32, #tpu.memory_space<hbm>>
      %dma_start3A_159 = arith.constant 0 : i32
      %dma_start3A_160 = tpu.memref_slice %arg9[%add3A_59, %dma_start3A_159] : memref<8192x128xf32, #tpu.memory_space<hbm>> -> memref<64x128xf32, #tpu.memory_space<hbm>>
      %dma_start3A_161 = arith.constant 0 : i32
      %dma_start3A_162 = arith.constant 0 : i32
      %dma_start3A_163 = tpu.memref_slice %arg13[%dma_start3A_161, %dma_start3A_162] : memref<80x128xf32, #tpu.memory_space<vmem>> -> memref<64x128xf32, #tpu.memory_space<vmem>>
      tpu.enqueue_dma source(%dma_start3A_163 : memref<64x128xf32, #tpu.memory_space<vmem>>) target(%dma_start3A_160 : memref<64x128xf32, #tpu.memory_space<hbm>>) target_semaphore(%run_scoped3A : memref<!tpu.dma_semaphore, #tpu.memory_space<semaphore_mem>>)
      %dma_wait3A_164 = arith.constant 0 : i32
      %dma_wait3A_165 = arith.constant 0 : i32
      %dma_wait3A_166 = tpu.memref_slice %arg13[%dma_wait3A_164, %dma_wait3A_165] : memref<80x128xf32, #tpu.memory_space<vmem>> -> memref<64x128xf32, #tpu.memory_space<vmem>>
      %dma_wait3A_167 = arith.constant 0 : i32
      %dma_wait3A_168 = tpu.memref_slice %arg9[%add3A_59, %dma_wait3A_167] : memref<8192x128xf32, #tpu.memory_space<hbm>> -> memref<64x128xf32, #tpu.memory_space<hbm>>
      %dma_wait3A_169 = arith.constant 0 : i32
      %dma_wait3A_170 = tpu.memref_slice %arg9[%add3A_59, %dma_wait3A_169] : memref<8192x128xf32, #tpu.memory_space<hbm>> -> memref<64x128xf32, #tpu.memory_space<hbm>>
      %dma_wait3A_171 = arith.constant 0 : i32
      %dma_wait3A_172 = arith.constant 0 : i32
      %dma_wait3A_173 = tpu.memref_slice %arg13[%dma_wait3A_171, %dma_wait3A_172] : memref<80x128xf32, #tpu.memory_space<vmem>> -> memref<64x128xf32, #tpu.memory_space<vmem>>
      tpu.wait_dma2 semaphore(%run_scoped3A : memref<!tpu.dma_semaphore, #tpu.memory_space<semaphore_mem>>) src(%dma_wait3A_173 : memref<64x128xf32, #tpu.memory_space<vmem>>) dst(%dma_wait3A_170 : memref<64x128xf32, #tpu.memory_space<hbm>>)
      tpu.yield
    }) : () -> ()
    %eq3A = arith.constant 0 : i32
    %eq3A_60 = arith.cmpi eq, %arg0, %eq3A : i32
    %convert_element_type3A = arith.extui %eq3A_60 : i1 to i32
    %cond3A = arith.constant 0 : i32
    %cond3A_61 = arith.cmpi ne, %convert_element_type3A, %cond3A : i32
    scf.if %cond3A_61 {
      %dma_start3A_154 = arith.constant 0 : i32
      %dma_start3A_155 = arith.constant 0 : i32
      %dma_start3A_156 = tpu.memref_slice %arg14[%dma_start3A_154, %dma_start3A_155] : memref<80x128xf32, #tpu.memory_space<vmem>> -> memref<64x128xf32, #tpu.memory_space<vmem>>
      %dma_start3A_157 = arith.constant 0 : i32
      %dma_start3A_158 = arith.constant 0 : i32
      %dma_start3A_159 = tpu.memref_slice %arg6[%dma_start3A_157, %dma_start3A_158] : memref<10000x128xf32, #tpu.memory_space<hbm>> -> memref<10000x128xf32, #tpu.memory_space<hbm>>
      tpu.enqueue_indirect_dma source(%dma_start3A_159 : memref<10000x128xf32, #tpu.memory_space<hbm>>) target(%dma_start3A_156 : memref<64x128xf32, #tpu.memory_space<vmem>>) offsets(%arg20 : memref<64xi32, #tpu.memory_space<vmem>>) semaphore(%arg22 : memref<!tpu.dma_semaphore, #tpu.memory_space<semaphore_mem>>)
      %dma_wait3A_160 = arith.constant 0 : i32
      %dma_wait3A_161 = arith.constant 0 : i32
      %dma_wait3A_162 = tpu.memref_slice %arg14[%dma_wait3A_160, %dma_wait3A_161] : memref<80x128xf32, #tpu.memory_space<vmem>> -> memref<64x128xf32, #tpu.memory_space<vmem>>
      %dma_wait3A_163 = arith.constant 0 : i32
      %dma_wait3A_164 = arith.constant 0 : i32
      %dma_wait3A_165 = tpu.memref_slice %arg6[%dma_wait3A_163, %dma_wait3A_164] : memref<10000x128xf32, #tpu.memory_space<hbm>> -> memref<10000x128xf32, #tpu.memory_space<hbm>>
      tpu.wait_indirect_dma semaphore(%arg22 : memref<!tpu.dma_semaphore, #tpu.memory_space<semaphore_mem>>) src(%dma_wait3A_165 : memref<10000x128xf32, #tpu.memory_space<hbm>>) dst(%dma_wait3A_162 : memref<64x128xf32, #tpu.memory_space<vmem>>)
      "tpu.region"() ({
        %run_scoped3A = tpu.sem_alloc : memref<!tpu.dma_semaphore, #tpu.memory_space<semaphore_mem>>
        %dma_start3A_166 = arith.constant 0 : i32
        %dma_start3A_167 = arith.constant 0 : i32
        %dma_start3A_168 = tpu.memref_slice %arg14[%dma_start3A_166, %dma_start3A_167] : memref<80x128xf32, #tpu.memory_space<vmem>> -> memref<64x128xf32, #tpu.memory_space<vmem>>
        %dma_start3A_169 = arith.constant 0 : i32
        %dma_start3A_170 = tpu.memref_slice %arg10[%add3A_44, %dma_start3A_169] : memref<4096x128xf32, #tpu.memory_space<hbm>> -> memref<64x128xf32, #tpu.memory_space<hbm>>
        %dma_start3A_171 = arith.constant 0 : i32
        %dma_start3A_172 = tpu.memref_slice %arg10[%add3A_44, %dma_start3A_171] : memref<4096x128xf32, #tpu.memory_space<hbm>> -> memref<64x128xf32, #tpu.memory_space<hbm>>
        %dma_start3A_173 = arith.constant 0 : i32
        %dma_start3A_174 = arith.constant 0 : i32
        %dma_start3A_175 = tpu.memref_slice %arg14[%dma_start3A_173, %dma_start3A_174] : memref<80x128xf32, #tpu.memory_space<vmem>> -> memref<64x128xf32, #tpu.memory_space<vmem>>
        tpu.enqueue_dma source(%dma_start3A_175 : memref<64x128xf32, #tpu.memory_space<vmem>>) target(%dma_start3A_172 : memref<64x128xf32, #tpu.memory_space<hbm>>) target_semaphore(%run_scoped3A : memref<!tpu.dma_semaphore, #tpu.memory_space<semaphore_mem>>)
        %dma_wait3A_176 = arith.constant 0 : i32
        %dma_wait3A_177 = arith.constant 0 : i32
        %dma_wait3A_178 = tpu.memref_slice %arg14[%dma_wait3A_176, %dma_wait3A_177] : memref<80x128xf32, #tpu.memory_space<vmem>> -> memref<64x128xf32, #tpu.memory_space<vmem>>
        %dma_wait3A_179 = arith.constant 0 : i32
        %dma_wait3A_180 = tpu.memref_slice %arg10[%add3A_44, %dma_wait3A_179] : memref<4096x128xf32, #tpu.memory_space<hbm>> -> memref<64x128xf32, #tpu.memory_space<hbm>>
        %dma_wait3A_181 = arith.constant 0 : i32
        %dma_wait3A_182 = tpu.memref_slice %arg10[%add3A_44, %dma_wait3A_181] : memref<4096x128xf32, #tpu.memory_space<hbm>> -> memref<64x128xf32, #tpu.memory_space<hbm>>
        %dma_wait3A_183 = arith.constant 0 : i32
        %dma_wait3A_184 = arith.constant 0 : i32
        %dma_wait3A_185 = tpu.memref_slice %arg14[%dma_wait3A_183, %dma_wait3A_184] : memref<80x128xf32, #tpu.memory_space<vmem>> -> memref<64x128xf32, #tpu.memory_space<vmem>>
        tpu.wait_dma2 semaphore(%run_scoped3A : memref<!tpu.dma_semaphore, #tpu.memory_space<semaphore_mem>>) src(%dma_wait3A_185 : memref<64x128xf32, #tpu.memory_space<vmem>>) dst(%dma_wait3A_182 : memref<64x128xf32, #tpu.memory_space<hbm>>)
        tpu.yield
      }) : () -> ()
    } else {
    }
    %eq3A_62 = arith.constant 1 : i32
    %eq3A_63 = arith.cmpi eq, %arg0, %eq3A_62 : i32
    %convert_element_type3A_64 = arith.extui %eq3A_63 : i1 to i32
    %cond3A_65 = arith.constant 0 : i32
    %cond3A_66 = arith.cmpi ne, %convert_element_type3A_64, %cond3A_65 : i32
    scf.if %cond3A_66 {
      %dma_start3A_154 = arith.constant 0 : i32
      %dma_start3A_155 = arith.constant 0 : i32
      %dma_start3A_156 = tpu.memref_slice %arg14[%dma_start3A_154, %dma_start3A_155] : memref<80x128xf32, #tpu.memory_space<vmem>> -> memref<64x128xf32, #tpu.memory_space<vmem>>
      %dma_start3A_157 = arith.constant 0 : i32
      %dma_start3A_158 = arith.constant 0 : i32
      %dma_start3A_159 = tpu.memref_slice %arg7[%dma_start3A_157, %dma_start3A_158] : memref<10000x128xf32, #tpu.memory_space<hbm>> -> memref<10000x128xf32, #tpu.memory_space<hbm>>
      tpu.enqueue_indirect_dma source(%dma_start3A_159 : memref<10000x128xf32, #tpu.memory_space<hbm>>) target(%dma_start3A_156 : memref<64x128xf32, #tpu.memory_space<vmem>>) offsets(%arg20 : memref<64xi32, #tpu.memory_space<vmem>>) semaphore(%arg22 : memref<!tpu.dma_semaphore, #tpu.memory_space<semaphore_mem>>)
      %dma_wait3A_160 = arith.constant 0 : i32
      %dma_wait3A_161 = arith.constant 0 : i32
      %dma_wait3A_162 = tpu.memref_slice %arg14[%dma_wait3A_160, %dma_wait3A_161] : memref<80x128xf32, #tpu.memory_space<vmem>> -> memref<64x128xf32, #tpu.memory_space<vmem>>
      %dma_wait3A_163 = arith.constant 0 : i32
      %dma_wait3A_164 = arith.constant 0 : i32
      %dma_wait3A_165 = tpu.memref_slice %arg7[%dma_wait3A_163, %dma_wait3A_164] : memref<10000x128xf32, #tpu.memory_space<hbm>> -> memref<10000x128xf32, #tpu.memory_space<hbm>>
      tpu.wait_indirect_dma semaphore(%arg22 : memref<!tpu.dma_semaphore, #tpu.memory_space<semaphore_mem>>) src(%dma_wait3A_165 : memref<10000x128xf32, #tpu.memory_space<hbm>>) dst(%dma_wait3A_162 : memref<64x128xf32, #tpu.memory_space<vmem>>)
      "tpu.region"() ({
        %run_scoped3A = tpu.sem_alloc : memref<!tpu.dma_semaphore, #tpu.memory_space<semaphore_mem>>
        %dma_start3A_166 = arith.constant 0 : i32
        %dma_start3A_167 = arith.constant 0 : i32
        %dma_start3A_168 = tpu.memref_slice %arg14[%dma_start3A_166, %dma_start3A_167] : memref<80x128xf32, #tpu.memory_space<vmem>> -> memref<64x128xf32, #tpu.memory_space<vmem>>
        %dma_start3A_169 = arith.constant 0 : i32
        %dma_start3A_170 = tpu.memref_slice %arg11[%add3A_44, %dma_start3A_169] : memref<4096x128xf32, #tpu.memory_space<hbm>> -> memref<64x128xf32, #tpu.memory_space<hbm>>
        %dma_start3A_171 = arith.constant 0 : i32
        %dma_start3A_172 = tpu.memref_slice %arg11[%add3A_44, %dma_start3A_171] : memref<4096x128xf32, #tpu.memory_space<hbm>> -> memref<64x128xf32, #tpu.memory_space<hbm>>
        %dma_start3A_173 = arith.constant 0 : i32
        %dma_start3A_174 = arith.constant 0 : i32
        %dma_start3A_175 = tpu.memref_slice %arg14[%dma_start3A_173, %dma_start3A_174] : memref<80x128xf32, #tpu.memory_space<vmem>> -> memref<64x128xf32, #tpu.memory_space<vmem>>
        tpu.enqueue_dma source(%dma_start3A_175 : memref<64x128xf32, #tpu.memory_space<vmem>>) target(%dma_start3A_172 : memref<64x128xf32, #tpu.memory_space<hbm>>) target_semaphore(%run_scoped3A : memref<!tpu.dma_semaphore, #tpu.memory_space<semaphore_mem>>)
        %dma_wait3A_176 = arith.constant 0 : i32
        %dma_wait3A_177 = arith.constant 0 : i32
        %dma_wait3A_178 = tpu.memref_slice %arg14[%dma_wait3A_176, %dma_wait3A_177] : memref<80x128xf32, #tpu.memory_space<vmem>> -> memref<64x128xf32, #tpu.memory_space<vmem>>
        %dma_wait3A_179 = arith.constant 0 : i32
        %dma_wait3A_180 = tpu.memref_slice %arg11[%add3A_44, %dma_wait3A_179] : memref<4096x128xf32, #tpu.memory_space<hbm>> -> memref<64x128xf32, #tpu.memory_space<hbm>>
        %dma_wait3A_181 = arith.constant 0 : i32
        %dma_wait3A_182 = tpu.memref_slice %arg11[%add3A_44, %dma_wait3A_181] : memref<4096x128xf32, #tpu.memory_space<hbm>> -> memref<64x128xf32, #tpu.memory_space<hbm>>
        %dma_wait3A_183 = arith.constant 0 : i32
        %dma_wait3A_184 = arith.constant 0 : i32
        %dma_wait3A_185 = tpu.memref_slice %arg14[%dma_wait3A_183, %dma_wait3A_184] : memref<80x128xf32, #tpu.memory_space<vmem>> -> memref<64x128xf32, #tpu.memory_space<vmem>>
        tpu.wait_dma2 semaphore(%run_scoped3A : memref<!tpu.dma_semaphore, #tpu.memory_space<semaphore_mem>>) src(%dma_wait3A_185 : memref<64x128xf32, #tpu.memory_space<vmem>>) dst(%dma_wait3A_182 : memref<64x128xf32, #tpu.memory_space<hbm>>)
        tpu.yield
      }) : () -> ()
    } else {
    }
    %mul3A_67 = arith.constant 256 : i32
    %mul3A_68 = arith.muli %arg1, %mul3A_67 : i32
    %add3A_69 = arith.constant 64 : i32
    %add3A_70 = arith.addi %mul3A_68, %add3A_69 : i32
    "tpu.region"() ({
      %run_scoped3A = tpu.sem_alloc : memref<!tpu.dma_semaphore, #tpu.memory_space<semaphore_mem>>
      %dma_start3A_154 = tpu.memref_slice %arg8[%add3A_70] : memref<4096xi32, #tpu.memory_space<hbm>> -> memref<64xi32, #tpu.memory_space<hbm>>
      %dma_start3A_155 = tpu.memref_slice %arg8[%add3A_70] : memref<4096xi32, #tpu.memory_space<hbm>> -> memref<64xi32, #tpu.memory_space<hbm>>
      tpu.enqueue_dma source(%dma_start3A_155 : memref<64xi32, #tpu.memory_space<hbm>>) target(%arg20 : memref<64xi32, #tpu.memory_space<vmem>>) target_semaphore(%run_scoped3A : memref<!tpu.dma_semaphore, #tpu.memory_space<semaphore_mem>>)
      %dma_wait3A_156 = tpu.memref_slice %arg8[%add3A_70] : memref<4096xi32, #tpu.memory_space<hbm>> -> memref<64xi32, #tpu.memory_space<hbm>>
      %dma_wait3A_157 = tpu.memref_slice %arg8[%add3A_70] : memref<4096xi32, #tpu.memory_space<hbm>> -> memref<64xi32, #tpu.memory_space<hbm>>
      tpu.wait_dma2 semaphore(%run_scoped3A : memref<!tpu.dma_semaphore, #tpu.memory_space<semaphore_mem>>) src(%dma_wait3A_157 : memref<64xi32, #tpu.memory_space<hbm>>) dst(%arg20 : memref<64xi32, #tpu.memory_space<vmem>>)
      tpu.yield
    }) : () -> ()
    %dma_start3A_71 = arith.constant 0 : i32
    %dma_start3A_72 = arith.constant 0 : i32
    %dma_start3A_73 = tpu.memref_slice %arg13[%dma_start3A_71, %dma_start3A_72] : memref<80x128xf32, #tpu.memory_space<vmem>> -> memref<64x128xf32, #tpu.memory_space<vmem>>
    %dma_start3A_74 = arith.constant 0 : i32
    %dma_start3A_75 = arith.constant 0 : i32
    %dma_start3A_76 = tpu.memref_slice %arg12[%dma_start3A_74, %dma_start3A_75] : memref<10240x128xf32, #tpu.memory_space<vmem_shared>> -> memref<10240x128xf32, #tpu.memory_space<vmem_shared>>
    tpu.enqueue_indirect_dma source(%dma_start3A_76 : memref<10240x128xf32, #tpu.memory_space<vmem_shared>>) target(%dma_start3A_73 : memref<64x128xf32, #tpu.memory_space<vmem>>) offsets(%arg20 : memref<64xi32, #tpu.memory_space<vmem>>) semaphore(%arg21 : memref<!tpu.dma_semaphore, #tpu.memory_space<semaphore_mem>>)
    %dma_wait3A_77 = arith.constant 0 : i32
    %dma_wait3A_78 = arith.constant 0 : i32
    %dma_wait3A_79 = tpu.memref_slice %arg13[%dma_wait3A_77, %dma_wait3A_78] : memref<80x128xf32, #tpu.memory_space<vmem>> -> memref<64x128xf32, #tpu.memory_space<vmem>>
    %dma_wait3A_80 = arith.constant 0 : i32
    %dma_wait3A_81 = arith.constant 0 : i32
    %dma_wait3A_82 = tpu.memref_slice %arg12[%dma_wait3A_80, %dma_wait3A_81] : memref<10240x128xf32, #tpu.memory_space<vmem_shared>> -> memref<10240x128xf32, #tpu.memory_space<vmem_shared>>
    tpu.wait_indirect_dma semaphore(%arg21 : memref<!tpu.dma_semaphore, #tpu.memory_space<semaphore_mem>>) src(%dma_wait3A_82 : memref<10240x128xf32, #tpu.memory_space<vmem_shared>>) dst(%dma_wait3A_79 : memref<64x128xf32, #tpu.memory_space<vmem>>)
    %mul3A_83 = arith.constant 4096 : i32
    %mul3A_84 = arith.muli %arg0, %mul3A_83 : i32
    %add3A_85 = arith.addi %mul3A_84, %add3A_70 : i32
    "tpu.region"() ({
      %run_scoped3A = tpu.sem_alloc : memref<!tpu.dma_semaphore, #tpu.memory_space<semaphore_mem>>
      %dma_start3A_154 = arith.constant 0 : i32
      %dma_start3A_155 = arith.constant 0 : i32
      %dma_start3A_156 = tpu.memref_slice %arg13[%dma_start3A_154, %dma_start3A_155] : memref<80x128xf32, #tpu.memory_space<vmem>> -> memref<64x128xf32, #tpu.memory_space<vmem>>
      %dma_start3A_157 = arith.constant 0 : i32
      %dma_start3A_158 = tpu.memref_slice %arg9[%add3A_85, %dma_start3A_157] : memref<8192x128xf32, #tpu.memory_space<hbm>> -> memref<64x128xf32, #tpu.memory_space<hbm>>
      %dma_start3A_159 = arith.constant 0 : i32
      %dma_start3A_160 = tpu.memref_slice %arg9[%add3A_85, %dma_start3A_159] : memref<8192x128xf32, #tpu.memory_space<hbm>> -> memref<64x128xf32, #tpu.memory_space<hbm>>
      %dma_start3A_161 = arith.constant 0 : i32
      %dma_start3A_162 = arith.constant 0 : i32
      %dma_start3A_163 = tpu.memref_slice %arg13[%dma_start3A_161, %dma_start3A_162] : memref<80x128xf32, #tpu.memory_space<vmem>> -> memref<64x128xf32, #tpu.memory_space<vmem>>
      tpu.enqueue_dma source(%dma_start3A_163 : memref<64x128xf32, #tpu.memory_space<vmem>>) target(%dma_start3A_160 : memref<64x128xf32, #tpu.memory_space<hbm>>) target_semaphore(%run_scoped3A : memref<!tpu.dma_semaphore, #tpu.memory_space<semaphore_mem>>)
      %dma_wait3A_164 = arith.constant 0 : i32
      %dma_wait3A_165 = arith.constant 0 : i32
      %dma_wait3A_166 = tpu.memref_slice %arg13[%dma_wait3A_164, %dma_wait3A_165] : memref<80x128xf32, #tpu.memory_space<vmem>> -> memref<64x128xf32, #tpu.memory_space<vmem>>
      %dma_wait3A_167 = arith.constant 0 : i32
      %dma_wait3A_168 = tpu.memref_slice %arg9[%add3A_85, %dma_wait3A_167] : memref<8192x128xf32, #tpu.memory_space<hbm>> -> memref<64x128xf32, #tpu.memory_space<hbm>>
      %dma_wait3A_169 = arith.constant 0 : i32
      %dma_wait3A_170 = tpu.memref_slice %arg9[%add3A_85, %dma_wait3A_169] : memref<8192x128xf32, #tpu.memory_space<hbm>> -> memref<64x128xf32, #tpu.memory_space<hbm>>
      %dma_wait3A_171 = arith.constant 0 : i32
      %dma_wait3A_172 = arith.constant 0 : i32
      %dma_wait3A_173 = tpu.memref_slice %arg13[%dma_wait3A_171, %dma_wait3A_172] : memref<80x128xf32, #tpu.memory_space<vmem>> -> memref<64x128xf32, #tpu.memory_space<vmem>>
      tpu.wait_dma2 semaphore(%run_scoped3A : memref<!tpu.dma_semaphore, #tpu.memory_space<semaphore_mem>>) src(%dma_wait3A_173 : memref<64x128xf32, #tpu.memory_space<vmem>>) dst(%dma_wait3A_170 : memref<64x128xf32, #tpu.memory_space<hbm>>)
      tpu.yield
    }) : () -> ()
    %eq3A_86 = arith.constant 0 : i32
    %eq3A_87 = arith.cmpi eq, %arg0, %eq3A_86 : i32
    %convert_element_type3A_88 = arith.extui %eq3A_87 : i1 to i32
    %cond3A_89 = arith.constant 0 : i32
    %cond3A_90 = arith.cmpi ne, %convert_element_type3A_88, %cond3A_89 : i32
    scf.if %cond3A_90 {
      %dma_start3A_154 = arith.constant 0 : i32
      %dma_start3A_155 = arith.constant 0 : i32
      %dma_start3A_156 = tpu.memref_slice %arg14[%dma_start3A_154, %dma_start3A_155] : memref<80x128xf32, #tpu.memory_space<vmem>> -> memref<64x128xf32, #tpu.memory_space<vmem>>
      %dma_start3A_157 = arith.constant 0 : i32
      %dma_start3A_158 = arith.constant 0 : i32
      %dma_start3A_159 = tpu.memref_slice %arg6[%dma_start3A_157, %dma_start3A_158] : memref<10000x128xf32, #tpu.memory_space<hbm>> -> memref<10000x128xf32, #tpu.memory_space<hbm>>
      tpu.enqueue_indirect_dma source(%dma_start3A_159 : memref<10000x128xf32, #tpu.memory_space<hbm>>) target(%dma_start3A_156 : memref<64x128xf32, #tpu.memory_space<vmem>>) offsets(%arg20 : memref<64xi32, #tpu.memory_space<vmem>>) semaphore(%arg22 : memref<!tpu.dma_semaphore, #tpu.memory_space<semaphore_mem>>)
      %dma_wait3A_160 = arith.constant 0 : i32
      %dma_wait3A_161 = arith.constant 0 : i32
      %dma_wait3A_162 = tpu.memref_slice %arg14[%dma_wait3A_160, %dma_wait3A_161] : memref<80x128xf32, #tpu.memory_space<vmem>> -> memref<64x128xf32, #tpu.memory_space<vmem>>
      %dma_wait3A_163 = arith.constant 0 : i32
      %dma_wait3A_164 = arith.constant 0 : i32
      %dma_wait3A_165 = tpu.memref_slice %arg6[%dma_wait3A_163, %dma_wait3A_164] : memref<10000x128xf32, #tpu.memory_space<hbm>> -> memref<10000x128xf32, #tpu.memory_space<hbm>>
      tpu.wait_indirect_dma semaphore(%arg22 : memref<!tpu.dma_semaphore, #tpu.memory_space<semaphore_mem>>) src(%dma_wait3A_165 : memref<10000x128xf32, #tpu.memory_space<hbm>>) dst(%dma_wait3A_162 : memref<64x128xf32, #tpu.memory_space<vmem>>)
      "tpu.region"() ({
        %run_scoped3A = tpu.sem_alloc : memref<!tpu.dma_semaphore, #tpu.memory_space<semaphore_mem>>
        %dma_start3A_166 = arith.constant 0 : i32
        %dma_start3A_167 = arith.constant 0 : i32
        %dma_start3A_168 = tpu.memref_slice %arg14[%dma_start3A_166, %dma_start3A_167] : memref<80x128xf32, #tpu.memory_space<vmem>> -> memref<64x128xf32, #tpu.memory_space<vmem>>
        %dma_start3A_169 = arith.constant 0 : i32
        %dma_start3A_170 = tpu.memref_slice %arg10[%add3A_70, %dma_start3A_169] : memref<4096x128xf32, #tpu.memory_space<hbm>> -> memref<64x128xf32, #tpu.memory_space<hbm>>
        %dma_start3A_171 = arith.constant 0 : i32
        %dma_start3A_172 = tpu.memref_slice %arg10[%add3A_70, %dma_start3A_171] : memref<4096x128xf32, #tpu.memory_space<hbm>> -> memref<64x128xf32, #tpu.memory_space<hbm>>
        %dma_start3A_173 = arith.constant 0 : i32
        %dma_start3A_174 = arith.constant 0 : i32
        %dma_start3A_175 = tpu.memref_slice %arg14[%dma_start3A_173, %dma_start3A_174] : memref<80x128xf32, #tpu.memory_space<vmem>> -> memref<64x128xf32, #tpu.memory_space<vmem>>
        tpu.enqueue_dma source(%dma_start3A_175 : memref<64x128xf32, #tpu.memory_space<vmem>>) target(%dma_start3A_172 : memref<64x128xf32, #tpu.memory_space<hbm>>) target_semaphore(%run_scoped3A : memref<!tpu.dma_semaphore, #tpu.memory_space<semaphore_mem>>)
        %dma_wait3A_176 = arith.constant 0 : i32
        %dma_wait3A_177 = arith.constant 0 : i32
        %dma_wait3A_178 = tpu.memref_slice %arg14[%dma_wait3A_176, %dma_wait3A_177] : memref<80x128xf32, #tpu.memory_space<vmem>> -> memref<64x128xf32, #tpu.memory_space<vmem>>
        %dma_wait3A_179 = arith.constant 0 : i32
        %dma_wait3A_180 = tpu.memref_slice %arg10[%add3A_70, %dma_wait3A_179] : memref<4096x128xf32, #tpu.memory_space<hbm>> -> memref<64x128xf32, #tpu.memory_space<hbm>>
        %dma_wait3A_181 = arith.constant 0 : i32
        %dma_wait3A_182 = tpu.memref_slice %arg10[%add3A_70, %dma_wait3A_181] : memref<4096x128xf32, #tpu.memory_space<hbm>> -> memref<64x128xf32, #tpu.memory_space<hbm>>
        %dma_wait3A_183 = arith.constant 0 : i32
        %dma_wait3A_184 = arith.constant 0 : i32
        %dma_wait3A_185 = tpu.memref_slice %arg14[%dma_wait3A_183, %dma_wait3A_184] : memref<80x128xf32, #tpu.memory_space<vmem>> -> memref<64x128xf32, #tpu.memory_space<vmem>>
        tpu.wait_dma2 semaphore(%run_scoped3A : memref<!tpu.dma_semaphore, #tpu.memory_space<semaphore_mem>>) src(%dma_wait3A_185 : memref<64x128xf32, #tpu.memory_space<vmem>>) dst(%dma_wait3A_182 : memref<64x128xf32, #tpu.memory_space<hbm>>)
        tpu.yield
      }) : () -> ()
    } else {
    }
    %eq3A_91 = arith.constant 1 : i32
    %eq3A_92 = arith.cmpi eq, %arg0, %eq3A_91 : i32
    %convert_element_type3A_93 = arith.extui %eq3A_92 : i1 to i32
    %cond3A_94 = arith.constant 0 : i32
    %cond3A_95 = arith.cmpi ne, %convert_element_type3A_93, %cond3A_94 : i32
    scf.if %cond3A_95 {
      %dma_start3A_154 = arith.constant 0 : i32
      %dma_start3A_155 = arith.constant 0 : i32
      %dma_start3A_156 = tpu.memref_slice %arg14[%dma_start3A_154, %dma_start3A_155] : memref<80x128xf32, #tpu.memory_space<vmem>> -> memref<64x128xf32, #tpu.memory_space<vmem>>
      %dma_start3A_157 = arith.constant 0 : i32
      %dma_start3A_158 = arith.constant 0 : i32
      %dma_start3A_159 = tpu.memref_slice %arg7[%dma_start3A_157, %dma_start3A_158] : memref<10000x128xf32, #tpu.memory_space<hbm>> -> memref<10000x128xf32, #tpu.memory_space<hbm>>
      tpu.enqueue_indirect_dma source(%dma_start3A_159 : memref<10000x128xf32, #tpu.memory_space<hbm>>) target(%dma_start3A_156 : memref<64x128xf32, #tpu.memory_space<vmem>>) offsets(%arg20 : memref<64xi32, #tpu.memory_space<vmem>>) semaphore(%arg22 : memref<!tpu.dma_semaphore, #tpu.memory_space<semaphore_mem>>)
      %dma_wait3A_160 = arith.constant 0 : i32
      %dma_wait3A_161 = arith.constant 0 : i32
      %dma_wait3A_162 = tpu.memref_slice %arg14[%dma_wait3A_160, %dma_wait3A_161] : memref<80x128xf32, #tpu.memory_space<vmem>> -> memref<64x128xf32, #tpu.memory_space<vmem>>
      %dma_wait3A_163 = arith.constant 0 : i32
      %dma_wait3A_164 = arith.constant 0 : i32
      %dma_wait3A_165 = tpu.memref_slice %arg7[%dma_wait3A_163, %dma_wait3A_164] : memref<10000x128xf32, #tpu.memory_space<hbm>> -> memref<10000x128xf32, #tpu.memory_space<hbm>>
      tpu.wait_indirect_dma semaphore(%arg22 : memref<!tpu.dma_semaphore, #tpu.memory_space<semaphore_mem>>) src(%dma_wait3A_165 : memref<10000x128xf32, #tpu.memory_space<hbm>>) dst(%dma_wait3A_162 : memref<64x128xf32, #tpu.memory_space<vmem>>)
      "tpu.region"() ({
        %run_scoped3A = tpu.sem_alloc : memref<!tpu.dma_semaphore, #tpu.memory_space<semaphore_mem>>
        %dma_start3A_166 = arith.constant 0 : i32
        %dma_start3A_167 = arith.constant 0 : i32
        %dma_start3A_168 = tpu.memref_slice %arg14[%dma_start3A_166, %dma_start3A_167] : memref<80x128xf32, #tpu.memory_space<vmem>> -> memref<64x128xf32, #tpu.memory_space<vmem>>
        %dma_start3A_169 = arith.constant 0 : i32
        %dma_start3A_170 = tpu.memref_slice %arg11[%add3A_70, %dma_start3A_169] : memref<4096x128xf32, #tpu.memory_space<hbm>> -> memref<64x128xf32, #tpu.memory_space<hbm>>
        %dma_start3A_171 = arith.constant 0 : i32
        %dma_start3A_172 = tpu.memref_slice %arg11[%add3A_70, %dma_start3A_171] : memref<4096x128xf32, #tpu.memory_space<hbm>> -> memref<64x128xf32, #tpu.memory_space<hbm>>
        %dma_start3A_173 = arith.constant 0 : i32
        %dma_start3A_174 = arith.constant 0 : i32
        %dma_start3A_175 = tpu.memref_slice %arg14[%dma_start3A_173, %dma_start3A_174] : memref<80x128xf32, #tpu.memory_space<vmem>> -> memref<64x128xf32, #tpu.memory_space<vmem>>
        tpu.enqueue_dma source(%dma_start3A_175 : memref<64x128xf32, #tpu.memory_space<vmem>>) target(%dma_start3A_172 : memref<64x128xf32, #tpu.memory_space<hbm>>) target_semaphore(%run_scoped3A : memref<!tpu.dma_semaphore, #tpu.memory_space<semaphore_mem>>)
        %dma_wait3A_176 = arith.constant 0 : i32
        %dma_wait3A_177 = arith.constant 0 : i32
        %dma_wait3A_178 = tpu.memref_slice %arg14[%dma_wait3A_176, %dma_wait3A_177] : memref<80x128xf32, #tpu.memory_space<vmem>> -> memref<64x128xf32, #tpu.memory_space<vmem>>
        %dma_wait3A_179 = arith.constant 0 : i32
        %dma_wait3A_180 = tpu.memref_slice %arg11[%add3A_70, %dma_wait3A_179] : memref<4096x128xf32, #tpu.memory_space<hbm>> -> memref<64x128xf32, #tpu.memory_space<hbm>>
        %dma_wait3A_181 = arith.constant 0 : i32
        %dma_wait3A_182 = tpu.memref_slice %arg11[%add3A_70, %dma_wait3A_181] : memref<4096x128xf32, #tpu.memory_space<hbm>> -> memref<64x128xf32, #tpu.memory_space<hbm>>
        %dma_wait3A_183 = arith.constant 0 : i32
        %dma_wait3A_184 = arith.constant 0 : i32
        %dma_wait3A_185 = tpu.memref_slice %arg14[%dma_wait3A_183, %dma_wait3A_184] : memref<80x128xf32, #tpu.memory_space<vmem>> -> memref<64x128xf32, #tpu.memory_space<vmem>>
        tpu.wait_dma2 semaphore(%run_scoped3A : memref<!tpu.dma_semaphore, #tpu.memory_space<semaphore_mem>>) src(%dma_wait3A_185 : memref<64x128xf32, #tpu.memory_space<vmem>>) dst(%dma_wait3A_182 : memref<64x128xf32, #tpu.memory_space<hbm>>)
        tpu.yield
      }) : () -> ()
    } else {
    }
    %mul3A_96 = arith.constant 256 : i32
    %mul3A_97 = arith.muli %arg1, %mul3A_96 : i32
    %add3A_98 = arith.constant 128 : i32
    %add3A_99 = arith.addi %mul3A_97, %add3A_98 : i32
    "tpu.region"() ({
      %run_scoped3A = tpu.sem_alloc : memref<!tpu.dma_semaphore, #tpu.memory_space<semaphore_mem>>
      %dma_start3A_154 = tpu.memref_slice %arg8[%add3A_99] : memref<4096xi32, #tpu.memory_space<hbm>> -> memref<64xi32, #tpu.memory_space<hbm>>
      %dma_start3A_155 = tpu.memref_slice %arg8[%add3A_99] : memref<4096xi32, #tpu.memory_space<hbm>> -> memref<64xi32, #tpu.memory_space<hbm>>
      tpu.enqueue_dma source(%dma_start3A_155 : memref<64xi32, #tpu.memory_space<hbm>>) target(%arg20 : memref<64xi32, #tpu.memory_space<vmem>>) target_semaphore(%run_scoped3A : memref<!tpu.dma_semaphore, #tpu.memory_space<semaphore_mem>>)
      %dma_wait3A_156 = tpu.memref_slice %arg8[%add3A_99] : memref<4096xi32, #tpu.memory_space<hbm>> -> memref<64xi32, #tpu.memory_space<hbm>>
      %dma_wait3A_157 = tpu.memref_slice %arg8[%add3A_99] : memref<4096xi32, #tpu.memory_space<hbm>> -> memref<64xi32, #tpu.memory_space<hbm>>
      tpu.wait_dma2 semaphore(%run_scoped3A : memref<!tpu.dma_semaphore, #tpu.memory_space<semaphore_mem>>) src(%dma_wait3A_157 : memref<64xi32, #tpu.memory_space<hbm>>) dst(%arg20 : memref<64xi32, #tpu.memory_space<vmem>>)
      tpu.yield
    }) : () -> ()
    %dma_start3A_100 = arith.constant 0 : i32
    %dma_start3A_101 = arith.constant 0 : i32
    %dma_start3A_102 = tpu.memref_slice %arg13[%dma_start3A_100, %dma_start3A_101] : memref<80x128xf32, #tpu.memory_space<vmem>> -> memref<64x128xf32, #tpu.memory_space<vmem>>
    %dma_start3A_103 = arith.constant 0 : i32
    %dma_start3A_104 = arith.constant 0 : i32
    %dma_start3A_105 = tpu.memref_slice %arg12[%dma_start3A_103, %dma_start3A_104] : memref<10240x128xf32, #tpu.memory_space<vmem_shared>> -> memref<10240x128xf32, #tpu.memory_space<vmem_shared>>
    tpu.enqueue_indirect_dma source(%dma_start3A_105 : memref<10240x128xf32, #tpu.memory_space<vmem_shared>>) target(%dma_start3A_102 : memref<64x128xf32, #tpu.memory_space<vmem>>) offsets(%arg20 : memref<64xi32, #tpu.memory_space<vmem>>) semaphore(%arg21 : memref<!tpu.dma_semaphore, #tpu.memory_space<semaphore_mem>>)
    %dma_wait3A_106 = arith.constant 0 : i32
    %dma_wait3A_107 = arith.constant 0 : i32
    %dma_wait3A_108 = tpu.memref_slice %arg13[%dma_wait3A_106, %dma_wait3A_107] : memref<80x128xf32, #tpu.memory_space<vmem>> -> memref<64x128xf32, #tpu.memory_space<vmem>>
    %dma_wait3A_109 = arith.constant 0 : i32
    %dma_wait3A_110 = arith.constant 0 : i32
    %dma_wait3A_111 = tpu.memref_slice %arg12[%dma_wait3A_109, %dma_wait3A_110] : memref<10240x128xf32, #tpu.memory_space<vmem_shared>> -> memref<10240x128xf32, #tpu.memory_space<vmem_shared>>
    tpu.wait_indirect_dma semaphore(%arg21 : memref<!tpu.dma_semaphore, #tpu.memory_space<semaphore_mem>>) src(%dma_wait3A_111 : memref<10240x128xf32, #tpu.memory_space<vmem_shared>>) dst(%dma_wait3A_108 : memref<64x128xf32, #tpu.memory_space<vmem>>)
    %mul3A_112 = arith.constant 4096 : i32
    %mul3A_113 = arith.muli %arg0, %mul3A_112 : i32
    %add3A_114 = arith.addi %mul3A_113, %add3A_99 : i32
    "tpu.region"() ({
      %run_scoped3A = tpu.sem_alloc : memref<!tpu.dma_semaphore, #tpu.memory_space<semaphore_mem>>
      %dma_start3A_154 = arith.constant 0 : i32
      %dma_start3A_155 = arith.constant 0 : i32
      %dma_start3A_156 = tpu.memref_slice %arg13[%dma_start3A_154, %dma_start3A_155] : memref<80x128xf32, #tpu.memory_space<vmem>> -> memref<64x128xf32, #tpu.memory_space<vmem>>
      %dma_start3A_157 = arith.constant 0 : i32
      %dma_start3A_158 = tpu.memref_slice %arg9[%add3A_114, %dma_start3A_157] : memref<8192x128xf32, #tpu.memory_space<hbm>> -> memref<64x128xf32, #tpu.memory_space<hbm>>
      %dma_start3A_159 = arith.constant 0 : i32
      %dma_start3A_160 = tpu.memref_slice %arg9[%add3A_114, %dma_start3A_159] : memref<8192x128xf32, #tpu.memory_space<hbm>> -> memref<64x128xf32, #tpu.memory_space<hbm>>
      %dma_start3A_161 = arith.constant 0 : i32
      %dma_start3A_162 = arith.constant 0 : i32
      %dma_start3A_163 = tpu.memref_slice %arg13[%dma_start3A_161, %dma_start3A_162] : memref<80x128xf32, #tpu.memory_space<vmem>> -> memref<64x128xf32, #tpu.memory_space<vmem>>
      tpu.enqueue_dma source(%dma_start3A_163 : memref<64x128xf32, #tpu.memory_space<vmem>>) target(%dma_start3A_160 : memref<64x128xf32, #tpu.memory_space<hbm>>) target_semaphore(%run_scoped3A : memref<!tpu.dma_semaphore, #tpu.memory_space<semaphore_mem>>)
      %dma_wait3A_164 = arith.constant 0 : i32
      %dma_wait3A_165 = arith.constant 0 : i32
      %dma_wait3A_166 = tpu.memref_slice %arg13[%dma_wait3A_164, %dma_wait3A_165] : memref<80x128xf32, #tpu.memory_space<vmem>> -> memref<64x128xf32, #tpu.memory_space<vmem>>
      %dma_wait3A_167 = arith.constant 0 : i32
      %dma_wait3A_168 = tpu.memref_slice %arg9[%add3A_114, %dma_wait3A_167] : memref<8192x128xf32, #tpu.memory_space<hbm>> -> memref<64x128xf32, #tpu.memory_space<hbm>>
      %dma_wait3A_169 = arith.constant 0 : i32
      %dma_wait3A_170 = tpu.memref_slice %arg9[%add3A_114, %dma_wait3A_169] : memref<8192x128xf32, #tpu.memory_space<hbm>> -> memref<64x128xf32, #tpu.memory_space<hbm>>
      %dma_wait3A_171 = arith.constant 0 : i32
      %dma_wait3A_172 = arith.constant 0 : i32
      %dma_wait3A_173 = tpu.memref_slice %arg13[%dma_wait3A_171, %dma_wait3A_172] : memref<80x128xf32, #tpu.memory_space<vmem>> -> memref<64x128xf32, #tpu.memory_space<vmem>>
      tpu.wait_dma2 semaphore(%run_scoped3A : memref<!tpu.dma_semaphore, #tpu.memory_space<semaphore_mem>>) src(%dma_wait3A_173 : memref<64x128xf32, #tpu.memory_space<vmem>>) dst(%dma_wait3A_170 : memref<64x128xf32, #tpu.memory_space<hbm>>)
      tpu.yield
    }) : () -> ()
    %eq3A_115 = arith.constant 0 : i32
    %eq3A_116 = arith.cmpi eq, %arg0, %eq3A_115 : i32
    %convert_element_type3A_117 = arith.extui %eq3A_116 : i1 to i32
    %cond3A_118 = arith.constant 0 : i32
    %cond3A_119 = arith.cmpi ne, %convert_element_type3A_117, %cond3A_118 : i32
    scf.if %cond3A_119 {
      %dma_start3A_154 = arith.constant 0 : i32
      %dma_start3A_155 = arith.constant 0 : i32
      %dma_start3A_156 = tpu.memref_slice %arg14[%dma_start3A_154, %dma_start3A_155] : memref<80x128xf32, #tpu.memory_space<vmem>> -> memref<64x128xf32, #tpu.memory_space<vmem>>
      %dma_start3A_157 = arith.constant 0 : i32
      %dma_start3A_158 = arith.constant 0 : i32
      %dma_start3A_159 = tpu.memref_slice %arg6[%dma_start3A_157, %dma_start3A_158] : memref<10000x128xf32, #tpu.memory_space<hbm>> -> memref<10000x128xf32, #tpu.memory_space<hbm>>
      tpu.enqueue_indirect_dma source(%dma_start3A_159 : memref<10000x128xf32, #tpu.memory_space<hbm>>) target(%dma_start3A_156 : memref<64x128xf32, #tpu.memory_space<vmem>>) offsets(%arg20 : memref<64xi32, #tpu.memory_space<vmem>>) semaphore(%arg22 : memref<!tpu.dma_semaphore, #tpu.memory_space<semaphore_mem>>)
      %dma_wait3A_160 = arith.constant 0 : i32
      %dma_wait3A_161 = arith.constant 0 : i32
      %dma_wait3A_162 = tpu.memref_slice %arg14[%dma_wait3A_160, %dma_wait3A_161] : memref<80x128xf32, #tpu.memory_space<vmem>> -> memref<64x128xf32, #tpu.memory_space<vmem>>
      %dma_wait3A_163 = arith.constant 0 : i32
      %dma_wait3A_164 = arith.constant 0 : i32
      %dma_wait3A_165 = tpu.memref_slice %arg6[%dma_wait3A_163, %dma_wait3A_164] : memref<10000x128xf32, #tpu.memory_space<hbm>> -> memref<10000x128xf32, #tpu.memory_space<hbm>>
      tpu.wait_indirect_dma semaphore(%arg22 : memref<!tpu.dma_semaphore, #tpu.memory_space<semaphore_mem>>) src(%dma_wait3A_165 : memref<10000x128xf32, #tpu.memory_space<hbm>>) dst(%dma_wait3A_162 : memref<64x128xf32, #tpu.memory_space<vmem>>)
      "tpu.region"() ({
        %run_scoped3A = tpu.sem_alloc : memref<!tpu.dma_semaphore, #tpu.memory_space<semaphore_mem>>
        %dma_start3A_166 = arith.constant 0 : i32
        %dma_start3A_167 = arith.constant 0 : i32
        %dma_start3A_168 = tpu.memref_slice %arg14[%dma_start3A_166, %dma_start3A_167] : memref<80x128xf32, #tpu.memory_space<vmem>> -> memref<64x128xf32, #tpu.memory_space<vmem>>
        %dma_start3A_169 = arith.constant 0 : i32
        %dma_start3A_170 = tpu.memref_slice %arg10[%add3A_99, %dma_start3A_169] : memref<4096x128xf32, #tpu.memory_space<hbm>> -> memref<64x128xf32, #tpu.memory_space<hbm>>
        %dma_start3A_171 = arith.constant 0 : i32
        %dma_start3A_172 = tpu.memref_slice %arg10[%add3A_99, %dma_start3A_171] : memref<4096x128xf32, #tpu.memory_space<hbm>> -> memref<64x128xf32, #tpu.memory_space<hbm>>
        %dma_start3A_173 = arith.constant 0 : i32
        %dma_start3A_174 = arith.constant 0 : i32
        %dma_start3A_175 = tpu.memref_slice %arg14[%dma_start3A_173, %dma_start3A_174] : memref<80x128xf32, #tpu.memory_space<vmem>> -> memref<64x128xf32, #tpu.memory_space<vmem>>
        tpu.enqueue_dma source(%dma_start3A_175 : memref<64x128xf32, #tpu.memory_space<vmem>>) target(%dma_start3A_172 : memref<64x128xf32, #tpu.memory_space<hbm>>) target_semaphore(%run_scoped3A : memref<!tpu.dma_semaphore, #tpu.memory_space<semaphore_mem>>)
        %dma_wait3A_176 = arith.constant 0 : i32
        %dma_wait3A_177 = arith.constant 0 : i32
        %dma_wait3A_178 = tpu.memref_slice %arg14[%dma_wait3A_176, %dma_wait3A_177] : memref<80x128xf32, #tpu.memory_space<vmem>> -> memref<64x128xf32, #tpu.memory_space<vmem>>
        %dma_wait3A_179 = arith.constant 0 : i32
        %dma_wait3A_180 = tpu.memref_slice %arg10[%add3A_99, %dma_wait3A_179] : memref<4096x128xf32, #tpu.memory_space<hbm>> -> memref<64x128xf32, #tpu.memory_space<hbm>>
        %dma_wait3A_181 = arith.constant 0 : i32
        %dma_wait3A_182 = tpu.memref_slice %arg10[%add3A_99, %dma_wait3A_181] : memref<4096x128xf32, #tpu.memory_space<hbm>> -> memref<64x128xf32, #tpu.memory_space<hbm>>
        %dma_wait3A_183 = arith.constant 0 : i32
        %dma_wait3A_184 = arith.constant 0 : i32
        %dma_wait3A_185 = tpu.memref_slice %arg14[%dma_wait3A_183, %dma_wait3A_184] : memref<80x128xf32, #tpu.memory_space<vmem>> -> memref<64x128xf32, #tpu.memory_space<vmem>>
        tpu.wait_dma2 semaphore(%run_scoped3A : memref<!tpu.dma_semaphore, #tpu.memory_space<semaphore_mem>>) src(%dma_wait3A_185 : memref<64x128xf32, #tpu.memory_space<vmem>>) dst(%dma_wait3A_182 : memref<64x128xf32, #tpu.memory_space<hbm>>)
        tpu.yield
      }) : () -> ()
    } else {
    }
    %eq3A_120 = arith.constant 1 : i32
    %eq3A_121 = arith.cmpi eq, %arg0, %eq3A_120 : i32
    %convert_element_type3A_122 = arith.extui %eq3A_121 : i1 to i32
    %cond3A_123 = arith.constant 0 : i32
    %cond3A_124 = arith.cmpi ne, %convert_element_type3A_122, %cond3A_123 : i32
    scf.if %cond3A_124 {
      %dma_start3A_154 = arith.constant 0 : i32
      %dma_start3A_155 = arith.constant 0 : i32
      %dma_start3A_156 = tpu.memref_slice %arg14[%dma_start3A_154, %dma_start3A_155] : memref<80x128xf32, #tpu.memory_space<vmem>> -> memref<64x128xf32, #tpu.memory_space<vmem>>
      %dma_start3A_157 = arith.constant 0 : i32
      %dma_start3A_158 = arith.constant 0 : i32
      %dma_start3A_159 = tpu.memref_slice %arg7[%dma_start3A_157, %dma_start3A_158] : memref<10000x128xf32, #tpu.memory_space<hbm>> -> memref<10000x128xf32, #tpu.memory_space<hbm>>
      tpu.enqueue_indirect_dma source(%dma_start3A_159 : memref<10000x128xf32, #tpu.memory_space<hbm>>) target(%dma_start3A_156 : memref<64x128xf32, #tpu.memory_space<vmem>>) offsets(%arg20 : memref<64xi32, #tpu.memory_space<vmem>>) semaphore(%arg22 : memref<!tpu.dma_semaphore, #tpu.memory_space<semaphore_mem>>)
      %dma_wait3A_160 = arith.constant 0 : i32
      %dma_wait3A_161 = arith.constant 0 : i32
      %dma_wait3A_162 = tpu.memref_slice %arg14[%dma_wait3A_160, %dma_wait3A_161] : memref<80x128xf32, #tpu.memory_space<vmem>> -> memref<64x128xf32, #tpu.memory_space<vmem>>
      %dma_wait3A_163 = arith.constant 0 : i32
      %dma_wait3A_164 = arith.constant 0 : i32
      %dma_wait3A_165 = tpu.memref_slice %arg7[%dma_wait3A_163, %dma_wait3A_164] : memref<10000x128xf32, #tpu.memory_space<hbm>> -> memref<10000x128xf32, #tpu.memory_space<hbm>>
      tpu.wait_indirect_dma semaphore(%arg22 : memref<!tpu.dma_semaphore, #tpu.memory_space<semaphore_mem>>) src(%dma_wait3A_165 : memref<10000x128xf32, #tpu.memory_space<hbm>>) dst(%dma_wait3A_162 : memref<64x128xf32, #tpu.memory_space<vmem>>)
      "tpu.region"() ({
        %run_scoped3A = tpu.sem_alloc : memref<!tpu.dma_semaphore, #tpu.memory_space<semaphore_mem>>
        %dma_start3A_166 = arith.constant 0 : i32
        %dma_start3A_167 = arith.constant 0 : i32
        %dma_start3A_168 = tpu.memref_slice %arg14[%dma_start3A_166, %dma_start3A_167] : memref<80x128xf32, #tpu.memory_space<vmem>> -> memref<64x128xf32, #tpu.memory_space<vmem>>
        %dma_start3A_169 = arith.constant 0 : i32
        %dma_start3A_170 = tpu.memref_slice %arg11[%add3A_99, %dma_start3A_169] : memref<4096x128xf32, #tpu.memory_space<hbm>> -> memref<64x128xf32, #tpu.memory_space<hbm>>
        %dma_start3A_171 = arith.constant 0 : i32
        %dma_start3A_172 = tpu.memref_slice %arg11[%add3A_99, %dma_start3A_171] : memref<4096x128xf32, #tpu.memory_space<hbm>> -> memref<64x128xf32, #tpu.memory_space<hbm>>
        %dma_start3A_173 = arith.constant 0 : i32
        %dma_start3A_174 = arith.constant 0 : i32
        %dma_start3A_175 = tpu.memref_slice %arg14[%dma_start3A_173, %dma_start3A_174] : memref<80x128xf32, #tpu.memory_space<vmem>> -> memref<64x128xf32, #tpu.memory_space<vmem>>
        tpu.enqueue_dma source(%dma_start3A_175 : memref<64x128xf32, #tpu.memory_space<vmem>>) target(%dma_start3A_172 : memref<64x128xf32, #tpu.memory_space<hbm>>) target_semaphore(%run_scoped3A : memref<!tpu.dma_semaphore, #tpu.memory_space<semaphore_mem>>)
        %dma_wait3A_176 = arith.constant 0 : i32
        %dma_wait3A_177 = arith.constant 0 : i32
        %dma_wait3A_178 = tpu.memref_slice %arg14[%dma_wait3A_176, %dma_wait3A_177] : memref<80x128xf32, #tpu.memory_space<vmem>> -> memref<64x128xf32, #tpu.memory_space<vmem>>
        %dma_wait3A_179 = arith.constant 0 : i32
        %dma_wait3A_180 = tpu.memref_slice %arg11[%add3A_99, %dma_wait3A_179] : memref<4096x128xf32, #tpu.memory_space<hbm>> -> memref<64x128xf32, #tpu.memory_space<hbm>>
        %dma_wait3A_181 = arith.constant 0 : i32
        %dma_wait3A_182 = tpu.memref_slice %arg11[%add3A_99, %dma_wait3A_181] : memref<4096x128xf32, #tpu.memory_space<hbm>> -> memref<64x128xf32, #tpu.memory_space<hbm>>
        %dma_wait3A_183 = arith.constant 0 : i32
        %dma_wait3A_184 = arith.constant 0 : i32
        %dma_wait3A_185 = tpu.memref_slice %arg14[%dma_wait3A_183, %dma_wait3A_184] : memref<80x128xf32, #tpu.memory_space<vmem>> -> memref<64x128xf32, #tpu.memory_space<vmem>>
        tpu.wait_dma2 semaphore(%run_scoped3A : memref<!tpu.dma_semaphore, #tpu.memory_space<semaphore_mem>>) src(%dma_wait3A_185 : memref<64x128xf32, #tpu.memory_space<vmem>>) dst(%dma_wait3A_182 : memref<64x128xf32, #tpu.memory_space<hbm>>)
        tpu.yield
      }) : () -> ()
    } else {
    }
    %mul3A_125 = arith.constant 256 : i32
    %mul3A_126 = arith.muli %arg1, %mul3A_125 : i32
    %add3A_127 = arith.constant 192 : i32
    %add3A_128 = arith.addi %mul3A_126, %add3A_127 : i32
    "tpu.region"() ({
      %run_scoped3A = tpu.sem_alloc : memref<!tpu.dma_semaphore, #tpu.memory_space<semaphore_mem>>
      %dma_start3A_154 = tpu.memref_slice %arg8[%add3A_128] : memref<4096xi32, #tpu.memory_space<hbm>> -> memref<64xi32, #tpu.memory_space<hbm>>
      %dma_start3A_155 = tpu.memref_slice %arg8[%add3A_128] : memref<4096xi32, #tpu.memory_space<hbm>> -> memref<64xi32, #tpu.memory_space<hbm>>
      tpu.enqueue_dma source(%dma_start3A_155 : memref<64xi32, #tpu.memory_space<hbm>>) target(%arg20 : memref<64xi32, #tpu.memory_space<vmem>>) target_semaphore(%run_scoped3A : memref<!tpu.dma_semaphore, #tpu.memory_space<semaphore_mem>>)
      %dma_wait3A_156 = tpu.memref_slice %arg8[%add3A_128] : memref<4096xi32, #tpu.memory_space<hbm>> -> memref<64xi32, #tpu.memory_space<hbm>>
      %dma_wait3A_157 = tpu.memref_slice %arg8[%add3A_128] : memref<4096xi32, #tpu.memory_space<hbm>> -> memref<64xi32, #tpu.memory_space<hbm>>
      tpu.wait_dma2 semaphore(%run_scoped3A : memref<!tpu.dma_semaphore, #tpu.memory_space<semaphore_mem>>) src(%dma_wait3A_157 : memref<64xi32, #tpu.memory_space<hbm>>) dst(%arg20 : memref<64xi32, #tpu.memory_space<vmem>>)
      tpu.yield
    }) : () -> ()
    %dma_start3A_129 = arith.constant 0 : i32
    %dma_start3A_130 = arith.constant 0 : i32
    %dma_start3A_131 = tpu.memref_slice %arg13[%dma_start3A_129, %dma_start3A_130] : memref<80x128xf32, #tpu.memory_space<vmem>> -> memref<64x128xf32, #tpu.memory_space<vmem>>
    %dma_start3A_132 = arith.constant 0 : i32
    %dma_start3A_133 = arith.constant 0 : i32
    %dma_start3A_134 = tpu.memref_slice %arg12[%dma_start3A_132, %dma_start3A_133] : memref<10240x128xf32, #tpu.memory_space<vmem_shared>> -> memref<10240x128xf32, #tpu.memory_space<vmem_shared>>
    tpu.enqueue_indirect_dma source(%dma_start3A_134 : memref<10240x128xf32, #tpu.memory_space<vmem_shared>>) target(%dma_start3A_131 : memref<64x128xf32, #tpu.memory_space<vmem>>) offsets(%arg20 : memref<64xi32, #tpu.memory_space<vmem>>) semaphore(%arg21 : memref<!tpu.dma_semaphore, #tpu.memory_space<semaphore_mem>>)
    %dma_wait3A_135 = arith.constant 0 : i32
    %dma_wait3A_136 = arith.constant 0 : i32
    %dma_wait3A_137 = tpu.memref_slice %arg13[%dma_wait3A_135, %dma_wait3A_136] : memref<80x128xf32, #tpu.memory_space<vmem>> -> memref<64x128xf32, #tpu.memory_space<vmem>>
    %dma_wait3A_138 = arith.constant 0 : i32
    %dma_wait3A_139 = arith.constant 0 : i32
    %dma_wait3A_140 = tpu.memref_slice %arg12[%dma_wait3A_138, %dma_wait3A_139] : memref<10240x128xf32, #tpu.memory_space<vmem_shared>> -> memref<10240x128xf32, #tpu.memory_space<vmem_shared>>
    tpu.wait_indirect_dma semaphore(%arg21 : memref<!tpu.dma_semaphore, #tpu.memory_space<semaphore_mem>>) src(%dma_wait3A_140 : memref<10240x128xf32, #tpu.memory_space<vmem_shared>>) dst(%dma_wait3A_137 : memref<64x128xf32, #tpu.memory_space<vmem>>)
    %mul3A_141 = arith.constant 4096 : i32
    %mul3A_142 = arith.muli %arg0, %mul3A_141 : i32
    %add3A_143 = arith.addi %mul3A_142, %add3A_128 : i32
    "tpu.region"() ({
      %run_scoped3A = tpu.sem_alloc : memref<!tpu.dma_semaphore, #tpu.memory_space<semaphore_mem>>
      %dma_start3A_154 = arith.constant 0 : i32
      %dma_start3A_155 = arith.constant 0 : i32
      %dma_start3A_156 = tpu.memref_slice %arg13[%dma_start3A_154, %dma_start3A_155] : memref<80x128xf32, #tpu.memory_space<vmem>> -> memref<64x128xf32, #tpu.memory_space<vmem>>
      %dma_start3A_157 = arith.constant 0 : i32
      %dma_start3A_158 = tpu.memref_slice %arg9[%add3A_143, %dma_start3A_157] : memref<8192x128xf32, #tpu.memory_space<hbm>> -> memref<64x128xf32, #tpu.memory_space<hbm>>
      %dma_start3A_159 = arith.constant 0 : i32
      %dma_start3A_160 = tpu.memref_slice %arg9[%add3A_143, %dma_start3A_159] : memref<8192x128xf32, #tpu.memory_space<hbm>> -> memref<64x128xf32, #tpu.memory_space<hbm>>
      %dma_start3A_161 = arith.constant 0 : i32
      %dma_start3A_162 = arith.constant 0 : i32
      %dma_start3A_163 = tpu.memref_slice %arg13[%dma_start3A_161, %dma_start3A_162] : memref<80x128xf32, #tpu.memory_space<vmem>> -> memref<64x128xf32, #tpu.memory_space<vmem>>
      tpu.enqueue_dma source(%dma_start3A_163 : memref<64x128xf32, #tpu.memory_space<vmem>>) target(%dma_start3A_160 : memref<64x128xf32, #tpu.memory_space<hbm>>) target_semaphore(%run_scoped3A : memref<!tpu.dma_semaphore, #tpu.memory_space<semaphore_mem>>)
      %dma_wait3A_164 = arith.constant 0 : i32
      %dma_wait3A_165 = arith.constant 0 : i32
      %dma_wait3A_166 = tpu.memref_slice %arg13[%dma_wait3A_164, %dma_wait3A_165] : memref<80x128xf32, #tpu.memory_space<vmem>> -> memref<64x128xf32, #tpu.memory_space<vmem>>
      %dma_wait3A_167 = arith.constant 0 : i32
      %dma_wait3A_168 = tpu.memref_slice %arg9[%add3A_143, %dma_wait3A_167] : memref<8192x128xf32, #tpu.memory_space<hbm>> -> memref<64x128xf32, #tpu.memory_space<hbm>>
      %dma_wait3A_169 = arith.constant 0 : i32
      %dma_wait3A_170 = tpu.memref_slice %arg9[%add3A_143, %dma_wait3A_169] : memref<8192x128xf32, #tpu.memory_space<hbm>> -> memref<64x128xf32, #tpu.memory_space<hbm>>
      %dma_wait3A_171 = arith.constant 0 : i32
      %dma_wait3A_172 = arith.constant 0 : i32
      %dma_wait3A_173 = tpu.memref_slice %arg13[%dma_wait3A_171, %dma_wait3A_172] : memref<80x128xf32, #tpu.memory_space<vmem>> -> memref<64x128xf32, #tpu.memory_space<vmem>>
      tpu.wait_dma2 semaphore(%run_scoped3A : memref<!tpu.dma_semaphore, #tpu.memory_space<semaphore_mem>>) src(%dma_wait3A_173 : memref<64x128xf32, #tpu.memory_space<vmem>>) dst(%dma_wait3A_170 : memref<64x128xf32, #tpu.memory_space<hbm>>)
      tpu.yield
    }) : () -> ()
    %eq3A_144 = arith.constant 0 : i32
    %eq3A_145 = arith.cmpi eq, %arg0, %eq3A_144 : i32
    %convert_element_type3A_146 = arith.extui %eq3A_145 : i1 to i32
    %cond3A_147 = arith.constant 0 : i32
    %cond3A_148 = arith.cmpi ne, %convert_element_type3A_146, %cond3A_147 : i32
    scf.if %cond3A_148 {
      %dma_start3A_154 = arith.constant 0 : i32
      %dma_start3A_155 = arith.constant 0 : i32
      %dma_start3A_156 = tpu.memref_slice %arg14[%dma_start3A_154, %dma_start3A_155] : memref<80x128xf32, #tpu.memory_space<vmem>> -> memref<64x128xf32, #tpu.memory_space<vmem>>
      %dma_start3A_157 = arith.constant 0 : i32
      %dma_start3A_158 = arith.constant 0 : i32
      %dma_start3A_159 = tpu.memref_slice %arg6[%dma_start3A_157, %dma_start3A_158] : memref<10000x128xf32, #tpu.memory_space<hbm>> -> memref<10000x128xf32, #tpu.memory_space<hbm>>
      tpu.enqueue_indirect_dma source(%dma_start3A_159 : memref<10000x128xf32, #tpu.memory_space<hbm>>) target(%dma_start3A_156 : memref<64x128xf32, #tpu.memory_space<vmem>>) offsets(%arg20 : memref<64xi32, #tpu.memory_space<vmem>>) semaphore(%arg22 : memref<!tpu.dma_semaphore, #tpu.memory_space<semaphore_mem>>)
      %dma_wait3A_160 = arith.constant 0 : i32
      %dma_wait3A_161 = arith.constant 0 : i32
      %dma_wait3A_162 = tpu.memref_slice %arg14[%dma_wait3A_160, %dma_wait3A_161] : memref<80x128xf32, #tpu.memory_space<vmem>> -> memref<64x128xf32, #tpu.memory_space<vmem>>
      %dma_wait3A_163 = arith.constant 0 : i32
      %dma_wait3A_164 = arith.constant 0 : i32
      %dma_wait3A_165 = tpu.memref_slice %arg6[%dma_wait3A_163, %dma_wait3A_164] : memref<10000x128xf32, #tpu.memory_space<hbm>> -> memref<10000x128xf32, #tpu.memory_space<hbm>>
      tpu.wait_indirect_dma semaphore(%arg22 : memref<!tpu.dma_semaphore, #tpu.memory_space<semaphore_mem>>) src(%dma_wait3A_165 : memref<10000x128xf32, #tpu.memory_space<hbm>>) dst(%dma_wait3A_162 : memref<64x128xf32, #tpu.memory_space<vmem>>)
      "tpu.region"() ({
        %run_scoped3A = tpu.sem_alloc : memref<!tpu.dma_semaphore, #tpu.memory_space<semaphore_mem>>
        %dma_start3A_166 = arith.constant 0 : i32
        %dma_start3A_167 = arith.constant 0 : i32
        %dma_start3A_168 = tpu.memref_slice %arg14[%dma_start3A_166, %dma_start3A_167] : memref<80x128xf32, #tpu.memory_space<vmem>> -> memref<64x128xf32, #tpu.memory_space<vmem>>
        %dma_start3A_169 = arith.constant 0 : i32
        %dma_start3A_170 = tpu.memref_slice %arg10[%add3A_128, %dma_start3A_169] : memref<4096x128xf32, #tpu.memory_space<hbm>> -> memref<64x128xf32, #tpu.memory_space<hbm>>
        %dma_start3A_171 = arith.constant 0 : i32
        %dma_start3A_172 = tpu.memref_slice %arg10[%add3A_128, %dma_start3A_171] : memref<4096x128xf32, #tpu.memory_space<hbm>> -> memref<64x128xf32, #tpu.memory_space<hbm>>
        %dma_start3A_173 = arith.constant 0 : i32
        %dma_start3A_174 = arith.constant 0 : i32
        %dma_start3A_175 = tpu.memref_slice %arg14[%dma_start3A_173, %dma_start3A_174] : memref<80x128xf32, #tpu.memory_space<vmem>> -> memref<64x128xf32, #tpu.memory_space<vmem>>
        tpu.enqueue_dma source(%dma_start3A_175 : memref<64x128xf32, #tpu.memory_space<vmem>>) target(%dma_start3A_172 : memref<64x128xf32, #tpu.memory_space<hbm>>) target_semaphore(%run_scoped3A : memref<!tpu.dma_semaphore, #tpu.memory_space<semaphore_mem>>)
        %dma_wait3A_176 = arith.constant 0 : i32
        %dma_wait3A_177 = arith.constant 0 : i32
        %dma_wait3A_178 = tpu.memref_slice %arg14[%dma_wait3A_176, %dma_wait3A_177] : memref<80x128xf32, #tpu.memory_space<vmem>> -> memref<64x128xf32, #tpu.memory_space<vmem>>
        %dma_wait3A_179 = arith.constant 0 : i32
        %dma_wait3A_180 = tpu.memref_slice %arg10[%add3A_128, %dma_wait3A_179] : memref<4096x128xf32, #tpu.memory_space<hbm>> -> memref<64x128xf32, #tpu.memory_space<hbm>>
        %dma_wait3A_181 = arith.constant 0 : i32
        %dma_wait3A_182 = tpu.memref_slice %arg10[%add3A_128, %dma_wait3A_181] : memref<4096x128xf32, #tpu.memory_space<hbm>> -> memref<64x128xf32, #tpu.memory_space<hbm>>
        %dma_wait3A_183 = arith.constant 0 : i32
        %dma_wait3A_184 = arith.constant 0 : i32
        %dma_wait3A_185 = tpu.memref_slice %arg14[%dma_wait3A_183, %dma_wait3A_184] : memref<80x128xf32, #tpu.memory_space<vmem>> -> memref<64x128xf32, #tpu.memory_space<vmem>>
        tpu.wait_dma2 semaphore(%run_scoped3A : memref<!tpu.dma_semaphore, #tpu.memory_space<semaphore_mem>>) src(%dma_wait3A_185 : memref<64x128xf32, #tpu.memory_space<vmem>>) dst(%dma_wait3A_182 : memref<64x128xf32, #tpu.memory_space<hbm>>)
        tpu.yield
      }) : () -> ()
    } else {
    }
    %eq3A_149 = arith.constant 1 : i32
    %eq3A_150 = arith.cmpi eq, %arg0, %eq3A_149 : i32
    %convert_element_type3A_151 = arith.extui %eq3A_150 : i1 to i32
    %cond3A_152 = arith.constant 0 : i32
    %cond3A_153 = arith.cmpi ne, %convert_element_type3A_151, %cond3A_152 : i32
    scf.if %cond3A_153 {
      %dma_start3A_154 = arith.constant 0 : i32
      %dma_start3A_155 = arith.constant 0 : i32
      %dma_start3A_156 = tpu.memref_slice %arg14[%dma_start3A_154, %dma_start3A_155] : memref<80x128xf32, #tpu.memory_space<vmem>> -> memref<64x128xf32, #tpu.memory_space<vmem>>
      %dma_start3A_157 = arith.constant 0 : i32
      %dma_start3A_158 = arith.constant 0 : i32
      %dma_start3A_159 = tpu.memref_slice %arg7[%dma_start3A_157, %dma_start3A_158] : memref<10000x128xf32, #tpu.memory_space<hbm>> -> memref<10000x128xf32, #tpu.memory_space<hbm>>
      tpu.enqueue_indirect_dma source(%dma_start3A_159 : memref<10000x128xf32, #tpu.memory_space<hbm>>) target(%dma_start3A_156 : memref<64x128xf32, #tpu.memory_space<vmem>>) offsets(%arg20 : memref<64xi32, #tpu.memory_space<vmem>>) semaphore(%arg22 : memref<!tpu.dma_semaphore, #tpu.memory_space<semaphore_mem>>)
      %dma_wait3A_160 = arith.constant 0 : i32
      %dma_wait3A_161 = arith.constant 0 : i32
      %dma_wait3A_162 = tpu.memref_slice %arg14[%dma_wait3A_160, %dma_wait3A_161] : memref<80x128xf32, #tpu.memory_space<vmem>> -> memref<64x128xf32, #tpu.memory_space<vmem>>
      %dma_wait3A_163 = arith.constant 0 : i32
      %dma_wait3A_164 = arith.constant 0 : i32
      %dma_wait3A_165 = tpu.memref_slice %arg7[%dma_wait3A_163, %dma_wait3A_164] : memref<10000x128xf32, #tpu.memory_space<hbm>> -> memref<10000x128xf32, #tpu.memory_space<hbm>>
      tpu.wait_indirect_dma semaphore(%arg22 : memref<!tpu.dma_semaphore, #tpu.memory_space<semaphore_mem>>) src(%dma_wait3A_165 : memref<10000x128xf32, #tpu.memory_space<hbm>>) dst(%dma_wait3A_162 : memref<64x128xf32, #tpu.memory_space<vmem>>)
      "tpu.region"() ({
        %run_scoped3A = tpu.sem_alloc : memref<!tpu.dma_semaphore, #tpu.memory_space<semaphore_mem>>
        %dma_start3A_166 = arith.constant 0 : i32
        %dma_start3A_167 = arith.constant 0 : i32
        %dma_start3A_168 = tpu.memref_slice %arg14[%dma_start3A_166, %dma_start3A_167] : memref<80x128xf32, #tpu.memory_space<vmem>> -> memref<64x128xf32, #tpu.memory_space<vmem>>
        %dma_start3A_169 = arith.constant 0 : i32
        %dma_start3A_170 = tpu.memref_slice %arg11[%add3A_128, %dma_start3A_169] : memref<4096x128xf32, #tpu.memory_space<hbm>> -> memref<64x128xf32, #tpu.memory_space<hbm>>
        %dma_start3A_171 = arith.constant 0 : i32
        %dma_start3A_172 = tpu.memref_slice %arg11[%add3A_128, %dma_start3A_171] : memref<4096x128xf32, #tpu.memory_space<hbm>> -> memref<64x128xf32, #tpu.memory_space<hbm>>
        %dma_start3A_173 = arith.constant 0 : i32
        %dma_start3A_174 = arith.constant 0 : i32
        %dma_start3A_175 = tpu.memref_slice %arg14[%dma_start3A_173, %dma_start3A_174] : memref<80x128xf32, #tpu.memory_space<vmem>> -> memref<64x128xf32, #tpu.memory_space<vmem>>
        tpu.enqueue_dma source(%dma_start3A_175 : memref<64x128xf32, #tpu.memory_space<vmem>>) target(%dma_start3A_172 : memref<64x128xf32, #tpu.memory_space<hbm>>) target_semaphore(%run_scoped3A : memref<!tpu.dma_semaphore, #tpu.memory_space<semaphore_mem>>)
        %dma_wait3A_176 = arith.constant 0 : i32
        %dma_wait3A_177 = arith.constant 0 : i32
        %dma_wait3A_178 = tpu.memref_slice %arg14[%dma_wait3A_176, %dma_wait3A_177] : memref<80x128xf32, #tpu.memory_space<vmem>> -> memref<64x128xf32, #tpu.memory_space<vmem>>
        %dma_wait3A_179 = arith.constant 0 : i32
        %dma_wait3A_180 = tpu.memref_slice %arg11[%add3A_128, %dma_wait3A_179] : memref<4096x128xf32, #tpu.memory_space<hbm>> -> memref<64x128xf32, #tpu.memory_space<hbm>>
        %dma_wait3A_181 = arith.constant 0 : i32
        %dma_wait3A_182 = tpu.memref_slice %arg11[%add3A_128, %dma_wait3A_181] : memref<4096x128xf32, #tpu.memory_space<hbm>> -> memref<64x128xf32, #tpu.memory_space<hbm>>
        %dma_wait3A_183 = arith.constant 0 : i32
        %dma_wait3A_184 = arith.constant 0 : i32
        %dma_wait3A_185 = tpu.memref_slice %arg14[%dma_wait3A_183, %dma_wait3A_184] : memref<80x128xf32, #tpu.memory_space<vmem>> -> memref<64x128xf32, #tpu.memory_space<vmem>>
        tpu.wait_dma2 semaphore(%run_scoped3A : memref<!tpu.dma_semaphore, #tpu.memory_space<semaphore_mem>>) src(%dma_wait3A_185 : memref<64x128xf32, #tpu.memory_space<vmem>>) dst(%dma_wait3A_182 : memref<64x128xf32, #tpu.memory_space<hbm>>)
        tpu.yield
      }) : () -> ()
    } else {
    }
    return
  }
}

#map = affine_map<(d0, d1) -> (0, 0)>
#map1 = affine_map<(d0, d1) -> (0)>
module attributes {stable_mosaic.version = 14 : i64} {
  func.func @_seg0_body(%arg0: i32, %arg1: i32, %arg2: memref<10000x128xf32, #tpu.memory_space<hbm>>, %arg3: memref<320000xi32, #tpu.memory_space<hbm>>, %arg4: memref<320000xi32, #tpu.memory_space<hbm>>, %arg5: memref<640x128xf32, #tpu.memory_space<hbm>>, %arg6: memref<640xf32, #tpu.memory_space<hbm>>, %arg7: memref<80xf32, #tpu.memory_space<hbm>>, %arg8: memref<20480x128xf32, #tpu.memory_space<hbm>>, %arg9: memref<20480xf32, #tpu.memory_space<hbm>>, %arg10: memref<10240x128xf32, #tpu.memory_space<vmem_shared>>, %arg11: memref<10240xf32, #tpu.memory_space<vmem_shared>>, %arg12: memref<80x128xf32, #tpu.memory_space<vmem>>, %arg13: memref<80x128xf32, #tpu.memory_space<vmem>>, %arg14: memref<80x128xf32, #tpu.memory_space<vmem>>, %arg15: memref<80xi32, #tpu.memory_space<vmem>>, %arg16: memref<80xi32, #tpu.memory_space<vmem>>, %arg17: memref<80xi32, #tpu.memory_space<vmem>>, %arg18: memref<10000xi32, #tpu.memory_space<vmem>>, %arg19: memref<80xf32, #tpu.memory_space<vmem>>, %arg20: memref<!tpu.dma_semaphore, #tpu.memory_space<semaphore_mem>>, %arg21: memref<!tpu.dma_semaphore, #tpu.memory_space<semaphore_mem>>, %arg22: memref<!tpu.dma_semaphore, #tpu.memory_space<semaphore_mem>>, %arg23: memref<!tpu.dma_semaphore, #tpu.memory_space<semaphore_mem>>, %arg24: memref<!tpu.dma_semaphore, #tpu.memory_space<semaphore_mem>>, %arg25: memref<!tpu.dma_semaphore, #tpu.memory_space<semaphore_mem>>) attributes {dimension_semantics = [#tpu.dimension_semantics<core_parallel>, #tpu.dimension_semantics<subcore_parallel>], iteration_bounds = array<i64: 2, 16>, scalar_prefetch = 0 : i64, scratch_operands = 16 : i64, tpu.core_type = #tpu.core_type<sc_vector_subcore>, window_params = [{transform_indices = #map}, {transform_indices = #map1}, {transform_indices = #map1}, {transform_indices = #map}, {transform_indices = #map1}, {transform_indices = #map1}, {transform_indices = #map}, {transform_indices = #map1}]} {
    %mul3A = arith.constant 640 : i32
    %mul3A_0 = arith.muli %arg1, %mul3A : i32
    "tpu.region"() ({
      %run_scoped3A = tpu.sem_alloc : memref<!tpu.dma_semaphore, #tpu.memory_space<semaphore_mem>>
      %dma_start3A_57 = arith.constant 0 : i32
      %dma_start3A_58 = tpu.memref_slice %arg10[%mul3A_0, %dma_start3A_57] : memref<10240x128xf32, #tpu.memory_space<vmem_shared>> -> memref<640x128xf32, #tpu.memory_space<vmem_shared>>
      tpu.enqueue_dma source(%arg5 : memref<640x128xf32, #tpu.memory_space<hbm>>) target(%dma_start3A_58 : memref<640x128xf32, #tpu.memory_space<vmem_shared>>) target_semaphore(%run_scoped3A : memref<!tpu.dma_semaphore, #tpu.memory_space<semaphore_mem>>)
      %dma_wait3A_59 = arith.constant 0 : i32
      %dma_wait3A_60 = tpu.memref_slice %arg10[%mul3A_0, %dma_wait3A_59] : memref<10240x128xf32, #tpu.memory_space<vmem_shared>> -> memref<640x128xf32, #tpu.memory_space<vmem_shared>>
      tpu.wait_dma2 semaphore(%run_scoped3A : memref<!tpu.dma_semaphore, #tpu.memory_space<semaphore_mem>>) src(%arg5 : memref<640x128xf32, #tpu.memory_space<hbm>>) dst(%dma_wait3A_60 : memref<640x128xf32, #tpu.memory_space<vmem_shared>>)
      tpu.yield
    }) : () -> ()
    %mul3A_1 = arith.constant 640 : i32
    %mul3A_2 = arith.muli %arg1, %mul3A_1 : i32
    "tpu.region"() ({
      %run_scoped3A = tpu.sem_alloc : memref<!tpu.dma_semaphore, #tpu.memory_space<semaphore_mem>>
      %dma_start3A_57 = tpu.memref_slice %arg11[%mul3A_2] : memref<10240xf32, #tpu.memory_space<vmem_shared>> -> memref<640xf32, #tpu.memory_space<vmem_shared>>
      tpu.enqueue_dma source(%arg6 : memref<640xf32, #tpu.memory_space<hbm>>) target(%dma_start3A_57 : memref<640xf32, #tpu.memory_space<vmem_shared>>) target_semaphore(%run_scoped3A : memref<!tpu.dma_semaphore, #tpu.memory_space<semaphore_mem>>)
      %dma_wait3A_58 = tpu.memref_slice %arg11[%mul3A_2] : memref<10240xf32, #tpu.memory_space<vmem_shared>> -> memref<640xf32, #tpu.memory_space<vmem_shared>>
      tpu.wait_dma2 semaphore(%run_scoped3A : memref<!tpu.dma_semaphore, #tpu.memory_space<semaphore_mem>>) src(%arg6 : memref<640xf32, #tpu.memory_space<hbm>>) dst(%dma_wait3A_58 : memref<640xf32, #tpu.memory_space<vmem_shared>>)
      tpu.yield
    }) : () -> ()
    "tpu.region"() ({
      %run_scoped3A = tpu.sem_alloc : memref<!tpu.dma_semaphore, #tpu.memory_space<semaphore_mem>>
      tpu.enqueue_dma source(%arg7 : memref<80xf32, #tpu.memory_space<hbm>>) target(%arg19 : memref<80xf32, #tpu.memory_space<vmem>>) target_semaphore(%run_scoped3A : memref<!tpu.dma_semaphore, #tpu.memory_space<semaphore_mem>>)
      tpu.wait_dma2 semaphore(%run_scoped3A : memref<!tpu.dma_semaphore, #tpu.memory_space<semaphore_mem>>) src(%arg7 : memref<80xf32, #tpu.memory_space<hbm>>) dst(%arg19 : memref<80xf32, #tpu.memory_space<vmem>>)
      tpu.yield
    }) : () -> ()
    %mul3A_3 = arith.constant 160000 : i32
    %mul3A_4 = arith.muli %arg0, %mul3A_3 : i32
    %mul3A_5 = arith.constant 10000 : i32
    %mul3A_6 = arith.muli %arg1, %mul3A_5 : i32
    %add3A = arith.addi %mul3A_4, %mul3A_6 : i32
    %barrier3A = arith.constant 0 : index
    tpu.barrier barrier_id(%barrier3A)
    "tpu.region"() ({
      %run_scoped3A = tpu.sem_alloc : memref<!tpu.dma_semaphore, #tpu.memory_space<semaphore_mem>>
      %dma_start3A_57 = tpu.memref_slice %arg3[%add3A] : memref<320000xi32, #tpu.memory_space<hbm>> -> memref<10000xi32, #tpu.memory_space<hbm>>
      %dma_start3A_58 = tpu.memref_slice %arg3[%add3A] : memref<320000xi32, #tpu.memory_space<hbm>> -> memref<10000xi32, #tpu.memory_space<hbm>>
      tpu.enqueue_dma source(%dma_start3A_58 : memref<10000xi32, #tpu.memory_space<hbm>>) target(%arg18 : memref<10000xi32, #tpu.memory_space<vmem>>) target_semaphore(%run_scoped3A : memref<!tpu.dma_semaphore, #tpu.memory_space<semaphore_mem>>)
      %dma_wait3A_59 = tpu.memref_slice %arg3[%add3A] : memref<320000xi32, #tpu.memory_space<hbm>> -> memref<10000xi32, #tpu.memory_space<hbm>>
      %dma_wait3A_60 = tpu.memref_slice %arg3[%add3A] : memref<320000xi32, #tpu.memory_space<hbm>> -> memref<10000xi32, #tpu.memory_space<hbm>>
      tpu.wait_dma2 semaphore(%run_scoped3A : memref<!tpu.dma_semaphore, #tpu.memory_space<semaphore_mem>>) src(%dma_wait3A_60 : memref<10000xi32, #tpu.memory_space<hbm>>) dst(%arg18 : memref<10000xi32, #tpu.memory_space<vmem>>)
      tpu.yield
    }) : () -> ()
    %add3A_7 = arith.constant 0 : i32
    %add3A_8 = arith.addi %add3A, %add3A_7 : i32
    %dma_start3A = tpu.memref_slice %arg4[%add3A_8] : memref<320000xi32, #tpu.memory_space<hbm>> -> memref<80xi32, #tpu.memory_space<hbm>>
    %dma_start3A_9 = tpu.memref_slice %arg4[%add3A_8] : memref<320000xi32, #tpu.memory_space<hbm>> -> memref<80xi32, #tpu.memory_space<hbm>>
    tpu.enqueue_dma source(%dma_start3A_9 : memref<80xi32, #tpu.memory_space<hbm>>) target(%arg15 : memref<80xi32, #tpu.memory_space<vmem>>) target_semaphore(%arg23 : memref<!tpu.dma_semaphore, #tpu.memory_space<semaphore_mem>>)
    %dma_start3A_10 = arith.constant 0 : i32
    %dma_start3A_11 = tpu.memref_slice %arg18[%dma_start3A_10] : memref<10000xi32, #tpu.memory_space<vmem>> -> memref<80xi32, #tpu.memory_space<vmem>>
    %dma_start3A_12 = arith.constant 0 : i32
    %dma_start3A_13 = arith.constant 0 : i32
    %dma_start3A_14 = tpu.memref_slice %arg2[%dma_start3A_12, %dma_start3A_13] : memref<10000x128xf32, #tpu.memory_space<hbm>> -> memref<10000x128xf32, #tpu.memory_space<hbm>>
    tpu.enqueue_indirect_dma source(%dma_start3A_14 : memref<10000x128xf32, #tpu.memory_space<hbm>>) target(%arg12 : memref<80x128xf32, #tpu.memory_space<vmem>>) offsets(%dma_start3A_11 : memref<80xi32, #tpu.memory_space<vmem>>) semaphore(%arg20 : memref<!tpu.dma_semaphore, #tpu.memory_space<semaphore_mem>>)
    %add3A_15 = arith.constant 80 : i32
    %add3A_16 = arith.addi %add3A, %add3A_15 : i32
    %dma_start3A_17 = tpu.memref_slice %arg4[%add3A_16] : memref<320000xi32, #tpu.memory_space<hbm>> -> memref<80xi32, #tpu.memory_space<hbm>>
    %dma_start3A_18 = tpu.memref_slice %arg4[%add3A_16] : memref<320000xi32, #tpu.memory_space<hbm>> -> memref<80xi32, #tpu.memory_space<hbm>>
    tpu.enqueue_dma source(%dma_start3A_18 : memref<80xi32, #tpu.memory_space<hbm>>) target(%arg16 : memref<80xi32, #tpu.memory_space<vmem>>) target_semaphore(%arg24 : memref<!tpu.dma_semaphore, #tpu.memory_space<semaphore_mem>>)
    %dma_start3A_19 = arith.constant 80 : i32
    %dma_start3A_20 = tpu.memref_slice %arg18[%dma_start3A_19] : memref<10000xi32, #tpu.memory_space<vmem>> -> memref<80xi32, #tpu.memory_space<vmem>>
    %dma_start3A_21 = arith.constant 0 : i32
    %dma_start3A_22 = arith.constant 0 : i32
    %dma_start3A_23 = tpu.memref_slice %arg2[%dma_start3A_21, %dma_start3A_22] : memref<10000x128xf32, #tpu.memory_space<hbm>> -> memref<10000x128xf32, #tpu.memory_space<hbm>>
    tpu.enqueue_indirect_dma source(%dma_start3A_23 : memref<10000x128xf32, #tpu.memory_space<hbm>>) target(%arg13 : memref<80x128xf32, #tpu.memory_space<vmem>>) offsets(%dma_start3A_20 : memref<80xi32, #tpu.memory_space<vmem>>) semaphore(%arg21 : memref<!tpu.dma_semaphore, #tpu.memory_space<semaphore_mem>>)
    %scan3A = arith.constant 0 : i32
    %scan3A_24 = arith.constant 0 : i32
    %scan3A_25 = arith.constant 41 : i32
    %scan3A_26 = arith.addi %scan3A_24, %scan3A_25 : i32
    %scan3A_27 = arith.constant 1 : i32
    scf.for %scan3A_57 = %scan3A_24 to %scan3A_26 step %scan3A_27  : i32 {
      %mul3A_58 = arith.constant 3 : i32
      %mul3A_59 = arith.muli %scan3A_57, %mul3A_58 : i32
      %add3A_60 = arith.constant 0 : i32
      %add3A_61 = arith.addi %mul3A_59, %add3A_60 : i32
      %add3A_62 = arith.constant 2 : i32
      %add3A_63 = arith.addi %add3A_61, %add3A_62 : i32
      %mul3A_64 = arith.constant 80 : i32
      %mul3A_65 = arith.muli %add3A_63, %mul3A_64 : i32
      %add3A_66 = arith.addi %add3A, %mul3A_65 : i32
      %dma_start3A_67 = tpu.memref_slice %arg4[%add3A_66] : memref<320000xi32, #tpu.memory_space<hbm>> -> memref<80xi32, #tpu.memory_space<hbm>>
      %dma_start3A_68 = tpu.memref_slice %arg4[%add3A_66] : memref<320000xi32, #tpu.memory_space<hbm>> -> memref<80xi32, #tpu.memory_space<hbm>>
      tpu.enqueue_dma source(%dma_start3A_68 : memref<80xi32, #tpu.memory_space<hbm>>) target(%arg17 : memref<80xi32, #tpu.memory_space<vmem>>) target_semaphore(%arg25 : memref<!tpu.dma_semaphore, #tpu.memory_space<semaphore_mem>>)
      %mul3A_69 = arith.constant 80 : i32
      %mul3A_70 = arith.muli %add3A_63, %mul3A_69 : i32
      %dma_start3A_71 = tpu.memref_slice %arg18[%mul3A_70] : memref<10000xi32, #tpu.memory_space<vmem>> -> memref<80xi32, #tpu.memory_space<vmem>>
      %dma_start3A_72 = arith.constant 0 : i32
      %dma_start3A_73 = arith.constant 0 : i32
      %dma_start3A_74 = tpu.memref_slice %arg2[%dma_start3A_72, %dma_start3A_73] : memref<10000x128xf32, #tpu.memory_space<hbm>> -> memref<10000x128xf32, #tpu.memory_space<hbm>>
      tpu.enqueue_indirect_dma source(%dma_start3A_74 : memref<10000x128xf32, #tpu.memory_space<hbm>>) target(%arg14 : memref<80x128xf32, #tpu.memory_space<vmem>>) offsets(%dma_start3A_71 : memref<80xi32, #tpu.memory_space<vmem>>) semaphore(%arg22 : memref<!tpu.dma_semaphore, #tpu.memory_space<semaphore_mem>>)
      %dma_wait3A_75 = tpu.memref_slice %arg4[%add3A] : memref<320000xi32, #tpu.memory_space<hbm>> -> memref<80xi32, #tpu.memory_space<hbm>>
      %dma_wait3A_76 = tpu.memref_slice %arg4[%add3A] : memref<320000xi32, #tpu.memory_space<hbm>> -> memref<80xi32, #tpu.memory_space<hbm>>
      tpu.wait_dma2 semaphore(%arg23 : memref<!tpu.dma_semaphore, #tpu.memory_space<semaphore_mem>>) src(%dma_wait3A_76 : memref<80xi32, #tpu.memory_space<hbm>>) dst(%arg15 : memref<80xi32, #tpu.memory_space<vmem>>)
      %dma_wait3A_77 = arith.constant 0 : i32
      %dma_wait3A_78 = tpu.memref_slice %arg18[%dma_wait3A_77] : memref<10000xi32, #tpu.memory_space<vmem>> -> memref<80xi32, #tpu.memory_space<vmem>>
      %dma_wait3A_79 = arith.constant 0 : i32
      %dma_wait3A_80 = arith.constant 0 : i32
      %dma_wait3A_81 = tpu.memref_slice %arg2[%dma_wait3A_79, %dma_wait3A_80] : memref<10000x128xf32, #tpu.memory_space<hbm>> -> memref<10000x128xf32, #tpu.memory_space<hbm>>
      tpu.wait_indirect_dma semaphore(%arg20 : memref<!tpu.dma_semaphore, #tpu.memory_space<semaphore_mem>>) src(%dma_wait3A_81 : memref<10000x128xf32, #tpu.memory_space<hbm>>) dst(%arg12 : memref<80x128xf32, #tpu.memory_space<vmem>>)
      "tpu.region"() ({
        %run_scoped3A = tpu.sem_alloc : memref<!tpu.dma_semaphore, #tpu.memory_space<semaphore_mem>>
        %dma_start3A_126 = arith.constant 0 : i32
        %dma_start3A_127 = arith.constant 0 : i32
        %dma_start3A_128 = tpu.memref_slice %arg10[%dma_start3A_126, %dma_start3A_127] : memref<10240x128xf32, #tpu.memory_space<vmem_shared>> -> memref<10240x128xf32, #tpu.memory_space<vmem_shared>>
        tpu.enqueue_indirect_dma source(%arg12 : memref<80x128xf32, #tpu.memory_space<vmem>>) target(%dma_start3A_128 : memref<10240x128xf32, #tpu.memory_space<vmem_shared>>) offsets(%arg15 : memref<80xi32, #tpu.memory_space<vmem>>) semaphore(%run_scoped3A : memref<!tpu.dma_semaphore, #tpu.memory_space<semaphore_mem>>) {add = true}
        %dma_wait3A_129 = arith.constant 0 : i32
        %dma_wait3A_130 = arith.constant 0 : i32
        %dma_wait3A_131 = tpu.memref_slice %arg10[%dma_wait3A_129, %dma_wait3A_130] : memref<10240x128xf32, #tpu.memory_space<vmem_shared>> -> memref<10240x128xf32, #tpu.memory_space<vmem_shared>>
        tpu.wait_indirect_dma semaphore(%run_scoped3A : memref<!tpu.dma_semaphore, #tpu.memory_space<semaphore_mem>>) src(%arg12 : memref<80x128xf32, #tpu.memory_space<vmem>>) dst(%dma_wait3A_131 : memref<10240x128xf32, #tpu.memory_space<vmem_shared>>)
        tpu.yield
      }) : () -> ()
      "tpu.region"() ({
        %run_scoped3A = tpu.sem_alloc : memref<!tpu.dma_semaphore, #tpu.memory_space<semaphore_mem>>
        %dma_start3A_126 = arith.constant 0 : i32
        %dma_start3A_127 = tpu.memref_slice %arg11[%dma_start3A_126] : memref<10240xf32, #tpu.memory_space<vmem_shared>> -> memref<10240xf32, #tpu.memory_space<vmem_shared>>
        tpu.enqueue_indirect_dma source(%arg19 : memref<80xf32, #tpu.memory_space<vmem>>) target(%dma_start3A_127 : memref<10240xf32, #tpu.memory_space<vmem_shared>>) offsets(%arg15 : memref<80xi32, #tpu.memory_space<vmem>>) semaphore(%run_scoped3A : memref<!tpu.dma_semaphore, #tpu.memory_space<semaphore_mem>>) {add = true}
        %dma_wait3A_128 = arith.constant 0 : i32
        %dma_wait3A_129 = tpu.memref_slice %arg11[%dma_wait3A_128] : memref<10240xf32, #tpu.memory_space<vmem_shared>> -> memref<10240xf32, #tpu.memory_space<vmem_shared>>
        tpu.wait_indirect_dma semaphore(%run_scoped3A : memref<!tpu.dma_semaphore, #tpu.memory_space<semaphore_mem>>) src(%arg19 : memref<80xf32, #tpu.memory_space<vmem>>) dst(%dma_wait3A_129 : memref<10240xf32, #tpu.memory_space<vmem_shared>>)
        tpu.yield
      }) : () -> ()
      %add3A_82 = arith.constant 1 : i32
      %add3A_83 = arith.addi %mul3A_59, %add3A_82 : i32
      %add3A_84 = arith.constant 2 : i32
      %add3A_85 = arith.addi %add3A_83, %add3A_84 : i32
      %mul3A_86 = arith.constant 80 : i32
      %mul3A_87 = arith.muli %add3A_85, %mul3A_86 : i32
      %add3A_88 = arith.addi %add3A, %mul3A_87 : i32
      %dma_start3A_89 = tpu.memref_slice %arg4[%add3A_88] : memref<320000xi32, #tpu.memory_space<hbm>> -> memref<80xi32, #tpu.memory_space<hbm>>
      %dma_start3A_90 = tpu.memref_slice %arg4[%add3A_88] : memref<320000xi32, #tpu.memory_space<hbm>> -> memref<80xi32, #tpu.memory_space<hbm>>
      tpu.enqueue_dma source(%dma_start3A_90 : memref<80xi32, #tpu.memory_space<hbm>>) target(%arg15 : memref<80xi32, #tpu.memory_space<vmem>>) target_semaphore(%arg23 : memref<!tpu.dma_semaphore, #tpu.memory_space<semaphore_mem>>)
      %mul3A_91 = arith.constant 80 : i32
      %mul3A_92 = arith.muli %add3A_85, %mul3A_91 : i32
      %dma_start3A_93 = tpu.memref_slice %arg18[%mul3A_92] : memref<10000xi32, #tpu.memory_space<vmem>> -> memref<80xi32, #tpu.memory_space<vmem>>
      %dma_start3A_94 = arith.constant 0 : i32
      %dma_start3A_95 = arith.constant 0 : i32
      %dma_start3A_96 = tpu.memref_slice %arg2[%dma_start3A_94, %dma_start3A_95] : memref<10000x128xf32, #tpu.memory_space<hbm>> -> memref<10000x128xf32, #tpu.memory_space<hbm>>
      tpu.enqueue_indirect_dma source(%dma_start3A_96 : memref<10000x128xf32, #tpu.memory_space<hbm>>) target(%arg12 : memref<80x128xf32, #tpu.memory_space<vmem>>) offsets(%dma_start3A_93 : memref<80xi32, #tpu.memory_space<vmem>>) semaphore(%arg20 : memref<!tpu.dma_semaphore, #tpu.memory_space<semaphore_mem>>)
      %dma_wait3A_97 = tpu.memref_slice %arg4[%add3A] : memref<320000xi32, #tpu.memory_space<hbm>> -> memref<80xi32, #tpu.memory_space<hbm>>
      %dma_wait3A_98 = tpu.memref_slice %arg4[%add3A] : memref<320000xi32, #tpu.memory_space<hbm>> -> memref<80xi32, #tpu.memory_space<hbm>>
      tpu.wait_dma2 semaphore(%arg24 : memref<!tpu.dma_semaphore, #tpu.memory_space<semaphore_mem>>) src(%dma_wait3A_98 : memref<80xi32, #tpu.memory_space<hbm>>) dst(%arg16 : memref<80xi32, #tpu.memory_space<vmem>>)
      %dma_wait3A_99 = arith.constant 0 : i32
      %dma_wait3A_100 = tpu.memref_slice %arg18[%dma_wait3A_99] : memref<10000xi32, #tpu.memory_space<vmem>> -> memref<80xi32, #tpu.memory_space<vmem>>
      %dma_wait3A_101 = arith.constant 0 : i32
      %dma_wait3A_102 = arith.constant 0 : i32
      %dma_wait3A_103 = tpu.memref_slice %arg2[%dma_wait3A_101, %dma_wait3A_102] : memref<10000x128xf32, #tpu.memory_space<hbm>> -> memref<10000x128xf32, #tpu.memory_space<hbm>>
      tpu.wait_indirect_dma semaphore(%arg21 : memref<!tpu.dma_semaphore, #tpu.memory_space<semaphore_mem>>) src(%dma_wait3A_103 : memref<10000x128xf32, #tpu.memory_space<hbm>>) dst(%arg13 : memref<80x128xf32, #tpu.memory_space<vmem>>)
      "tpu.region"() ({
        %run_scoped3A = tpu.sem_alloc : memref<!tpu.dma_semaphore, #tpu.memory_space<semaphore_mem>>
        %dma_start3A_126 = arith.constant 0 : i32
        %dma_start3A_127 = arith.constant 0 : i32
        %dma_start3A_128 = tpu.memref_slice %arg10[%dma_start3A_126, %dma_start3A_127] : memref<10240x128xf32, #tpu.memory_space<vmem_shared>> -> memref<10240x128xf32, #tpu.memory_space<vmem_shared>>
        tpu.enqueue_indirect_dma source(%arg13 : memref<80x128xf32, #tpu.memory_space<vmem>>) target(%dma_start3A_128 : memref<10240x128xf32, #tpu.memory_space<vmem_shared>>) offsets(%arg16 : memref<80xi32, #tpu.memory_space<vmem>>) semaphore(%run_scoped3A : memref<!tpu.dma_semaphore, #tpu.memory_space<semaphore_mem>>) {add = true}
        %dma_wait3A_129 = arith.constant 0 : i32
        %dma_wait3A_130 = arith.constant 0 : i32
        %dma_wait3A_131 = tpu.memref_slice %arg10[%dma_wait3A_129, %dma_wait3A_130] : memref<10240x128xf32, #tpu.memory_space<vmem_shared>> -> memref<10240x128xf32, #tpu.memory_space<vmem_shared>>
        tpu.wait_indirect_dma semaphore(%run_scoped3A : memref<!tpu.dma_semaphore, #tpu.memory_space<semaphore_mem>>) src(%arg13 : memref<80x128xf32, #tpu.memory_space<vmem>>) dst(%dma_wait3A_131 : memref<10240x128xf32, #tpu.memory_space<vmem_shared>>)
        tpu.yield
      }) : () -> ()
      "tpu.region"() ({
        %run_scoped3A = tpu.sem_alloc : memref<!tpu.dma_semaphore, #tpu.memory_space<semaphore_mem>>
        %dma_start3A_126 = arith.constant 0 : i32
        %dma_start3A_127 = tpu.memref_slice %arg11[%dma_start3A_126] : memref<10240xf32, #tpu.memory_space<vmem_shared>> -> memref<10240xf32, #tpu.memory_space<vmem_shared>>
        tpu.enqueue_indirect_dma source(%arg19 : memref<80xf32, #tpu.memory_space<vmem>>) target(%dma_start3A_127 : memref<10240xf32, #tpu.memory_space<vmem_shared>>) offsets(%arg16 : memref<80xi32, #tpu.memory_space<vmem>>) semaphore(%run_scoped3A : memref<!tpu.dma_semaphore, #tpu.memory_space<semaphore_mem>>) {add = true}
        %dma_wait3A_128 = arith.constant 0 : i32
        %dma_wait3A_129 = tpu.memref_slice %arg11[%dma_wait3A_128] : memref<10240xf32, #tpu.memory_space<vmem_shared>> -> memref<10240xf32, #tpu.memory_space<vmem_shared>>
        tpu.wait_indirect_dma semaphore(%run_scoped3A : memref<!tpu.dma_semaphore, #tpu.memory_space<semaphore_mem>>) src(%arg19 : memref<80xf32, #tpu.memory_space<vmem>>) dst(%dma_wait3A_129 : memref<10240xf32, #tpu.memory_space<vmem_shared>>)
        tpu.yield
      }) : () -> ()
      %add3A_104 = arith.constant 2 : i32
      %add3A_105 = arith.addi %mul3A_59, %add3A_104 : i32
      %add3A_106 = arith.constant 2 : i32
      %add3A_107 = arith.addi %add3A_105, %add3A_106 : i32
      %mul3A_108 = arith.constant 80 : i32
      %mul3A_109 = arith.muli %add3A_107, %mul3A_108 : i32
      %add3A_110 = arith.addi %add3A, %mul3A_109 : i32
      %dma_start3A_111 = tpu.memref_slice %arg4[%add3A_110] : memref<320000xi32, #tpu.memory_space<hbm>> -> memref<80xi32, #tpu.memory_space<hbm>>
      %dma_start3A_112 = tpu.memref_slice %arg4[%add3A_110] : memref<320000xi32, #tpu.memory_space<hbm>> -> memref<80xi32, #tpu.memory_space<hbm>>
      tpu.enqueue_dma source(%dma_start3A_112 : memref<80xi32, #tpu.memory_space<hbm>>) target(%arg16 : memref<80xi32, #tpu.memory_space<vmem>>) target_semaphore(%arg24 : memref<!tpu.dma_semaphore, #tpu.memory_space<semaphore_mem>>)
      %mul3A_113 = arith.constant 80 : i32
      %mul3A_114 = arith.muli %add3A_107, %mul3A_113 : i32
      %dma_start3A_115 = tpu.memref_slice %arg18[%mul3A_114] : memref<10000xi32, #tpu.memory_space<vmem>> -> memref<80xi32, #tpu.memory_space<vmem>>
      %dma_start3A_116 = arith.constant 0 : i32
      %dma_start3A_117 = arith.constant 0 : i32
      %dma_start3A_118 = tpu.memref_slice %arg2[%dma_start3A_116, %dma_start3A_117] : memref<10000x128xf32, #tpu.memory_space<hbm>> -> memref<10000x128xf32, #tpu.memory_space<hbm>>
      tpu.enqueue_indirect_dma source(%dma_start3A_118 : memref<10000x128xf32, #tpu.memory_space<hbm>>) target(%arg13 : memref<80x128xf32, #tpu.memory_space<vmem>>) offsets(%dma_start3A_115 : memref<80xi32, #tpu.memory_space<vmem>>) semaphore(%arg21 : memref<!tpu.dma_semaphore, #tpu.memory_space<semaphore_mem>>)
      %dma_wait3A_119 = tpu.memref_slice %arg4[%add3A] : memref<320000xi32, #tpu.memory_space<hbm>> -> memref<80xi32, #tpu.memory_space<hbm>>
      %dma_wait3A_120 = tpu.memref_slice %arg4[%add3A] : memref<320000xi32, #tpu.memory_space<hbm>> -> memref<80xi32, #tpu.memory_space<hbm>>
      tpu.wait_dma2 semaphore(%arg25 : memref<!tpu.dma_semaphore, #tpu.memory_space<semaphore_mem>>) src(%dma_wait3A_120 : memref<80xi32, #tpu.memory_space<hbm>>) dst(%arg17 : memref<80xi32, #tpu.memory_space<vmem>>)
      %dma_wait3A_121 = arith.constant 0 : i32
      %dma_wait3A_122 = tpu.memref_slice %arg18[%dma_wait3A_121] : memref<10000xi32, #tpu.memory_space<vmem>> -> memref<80xi32, #tpu.memory_space<vmem>>
      %dma_wait3A_123 = arith.constant 0 : i32
      %dma_wait3A_124 = arith.constant 0 : i32
      %dma_wait3A_125 = tpu.memref_slice %arg2[%dma_wait3A_123, %dma_wait3A_124] : memref<10000x128xf32, #tpu.memory_space<hbm>> -> memref<10000x128xf32, #tpu.memory_space<hbm>>
      tpu.wait_indirect_dma semaphore(%arg22 : memref<!tpu.dma_semaphore, #tpu.memory_space<semaphore_mem>>) src(%dma_wait3A_125 : memref<10000x128xf32, #tpu.memory_space<hbm>>) dst(%arg14 : memref<80x128xf32, #tpu.memory_space<vmem>>)
      "tpu.region"() ({
        %run_scoped3A = tpu.sem_alloc : memref<!tpu.dma_semaphore, #tpu.memory_space<semaphore_mem>>
        %dma_start3A_126 = arith.constant 0 : i32
        %dma_start3A_127 = arith.constant 0 : i32
        %dma_start3A_128 = tpu.memref_slice %arg10[%dma_start3A_126, %dma_start3A_127] : memref<10240x128xf32, #tpu.memory_space<vmem_shared>> -> memref<10240x128xf32, #tpu.memory_space<vmem_shared>>
        tpu.enqueue_indirect_dma source(%arg14 : memref<80x128xf32, #tpu.memory_space<vmem>>) target(%dma_start3A_128 : memref<10240x128xf32, #tpu.memory_space<vmem_shared>>) offsets(%arg17 : memref<80xi32, #tpu.memory_space<vmem>>) semaphore(%run_scoped3A : memref<!tpu.dma_semaphore, #tpu.memory_space<semaphore_mem>>) {add = true}
        %dma_wait3A_129 = arith.constant 0 : i32
        %dma_wait3A_130 = arith.constant 0 : i32
        %dma_wait3A_131 = tpu.memref_slice %arg10[%dma_wait3A_129, %dma_wait3A_130] : memref<10240x128xf32, #tpu.memory_space<vmem_shared>> -> memref<10240x128xf32, #tpu.memory_space<vmem_shared>>
        tpu.wait_indirect_dma semaphore(%run_scoped3A : memref<!tpu.dma_semaphore, #tpu.memory_space<semaphore_mem>>) src(%arg14 : memref<80x128xf32, #tpu.memory_space<vmem>>) dst(%dma_wait3A_131 : memref<10240x128xf32, #tpu.memory_space<vmem_shared>>)
        tpu.yield
      }) : () -> ()
      "tpu.region"() ({
        %run_scoped3A = tpu.sem_alloc : memref<!tpu.dma_semaphore, #tpu.memory_space<semaphore_mem>>
        %dma_start3A_126 = arith.constant 0 : i32
        %dma_start3A_127 = tpu.memref_slice %arg11[%dma_start3A_126] : memref<10240xf32, #tpu.memory_space<vmem_shared>> -> memref<10240xf32, #tpu.memory_space<vmem_shared>>
        tpu.enqueue_indirect_dma source(%arg19 : memref<80xf32, #tpu.memory_space<vmem>>) target(%dma_start3A_127 : memref<10240xf32, #tpu.memory_space<vmem_shared>>) offsets(%arg17 : memref<80xi32, #tpu.memory_space<vmem>>) semaphore(%run_scoped3A : memref<!tpu.dma_semaphore, #tpu.memory_space<semaphore_mem>>) {add = true}
        %dma_wait3A_128 = arith.constant 0 : i32
        %dma_wait3A_129 = tpu.memref_slice %arg11[%dma_wait3A_128] : memref<10240xf32, #tpu.memory_space<vmem_shared>> -> memref<10240xf32, #tpu.memory_space<vmem_shared>>
        tpu.wait_indirect_dma semaphore(%run_scoped3A : memref<!tpu.dma_semaphore, #tpu.memory_space<semaphore_mem>>) src(%arg19 : memref<80xf32, #tpu.memory_space<vmem>>) dst(%dma_wait3A_129 : memref<10240xf32, #tpu.memory_space<vmem_shared>>)
        tpu.yield
      }) : () -> ()
    }
    %scan3A_28 = arith.constant 41 : i32
    %dma_wait3A = tpu.memref_slice %arg4[%add3A] : memref<320000xi32, #tpu.memory_space<hbm>> -> memref<80xi32, #tpu.memory_space<hbm>>
    %dma_wait3A_29 = tpu.memref_slice %arg4[%add3A] : memref<320000xi32, #tpu.memory_space<hbm>> -> memref<80xi32, #tpu.memory_space<hbm>>
    tpu.wait_dma2 semaphore(%arg23 : memref<!tpu.dma_semaphore, #tpu.memory_space<semaphore_mem>>) src(%dma_wait3A_29 : memref<80xi32, #tpu.memory_space<hbm>>) dst(%arg15 : memref<80xi32, #tpu.memory_space<vmem>>)
    %dma_wait3A_30 = arith.constant 0 : i32
    %dma_wait3A_31 = tpu.memref_slice %arg18[%dma_wait3A_30] : memref<10000xi32, #tpu.memory_space<vmem>> -> memref<80xi32, #tpu.memory_space<vmem>>
    %dma_wait3A_32 = arith.constant 0 : i32
    %dma_wait3A_33 = arith.constant 0 : i32
    %dma_wait3A_34 = tpu.memref_slice %arg2[%dma_wait3A_32, %dma_wait3A_33] : memref<10000x128xf32, #tpu.memory_space<hbm>> -> memref<10000x128xf32, #tpu.memory_space<hbm>>
    tpu.wait_indirect_dma semaphore(%arg20 : memref<!tpu.dma_semaphore, #tpu.memory_space<semaphore_mem>>) src(%dma_wait3A_34 : memref<10000x128xf32, #tpu.memory_space<hbm>>) dst(%arg12 : memref<80x128xf32, #tpu.memory_space<vmem>>)
    "tpu.region"() ({
      %run_scoped3A = tpu.sem_alloc : memref<!tpu.dma_semaphore, #tpu.memory_space<semaphore_mem>>
      %dma_start3A_57 = arith.constant 0 : i32
      %dma_start3A_58 = arith.constant 0 : i32
      %dma_start3A_59 = tpu.memref_slice %arg10[%dma_start3A_57, %dma_start3A_58] : memref<10240x128xf32, #tpu.memory_space<vmem_shared>> -> memref<10240x128xf32, #tpu.memory_space<vmem_shared>>
      tpu.enqueue_indirect_dma source(%arg12 : memref<80x128xf32, #tpu.memory_space<vmem>>) target(%dma_start3A_59 : memref<10240x128xf32, #tpu.memory_space<vmem_shared>>) offsets(%arg15 : memref<80xi32, #tpu.memory_space<vmem>>) semaphore(%run_scoped3A : memref<!tpu.dma_semaphore, #tpu.memory_space<semaphore_mem>>) {add = true}
      %dma_wait3A_60 = arith.constant 0 : i32
      %dma_wait3A_61 = arith.constant 0 : i32
      %dma_wait3A_62 = tpu.memref_slice %arg10[%dma_wait3A_60, %dma_wait3A_61] : memref<10240x128xf32, #tpu.memory_space<vmem_shared>> -> memref<10240x128xf32, #tpu.memory_space<vmem_shared>>
      tpu.wait_indirect_dma semaphore(%run_scoped3A : memref<!tpu.dma_semaphore, #tpu.memory_space<semaphore_mem>>) src(%arg12 : memref<80x128xf32, #tpu.memory_space<vmem>>) dst(%dma_wait3A_62 : memref<10240x128xf32, #tpu.memory_space<vmem_shared>>)
      tpu.yield
    }) : () -> ()
    "tpu.region"() ({
      %run_scoped3A = tpu.sem_alloc : memref<!tpu.dma_semaphore, #tpu.memory_space<semaphore_mem>>
      %dma_start3A_57 = arith.constant 0 : i32
      %dma_start3A_58 = tpu.memref_slice %arg11[%dma_start3A_57] : memref<10240xf32, #tpu.memory_space<vmem_shared>> -> memref<10240xf32, #tpu.memory_space<vmem_shared>>
      tpu.enqueue_indirect_dma source(%arg19 : memref<80xf32, #tpu.memory_space<vmem>>) target(%dma_start3A_58 : memref<10240xf32, #tpu.memory_space<vmem_shared>>) offsets(%arg15 : memref<80xi32, #tpu.memory_space<vmem>>) semaphore(%run_scoped3A : memref<!tpu.dma_semaphore, #tpu.memory_space<semaphore_mem>>) {add = true}
      %dma_wait3A_59 = arith.constant 0 : i32
      %dma_wait3A_60 = tpu.memref_slice %arg11[%dma_wait3A_59] : memref<10240xf32, #tpu.memory_space<vmem_shared>> -> memref<10240xf32, #tpu.memory_space<vmem_shared>>
      tpu.wait_indirect_dma semaphore(%run_scoped3A : memref<!tpu.dma_semaphore, #tpu.memory_space<semaphore_mem>>) src(%arg19 : memref<80xf32, #tpu.memory_space<vmem>>) dst(%dma_wait3A_60 : memref<10240xf32, #tpu.memory_space<vmem_shared>>)
      tpu.yield
    }) : () -> ()
    %dma_wait3A_35 = tpu.memref_slice %arg4[%add3A] : memref<320000xi32, #tpu.memory_space<hbm>> -> memref<80xi32, #tpu.memory_space<hbm>>
    %dma_wait3A_36 = tpu.memref_slice %arg4[%add3A] : memref<320000xi32, #tpu.memory_space<hbm>> -> memref<80xi32, #tpu.memory_space<hbm>>
    tpu.wait_dma2 semaphore(%arg24 : memref<!tpu.dma_semaphore, #tpu.memory_space<semaphore_mem>>) src(%dma_wait3A_36 : memref<80xi32, #tpu.memory_space<hbm>>) dst(%arg16 : memref<80xi32, #tpu.memory_space<vmem>>)
    %dma_wait3A_37 = arith.constant 0 : i32
    %dma_wait3A_38 = tpu.memref_slice %arg18[%dma_wait3A_37] : memref<10000xi32, #tpu.memory_space<vmem>> -> memref<80xi32, #tpu.memory_space<vmem>>
    %dma_wait3A_39 = arith.constant 0 : i32
    %dma_wait3A_40 = arith.constant 0 : i32
    %dma_wait3A_41 = tpu.memref_slice %arg2[%dma_wait3A_39, %dma_wait3A_40] : memref<10000x128xf32, #tpu.memory_space<hbm>> -> memref<10000x128xf32, #tpu.memory_space<hbm>>
    tpu.wait_indirect_dma semaphore(%arg21 : memref<!tpu.dma_semaphore, #tpu.memory_space<semaphore_mem>>) src(%dma_wait3A_41 : memref<10000x128xf32, #tpu.memory_space<hbm>>) dst(%arg13 : memref<80x128xf32, #tpu.memory_space<vmem>>)
    "tpu.region"() ({
      %run_scoped3A = tpu.sem_alloc : memref<!tpu.dma_semaphore, #tpu.memory_space<semaphore_mem>>
      %dma_start3A_57 = arith.constant 0 : i32
      %dma_start3A_58 = arith.constant 0 : i32
      %dma_start3A_59 = tpu.memref_slice %arg10[%dma_start3A_57, %dma_start3A_58] : memref<10240x128xf32, #tpu.memory_space<vmem_shared>> -> memref<10240x128xf32, #tpu.memory_space<vmem_shared>>
      tpu.enqueue_indirect_dma source(%arg13 : memref<80x128xf32, #tpu.memory_space<vmem>>) target(%dma_start3A_59 : memref<10240x128xf32, #tpu.memory_space<vmem_shared>>) offsets(%arg16 : memref<80xi32, #tpu.memory_space<vmem>>) semaphore(%run_scoped3A : memref<!tpu.dma_semaphore, #tpu.memory_space<semaphore_mem>>) {add = true}
      %dma_wait3A_60 = arith.constant 0 : i32
      %dma_wait3A_61 = arith.constant 0 : i32
      %dma_wait3A_62 = tpu.memref_slice %arg10[%dma_wait3A_60, %dma_wait3A_61] : memref<10240x128xf32, #tpu.memory_space<vmem_shared>> -> memref<10240x128xf32, #tpu.memory_space<vmem_shared>>
      tpu.wait_indirect_dma semaphore(%run_scoped3A : memref<!tpu.dma_semaphore, #tpu.memory_space<semaphore_mem>>) src(%arg13 : memref<80x128xf32, #tpu.memory_space<vmem>>) dst(%dma_wait3A_62 : memref<10240x128xf32, #tpu.memory_space<vmem_shared>>)
      tpu.yield
    }) : () -> ()
    "tpu.region"() ({
      %run_scoped3A = tpu.sem_alloc : memref<!tpu.dma_semaphore, #tpu.memory_space<semaphore_mem>>
      %dma_start3A_57 = arith.constant 0 : i32
      %dma_start3A_58 = tpu.memref_slice %arg11[%dma_start3A_57] : memref<10240xf32, #tpu.memory_space<vmem_shared>> -> memref<10240xf32, #tpu.memory_space<vmem_shared>>
      tpu.enqueue_indirect_dma source(%arg19 : memref<80xf32, #tpu.memory_space<vmem>>) target(%dma_start3A_58 : memref<10240xf32, #tpu.memory_space<vmem_shared>>) offsets(%arg16 : memref<80xi32, #tpu.memory_space<vmem>>) semaphore(%run_scoped3A : memref<!tpu.dma_semaphore, #tpu.memory_space<semaphore_mem>>) {add = true}
      %dma_wait3A_59 = arith.constant 0 : i32
      %dma_wait3A_60 = tpu.memref_slice %arg11[%dma_wait3A_59] : memref<10240xf32, #tpu.memory_space<vmem_shared>> -> memref<10240xf32, #tpu.memory_space<vmem_shared>>
      tpu.wait_indirect_dma semaphore(%run_scoped3A : memref<!tpu.dma_semaphore, #tpu.memory_space<semaphore_mem>>) src(%arg19 : memref<80xf32, #tpu.memory_space<vmem>>) dst(%dma_wait3A_60 : memref<10240xf32, #tpu.memory_space<vmem_shared>>)
      tpu.yield
    }) : () -> ()
    %barrier3A_42 = arith.constant 0 : index
    tpu.barrier barrier_id(%barrier3A_42)
    %mul3A_43 = arith.constant 640 : i32
    %mul3A_44 = arith.muli %arg1, %mul3A_43 : i32
    %mul3A_45 = arith.constant 10240 : i32
    %mul3A_46 = arith.muli %arg0, %mul3A_45 : i32
    %mul3A_47 = arith.constant 640 : i32
    %mul3A_48 = arith.muli %arg1, %mul3A_47 : i32
    %add3A_49 = arith.addi %mul3A_46, %mul3A_48 : i32
    "tpu.region"() ({
      %run_scoped3A = tpu.sem_alloc : memref<!tpu.dma_semaphore, #tpu.memory_space<semaphore_mem>>
      %dma_start3A_57 = arith.constant 0 : i32
      %dma_start3A_58 = tpu.memref_slice %arg8[%add3A_49, %dma_start3A_57] : memref<20480x128xf32, #tpu.memory_space<hbm>> -> memref<640x128xf32, #tpu.memory_space<hbm>>
      %dma_start3A_59 = arith.constant 0 : i32
      %dma_start3A_60 = tpu.memref_slice %arg10[%mul3A_44, %dma_start3A_59] : memref<10240x128xf32, #tpu.memory_space<vmem_shared>> -> memref<640x128xf32, #tpu.memory_space<vmem_shared>>
      tpu.enqueue_dma source(%dma_start3A_60 : memref<640x128xf32, #tpu.memory_space<vmem_shared>>) target(%dma_start3A_58 : memref<640x128xf32, #tpu.memory_space<hbm>>) target_semaphore(%run_scoped3A : memref<!tpu.dma_semaphore, #tpu.memory_space<semaphore_mem>>)
      %dma_wait3A_61 = arith.constant 0 : i32
      %dma_wait3A_62 = tpu.memref_slice %arg8[%add3A_49, %dma_wait3A_61] : memref<20480x128xf32, #tpu.memory_space<hbm>> -> memref<640x128xf32, #tpu.memory_space<hbm>>
      %dma_wait3A_63 = arith.constant 0 : i32
      %dma_wait3A_64 = tpu.memref_slice %arg10[%mul3A_44, %dma_wait3A_63] : memref<10240x128xf32, #tpu.memory_space<vmem_shared>> -> memref<640x128xf32, #tpu.memory_space<vmem_shared>>
      tpu.wait_dma2 semaphore(%run_scoped3A : memref<!tpu.dma_semaphore, #tpu.memory_space<semaphore_mem>>) src(%dma_wait3A_64 : memref<640x128xf32, #tpu.memory_space<vmem_shared>>) dst(%dma_wait3A_62 : memref<640x128xf32, #tpu.memory_space<hbm>>)
      tpu.yield
    }) : () -> ()
    %mul3A_50 = arith.constant 640 : i32
    %mul3A_51 = arith.muli %arg1, %mul3A_50 : i32
    %mul3A_52 = arith.constant 10240 : i32
    %mul3A_53 = arith.muli %arg0, %mul3A_52 : i32
    %mul3A_54 = arith.constant 640 : i32
    %mul3A_55 = arith.muli %arg1, %mul3A_54 : i32
    %add3A_56 = arith.addi %mul3A_53, %mul3A_55 : i32
    "tpu.region"() ({
      %run_scoped3A = tpu.sem_alloc : memref<!tpu.dma_semaphore, #tpu.memory_space<semaphore_mem>>
      %dma_start3A_57 = tpu.memref_slice %arg9[%add3A_56] : memref<20480xf32, #tpu.memory_space<hbm>> -> memref<640xf32, #tpu.memory_space<hbm>>
      %dma_start3A_58 = tpu.memref_slice %arg11[%mul3A_51] : memref<10240xf32, #tpu.memory_space<vmem_shared>> -> memref<640xf32, #tpu.memory_space<vmem_shared>>
      tpu.enqueue_dma source(%dma_start3A_58 : memref<640xf32, #tpu.memory_space<vmem_shared>>) target(%dma_start3A_57 : memref<640xf32, #tpu.memory_space<hbm>>) target_semaphore(%run_scoped3A : memref<!tpu.dma_semaphore, #tpu.memory_space<semaphore_mem>>)
      %dma_wait3A_59 = tpu.memref_slice %arg9[%add3A_56] : memref<20480xf32, #tpu.memory_space<hbm>> -> memref<640xf32, #tpu.memory_space<hbm>>
      %dma_wait3A_60 = tpu.memref_slice %arg11[%mul3A_51] : memref<10240xf32, #tpu.memory_space<vmem_shared>> -> memref<640xf32, #tpu.memory_space<vmem_shared>>
      tpu.wait_dma2 semaphore(%run_scoped3A : memref<!tpu.dma_semaphore, #tpu.memory_space<semaphore_mem>>) src(%dma_wait3A_60 : memref<640xf32, #tpu.memory_space<vmem_shared>>) dst(%dma_wait3A_59 : memref<640xf32, #tpu.memory_space<hbm>>)
      tpu.yield
    }) : () -> ()
    return
  }
}

#map = affine_map<(d0, d1) -> (0, 0)>
#map1 = affine_map<(d0, d1) -> (0)>
module attributes {stable_mosaic.version = 14 : i64} {
  func.func @_seg0_body(%arg0: i32, %arg1: i32, %arg2: memref<10000x128xf32, #tpu.memory_space<hbm>>, %arg3: memref<320000xi32, #tpu.memory_space<hbm>>, %arg4: memref<320000xi32, #tpu.memory_space<hbm>>, %arg5: memref<640x128xf32, #tpu.memory_space<hbm>>, %arg6: memref<640xf32, #tpu.memory_space<hbm>>, %arg7: memref<80xf32, #tpu.memory_space<hbm>>, %arg8: memref<20480x128xf32, #tpu.memory_space<hbm>>, %arg9: memref<20480xf32, #tpu.memory_space<hbm>>, %arg10: memref<10240x128xf32, #tpu.memory_space<vmem_shared>>, %arg11: memref<10240xf32, #tpu.memory_space<vmem_shared>>, %arg12: memref<80x128xf32, #tpu.memory_space<vmem>>, %arg13: memref<80x128xf32, #tpu.memory_space<vmem>>, %arg14: memref<80x128xf32, #tpu.memory_space<vmem>>, %arg15: memref<80xi32, #tpu.memory_space<vmem>>, %arg16: memref<80xi32, #tpu.memory_space<vmem>>, %arg17: memref<80xi32, #tpu.memory_space<vmem>>, %arg18: memref<10000xi32, #tpu.memory_space<vmem>>, %arg19: memref<80xf32, #tpu.memory_space<vmem>>, %arg20: memref<!tpu.dma_semaphore, #tpu.memory_space<semaphore_mem>>, %arg21: memref<!tpu.dma_semaphore, #tpu.memory_space<semaphore_mem>>, %arg22: memref<!tpu.dma_semaphore, #tpu.memory_space<semaphore_mem>>, %arg23: memref<!tpu.dma_semaphore, #tpu.memory_space<semaphore_mem>>, %arg24: memref<!tpu.dma_semaphore, #tpu.memory_space<semaphore_mem>>, %arg25: memref<!tpu.dma_semaphore, #tpu.memory_space<semaphore_mem>>) attributes {dimension_semantics = [#tpu.dimension_semantics<core_parallel>, #tpu.dimension_semantics<subcore_parallel>], iteration_bounds = array<i64: 2, 16>, scalar_prefetch = 0 : i64, scratch_operands = 16 : i64, tpu.core_type = #tpu.core_type<sc_vector_subcore>, window_params = [{transform_indices = #map}, {transform_indices = #map1}, {transform_indices = #map1}, {transform_indices = #map}, {transform_indices = #map1}, {transform_indices = #map1}, {transform_indices = #map}, {transform_indices = #map1}]} {
    %mul3A = arith.constant 640 : i32
    %mul3A_0 = arith.muli %arg1, %mul3A : i32
    "tpu.region"() ({
      %run_scoped3A = tpu.sem_alloc : memref<!tpu.dma_semaphore, #tpu.memory_space<semaphore_mem>>
      %dma_start3A_57 = arith.constant 0 : i32
      %dma_start3A_58 = tpu.memref_slice %arg10[%mul3A_0, %dma_start3A_57] : memref<10240x128xf32, #tpu.memory_space<vmem_shared>> -> memref<640x128xf32, #tpu.memory_space<vmem_shared>>
      tpu.enqueue_dma source(%arg5 : memref<640x128xf32, #tpu.memory_space<hbm>>) target(%dma_start3A_58 : memref<640x128xf32, #tpu.memory_space<vmem_shared>>) target_semaphore(%run_scoped3A : memref<!tpu.dma_semaphore, #tpu.memory_space<semaphore_mem>>)
      %dma_wait3A_59 = arith.constant 0 : i32
      %dma_wait3A_60 = tpu.memref_slice %arg10[%mul3A_0, %dma_wait3A_59] : memref<10240x128xf32, #tpu.memory_space<vmem_shared>> -> memref<640x128xf32, #tpu.memory_space<vmem_shared>>
      tpu.wait_dma2 semaphore(%run_scoped3A : memref<!tpu.dma_semaphore, #tpu.memory_space<semaphore_mem>>) src(%arg5 : memref<640x128xf32, #tpu.memory_space<hbm>>) dst(%dma_wait3A_60 : memref<640x128xf32, #tpu.memory_space<vmem_shared>>)
      tpu.yield
    }) : () -> ()
    %mul3A_1 = arith.constant 640 : i32
    %mul3A_2 = arith.muli %arg1, %mul3A_1 : i32
    "tpu.region"() ({
      %run_scoped3A = tpu.sem_alloc : memref<!tpu.dma_semaphore, #tpu.memory_space<semaphore_mem>>
      %dma_start3A_57 = tpu.memref_slice %arg11[%mul3A_2] : memref<10240xf32, #tpu.memory_space<vmem_shared>> -> memref<640xf32, #tpu.memory_space<vmem_shared>>
      tpu.enqueue_dma source(%arg6 : memref<640xf32, #tpu.memory_space<hbm>>) target(%dma_start3A_57 : memref<640xf32, #tpu.memory_space<vmem_shared>>) target_semaphore(%run_scoped3A : memref<!tpu.dma_semaphore, #tpu.memory_space<semaphore_mem>>)
      %dma_wait3A_58 = tpu.memref_slice %arg11[%mul3A_2] : memref<10240xf32, #tpu.memory_space<vmem_shared>> -> memref<640xf32, #tpu.memory_space<vmem_shared>>
      tpu.wait_dma2 semaphore(%run_scoped3A : memref<!tpu.dma_semaphore, #tpu.memory_space<semaphore_mem>>) src(%arg6 : memref<640xf32, #tpu.memory_space<hbm>>) dst(%dma_wait3A_58 : memref<640xf32, #tpu.memory_space<vmem_shared>>)
      tpu.yield
    }) : () -> ()
    "tpu.region"() ({
      %run_scoped3A = tpu.sem_alloc : memref<!tpu.dma_semaphore, #tpu.memory_space<semaphore_mem>>
      tpu.enqueue_dma source(%arg7 : memref<80xf32, #tpu.memory_space<hbm>>) target(%arg19 : memref<80xf32, #tpu.memory_space<vmem>>) target_semaphore(%run_scoped3A : memref<!tpu.dma_semaphore, #tpu.memory_space<semaphore_mem>>)
      tpu.wait_dma2 semaphore(%run_scoped3A : memref<!tpu.dma_semaphore, #tpu.memory_space<semaphore_mem>>) src(%arg7 : memref<80xf32, #tpu.memory_space<hbm>>) dst(%arg19 : memref<80xf32, #tpu.memory_space<vmem>>)
      tpu.yield
    }) : () -> ()
    %mul3A_3 = arith.constant 160000 : i32
    %mul3A_4 = arith.muli %arg0, %mul3A_3 : i32
    %mul3A_5 = arith.constant 10000 : i32
    %mul3A_6 = arith.muli %arg1, %mul3A_5 : i32
    %add3A = arith.addi %mul3A_4, %mul3A_6 : i32
    %barrier3A = arith.constant 0 : index
    tpu.barrier barrier_id(%barrier3A)
    "tpu.region"() ({
      %run_scoped3A = tpu.sem_alloc : memref<!tpu.dma_semaphore, #tpu.memory_space<semaphore_mem>>
      %dma_start3A_57 = tpu.memref_slice %arg3[%add3A] : memref<320000xi32, #tpu.memory_space<hbm>> -> memref<10000xi32, #tpu.memory_space<hbm>>
      %dma_start3A_58 = tpu.memref_slice %arg3[%add3A] : memref<320000xi32, #tpu.memory_space<hbm>> -> memref<10000xi32, #tpu.memory_space<hbm>>
      tpu.enqueue_dma source(%dma_start3A_58 : memref<10000xi32, #tpu.memory_space<hbm>>) target(%arg18 : memref<10000xi32, #tpu.memory_space<vmem>>) target_semaphore(%run_scoped3A : memref<!tpu.dma_semaphore, #tpu.memory_space<semaphore_mem>>)
      %dma_wait3A_59 = tpu.memref_slice %arg3[%add3A] : memref<320000xi32, #tpu.memory_space<hbm>> -> memref<10000xi32, #tpu.memory_space<hbm>>
      %dma_wait3A_60 = tpu.memref_slice %arg3[%add3A] : memref<320000xi32, #tpu.memory_space<hbm>> -> memref<10000xi32, #tpu.memory_space<hbm>>
      tpu.wait_dma2 semaphore(%run_scoped3A : memref<!tpu.dma_semaphore, #tpu.memory_space<semaphore_mem>>) src(%dma_wait3A_60 : memref<10000xi32, #tpu.memory_space<hbm>>) dst(%arg18 : memref<10000xi32, #tpu.memory_space<vmem>>)
      tpu.yield
    }) : () -> ()
    %add3A_7 = arith.constant 0 : i32
    %add3A_8 = arith.addi %add3A, %add3A_7 : i32
    %dma_start3A = tpu.memref_slice %arg4[%add3A_8] : memref<320000xi32, #tpu.memory_space<hbm>> -> memref<80xi32, #tpu.memory_space<hbm>>
    %dma_start3A_9 = tpu.memref_slice %arg4[%add3A_8] : memref<320000xi32, #tpu.memory_space<hbm>> -> memref<80xi32, #tpu.memory_space<hbm>>
    tpu.enqueue_dma source(%dma_start3A_9 : memref<80xi32, #tpu.memory_space<hbm>>) target(%arg15 : memref<80xi32, #tpu.memory_space<vmem>>) target_semaphore(%arg23 : memref<!tpu.dma_semaphore, #tpu.memory_space<semaphore_mem>>)
    %dma_start3A_10 = arith.constant 0 : i32
    %dma_start3A_11 = tpu.memref_slice %arg18[%dma_start3A_10] : memref<10000xi32, #tpu.memory_space<vmem>> -> memref<80xi32, #tpu.memory_space<vmem>>
    %dma_start3A_12 = arith.constant 0 : i32
    %dma_start3A_13 = arith.constant 0 : i32
    %dma_start3A_14 = tpu.memref_slice %arg2[%dma_start3A_12, %dma_start3A_13] : memref<10000x128xf32, #tpu.memory_space<hbm>> -> memref<10000x128xf32, #tpu.memory_space<hbm>>
    tpu.enqueue_indirect_dma source(%dma_start3A_14 : memref<10000x128xf32, #tpu.memory_space<hbm>>) target(%arg12 : memref<80x128xf32, #tpu.memory_space<vmem>>) offsets(%dma_start3A_11 : memref<80xi32, #tpu.memory_space<vmem>>) semaphore(%arg20 : memref<!tpu.dma_semaphore, #tpu.memory_space<semaphore_mem>>)
    %add3A_15 = arith.constant 80 : i32
    %add3A_16 = arith.addi %add3A, %add3A_15 : i32
    %dma_start3A_17 = tpu.memref_slice %arg4[%add3A_16] : memref<320000xi32, #tpu.memory_space<hbm>> -> memref<80xi32, #tpu.memory_space<hbm>>
    %dma_start3A_18 = tpu.memref_slice %arg4[%add3A_16] : memref<320000xi32, #tpu.memory_space<hbm>> -> memref<80xi32, #tpu.memory_space<hbm>>
    tpu.enqueue_dma source(%dma_start3A_18 : memref<80xi32, #tpu.memory_space<hbm>>) target(%arg16 : memref<80xi32, #tpu.memory_space<vmem>>) target_semaphore(%arg24 : memref<!tpu.dma_semaphore, #tpu.memory_space<semaphore_mem>>)
    %dma_start3A_19 = arith.constant 80 : i32
    %dma_start3A_20 = tpu.memref_slice %arg18[%dma_start3A_19] : memref<10000xi32, #tpu.memory_space<vmem>> -> memref<80xi32, #tpu.memory_space<vmem>>
    %dma_start3A_21 = arith.constant 0 : i32
    %dma_start3A_22 = arith.constant 0 : i32
    %dma_start3A_23 = tpu.memref_slice %arg2[%dma_start3A_21, %dma_start3A_22] : memref<10000x128xf32, #tpu.memory_space<hbm>> -> memref<10000x128xf32, #tpu.memory_space<hbm>>
    tpu.enqueue_indirect_dma source(%dma_start3A_23 : memref<10000x128xf32, #tpu.memory_space<hbm>>) target(%arg13 : memref<80x128xf32, #tpu.memory_space<vmem>>) offsets(%dma_start3A_20 : memref<80xi32, #tpu.memory_space<vmem>>) semaphore(%arg21 : memref<!tpu.dma_semaphore, #tpu.memory_space<semaphore_mem>>)
    %scan3A = arith.constant 0 : i32
    %scan3A_24 = arith.constant 0 : i32
    %scan3A_25 = arith.constant 41 : i32
    %scan3A_26 = arith.addi %scan3A_24, %scan3A_25 : i32
    %scan3A_27 = arith.constant 1 : i32
    scf.for %scan3A_57 = %scan3A_24 to %scan3A_26 step %scan3A_27  : i32 {
      %mul3A_58 = arith.constant 3 : i32
      %mul3A_59 = arith.muli %scan3A_57, %mul3A_58 : i32
      %add3A_60 = arith.constant 0 : i32
      %add3A_61 = arith.addi %mul3A_59, %add3A_60 : i32
      %add3A_62 = arith.constant 2 : i32
      %add3A_63 = arith.addi %add3A_61, %add3A_62 : i32
      %mul3A_64 = arith.constant 80 : i32
      %mul3A_65 = arith.muli %add3A_63, %mul3A_64 : i32
      %add3A_66 = arith.addi %add3A, %mul3A_65 : i32
      %dma_start3A_67 = tpu.memref_slice %arg4[%add3A_66] : memref<320000xi32, #tpu.memory_space<hbm>> -> memref<80xi32, #tpu.memory_space<hbm>>
      %dma_start3A_68 = tpu.memref_slice %arg4[%add3A_66] : memref<320000xi32, #tpu.memory_space<hbm>> -> memref<80xi32, #tpu.memory_space<hbm>>
      tpu.enqueue_dma source(%dma_start3A_68 : memref<80xi32, #tpu.memory_space<hbm>>) target(%arg17 : memref<80xi32, #tpu.memory_space<vmem>>) target_semaphore(%arg25 : memref<!tpu.dma_semaphore, #tpu.memory_space<semaphore_mem>>)
      %mul3A_69 = arith.constant 80 : i32
      %mul3A_70 = arith.muli %add3A_63, %mul3A_69 : i32
      %dma_start3A_71 = tpu.memref_slice %arg18[%mul3A_70] : memref<10000xi32, #tpu.memory_space<vmem>> -> memref<80xi32, #tpu.memory_space<vmem>>
      %dma_start3A_72 = arith.constant 0 : i32
      %dma_start3A_73 = arith.constant 0 : i32
      %dma_start3A_74 = tpu.memref_slice %arg2[%dma_start3A_72, %dma_start3A_73] : memref<10000x128xf32, #tpu.memory_space<hbm>> -> memref<10000x128xf32, #tpu.memory_space<hbm>>
      tpu.enqueue_indirect_dma source(%dma_start3A_74 : memref<10000x128xf32, #tpu.memory_space<hbm>>) target(%arg14 : memref<80x128xf32, #tpu.memory_space<vmem>>) offsets(%dma_start3A_71 : memref<80xi32, #tpu.memory_space<vmem>>) semaphore(%arg22 : memref<!tpu.dma_semaphore, #tpu.memory_space<semaphore_mem>>)
      %dma_wait3A_75 = tpu.memref_slice %arg4[%add3A] : memref<320000xi32, #tpu.memory_space<hbm>> -> memref<80xi32, #tpu.memory_space<hbm>>
      %dma_wait3A_76 = tpu.memref_slice %arg4[%add3A] : memref<320000xi32, #tpu.memory_space<hbm>> -> memref<80xi32, #tpu.memory_space<hbm>>
      tpu.wait_dma2 semaphore(%arg23 : memref<!tpu.dma_semaphore, #tpu.memory_space<semaphore_mem>>) src(%dma_wait3A_76 : memref<80xi32, #tpu.memory_space<hbm>>) dst(%arg15 : memref<80xi32, #tpu.memory_space<vmem>>)
      %dma_wait3A_77 = arith.constant 0 : i32
      %dma_wait3A_78 = tpu.memref_slice %arg18[%dma_wait3A_77] : memref<10000xi32, #tpu.memory_space<vmem>> -> memref<80xi32, #tpu.memory_space<vmem>>
      %dma_wait3A_79 = arith.constant 0 : i32
      %dma_wait3A_80 = arith.constant 0 : i32
      %dma_wait3A_81 = tpu.memref_slice %arg2[%dma_wait3A_79, %dma_wait3A_80] : memref<10000x128xf32, #tpu.memory_space<hbm>> -> memref<10000x128xf32, #tpu.memory_space<hbm>>
      tpu.wait_indirect_dma semaphore(%arg20 : memref<!tpu.dma_semaphore, #tpu.memory_space<semaphore_mem>>) src(%dma_wait3A_81 : memref<10000x128xf32, #tpu.memory_space<hbm>>) dst(%arg12 : memref<80x128xf32, #tpu.memory_space<vmem>>)
      "tpu.region"() ({
        %run_scoped3A = tpu.sem_alloc : memref<!tpu.dma_semaphore, #tpu.memory_space<semaphore_mem>>
        %dma_start3A_126 = arith.constant 0 : i32
        %dma_start3A_127 = arith.constant 0 : i32
        %dma_start3A_128 = tpu.memref_slice %arg10[%dma_start3A_126, %dma_start3A_127] : memref<10240x128xf32, #tpu.memory_space<vmem_shared>> -> memref<10240x128xf32, #tpu.memory_space<vmem_shared>>
        tpu.enqueue_indirect_dma source(%arg12 : memref<80x128xf32, #tpu.memory_space<vmem>>) target(%dma_start3A_128 : memref<10240x128xf32, #tpu.memory_space<vmem_shared>>) offsets(%arg15 : memref<80xi32, #tpu.memory_space<vmem>>) semaphore(%run_scoped3A : memref<!tpu.dma_semaphore, #tpu.memory_space<semaphore_mem>>) {add = true}
        %dma_wait3A_129 = arith.constant 0 : i32
        %dma_wait3A_130 = arith.constant 0 : i32
        %dma_wait3A_131 = tpu.memref_slice %arg10[%dma_wait3A_129, %dma_wait3A_130] : memref<10240x128xf32, #tpu.memory_space<vmem_shared>> -> memref<10240x128xf32, #tpu.memory_space<vmem_shared>>
        tpu.wait_indirect_dma semaphore(%run_scoped3A : memref<!tpu.dma_semaphore, #tpu.memory_space<semaphore_mem>>) src(%arg12 : memref<80x128xf32, #tpu.memory_space<vmem>>) dst(%dma_wait3A_131 : memref<10240x128xf32, #tpu.memory_space<vmem_shared>>)
        tpu.yield
      }) : () -> ()
      "tpu.region"() ({
        %run_scoped3A = tpu.sem_alloc : memref<!tpu.dma_semaphore, #tpu.memory_space<semaphore_mem>>
        %dma_start3A_126 = arith.constant 0 : i32
        %dma_start3A_127 = tpu.memref_slice %arg11[%dma_start3A_126] : memref<10240xf32, #tpu.memory_space<vmem_shared>> -> memref<10240xf32, #tpu.memory_space<vmem_shared>>
        tpu.enqueue_indirect_dma source(%arg19 : memref<80xf32, #tpu.memory_space<vmem>>) target(%dma_start3A_127 : memref<10240xf32, #tpu.memory_space<vmem_shared>>) offsets(%arg15 : memref<80xi32, #tpu.memory_space<vmem>>) semaphore(%run_scoped3A : memref<!tpu.dma_semaphore, #tpu.memory_space<semaphore_mem>>) {add = true}
        %dma_wait3A_128 = arith.constant 0 : i32
        %dma_wait3A_129 = tpu.memref_slice %arg11[%dma_wait3A_128] : memref<10240xf32, #tpu.memory_space<vmem_shared>> -> memref<10240xf32, #tpu.memory_space<vmem_shared>>
        tpu.wait_indirect_dma semaphore(%run_scoped3A : memref<!tpu.dma_semaphore, #tpu.memory_space<semaphore_mem>>) src(%arg19 : memref<80xf32, #tpu.memory_space<vmem>>) dst(%dma_wait3A_129 : memref<10240xf32, #tpu.memory_space<vmem_shared>>)
        tpu.yield
      }) : () -> ()
      %add3A_82 = arith.constant 1 : i32
      %add3A_83 = arith.addi %mul3A_59, %add3A_82 : i32
      %add3A_84 = arith.constant 2 : i32
      %add3A_85 = arith.addi %add3A_83, %add3A_84 : i32
      %mul3A_86 = arith.constant 80 : i32
      %mul3A_87 = arith.muli %add3A_85, %mul3A_86 : i32
      %add3A_88 = arith.addi %add3A, %mul3A_87 : i32
      %dma_start3A_89 = tpu.memref_slice %arg4[%add3A_88] : memref<320000xi32, #tpu.memory_space<hbm>> -> memref<80xi32, #tpu.memory_space<hbm>>
      %dma_start3A_90 = tpu.memref_slice %arg4[%add3A_88] : memref<320000xi32, #tpu.memory_space<hbm>> -> memref<80xi32, #tpu.memory_space<hbm>>
      tpu.enqueue_dma source(%dma_start3A_90 : memref<80xi32, #tpu.memory_space<hbm>>) target(%arg15 : memref<80xi32, #tpu.memory_space<vmem>>) target_semaphore(%arg23 : memref<!tpu.dma_semaphore, #tpu.memory_space<semaphore_mem>>)
      %mul3A_91 = arith.constant 80 : i32
      %mul3A_92 = arith.muli %add3A_85, %mul3A_91 : i32
      %dma_start3A_93 = tpu.memref_slice %arg18[%mul3A_92] : memref<10000xi32, #tpu.memory_space<vmem>> -> memref<80xi32, #tpu.memory_space<vmem>>
      %dma_start3A_94 = arith.constant 0 : i32
      %dma_start3A_95 = arith.constant 0 : i32
      %dma_start3A_96 = tpu.memref_slice %arg2[%dma_start3A_94, %dma_start3A_95] : memref<10000x128xf32, #tpu.memory_space<hbm>> -> memref<10000x128xf32, #tpu.memory_space<hbm>>
      tpu.enqueue_indirect_dma source(%dma_start3A_96 : memref<10000x128xf32, #tpu.memory_space<hbm>>) target(%arg12 : memref<80x128xf32, #tpu.memory_space<vmem>>) offsets(%dma_start3A_93 : memref<80xi32, #tpu.memory_space<vmem>>) semaphore(%arg20 : memref<!tpu.dma_semaphore, #tpu.memory_space<semaphore_mem>>)
      %dma_wait3A_97 = tpu.memref_slice %arg4[%add3A] : memref<320000xi32, #tpu.memory_space<hbm>> -> memref<80xi32, #tpu.memory_space<hbm>>
      %dma_wait3A_98 = tpu.memref_slice %arg4[%add3A] : memref<320000xi32, #tpu.memory_space<hbm>> -> memref<80xi32, #tpu.memory_space<hbm>>
      tpu.wait_dma2 semaphore(%arg24 : memref<!tpu.dma_semaphore, #tpu.memory_space<semaphore_mem>>) src(%dma_wait3A_98 : memref<80xi32, #tpu.memory_space<hbm>>) dst(%arg16 : memref<80xi32, #tpu.memory_space<vmem>>)
      %dma_wait3A_99 = arith.constant 0 : i32
      %dma_wait3A_100 = tpu.memref_slice %arg18[%dma_wait3A_99] : memref<10000xi32, #tpu.memory_space<vmem>> -> memref<80xi32, #tpu.memory_space<vmem>>
      %dma_wait3A_101 = arith.constant 0 : i32
      %dma_wait3A_102 = arith.constant 0 : i32
      %dma_wait3A_103 = tpu.memref_slice %arg2[%dma_wait3A_101, %dma_wait3A_102] : memref<10000x128xf32, #tpu.memory_space<hbm>> -> memref<10000x128xf32, #tpu.memory_space<hbm>>
      tpu.wait_indirect_dma semaphore(%arg21 : memref<!tpu.dma_semaphore, #tpu.memory_space<semaphore_mem>>) src(%dma_wait3A_103 : memref<10000x128xf32, #tpu.memory_space<hbm>>) dst(%arg13 : memref<80x128xf32, #tpu.memory_space<vmem>>)
      "tpu.region"() ({
        %run_scoped3A = tpu.sem_alloc : memref<!tpu.dma_semaphore, #tpu.memory_space<semaphore_mem>>
        %dma_start3A_126 = arith.constant 0 : i32
        %dma_start3A_127 = arith.constant 0 : i32
        %dma_start3A_128 = tpu.memref_slice %arg10[%dma_start3A_126, %dma_start3A_127] : memref<10240x128xf32, #tpu.memory_space<vmem_shared>> -> memref<10240x128xf32, #tpu.memory_space<vmem_shared>>
        tpu.enqueue_indirect_dma source(%arg13 : memref<80x128xf32, #tpu.memory_space<vmem>>) target(%dma_start3A_128 : memref<10240x128xf32, #tpu.memory_space<vmem_shared>>) offsets(%arg16 : memref<80xi32, #tpu.memory_space<vmem>>) semaphore(%run_scoped3A : memref<!tpu.dma_semaphore, #tpu.memory_space<semaphore_mem>>) {add = true}
        %dma_wait3A_129 = arith.constant 0 : i32
        %dma_wait3A_130 = arith.constant 0 : i32
        %dma_wait3A_131 = tpu.memref_slice %arg10[%dma_wait3A_129, %dma_wait3A_130] : memref<10240x128xf32, #tpu.memory_space<vmem_shared>> -> memref<10240x128xf32, #tpu.memory_space<vmem_shared>>
        tpu.wait_indirect_dma semaphore(%run_scoped3A : memref<!tpu.dma_semaphore, #tpu.memory_space<semaphore_mem>>) src(%arg13 : memref<80x128xf32, #tpu.memory_space<vmem>>) dst(%dma_wait3A_131 : memref<10240x128xf32, #tpu.memory_space<vmem_shared>>)
        tpu.yield
      }) : () -> ()
      "tpu.region"() ({
        %run_scoped3A = tpu.sem_alloc : memref<!tpu.dma_semaphore, #tpu.memory_space<semaphore_mem>>
        %dma_start3A_126 = arith.constant 0 : i32
        %dma_start3A_127 = tpu.memref_slice %arg11[%dma_start3A_126] : memref<10240xf32, #tpu.memory_space<vmem_shared>> -> memref<10240xf32, #tpu.memory_space<vmem_shared>>
        tpu.enqueue_indirect_dma source(%arg19 : memref<80xf32, #tpu.memory_space<vmem>>) target(%dma_start3A_127 : memref<10240xf32, #tpu.memory_space<vmem_shared>>) offsets(%arg16 : memref<80xi32, #tpu.memory_space<vmem>>) semaphore(%run_scoped3A : memref<!tpu.dma_semaphore, #tpu.memory_space<semaphore_mem>>) {add = true}
        %dma_wait3A_128 = arith.constant 0 : i32
        %dma_wait3A_129 = tpu.memref_slice %arg11[%dma_wait3A_128] : memref<10240xf32, #tpu.memory_space<vmem_shared>> -> memref<10240xf32, #tpu.memory_space<vmem_shared>>
        tpu.wait_indirect_dma semaphore(%run_scoped3A : memref<!tpu.dma_semaphore, #tpu.memory_space<semaphore_mem>>) src(%arg19 : memref<80xf32, #tpu.memory_space<vmem>>) dst(%dma_wait3A_129 : memref<10240xf32, #tpu.memory_space<vmem_shared>>)
        tpu.yield
      }) : () -> ()
      %add3A_104 = arith.constant 2 : i32
      %add3A_105 = arith.addi %mul3A_59, %add3A_104 : i32
      %add3A_106 = arith.constant 2 : i32
      %add3A_107 = arith.addi %add3A_105, %add3A_106 : i32
      %mul3A_108 = arith.constant 80 : i32
      %mul3A_109 = arith.muli %add3A_107, %mul3A_108 : i32
      %add3A_110 = arith.addi %add3A, %mul3A_109 : i32
      %dma_start3A_111 = tpu.memref_slice %arg4[%add3A_110] : memref<320000xi32, #tpu.memory_space<hbm>> -> memref<80xi32, #tpu.memory_space<hbm>>
      %dma_start3A_112 = tpu.memref_slice %arg4[%add3A_110] : memref<320000xi32, #tpu.memory_space<hbm>> -> memref<80xi32, #tpu.memory_space<hbm>>
      tpu.enqueue_dma source(%dma_start3A_112 : memref<80xi32, #tpu.memory_space<hbm>>) target(%arg16 : memref<80xi32, #tpu.memory_space<vmem>>) target_semaphore(%arg24 : memref<!tpu.dma_semaphore, #tpu.memory_space<semaphore_mem>>)
      %mul3A_113 = arith.constant 80 : i32
      %mul3A_114 = arith.muli %add3A_107, %mul3A_113 : i32
      %dma_start3A_115 = tpu.memref_slice %arg18[%mul3A_114] : memref<10000xi32, #tpu.memory_space<vmem>> -> memref<80xi32, #tpu.memory_space<vmem>>
      %dma_start3A_116 = arith.constant 0 : i32
      %dma_start3A_117 = arith.constant 0 : i32
      %dma_start3A_118 = tpu.memref_slice %arg2[%dma_start3A_116, %dma_start3A_117] : memref<10000x128xf32, #tpu.memory_space<hbm>> -> memref<10000x128xf32, #tpu.memory_space<hbm>>
      tpu.enqueue_indirect_dma source(%dma_start3A_118 : memref<10000x128xf32, #tpu.memory_space<hbm>>) target(%arg13 : memref<80x128xf32, #tpu.memory_space<vmem>>) offsets(%dma_start3A_115 : memref<80xi32, #tpu.memory_space<vmem>>) semaphore(%arg21 : memref<!tpu.dma_semaphore, #tpu.memory_space<semaphore_mem>>)
      %dma_wait3A_119 = tpu.memref_slice %arg4[%add3A] : memref<320000xi32, #tpu.memory_space<hbm>> -> memref<80xi32, #tpu.memory_space<hbm>>
      %dma_wait3A_120 = tpu.memref_slice %arg4[%add3A] : memref<320000xi32, #tpu.memory_space<hbm>> -> memref<80xi32, #tpu.memory_space<hbm>>
      tpu.wait_dma2 semaphore(%arg25 : memref<!tpu.dma_semaphore, #tpu.memory_space<semaphore_mem>>) src(%dma_wait3A_120 : memref<80xi32, #tpu.memory_space<hbm>>) dst(%arg17 : memref<80xi32, #tpu.memory_space<vmem>>)
      %dma_wait3A_121 = arith.constant 0 : i32
      %dma_wait3A_122 = tpu.memref_slice %arg18[%dma_wait3A_121] : memref<10000xi32, #tpu.memory_space<vmem>> -> memref<80xi32, #tpu.memory_space<vmem>>
      %dma_wait3A_123 = arith.constant 0 : i32
      %dma_wait3A_124 = arith.constant 0 : i32
      %dma_wait3A_125 = tpu.memref_slice %arg2[%dma_wait3A_123, %dma_wait3A_124] : memref<10000x128xf32, #tpu.memory_space<hbm>> -> memref<10000x128xf32, #tpu.memory_space<hbm>>
      tpu.wait_indirect_dma semaphore(%arg22 : memref<!tpu.dma_semaphore, #tpu.memory_space<semaphore_mem>>) src(%dma_wait3A_125 : memref<10000x128xf32, #tpu.memory_space<hbm>>) dst(%arg14 : memref<80x128xf32, #tpu.memory_space<vmem>>)
      "tpu.region"() ({
        %run_scoped3A = tpu.sem_alloc : memref<!tpu.dma_semaphore, #tpu.memory_space<semaphore_mem>>
        %dma_start3A_126 = arith.constant 0 : i32
        %dma_start3A_127 = arith.constant 0 : i32
        %dma_start3A_128 = tpu.memref_slice %arg10[%dma_start3A_126, %dma_start3A_127] : memref<10240x128xf32, #tpu.memory_space<vmem_shared>> -> memref<10240x128xf32, #tpu.memory_space<vmem_shared>>
        tpu.enqueue_indirect_dma source(%arg14 : memref<80x128xf32, #tpu.memory_space<vmem>>) target(%dma_start3A_128 : memref<10240x128xf32, #tpu.memory_space<vmem_shared>>) offsets(%arg17 : memref<80xi32, #tpu.memory_space<vmem>>) semaphore(%run_scoped3A : memref<!tpu.dma_semaphore, #tpu.memory_space<semaphore_mem>>) {add = true}
        %dma_wait3A_129 = arith.constant 0 : i32
        %dma_wait3A_130 = arith.constant 0 : i32
        %dma_wait3A_131 = tpu.memref_slice %arg10[%dma_wait3A_129, %dma_wait3A_130] : memref<10240x128xf32, #tpu.memory_space<vmem_shared>> -> memref<10240x128xf32, #tpu.memory_space<vmem_shared>>
        tpu.wait_indirect_dma semaphore(%run_scoped3A : memref<!tpu.dma_semaphore, #tpu.memory_space<semaphore_mem>>) src(%arg14 : memref<80x128xf32, #tpu.memory_space<vmem>>) dst(%dma_wait3A_131 : memref<10240x128xf32, #tpu.memory_space<vmem_shared>>)
        tpu.yield
      }) : () -> ()
      "tpu.region"() ({
        %run_scoped3A = tpu.sem_alloc : memref<!tpu.dma_semaphore, #tpu.memory_space<semaphore_mem>>
        %dma_start3A_126 = arith.constant 0 : i32
        %dma_start3A_127 = tpu.memref_slice %arg11[%dma_start3A_126] : memref<10240xf32, #tpu.memory_space<vmem_shared>> -> memref<10240xf32, #tpu.memory_space<vmem_shared>>
        tpu.enqueue_indirect_dma source(%arg19 : memref<80xf32, #tpu.memory_space<vmem>>) target(%dma_start3A_127 : memref<10240xf32, #tpu.memory_space<vmem_shared>>) offsets(%arg17 : memref<80xi32, #tpu.memory_space<vmem>>) semaphore(%run_scoped3A : memref<!tpu.dma_semaphore, #tpu.memory_space<semaphore_mem>>) {add = true}
        %dma_wait3A_128 = arith.constant 0 : i32
        %dma_wait3A_129 = tpu.memref_slice %arg11[%dma_wait3A_128] : memref<10240xf32, #tpu.memory_space<vmem_shared>> -> memref<10240xf32, #tpu.memory_space<vmem_shared>>
        tpu.wait_indirect_dma semaphore(%run_scoped3A : memref<!tpu.dma_semaphore, #tpu.memory_space<semaphore_mem>>) src(%arg19 : memref<80xf32, #tpu.memory_space<vmem>>) dst(%dma_wait3A_129 : memref<10240xf32, #tpu.memory_space<vmem_shared>>)
        tpu.yield
      }) : () -> ()
    }
    %scan3A_28 = arith.constant 41 : i32
    %dma_wait3A = tpu.memref_slice %arg4[%add3A] : memref<320000xi32, #tpu.memory_space<hbm>> -> memref<80xi32, #tpu.memory_space<hbm>>
    %dma_wait3A_29 = tpu.memref_slice %arg4[%add3A] : memref<320000xi32, #tpu.memory_space<hbm>> -> memref<80xi32, #tpu.memory_space<hbm>>
    tpu.wait_dma2 semaphore(%arg23 : memref<!tpu.dma_semaphore, #tpu.memory_space<semaphore_mem>>) src(%dma_wait3A_29 : memref<80xi32, #tpu.memory_space<hbm>>) dst(%arg15 : memref<80xi32, #tpu.memory_space<vmem>>)
    %dma_wait3A_30 = arith.constant 0 : i32
    %dma_wait3A_31 = tpu.memref_slice %arg18[%dma_wait3A_30] : memref<10000xi32, #tpu.memory_space<vmem>> -> memref<80xi32, #tpu.memory_space<vmem>>
    %dma_wait3A_32 = arith.constant 0 : i32
    %dma_wait3A_33 = arith.constant 0 : i32
    %dma_wait3A_34 = tpu.memref_slice %arg2[%dma_wait3A_32, %dma_wait3A_33] : memref<10000x128xf32, #tpu.memory_space<hbm>> -> memref<10000x128xf32, #tpu.memory_space<hbm>>
    tpu.wait_indirect_dma semaphore(%arg20 : memref<!tpu.dma_semaphore, #tpu.memory_space<semaphore_mem>>) src(%dma_wait3A_34 : memref<10000x128xf32, #tpu.memory_space<hbm>>) dst(%arg12 : memref<80x128xf32, #tpu.memory_space<vmem>>)
    "tpu.region"() ({
      %run_scoped3A = tpu.sem_alloc : memref<!tpu.dma_semaphore, #tpu.memory_space<semaphore_mem>>
      %dma_start3A_57 = arith.constant 0 : i32
      %dma_start3A_58 = arith.constant 0 : i32
      %dma_start3A_59 = tpu.memref_slice %arg10[%dma_start3A_57, %dma_start3A_58] : memref<10240x128xf32, #tpu.memory_space<vmem_shared>> -> memref<10240x128xf32, #tpu.memory_space<vmem_shared>>
      tpu.enqueue_indirect_dma source(%arg12 : memref<80x128xf32, #tpu.memory_space<vmem>>) target(%dma_start3A_59 : memref<10240x128xf32, #tpu.memory_space<vmem_shared>>) offsets(%arg15 : memref<80xi32, #tpu.memory_space<vmem>>) semaphore(%run_scoped3A : memref<!tpu.dma_semaphore, #tpu.memory_space<semaphore_mem>>) {add = true}
      %dma_wait3A_60 = arith.constant 0 : i32
      %dma_wait3A_61 = arith.constant 0 : i32
      %dma_wait3A_62 = tpu.memref_slice %arg10[%dma_wait3A_60, %dma_wait3A_61] : memref<10240x128xf32, #tpu.memory_space<vmem_shared>> -> memref<10240x128xf32, #tpu.memory_space<vmem_shared>>
      tpu.wait_indirect_dma semaphore(%run_scoped3A : memref<!tpu.dma_semaphore, #tpu.memory_space<semaphore_mem>>) src(%arg12 : memref<80x128xf32, #tpu.memory_space<vmem>>) dst(%dma_wait3A_62 : memref<10240x128xf32, #tpu.memory_space<vmem_shared>>)
      tpu.yield
    }) : () -> ()
    "tpu.region"() ({
      %run_scoped3A = tpu.sem_alloc : memref<!tpu.dma_semaphore, #tpu.memory_space<semaphore_mem>>
      %dma_start3A_57 = arith.constant 0 : i32
      %dma_start3A_58 = tpu.memref_slice %arg11[%dma_start3A_57] : memref<10240xf32, #tpu.memory_space<vmem_shared>> -> memref<10240xf32, #tpu.memory_space<vmem_shared>>
      tpu.enqueue_indirect_dma source(%arg19 : memref<80xf32, #tpu.memory_space<vmem>>) target(%dma_start3A_58 : memref<10240xf32, #tpu.memory_space<vmem_shared>>) offsets(%arg15 : memref<80xi32, #tpu.memory_space<vmem>>) semaphore(%run_scoped3A : memref<!tpu.dma_semaphore, #tpu.memory_space<semaphore_mem>>) {add = true}
      %dma_wait3A_59 = arith.constant 0 : i32
      %dma_wait3A_60 = tpu.memref_slice %arg11[%dma_wait3A_59] : memref<10240xf32, #tpu.memory_space<vmem_shared>> -> memref<10240xf32, #tpu.memory_space<vmem_shared>>
      tpu.wait_indirect_dma semaphore(%run_scoped3A : memref<!tpu.dma_semaphore, #tpu.memory_space<semaphore_mem>>) src(%arg19 : memref<80xf32, #tpu.memory_space<vmem>>) dst(%dma_wait3A_60 : memref<10240xf32, #tpu.memory_space<vmem_shared>>)
      tpu.yield
    }) : () -> ()
    %dma_wait3A_35 = tpu.memref_slice %arg4[%add3A] : memref<320000xi32, #tpu.memory_space<hbm>> -> memref<80xi32, #tpu.memory_space<hbm>>
    %dma_wait3A_36 = tpu.memref_slice %arg4[%add3A] : memref<320000xi32, #tpu.memory_space<hbm>> -> memref<80xi32, #tpu.memory_space<hbm>>
    tpu.wait_dma2 semaphore(%arg24 : memref<!tpu.dma_semaphore, #tpu.memory_space<semaphore_mem>>) src(%dma_wait3A_36 : memref<80xi32, #tpu.memory_space<hbm>>) dst(%arg16 : memref<80xi32, #tpu.memory_space<vmem>>)
    %dma_wait3A_37 = arith.constant 0 : i32
    %dma_wait3A_38 = tpu.memref_slice %arg18[%dma_wait3A_37] : memref<10000xi32, #tpu.memory_space<vmem>> -> memref<80xi32, #tpu.memory_space<vmem>>
    %dma_wait3A_39 = arith.constant 0 : i32
    %dma_wait3A_40 = arith.constant 0 : i32
    %dma_wait3A_41 = tpu.memref_slice %arg2[%dma_wait3A_39, %dma_wait3A_40] : memref<10000x128xf32, #tpu.memory_space<hbm>> -> memref<10000x128xf32, #tpu.memory_space<hbm>>
    tpu.wait_indirect_dma semaphore(%arg21 : memref<!tpu.dma_semaphore, #tpu.memory_space<semaphore_mem>>) src(%dma_wait3A_41 : memref<10000x128xf32, #tpu.memory_space<hbm>>) dst(%arg13 : memref<80x128xf32, #tpu.memory_space<vmem>>)
    "tpu.region"() ({
      %run_scoped3A = tpu.sem_alloc : memref<!tpu.dma_semaphore, #tpu.memory_space<semaphore_mem>>
      %dma_start3A_57 = arith.constant 0 : i32
      %dma_start3A_58 = arith.constant 0 : i32
      %dma_start3A_59 = tpu.memref_slice %arg10[%dma_start3A_57, %dma_start3A_58] : memref<10240x128xf32, #tpu.memory_space<vmem_shared>> -> memref<10240x128xf32, #tpu.memory_space<vmem_shared>>
      tpu.enqueue_indirect_dma source(%arg13 : memref<80x128xf32, #tpu.memory_space<vmem>>) target(%dma_start3A_59 : memref<10240x128xf32, #tpu.memory_space<vmem_shared>>) offsets(%arg16 : memref<80xi32, #tpu.memory_space<vmem>>) semaphore(%run_scoped3A : memref<!tpu.dma_semaphore, #tpu.memory_space<semaphore_mem>>) {add = true}
      %dma_wait3A_60 = arith.constant 0 : i32
      %dma_wait3A_61 = arith.constant 0 : i32
      %dma_wait3A_62 = tpu.memref_slice %arg10[%dma_wait3A_60, %dma_wait3A_61] : memref<10240x128xf32, #tpu.memory_space<vmem_shared>> -> memref<10240x128xf32, #tpu.memory_space<vmem_shared>>
      tpu.wait_indirect_dma semaphore(%run_scoped3A : memref<!tpu.dma_semaphore, #tpu.memory_space<semaphore_mem>>) src(%arg13 : memref<80x128xf32, #tpu.memory_space<vmem>>) dst(%dma_wait3A_62 : memref<10240x128xf32, #tpu.memory_space<vmem_shared>>)
      tpu.yield
    }) : () -> ()
    "tpu.region"() ({
      %run_scoped3A = tpu.sem_alloc : memref<!tpu.dma_semaphore, #tpu.memory_space<semaphore_mem>>
      %dma_start3A_57 = arith.constant 0 : i32
      %dma_start3A_58 = tpu.memref_slice %arg11[%dma_start3A_57] : memref<10240xf32, #tpu.memory_space<vmem_shared>> -> memref<10240xf32, #tpu.memory_space<vmem_shared>>
      tpu.enqueue_indirect_dma source(%arg19 : memref<80xf32, #tpu.memory_space<vmem>>) target(%dma_start3A_58 : memref<10240xf32, #tpu.memory_space<vmem_shared>>) offsets(%arg16 : memref<80xi32, #tpu.memory_space<vmem>>) semaphore(%run_scoped3A : memref<!tpu.dma_semaphore, #tpu.memory_space<semaphore_mem>>) {add = true}
      %dma_wait3A_59 = arith.constant 0 : i32
      %dma_wait3A_60 = tpu.memref_slice %arg11[%dma_wait3A_59] : memref<10240xf32, #tpu.memory_space<vmem_shared>> -> memref<10240xf32, #tpu.memory_space<vmem_shared>>
      tpu.wait_indirect_dma semaphore(%run_scoped3A : memref<!tpu.dma_semaphore, #tpu.memory_space<semaphore_mem>>) src(%arg19 : memref<80xf32, #tpu.memory_space<vmem>>) dst(%dma_wait3A_60 : memref<10240xf32, #tpu.memory_space<vmem_shared>>)
      tpu.yield
    }) : () -> ()
    %barrier3A_42 = arith.constant 0 : index
    tpu.barrier barrier_id(%barrier3A_42)
    %mul3A_43 = arith.constant 640 : i32
    %mul3A_44 = arith.muli %arg1, %mul3A_43 : i32
    %mul3A_45 = arith.constant 10240 : i32
    %mul3A_46 = arith.muli %arg0, %mul3A_45 : i32
    %mul3A_47 = arith.constant 640 : i32
    %mul3A_48 = arith.muli %arg1, %mul3A_47 : i32
    %add3A_49 = arith.addi %mul3A_46, %mul3A_48 : i32
    "tpu.region"() ({
      %run_scoped3A = tpu.sem_alloc : memref<!tpu.dma_semaphore, #tpu.memory_space<semaphore_mem>>
      %dma_start3A_57 = arith.constant 0 : i32
      %dma_start3A_58 = tpu.memref_slice %arg8[%add3A_49, %dma_start3A_57] : memref<20480x128xf32, #tpu.memory_space<hbm>> -> memref<640x128xf32, #tpu.memory_space<hbm>>
      %dma_start3A_59 = arith.constant 0 : i32
      %dma_start3A_60 = tpu.memref_slice %arg10[%mul3A_44, %dma_start3A_59] : memref<10240x128xf32, #tpu.memory_space<vmem_shared>> -> memref<640x128xf32, #tpu.memory_space<vmem_shared>>
      tpu.enqueue_dma source(%dma_start3A_60 : memref<640x128xf32, #tpu.memory_space<vmem_shared>>) target(%dma_start3A_58 : memref<640x128xf32, #tpu.memory_space<hbm>>) target_semaphore(%run_scoped3A : memref<!tpu.dma_semaphore, #tpu.memory_space<semaphore_mem>>)
      %dma_wait3A_61 = arith.constant 0 : i32
      %dma_wait3A_62 = tpu.memref_slice %arg8[%add3A_49, %dma_wait3A_61] : memref<20480x128xf32, #tpu.memory_space<hbm>> -> memref<640x128xf32, #tpu.memory_space<hbm>>
      %dma_wait3A_63 = arith.constant 0 : i32
      %dma_wait3A_64 = tpu.memref_slice %arg10[%mul3A_44, %dma_wait3A_63] : memref<10240x128xf32, #tpu.memory_space<vmem_shared>> -> memref<640x128xf32, #tpu.memory_space<vmem_shared>>
      tpu.wait_dma2 semaphore(%run_scoped3A : memref<!tpu.dma_semaphore, #tpu.memory_space<semaphore_mem>>) src(%dma_wait3A_64 : memref<640x128xf32, #tpu.memory_space<vmem_shared>>) dst(%dma_wait3A_62 : memref<640x128xf32, #tpu.memory_space<hbm>>)
      tpu.yield
    }) : () -> ()
    %mul3A_50 = arith.constant 640 : i32
    %mul3A_51 = arith.muli %arg1, %mul3A_50 : i32
    %mul3A_52 = arith.constant 10240 : i32
    %mul3A_53 = arith.muli %arg0, %mul3A_52 : i32
    %mul3A_54 = arith.constant 640 : i32
    %mul3A_55 = arith.muli %arg1, %mul3A_54 : i32
    %add3A_56 = arith.addi %mul3A_53, %mul3A_55 : i32
    "tpu.region"() ({
      %run_scoped3A = tpu.sem_alloc : memref<!tpu.dma_semaphore, #tpu.memory_space<semaphore_mem>>
      %dma_start3A_57 = tpu.memref_slice %arg9[%add3A_56] : memref<20480xf32, #tpu.memory_space<hbm>> -> memref<640xf32, #tpu.memory_space<hbm>>
      %dma_start3A_58 = tpu.memref_slice %arg11[%mul3A_51] : memref<10240xf32, #tpu.memory_space<vmem_shared>> -> memref<640xf32, #tpu.memory_space<vmem_shared>>
      tpu.enqueue_dma source(%dma_start3A_58 : memref<640xf32, #tpu.memory_space<vmem_shared>>) target(%dma_start3A_57 : memref<640xf32, #tpu.memory_space<hbm>>) target_semaphore(%run_scoped3A : memref<!tpu.dma_semaphore, #tpu.memory_space<semaphore_mem>>)
      %dma_wait3A_59 = tpu.memref_slice %arg9[%add3A_56] : memref<20480xf32, #tpu.memory_space<hbm>> -> memref<640xf32, #tpu.memory_space<hbm>>
      %dma_wait3A_60 = tpu.memref_slice %arg11[%mul3A_51] : memref<10240xf32, #tpu.memory_space<vmem_shared>> -> memref<640xf32, #tpu.memory_space<vmem_shared>>
      tpu.wait_dma2 semaphore(%run_scoped3A : memref<!tpu.dma_semaphore, #tpu.memory_space<semaphore_mem>>) src(%dma_wait3A_60 : memref<640xf32, #tpu.memory_space<vmem_shared>>) dst(%dma_wait3A_59 : memref<640xf32, #tpu.memory_space<hbm>>)
      tpu.yield
    }) : () -> ()
    return
  }
}

module attributes {stable_mosaic.version = 14 : i64} {
  func.func @_d0_body(%arg0: i32, %arg1: memref<1000x128xf32, #tpu.memory_space<vmem>>, %arg2: memref<1000x128xf32, #tpu.memory_space<vmem>>, %arg3: memref<1000x1xf32, #tpu.memory_space<vmem>>, %arg4: memref<1000x1xf32, #tpu.memory_space<vmem>>, %arg5: memref<1000x128xf32, #tpu.memory_space<vmem>>, %arg6: memref<1000x128xf32, #tpu.memory_space<vmem>>, %arg7: memref<1000x128xf32, #tpu.memory_space<vmem>>, %arg8: memref<1000x1xf32, #tpu.memory_space<vmem>>, %arg9: memref<1000x1xf32, #tpu.memory_space<vmem>>, %arg10: memref<1000x128xf32, #tpu.memory_space<vmem>>, %arg11: memref<4x128x128xf32, #tpu.memory_space<vmem>>, %arg12: memref<2x128xf32, #tpu.memory_space<vmem>>, %arg13: memref<4x128x128xf32, #tpu.memory_space<vmem>>, %arg14: memref<2x128xf32, #tpu.memory_space<vmem>>, %arg15: memref<1000x128xf32, #tpu.memory_space<vmem>>, %arg16: memref<1000x128xf32, #tpu.memory_space<vmem>>, %arg17: memref<1000x128xf32, #tpu.memory_space<vmem>>, %arg18: memref<1000x128xf32, #tpu.memory_space<vmem>>, %arg19: memref<1000x128xf32, #tpu.memory_space<vmem>>, %arg20: memref<1000x128xf32, #tpu.memory_space<vmem>>) attributes {dimension_semantics = [#tpu.dimension_semantics<arbitrary>], iteration_bounds = array<i64: 10>, scalar_prefetch = 0 : i64, scratch_operands = 0 : i64, tpu.core_type = #tpu.core_type<tc>, window_params = [{transform_indices = @transform_0, window_bounds = array<i64: 1000, 128>}, {transform_indices = @transform_1, window_bounds = array<i64: 1000, 128>}, {transform_indices = @transform_2, window_bounds = array<i64: 1000, 1>}, {transform_indices = @transform_3, window_bounds = array<i64: 1000, 1>}, {transform_indices = @transform_4, window_bounds = array<i64: 1000, 128>}, {transform_indices = @transform_5, window_bounds = array<i64: 1000, 128>}, {transform_indices = @transform_6, window_bounds = array<i64: 1000, 128>}, {transform_indices = @transform_7, window_bounds = array<i64: 1000, 1>}, {transform_indices = @transform_8, window_bounds = array<i64: 1000, 1>}, {transform_indices = @transform_9, window_bounds = array<i64: 1000, 128>}, {pipeline_mode = #tpu.pipeline_mode<synchronous>, transform_indices = @transform_10, window_bounds = array<i64: 4, 128, 128>}, {pipeline_mode = #tpu.pipeline_mode<synchronous>, transform_indices = @transform_11, window_bounds = array<i64: 2, 128>}, {pipeline_mode = #tpu.pipeline_mode<synchronous>, transform_indices = @transform_12, window_bounds = array<i64: 4, 128, 128>}, {pipeline_mode = #tpu.pipeline_mode<synchronous>, transform_indices = @transform_13, window_bounds = array<i64: 2, 128>}, {transform_indices = @transform_14, window_bounds = array<i64: 1000, 128>}, {transform_indices = @transform_15, window_bounds = array<i64: 1000, 128>}, {transform_indices = @transform_16, window_bounds = array<i64: 1000, 128>}, {transform_indices = @transform_17, window_bounds = array<i64: 1000, 128>}, {transform_indices = @transform_18, window_bounds = array<i64: 1000, 128>}, {transform_indices = @transform_19, window_bounds = array<i64: 1000, 128>}]} {
    %get3A = arith.constant 0 : index
    %get3A_0 = arith.constant 0 : index
    %get3A_1 = vector.load %arg3[%get3A, %get3A_0] : memref<1000x1xf32, #tpu.memory_space<vmem>>, vector<1000x1xf32>
    %get3A_2 = arith.constant 0 : index
    %get3A_3 = arith.constant 0 : index
    %get3A_4 = vector.load %arg4[%get3A_2, %get3A_3] : memref<1000x1xf32, #tpu.memory_space<vmem>>, vector<1000x1xf32>
    %add3A = arith.addf %get3A_1, %get3A_4 : vector<1000x1xf32>
    %max3A = arith.constant 1.000000e+00 : f32
    %max3A_5 = vector.broadcast %max3A : f32 to vector<1000x1xf32>
    %max3A_6 = arith.maximumf %add3A, %max3A_5 : vector<1000x1xf32>
    %div3A = arith.constant 1.000000e+00 : f32
    %div3A_7 = vector.broadcast %div3A : f32 to vector<1000x1xf32>
    %div3A_8 = arith.divf %div3A_7, %max3A_6 : vector<1000x1xf32>
    %get3A_9 = arith.constant 0 : index
    %get3A_10 = arith.constant 0 : index
    %get3A_11 = vector.load %arg8[%get3A_9, %get3A_10] : memref<1000x1xf32, #tpu.memory_space<vmem>>, vector<1000x1xf32>
    %get3A_12 = arith.constant 0 : index
    %get3A_13 = arith.constant 0 : index
    %get3A_14 = vector.load %arg9[%get3A_12, %get3A_13] : memref<1000x1xf32, #tpu.memory_space<vmem>>, vector<1000x1xf32>
    %add3A_15 = arith.addf %get3A_11, %get3A_14 : vector<1000x1xf32>
    %max3A_16 = arith.constant 1.000000e+00 : f32
    %max3A_17 = vector.broadcast %max3A_16 : f32 to vector<1000x1xf32>
    %max3A_18 = arith.maximumf %add3A_15, %max3A_17 : vector<1000x1xf32>
    %div3A_19 = arith.constant 1.000000e+00 : f32
    %div3A_20 = vector.broadcast %div3A_19 : f32 to vector<1000x1xf32>
    %div3A_21 = arith.divf %div3A_20, %max3A_18 : vector<1000x1xf32>
    %broadcast_in_dim3A = vector.shape_cast %div3A_8 : vector<1000x1xf32> to vector<1000x1xf32>
    %broadcast_in_dim3A_22 = vector.broadcast %broadcast_in_dim3A : vector<1000x1xf32> to vector<1000x128xf32>
    %swap3A = arith.constant 0 : index
    %swap3A_23 = arith.constant 0 : index
    %swap3A_24 = vector.load %arg19[%swap3A, %swap3A_23] : memref<1000x128xf32, #tpu.memory_space<vmem>>, vector<1000x128xf32>
    tpu.vector_store %arg19[%swap3A, %swap3A_23], %broadcast_in_dim3A_22 {strides = array<i32>} : memref<1000x128xf32, #tpu.memory_space<vmem>>, vector<1000x128xf32>,
    %broadcast_in_dim3A_25 = vector.shape_cast %div3A_21 : vector<1000x1xf32> to vector<1000x1xf32>
    %broadcast_in_dim3A_26 = vector.broadcast %broadcast_in_dim3A_25 : vector<1000x1xf32> to vector<1000x128xf32>
    %swap3A_27 = arith.constant 0 : index
    %swap3A_28 = arith.constant 0 : index
    %swap3A_29 = vector.load %arg20[%swap3A_27, %swap3A_28] : memref<1000x128xf32, #tpu.memory_space<vmem>>, vector<1000x128xf32>
    tpu.vector_store %arg20[%swap3A_27, %swap3A_28], %broadcast_in_dim3A_26 {strides = array<i32>} : memref<1000x128xf32, #tpu.memory_space<vmem>>, vector<1000x128xf32>,
    %get3A_30 = arith.constant 0 : index
    %get3A_31 = arith.constant 0 : index
    %get3A_32 = vector.load %arg1[%get3A_30, %get3A_31] : memref<1000x128xf32, #tpu.memory_space<vmem>>, vector<1000x128xf32>
    %get3A_33 = arith.constant 0 : index
    %get3A_34 = arith.constant 0 : index
    %get3A_35 = vector.load %arg2[%get3A_33, %get3A_34] : memref<1000x128xf32, #tpu.memory_space<vmem>>, vector<1000x128xf32>
    %add3A_36 = arith.addf %get3A_32, %get3A_35 : vector<1000x128xf32>
    %mul3A = vector.broadcast %div3A_8 : vector<1000x1xf32> to vector<1000x128xf32>
    %mul3A_37 = arith.mulf %add3A_36, %mul3A : vector<1000x128xf32>
    %get3A_38 = arith.constant 0 : index
    %get3A_39 = arith.constant 0 : index
    %get3A_40 = vector.load %arg6[%get3A_38, %get3A_39] : memref<1000x128xf32, #tpu.memory_space<vmem>>, vector<1000x128xf32>
    %get3A_41 = arith.constant 0 : index
    %get3A_42 = arith.constant 0 : index
    %get3A_43 = vector.load %arg7[%get3A_41, %get3A_42] : memref<1000x128xf32, #tpu.memory_space<vmem>>, vector<1000x128xf32>
    %add3A_44 = arith.addf %get3A_40, %get3A_43 : vector<1000x128xf32>
    %mul3A_45 = vector.broadcast %div3A_21 : vector<1000x1xf32> to vector<1000x128xf32>
    %mul3A_46 = arith.mulf %add3A_44, %mul3A_45 : vector<1000x128xf32>
    %get3A_47 = arith.constant 0 : index
    %get3A_48 = arith.constant 0 : index
    %get3A_49 = arith.constant 0 : index
    %get3A_50 = vector.load %arg11[%get3A_47, %get3A_48, %get3A_49] : memref<4x128x128xf32, #tpu.memory_space<vmem>>, vector<1x128x128xf32>
    %get3A_51 = vector.shape_cast %get3A_50 : vector<1x128x128xf32> to vector<128x128xf32>
    %dot_general3A = arith.constant dense<0.000000e+00> : vector<1000x128xf32>
    %dot_general3A_52 = tpu.matmul %mul3A_37, %get3A_51, %dot_general3A {dimension_numbers = #tpu.dot_dimension_numbers<[1], [0], [0], [1], [0, 0, 1, 1], [], []>, transpose_lhs_hint = false} : vector<1000x128xf32>, vector<128x128xf32>, vector<1000x128xf32> -> vector<1000x128xf32>
    %get3A_53 = arith.constant 0 : index
    %get3A_54 = arith.constant 0 : index
    %get3A_55 = vector.load %arg12[%get3A_53, %get3A_54] : memref<2x128xf32, #tpu.memory_space<vmem>>, vector<1x128xf32>
    %get3A_56 = vector.shape_cast %get3A_55 : vector<1x128xf32> to vector<128xf32>
    %broadcast_in_dim3A_57 = vector.shape_cast %get3A_56 : vector<128xf32> to vector<1x128xf32>
    %add3A_58 = vector.broadcast %broadcast_in_dim3A_57 : vector<1x128xf32> to vector<1000x128xf32>
    %add3A_59 = arith.addf %dot_general3A_52, %add3A_58 : vector<1000x128xf32>
    %get3A_60 = arith.constant 0 : index
    %get3A_61 = arith.constant 0 : index
    %get3A_62 = vector.load %arg5[%get3A_60, %get3A_61] : memref<1000x128xf32, #tpu.memory_space<vmem>>, vector<1000x128xf32>
    %get3A_63 = arith.constant 1 : index
    %get3A_64 = arith.constant 0 : index
    %get3A_65 = arith.constant 0 : index
    %get3A_66 = vector.load %arg11[%get3A_63, %get3A_64, %get3A_65] : memref<4x128x128xf32, #tpu.memory_space<vmem>>, vector<1x128x128xf32>
    %get3A_67 = vector.shape_cast %get3A_66 : vector<1x128x128xf32> to vector<128x128xf32>
    %dot_general3A_68 = arith.constant dense<0.000000e+00> : vector<1000x128xf32>
    %dot_general3A_69 = tpu.matmul %get3A_62, %get3A_67, %dot_general3A_68 {dimension_numbers = #tpu.dot_dimension_numbers<[1], [0], [0], [1], [0, 0, 1, 1], [], []>, transpose_lhs_hint = false} : vector<1000x128xf32>, vector<128x128xf32>, vector<1000x128xf32> -> vector<1000x128xf32>
    %add3A_70 = arith.addf %add3A_59, %dot_general3A_69 : vector<1000x128xf32>
    %max3A_71 = arith.constant 0.000000e+00 : f32
    %max3A_72 = vector.broadcast %max3A_71 : f32 to vector<1000x128xf32>
    %max3A_73 = arith.maximumf %add3A_70, %max3A_72 : vector<1000x128xf32>
    %swap3A_74 = arith.constant 0 : index
    %swap3A_75 = arith.constant 0 : index
    %swap3A_76 = vector.load %arg15[%swap3A_74, %swap3A_75] : memref<1000x128xf32, #tpu.memory_space<vmem>>, vector<1000x128xf32>
    tpu.vector_store %arg15[%swap3A_74, %swap3A_75], %max3A_73 {strides = array<i32>} : memref<1000x128xf32, #tpu.memory_space<vmem>>, vector<1000x128xf32>,
    %get3A_77 = arith.constant 2 : index
    %get3A_78 = arith.constant 0 : index
    %get3A_79 = arith.constant 0 : index
    %get3A_80 = vector.load %arg11[%get3A_77, %get3A_78, %get3A_79] : memref<4x128x128xf32, #tpu.memory_space<vmem>>, vector<1x128x128xf32>
    %get3A_81 = vector.shape_cast %get3A_80 : vector<1x128x128xf32> to vector<128x128xf32>
    %dot_general3A_82 = arith.constant dense<0.000000e+00> : vector<1000x128xf32>
    %dot_general3A_83 = tpu.matmul %mul3A_37, %get3A_81, %dot_general3A_82 {dimension_numbers = #tpu.dot_dimension_numbers<[1], [0], [0], [1], [0, 0, 1, 1], [], []>, transpose_lhs_hint = false} : vector<1000x128xf32>, vector<128x128xf32>, vector<1000x128xf32> -> vector<1000x128xf32>
    %get3A_84 = arith.constant 1 : index
    %get3A_85 = arith.constant 0 : index
    %get3A_86 = vector.load %arg12[%get3A_84, %get3A_85] : memref<2x128xf32, #tpu.memory_space<vmem>>, vector<1x128xf32>
    %get3A_87 = vector.shape_cast %get3A_86 : vector<1x128xf32> to vector<128xf32>
    %broadcast_in_dim3A_88 = vector.shape_cast %get3A_87 : vector<128xf32> to vector<1x128xf32>
    %add3A_89 = vector.broadcast %broadcast_in_dim3A_88 : vector<1x128xf32> to vector<1000x128xf32>
    %add3A_90 = arith.addf %dot_general3A_83, %add3A_89 : vector<1000x128xf32>
    %get3A_91 = arith.constant 0 : index
    %get3A_92 = arith.constant 0 : index
    %get3A_93 = vector.load %arg5[%get3A_91, %get3A_92] : memref<1000x128xf32, #tpu.memory_space<vmem>>, vector<1000x128xf32>
    %get3A_94 = arith.constant 3 : index
    %get3A_95 = arith.constant 0 : index
    %get3A_96 = arith.constant 0 : index
    %get3A_97 = vector.load %arg11[%get3A_94, %get3A_95, %get3A_96] : memref<4x128x128xf32, #tpu.memory_space<vmem>>, vector<1x128x128xf32>
    %get3A_98 = vector.shape_cast %get3A_97 : vector<1x128x128xf32> to vector<128x128xf32>
    %dot_general3A_99 = arith.constant dense<0.000000e+00> : vector<1000x128xf32>
    %dot_general3A_100 = tpu.matmul %get3A_93, %get3A_98, %dot_general3A_99 {dimension_numbers = #tpu.dot_dimension_numbers<[1], [0], [0], [1], [0, 0, 1, 1], [], []>, transpose_lhs_hint = false} : vector<1000x128xf32>, vector<128x128xf32>, vector<1000x128xf32> -> vector<1000x128xf32>
    %add3A_101 = arith.addf %add3A_90, %dot_general3A_100 : vector<1000x128xf32>
    %max3A_102 = arith.constant 0.000000e+00 : f32
    %max3A_103 = vector.broadcast %max3A_102 : f32 to vector<1000x128xf32>
    %max3A_104 = arith.maximumf %add3A_101, %max3A_103 : vector<1000x128xf32>
    %swap3A_105 = arith.constant 0 : index
    %swap3A_106 = arith.constant 0 : index
    %swap3A_107 = vector.load %arg16[%swap3A_105, %swap3A_106] : memref<1000x128xf32, #tpu.memory_space<vmem>>, vector<1000x128xf32>
    tpu.vector_store %arg16[%swap3A_105, %swap3A_106], %max3A_104 {strides = array<i32>} : memref<1000x128xf32, #tpu.memory_space<vmem>>, vector<1000x128xf32>,
    %get3A_108 = arith.constant 0 : index
    %get3A_109 = arith.constant 0 : index
    %get3A_110 = arith.constant 0 : index
    %get3A_111 = vector.load %arg13[%get3A_108, %get3A_109, %get3A_110] : memref<4x128x128xf32, #tpu.memory_space<vmem>>, vector<1x128x128xf32>
    %get3A_112 = vector.shape_cast %get3A_111 : vector<1x128x128xf32> to vector<128x128xf32>
    %dot_general3A_113 = arith.constant dense<0.000000e+00> : vector<1000x128xf32>
    %dot_general3A_114 = tpu.matmul %mul3A_46, %get3A_112, %dot_general3A_113 {dimension_numbers = #tpu.dot_dimension_numbers<[1], [0], [0], [1], [0, 0, 1, 1], [], []>, transpose_lhs_hint = false} : vector<1000x128xf32>, vector<128x128xf32>, vector<1000x128xf32> -> vector<1000x128xf32>
    %get3A_115 = arith.constant 0 : index
    %get3A_116 = arith.constant 0 : index
    %get3A_117 = vector.load %arg14[%get3A_115, %get3A_116] : memref<2x128xf32, #tpu.memory_space<vmem>>, vector<1x128xf32>
    %get3A_118 = vector.shape_cast %get3A_117 : vector<1x128xf32> to vector<128xf32>
    %broadcast_in_dim3A_119 = vector.shape_cast %get3A_118 : vector<128xf32> to vector<1x128xf32>
    %add3A_120 = vector.broadcast %broadcast_in_dim3A_119 : vector<1x128xf32> to vector<1000x128xf32>
    %add3A_121 = arith.addf %dot_general3A_114, %add3A_120 : vector<1000x128xf32>
    %get3A_122 = arith.constant 0 : index
    %get3A_123 = arith.constant 0 : index
    %get3A_124 = vector.load %arg10[%get3A_122, %get3A_123] : memref<1000x128xf32, #tpu.memory_space<vmem>>, vector<1000x128xf32>
    %get3A_125 = arith.constant 1 : index
    %get3A_126 = arith.constant 0 : index
    %get3A_127 = arith.constant 0 : index
    %get3A_128 = vector.load %arg13[%get3A_125, %get3A_126, %get3A_127] : memref<4x128x128xf32, #tpu.memory_space<vmem>>, vector<1x128x128xf32>
    %get3A_129 = vector.shape_cast %get3A_128 : vector<1x128x128xf32> to vector<128x128xf32>
    %dot_general3A_130 = arith.constant dense<0.000000e+00> : vector<1000x128xf32>
    %dot_general3A_131 = tpu.matmul %get3A_124, %get3A_129, %dot_general3A_130 {dimension_numbers = #tpu.dot_dimension_numbers<[1], [0], [0], [1], [0, 0, 1, 1], [], []>, transpose_lhs_hint = false} : vector<1000x128xf32>, vector<128x128xf32>, vector<1000x128xf32> -> vector<1000x128xf32>
    %add3A_132 = arith.addf %add3A_121, %dot_general3A_131 : vector<1000x128xf32>
    %max3A_133 = arith.constant 0.000000e+00 : f32
    %max3A_134 = vector.broadcast %max3A_133 : f32 to vector<1000x128xf32>
    %max3A_135 = arith.maximumf %add3A_132, %max3A_134 : vector<1000x128xf32>
    %swap3A_136 = arith.constant 0 : index
    %swap3A_137 = arith.constant 0 : index
    %swap3A_138 = vector.load %arg17[%swap3A_136, %swap3A_137] : memref<1000x128xf32, #tpu.memory_space<vmem>>, vector<1000x128xf32>
    tpu.vector_store %arg17[%swap3A_136, %swap3A_137], %max3A_135 {strides = array<i32>} : memref<1000x128xf32, #tpu.memory_space<vmem>>, vector<1000x128xf32>,
    %get3A_139 = arith.constant 2 : index
    %get3A_140 = arith.constant 0 : index
    %get3A_141 = arith.constant 0 : index
    %get3A_142 = vector.load %arg13[%get3A_139, %get3A_140, %get3A_141] : memref<4x128x128xf32, #tpu.memory_space<vmem>>, vector<1x128x128xf32>
    %get3A_143 = vector.shape_cast %get3A_142 : vector<1x128x128xf32> to vector<128x128xf32>
    %dot_general3A_144 = arith.constant dense<0.000000e+00> : vector<1000x128xf32>
    %dot_general3A_145 = tpu.matmul %mul3A_46, %get3A_143, %dot_general3A_144 {dimension_numbers = #tpu.dot_dimension_numbers<[1], [0], [0], [1], [0, 0, 1, 1], [], []>, transpose_lhs_hint = false} : vector<1000x128xf32>, vector<128x128xf32>, vector<1000x128xf32> -> vector<1000x128xf32>
    %get3A_146 = arith.constant 1 : index
    %get3A_147 = arith.constant 0 : index
    %get3A_148 = vector.load %arg14[%get3A_146, %get3A_147] : memref<2x128xf32, #tpu.memory_space<vmem>>, vector<1x128xf32>
    %get3A_149 = vector.shape_cast %get3A_148 : vector<1x128xf32> to vector<128xf32>
    %broadcast_in_dim3A_150 = vector.shape_cast %get3A_149 : vector<128xf32> to vector<1x128xf32>
    %add3A_151 = vector.broadcast %broadcast_in_dim3A_150 : vector<1x128xf32> to vector<1000x128xf32>
    %add3A_152 = arith.addf %dot_general3A_145, %add3A_151 : vector<1000x128xf32>
    %get3A_153 = arith.constant 0 : index
    %get3A_154 = arith.constant 0 : index
    %get3A_155 = vector.load %arg10[%get3A_153, %get3A_154] : memref<1000x128xf32, #tpu.memory_space<vmem>>, vector<1000x128xf32>
    %get3A_156 = arith.constant 3 : index
    %get3A_157 = arith.constant 0 : index
    %get3A_158 = arith.constant 0 : index
    %get3A_159 = vector.load %arg13[%get3A_156, %get3A_157, %get3A_158] : memref<4x128x128xf32, #tpu.memory_space<vmem>>, vector<1x128x128xf32>
    %get3A_160 = vector.shape_cast %get3A_159 : vector<1x128x128xf32> to vector<128x128xf32>
    %dot_general3A_161 = arith.constant dense<0.000000e+00> : vector<1000x128xf32>
    %dot_general3A_162 = tpu.matmul %get3A_155, %get3A_160, %dot_general3A_161 {dimension_numbers = #tpu.dot_dimension_numbers<[1], [0], [0], [1], [0, 0, 1, 1], [], []>, transpose_lhs_hint = false} : vector<1000x128xf32>, vector<128x128xf32>, vector<1000x128xf32> -> vector<1000x128xf32>
    %add3A_163 = arith.addf %add3A_152, %dot_general3A_162 : vector<1000x128xf32>
    %max3A_164 = arith.constant 0.000000e+00 : f32
    %max3A_165 = vector.broadcast %max3A_164 : f32 to vector<1000x128xf32>
    %max3A_166 = arith.maximumf %add3A_163, %max3A_165 : vector<1000x128xf32>
    %swap3A_167 = arith.constant 0 : index
    %swap3A_168 = arith.constant 0 : index
    %swap3A_169 = vector.load %arg18[%swap3A_167, %swap3A_168] : memref<1000x128xf32, #tpu.memory_space<vmem>>, vector<1000x128xf32>
    tpu.vector_store %arg18[%swap3A_167, %swap3A_168], %max3A_166 {strides = array<i32>} : memref<1000x128xf32, #tpu.memory_space<vmem>>, vector<1000x128xf32>,
    return
  }
  func.func @transform_0(%arg0: i32) -> (i32, i32) {
    %c0_i32 = arith.constant 0 : i32
    %c0_i32_0 = arith.constant 0 : i32
    return %arg0, %c0_i32 : i32, i32
  }
  func.func @transform_1(%arg0: i32) -> (i32, i32) {
    %c0_i32 = arith.constant 0 : i32
    %c0_i32_0 = arith.constant 0 : i32
    return %arg0, %c0_i32 : i32, i32
  }
  func.func @transform_2(%arg0: i32) -> (i32, i32) {
    %c0_i32 = arith.constant 0 : i32
    %c0_i32_0 = arith.constant 0 : i32
    return %arg0, %c0_i32 : i32, i32
  }
  func.func @transform_3(%arg0: i32) -> (i32, i32) {
    %c0_i32 = arith.constant 0 : i32
    %c0_i32_0 = arith.constant 0 : i32
    return %arg0, %c0_i32 : i32, i32
  }
  func.func @transform_4(%arg0: i32) -> (i32, i32) {
    %c0_i32 = arith.constant 0 : i32
    %c0_i32_0 = arith.constant 0 : i32
    return %arg0, %c0_i32 : i32, i32
  }
  func.func @transform_5(%arg0: i32) -> (i32, i32) {
    %c0_i32 = arith.constant 0 : i32
    %c0_i32_0 = arith.constant 0 : i32
    return %arg0, %c0_i32 : i32, i32
  }
  func.func @transform_6(%arg0: i32) -> (i32, i32) {
    %c0_i32 = arith.constant 0 : i32
    %c0_i32_0 = arith.constant 0 : i32
    return %arg0, %c0_i32 : i32, i32
  }
  func.func @transform_7(%arg0: i32) -> (i32, i32) {
    %c0_i32 = arith.constant 0 : i32
    %c0_i32_0 = arith.constant 0 : i32
    return %arg0, %c0_i32 : i32, i32
  }
  func.func @transform_8(%arg0: i32) -> (i32, i32) {
    %c0_i32 = arith.constant 0 : i32
    %c0_i32_0 = arith.constant 0 : i32
    return %arg0, %c0_i32 : i32, i32
  }
  func.func @transform_9(%arg0: i32) -> (i32, i32) {
    %c0_i32 = arith.constant 0 : i32
    %c0_i32_0 = arith.constant 0 : i32
    return %arg0, %c0_i32 : i32, i32
  }
  func.func @transform_10(%arg0: i32) -> (i32, i32, i32) {
    %c0_i32 = arith.constant 0 : i32
    %c0_i32_0 = arith.constant 0 : i32
    %c0_i32_1 = arith.constant 0 : i32
    %c0_i32_2 = arith.constant 0 : i32
    return %c0_i32, %c0_i32_0, %c0_i32_1 : i32, i32, i32
  }
  func.func @transform_11(%arg0: i32) -> (i32, i32) {
    %c0_i32 = arith.constant 0 : i32
    %c0_i32_0 = arith.constant 0 : i32
    %c0_i32_1 = arith.constant 0 : i32
    return %c0_i32, %c0_i32_0 : i32, i32
  }
  func.func @transform_12(%arg0: i32) -> (i32, i32, i32) {
    %c0_i32 = arith.constant 0 : i32
    %c0_i32_0 = arith.constant 0 : i32
    %c0_i32_1 = arith.constant 0 : i32
    %c0_i32_2 = arith.constant 0 : i32
    return %c0_i32, %c0_i32_0, %c0_i32_1 : i32, i32, i32
  }
  func.func @transform_13(%arg0: i32) -> (i32, i32) {
    %c0_i32 = arith.constant 0 : i32
    %c0_i32_0 = arith.constant 0 : i32
    %c0_i32_1 = arith.constant 0 : i32
    return %c0_i32, %c0_i32_0 : i32, i32
  }
  func.func @transform_14(%arg0: i32) -> (i32, i32) {
    %c0_i32 = arith.constant 0 : i32
    %c0_i32_0 = arith.constant 0 : i32
    return %arg0, %c0_i32 : i32, i32
  }
  func.func @transform_15(%arg0: i32) -> (i32, i32) {
    %c0_i32 = arith.constant 0 : i32
    %c0_i32_0 = arith.constant 0 : i32
    return %arg0, %c0_i32 : i32, i32
  }
  func.func @transform_16(%arg0: i32) -> (i32, i32) {
    %c0_i32 = arith.constant 0 : i32
    %c0_i32_0 = arith.constant 0 : i32
    return %arg0, %c0_i32 : i32, i32
  }
  func.func @transform_17(%arg0: i32) -> (i32, i32) {
    %c0_i32 = arith.constant 0 : i32
    %c0_i32_0 = arith.constant 0 : i32
    return %arg0, %c0_i32 : i32, i32
  }
  func.func @transform_18(%arg0: i32) -> (i32, i32) {
    %c0_i32 = arith.constant 0 : i32
    %c0_i32_0 = arith.constant 0 : i32
    return %arg0, %c0_i32 : i32, i32
  }
  func.func @transform_19(%arg0: i32) -> (i32, i32) {
    %c0_i32 = arith.constant 0 : i32
    %c0_i32_0 = arith.constant 0 : i32
    return %arg0, %c0_i32 : i32, i32
  }
}

module attributes {stable_mosaic.version = 14 : i64} {
  func.func @_d1_body(%arg0: i32, %arg1: memref<1024x128xf32, #tpu.memory_space<vmem>>, %arg2: memref<1024x128xf32, #tpu.memory_space<vmem>>, %arg3: memref<1024x128xf32, #tpu.memory_space<vmem>>, %arg4: memref<1024x128xf32, #tpu.memory_space<vmem>>, %arg5: memref<1024x128xf32, #tpu.memory_space<vmem>>, %arg6: memref<1024x128xf32, #tpu.memory_space<vmem>>, %arg7: memref<1024x128xf32, #tpu.memory_space<vmem>>, %arg8: memref<1024x128xf32, #tpu.memory_space<vmem>>, %arg9: memref<2x128x128xf32, #tpu.memory_space<vmem>>, %arg10: memref<2x128xf32, #tpu.memory_space<vmem>>, %arg11: memref<2x128x128xf32, #tpu.memory_space<vmem>>, %arg12: memref<2x128xf32, #tpu.memory_space<vmem>>, %arg13: memref<2x128x128xf32, #tpu.memory_space<vmem>>, %arg14: memref<2x128xf32, #tpu.memory_space<vmem>>, %arg15: memref<2x128x128xf32, #tpu.memory_space<vmem>>, %arg16: memref<2x128xf32, #tpu.memory_space<vmem>>, %arg17: memref<512x256xf32, #tpu.memory_space<vmem>>, %arg18: memref<1x256xf32, #tpu.memory_space<vmem>>, %arg19: memref<256x128xf32, #tpu.memory_space<vmem>>, %arg20: memref<1x128xf32, #tpu.memory_space<vmem>>, %arg21: memref<2x128xf32, #tpu.memory_space<vmem>>, %arg22: memref<8x128xf32, #tpu.memory_space<vmem>>) attributes {dimension_semantics = [#tpu.dimension_semantics<arbitrary>], iteration_bounds = array<i64: 4>, scalar_prefetch = 0 : i64, scratch_operands = 0 : i64, tpu.core_type = #tpu.core_type<tc>, window_params = [{transform_indices = @transform_0, window_bounds = array<i64: 1024, 128>}, {transform_indices = @transform_1, window_bounds = array<i64: 1024, 128>}, {transform_indices = @transform_2, window_bounds = array<i64: 1024, 128>}, {transform_indices = @transform_3, window_bounds = array<i64: 1024, 128>}, {transform_indices = @transform_4, window_bounds = array<i64: 1024, 128>}, {transform_indices = @transform_5, window_bounds = array<i64: 1024, 128>}, {transform_indices = @transform_6, window_bounds = array<i64: 1024, 128>}, {transform_indices = @transform_7, window_bounds = array<i64: 1024, 128>}, {pipeline_mode = #tpu.pipeline_mode<synchronous>, transform_indices = @transform_8, window_bounds = array<i64: 2, 128, 128>}, {pipeline_mode = #tpu.pipeline_mode<synchronous>, transform_indices = @transform_9, window_bounds = array<i64: 2, 128>}, {pipeline_mode = #tpu.pipeline_mode<synchronous>, transform_indices = @transform_10, window_bounds = array<i64: 2, 128, 128>}, {pipeline_mode = #tpu.pipeline_mode<synchronous>, transform_indices = @transform_11, window_bounds = array<i64: 2, 128>}, {pipeline_mode = #tpu.pipeline_mode<synchronous>, transform_indices = @transform_12, window_bounds = array<i64: 2, 128, 128>}, {pipeline_mode = #tpu.pipeline_mode<synchronous>, transform_indices = @transform_13, window_bounds = array<i64: 2, 128>}, {pipeline_mode = #tpu.pipeline_mode<synchronous>, transform_indices = @transform_14, window_bounds = array<i64: 2, 128, 128>}, {pipeline_mode = #tpu.pipeline_mode<synchronous>, transform_indices = @transform_15, window_bounds = array<i64: 2, 128>}, {pipeline_mode = #tpu.pipeline_mode<synchronous>, transform_indices = @transform_16, window_bounds = array<i64: 512, 256>}, {pipeline_mode = #tpu.pipeline_mode<synchronous>, transform_indices = @transform_17, window_bounds = array<i64: 1, 256>}, {pipeline_mode = #tpu.pipeline_mode<synchronous>, transform_indices = @transform_18, window_bounds = array<i64: 256, 128>}, {pipeline_mode = #tpu.pipeline_mode<synchronous>, transform_indices = @transform_19, window_bounds = array<i64: 1, 128>}, {pipeline_mode = #tpu.pipeline_mode<synchronous>, transform_indices = @transform_20, window_bounds = array<i64: 2, 128>}, {transform_indices = @transform_21, window_bounds = array<i64: 8, 128>}]} {
    %get3A = arith.constant 0 : index
    %get3A_0 = arith.constant 0 : index
    %get3A_1 = vector.load %arg1[%get3A, %get3A_0] : memref<1024x128xf32, #tpu.memory_space<vmem>>, vector<1024x128xf32>
    %get3A_2 = arith.constant 0 : index
    %get3A_3 = arith.constant 0 : index
    %get3A_4 = vector.load %arg2[%get3A_2, %get3A_3] : memref<1024x128xf32, #tpu.memory_space<vmem>>, vector<1024x128xf32>
    %add3A = arith.addf %get3A_1, %get3A_4 : vector<1024x128xf32>
    %get3A_5 = arith.constant 0 : index
    %get3A_6 = arith.constant 0 : index
    %get3A_7 = vector.load %arg4[%get3A_5, %get3A_6] : memref<1024x128xf32, #tpu.memory_space<vmem>>, vector<1024x128xf32>
    %mul3A = arith.mulf %add3A, %get3A_7 : vector<1024x128xf32>
    %get3A_8 = arith.constant 0 : index
    %get3A_9 = arith.constant 0 : index
    %get3A_10 = arith.constant 0 : index
    %get3A_11 = vector.load %arg9[%get3A_8, %get3A_9, %get3A_10] : memref<2x128x128xf32, #tpu.memory_space<vmem>>, vector<1x128x128xf32>
    %get3A_12 = vector.shape_cast %get3A_11 : vector<1x128x128xf32> to vector<128x128xf32>
    %dot_general3A = arith.constant dense<0.000000e+00> : vector<1024x128xf32>
    %dot_general3A_13 = tpu.matmul %mul3A, %get3A_12, %dot_general3A {dimension_numbers = #tpu.dot_dimension_numbers<[1], [0], [0], [1], [0, 0, 1, 1], [], []>, transpose_lhs_hint = false} : vector<1024x128xf32>, vector<128x128xf32>, vector<1024x128xf32> -> vector<1024x128xf32>
    %get3A_14 = arith.constant 0 : index
    %get3A_15 = arith.constant 0 : index
    %get3A_16 = vector.load %arg10[%get3A_14, %get3A_15] : memref<2x128xf32, #tpu.memory_space<vmem>>, vector<1x128xf32>
    %get3A_17 = vector.shape_cast %get3A_16 : vector<1x128xf32> to vector<128xf32>
    %broadcast_in_dim3A = vector.shape_cast %get3A_17 : vector<128xf32> to vector<1x128xf32>
    %add3A_18 = vector.broadcast %broadcast_in_dim3A : vector<1x128xf32> to vector<1024x128xf32>
    %add3A_19 = arith.addf %dot_general3A_13, %add3A_18 : vector<1024x128xf32>
    %get3A_20 = arith.constant 0 : index
    %get3A_21 = arith.constant 0 : index
    %get3A_22 = vector.load %arg3[%get3A_20, %get3A_21] : memref<1024x128xf32, #tpu.memory_space<vmem>>, vector<1024x128xf32>
    %get3A_23 = arith.constant 1 : index
    %get3A_24 = arith.constant 0 : index
    %get3A_25 = arith.constant 0 : index
    %get3A_26 = vector.load %arg9[%get3A_23, %get3A_24, %get3A_25] : memref<2x128x128xf32, #tpu.memory_space<vmem>>, vector<1x128x128xf32>
    %get3A_27 = vector.shape_cast %get3A_26 : vector<1x128x128xf32> to vector<128x128xf32>
    %dot_general3A_28 = arith.constant dense<0.000000e+00> : vector<1024x128xf32>
    %dot_general3A_29 = tpu.matmul %get3A_22, %get3A_27, %dot_general3A_28 {dimension_numbers = #tpu.dot_dimension_numbers<[1], [0], [0], [1], [0, 0, 1, 1], [], []>, transpose_lhs_hint = false} : vector<1024x128xf32>, vector<128x128xf32>, vector<1024x128xf32> -> vector<1024x128xf32>
    %add3A_30 = arith.addf %add3A_19, %dot_general3A_29 : vector<1024x128xf32>
    %max3A = arith.constant 0.000000e+00 : f32
    %max3A_31 = vector.broadcast %max3A : f32 to vector<1024x128xf32>
    %max3A_32 = arith.maximumf %add3A_30, %max3A_31 : vector<1024x128xf32>
    %get3A_33 = arith.constant 0 : index
    %get3A_34 = arith.constant 0 : index
    %get3A_35 = vector.load %arg5[%get3A_33, %get3A_34] : memref<1024x128xf32, #tpu.memory_space<vmem>>, vector<1024x128xf32>
    %get3A_36 = arith.constant 0 : index
    %get3A_37 = arith.constant 0 : index
    %get3A_38 = vector.load %arg6[%get3A_36, %get3A_37] : memref<1024x128xf32, #tpu.memory_space<vmem>>, vector<1024x128xf32>
    %add3A_39 = arith.addf %get3A_35, %get3A_38 : vector<1024x128xf32>
    %get3A_40 = arith.constant 0 : index
    %get3A_41 = arith.constant 0 : index
    %get3A_42 = vector.load %arg8[%get3A_40, %get3A_41] : memref<1024x128xf32, #tpu.memory_space<vmem>>, vector<1024x128xf32>
    %mul3A_43 = arith.mulf %add3A_39, %get3A_42 : vector<1024x128xf32>
    %get3A_44 = arith.constant 0 : index
    %get3A_45 = arith.constant 0 : index
    %get3A_46 = arith.constant 0 : index
    %get3A_47 = vector.load %arg11[%get3A_44, %get3A_45, %get3A_46] : memref<2x128x128xf32, #tpu.memory_space<vmem>>, vector<1x128x128xf32>
    %get3A_48 = vector.shape_cast %get3A_47 : vector<1x128x128xf32> to vector<128x128xf32>
    %dot_general3A_49 = arith.constant dense<0.000000e+00> : vector<1024x128xf32>
    %dot_general3A_50 = tpu.matmul %mul3A_43, %get3A_48, %dot_general3A_49 {dimension_numbers = #tpu.dot_dimension_numbers<[1], [0], [0], [1], [0, 0, 1, 1], [], []>, transpose_lhs_hint = false} : vector<1024x128xf32>, vector<128x128xf32>, vector<1024x128xf32> -> vector<1024x128xf32>
    %get3A_51 = arith.constant 0 : index
    %get3A_52 = arith.constant 0 : index
    %get3A_53 = vector.load %arg12[%get3A_51, %get3A_52] : memref<2x128xf32, #tpu.memory_space<vmem>>, vector<1x128xf32>
    %get3A_54 = vector.shape_cast %get3A_53 : vector<1x128xf32> to vector<128xf32>
    %broadcast_in_dim3A_55 = vector.shape_cast %get3A_54 : vector<128xf32> to vector<1x128xf32>
    %add3A_56 = vector.broadcast %broadcast_in_dim3A_55 : vector<1x128xf32> to vector<1024x128xf32>
    %add3A_57 = arith.addf %dot_general3A_50, %add3A_56 : vector<1024x128xf32>
    %get3A_58 = arith.constant 0 : index
    %get3A_59 = arith.constant 0 : index
    %get3A_60 = vector.load %arg7[%get3A_58, %get3A_59] : memref<1024x128xf32, #tpu.memory_space<vmem>>, vector<1024x128xf32>
    %get3A_61 = arith.constant 1 : index
    %get3A_62 = arith.constant 0 : index
    %get3A_63 = arith.constant 0 : index
    %get3A_64 = vector.load %arg11[%get3A_61, %get3A_62, %get3A_63] : memref<2x128x128xf32, #tpu.memory_space<vmem>>, vector<1x128x128xf32>
    %get3A_65 = vector.shape_cast %get3A_64 : vector<1x128x128xf32> to vector<128x128xf32>
    %dot_general3A_66 = arith.constant dense<0.000000e+00> : vector<1024x128xf32>
    %dot_general3A_67 = tpu.matmul %get3A_60, %get3A_65, %dot_general3A_66 {dimension_numbers = #tpu.dot_dimension_numbers<[1], [0], [0], [1], [0, 0, 1, 1], [], []>, transpose_lhs_hint = false} : vector<1024x128xf32>, vector<128x128xf32>, vector<1024x128xf32> -> vector<1024x128xf32>
    %add3A_68 = arith.addf %add3A_57, %dot_general3A_67 : vector<1024x128xf32>
    %max3A_69 = arith.constant 0.000000e+00 : f32
    %max3A_70 = vector.broadcast %max3A_69 : f32 to vector<1024x128xf32>
    %max3A_71 = arith.maximumf %add3A_68, %max3A_70 : vector<1024x128xf32>
    %get3A_72 = arith.constant 0 : index
    %get3A_73 = arith.constant 0 : index
    %get3A_74 = arith.constant 0 : index
    %get3A_75 = vector.load %arg13[%get3A_72, %get3A_73, %get3A_74] : memref<2x128x128xf32, #tpu.memory_space<vmem>>, vector<1x128x128xf32>
    %get3A_76 = vector.shape_cast %get3A_75 : vector<1x128x128xf32> to vector<128x128xf32>
    %dot_general3A_77 = arith.constant dense<0.000000e+00> : vector<1024x128xf32>
    %dot_general3A_78 = tpu.matmul %max3A_71, %get3A_76, %dot_general3A_77 {dimension_numbers = #tpu.dot_dimension_numbers<[1], [0], [0], [1], [0, 0, 1, 1], [], []>, transpose_lhs_hint = false} : vector<1024x128xf32>, vector<128x128xf32>, vector<1024x128xf32> -> vector<1024x128xf32>
    %get3A_79 = arith.constant 0 : index
    %get3A_80 = arith.constant 0 : index
    %get3A_81 = vector.load %arg14[%get3A_79, %get3A_80] : memref<2x128xf32, #tpu.memory_space<vmem>>, vector<1x128xf32>
    %get3A_82 = vector.shape_cast %get3A_81 : vector<1x128xf32> to vector<128xf32>
    %broadcast_in_dim3A_83 = vector.shape_cast %get3A_82 : vector<128xf32> to vector<1x128xf32>
    %add3A_84 = vector.broadcast %broadcast_in_dim3A_83 : vector<1x128xf32> to vector<1024x128xf32>
    %add3A_85 = arith.addf %dot_general3A_78, %add3A_84 : vector<1024x128xf32>
    %get3A_86 = arith.constant 0 : index
    %get3A_87 = arith.constant 0 : index
    %get3A_88 = arith.constant 0 : index
    %get3A_89 = vector.load %arg15[%get3A_86, %get3A_87, %get3A_88] : memref<2x128x128xf32, #tpu.memory_space<vmem>>, vector<1x128x128xf32>
    %get3A_90 = vector.shape_cast %get3A_89 : vector<1x128x128xf32> to vector<128x128xf32>
    %dot_general3A_91 = arith.constant dense<0.000000e+00> : vector<1024x128xf32>
    %dot_general3A_92 = tpu.matmul %add3A_85, %get3A_90, %dot_general3A_91 {dimension_numbers = #tpu.dot_dimension_numbers<[1], [0], [0], [1], [0, 0, 1, 1], [], []>, transpose_lhs_hint = false} : vector<1024x128xf32>, vector<128x128xf32>, vector<1024x128xf32> -> vector<1024x128xf32>
    %get3A_93 = arith.constant 0 : index
    %get3A_94 = arith.constant 0 : index
    %get3A_95 = vector.load %arg16[%get3A_93, %get3A_94] : memref<2x128xf32, #tpu.memory_space<vmem>>, vector<1x128xf32>
    %get3A_96 = vector.shape_cast %get3A_95 : vector<1x128xf32> to vector<128xf32>
    %broadcast_in_dim3A_97 = vector.shape_cast %get3A_96 : vector<128xf32> to vector<1x128xf32>
    %add3A_98 = vector.broadcast %broadcast_in_dim3A_97 : vector<1x128xf32> to vector<1024x128xf32>
    %add3A_99 = arith.addf %dot_general3A_92, %add3A_98 : vector<1024x128xf32>
    %get3A_100 = arith.constant 1 : index
    %get3A_101 = arith.constant 0 : index
    %get3A_102 = arith.constant 0 : index
    %get3A_103 = vector.load %arg13[%get3A_100, %get3A_101, %get3A_102] : memref<2x128x128xf32, #tpu.memory_space<vmem>>, vector<1x128x128xf32>
    %get3A_104 = vector.shape_cast %get3A_103 : vector<1x128x128xf32> to vector<128x128xf32>
    %dot_general3A_105 = arith.constant dense<0.000000e+00> : vector<1024x128xf32>
    %dot_general3A_106 = tpu.matmul %max3A_32, %get3A_104, %dot_general3A_105 {dimension_numbers = #tpu.dot_dimension_numbers<[1], [0], [0], [1], [0, 0, 1, 1], [], []>, transpose_lhs_hint = false} : vector<1024x128xf32>, vector<128x128xf32>, vector<1024x128xf32> -> vector<1024x128xf32>
    %get3A_107 = arith.constant 1 : index
    %get3A_108 = arith.constant 0 : index
    %get3A_109 = vector.load %arg14[%get3A_107, %get3A_108] : memref<2x128xf32, #tpu.memory_space<vmem>>, vector<1x128xf32>
    %get3A_110 = vector.shape_cast %get3A_109 : vector<1x128xf32> to vector<128xf32>
    %broadcast_in_dim3A_111 = vector.shape_cast %get3A_110 : vector<128xf32> to vector<1x128xf32>
    %add3A_112 = vector.broadcast %broadcast_in_dim3A_111 : vector<1x128xf32> to vector<1024x128xf32>
    %add3A_113 = arith.addf %dot_general3A_106, %add3A_112 : vector<1024x128xf32>
    %get3A_114 = arith.constant 1 : index
    %get3A_115 = arith.constant 0 : index
    %get3A_116 = arith.constant 0 : index
    %get3A_117 = vector.load %arg15[%get3A_114, %get3A_115, %get3A_116] : memref<2x128x128xf32, #tpu.memory_space<vmem>>, vector<1x128x128xf32>
    %get3A_118 = vector.shape_cast %get3A_117 : vector<1x128x128xf32> to vector<128x128xf32>
    %dot_general3A_119 = arith.constant dense<0.000000e+00> : vector<1024x128xf32>
    %dot_general3A_120 = tpu.matmul %add3A_113, %get3A_118, %dot_general3A_119 {dimension_numbers = #tpu.dot_dimension_numbers<[1], [0], [0], [1], [0, 0, 1, 1], [], []>, transpose_lhs_hint = false} : vector<1024x128xf32>, vector<128x128xf32>, vector<1024x128xf32> -> vector<1024x128xf32>
    %get3A_121 = arith.constant 1 : index
    %get3A_122 = arith.constant 0 : index
    %get3A_123 = vector.load %arg16[%get3A_121, %get3A_122] : memref<2x128xf32, #tpu.memory_space<vmem>>, vector<1x128xf32>
    %get3A_124 = vector.shape_cast %get3A_123 : vector<1x128xf32> to vector<128xf32>
    %broadcast_in_dim3A_125 = vector.shape_cast %get3A_124 : vector<128xf32> to vector<1x128xf32>
    %add3A_126 = vector.broadcast %broadcast_in_dim3A_125 : vector<1x128xf32> to vector<1024x128xf32>
    %add3A_127 = arith.addf %dot_general3A_120, %add3A_126 : vector<1024x128xf32>
    %concatenate3A = tpu.concatenate %max3A_32, %max3A_71, %add3A_99, %add3A_127 in 1 : vector<1024x128xf32>, vector<1024x128xf32>, vector<1024x128xf32>, vector<1024x128xf32> -> vector<1024x512xf32>
    %get3A_128 = arith.constant 0 : index
    %get3A_129 = arith.constant 0 : index
    %get3A_130 = vector.load %arg17[%get3A_128, %get3A_129] : memref<512x256xf32, #tpu.memory_space<vmem>>, vector<512x256xf32>
    %dot_general3A_131 = arith.constant dense<0.000000e+00> : vector<1024x256xf32>
    %dot_general3A_132 = tpu.matmul %concatenate3A, %get3A_130, %dot_general3A_131 {dimension_numbers = #tpu.dot_dimension_numbers<[1], [0], [0], [1], [0, 0, 1, 1], [], []>, transpose_lhs_hint = false} : vector<1024x512xf32>, vector<512x256xf32>, vector<1024x256xf32> -> vector<1024x256xf32>
    %get3A_133 = arith.constant 0 : index
    %get3A_134 = arith.constant 0 : index
    %get3A_135 = vector.load %arg18[%get3A_133, %get3A_134] : memref<1x256xf32, #tpu.memory_space<vmem>>, vector<1x256xf32>
    %get3A_136 = vector.shape_cast %get3A_135 : vector<1x256xf32> to vector<256xf32>
    %broadcast_in_dim3A_137 = vector.shape_cast %get3A_136 : vector<256xf32> to vector<1x256xf32>
    %add3A_138 = vector.broadcast %broadcast_in_dim3A_137 : vector<1x256xf32> to vector<1024x256xf32>
    %add3A_139 = arith.addf %dot_general3A_132, %add3A_138 : vector<1024x256xf32>
    %max3A_140 = arith.constant 0.000000e+00 : f32
    %max3A_141 = vector.broadcast %max3A_140 : f32 to vector<1024x256xf32>
    %max3A_142 = arith.maximumf %add3A_139, %max3A_141 : vector<1024x256xf32>
    %get3A_143 = arith.constant 0 : index
    %get3A_144 = arith.constant 0 : index
    %get3A_145 = vector.load %arg19[%get3A_143, %get3A_144] : memref<256x128xf32, #tpu.memory_space<vmem>>, vector<256x128xf32>
    %dot_general3A_146 = arith.constant dense<0.000000e+00> : vector<1024x128xf32>
    %dot_general3A_147 = tpu.matmul %max3A_142, %get3A_145, %dot_general3A_146 {dimension_numbers = #tpu.dot_dimension_numbers<[1], [0], [0], [1], [0, 0, 1, 1], [], []>, transpose_lhs_hint = false} : vector<1024x256xf32>, vector<256x128xf32>, vector<1024x128xf32> -> vector<1024x128xf32>
    %get3A_148 = arith.constant 0 : index
    %get3A_149 = arith.constant 0 : index
    %get3A_150 = vector.load %arg20[%get3A_148, %get3A_149] : memref<1x128xf32, #tpu.memory_space<vmem>>, vector<1x128xf32>
    %get3A_151 = vector.shape_cast %get3A_150 : vector<1x128xf32> to vector<128xf32>
    %broadcast_in_dim3A_152 = vector.shape_cast %get3A_151 : vector<128xf32> to vector<1x128xf32>
    %add3A_153 = vector.broadcast %broadcast_in_dim3A_152 : vector<1x128xf32> to vector<1024x128xf32>
    %add3A_154 = arith.addf %dot_general3A_147, %add3A_153 : vector<1024x128xf32>
    %max3A_155 = arith.constant 0.000000e+00 : f32
    %max3A_156 = vector.broadcast %max3A_155 : f32 to vector<1024x128xf32>
    %max3A_157 = arith.maximumf %add3A_154, %max3A_156 : vector<1024x128xf32>
    %get3A_158 = arith.constant 0 : index
    %get3A_159 = arith.constant 0 : index
    %get3A_160 = vector.load %arg21[%get3A_158, %get3A_159] : memref<2x128xf32, #tpu.memory_space<vmem>>, vector<1x128xf32>
    %mul3A_161 = vector.broadcast %get3A_160 : vector<1x128xf32> to vector<1024x128xf32>
    %mul3A_162 = arith.mulf %max3A_157, %mul3A_161 : vector<1024x128xf32>
    %reduce_sum3A = arith.constant dense<0.000000e+00> : vector<1024xf32>
    %reduce_sum3A_163 = vector.multi_reduction <add>, %mul3A_162, %reduce_sum3A [1] : vector<1024x128xf32> to vector<1024xf32>
    %get3A_164 = arith.constant 1 : index
    %get3A_165 = arith.constant 0 : index
    %get3A_166 = vector.load %arg21[%get3A_164, %get3A_165] : memref<2x128xf32, #tpu.memory_space<vmem>>, vector<1x1xf32>
    %get3A_167 = vector.extract %get3A_166[0, 0] : f32 from vector<1x1xf32>
    %add3A_168 = vector.broadcast %get3A_167 : f32 to vector<1024xf32>
    %add3A_169 = arith.addf %reduce_sum3A_163, %add3A_168 : vector<1024xf32>
    %reshape3A = vector.shape_cast %add3A_169 : vector<1024xf32> to vector<8x128xf32>
    %swap3A = arith.constant 0 : index
    %swap3A_170 = arith.constant 0 : index
    %swap3A_171 = vector.load %arg22[%swap3A, %swap3A_170] : memref<8x128xf32, #tpu.memory_space<vmem>>, vector<8x128xf32>
    tpu.vector_store %arg22[%swap3A, %swap3A_170], %reshape3A {strides = array<i32>} : memref<8x128xf32, #tpu.memory_space<vmem>>, vector<8x128xf32>,
    return
  }
  func.func @transform_0(%arg0: i32) -> (i32, i32) {
    %c0_i32 = arith.constant 0 : i32
    %c0_i32_0 = arith.constant 0 : i32
    return %arg0, %c0_i32 : i32, i32
  }
  func.func @transform_1(%arg0: i32) -> (i32, i32) {
    %add3A = arith.constant 4 : i32
    %add3A_0 = arith.addi %add3A, %arg0 : i32
    %c0_i32 = arith.constant 0 : i32
    %c0_i32_1 = arith.constant 0 : i32
    return %add3A_0, %c0_i32 : i32, i32
  }
  func.func @transform_2(%arg0: i32) -> (i32, i32) {
    %c0_i32 = arith.constant 0 : i32
    %c0_i32_0 = arith.constant 0 : i32
    return %arg0, %c0_i32 : i32, i32
  }
  func.func @transform_3(%arg0: i32) -> (i32, i32) {
    %c0_i32 = arith.constant 0 : i32
    %c0_i32_0 = arith.constant 0 : i32
    return %arg0, %c0_i32 : i32, i32
  }
  func.func @transform_4(%arg0: i32) -> (i32, i32) {
    %c0_i32 = arith.constant 0 : i32
    %c0_i32_0 = arith.constant 0 : i32
    return %arg0, %c0_i32 : i32, i32
  }
  func.func @transform_5(%arg0: i32) -> (i32, i32) {
    %add3A = arith.constant 4 : i32
    %add3A_0 = arith.addi %add3A, %arg0 : i32
    %c0_i32 = arith.constant 0 : i32
    %c0_i32_1 = arith.constant 0 : i32
    return %add3A_0, %c0_i32 : i32, i32
  }
  func.func @transform_6(%arg0: i32) -> (i32, i32) {
    %c0_i32 = arith.constant 0 : i32
    %c0_i32_0 = arith.constant 0 : i32
    return %arg0, %c0_i32 : i32, i32
  }
  func.func @transform_7(%arg0: i32) -> (i32, i32) {
    %c0_i32 = arith.constant 0 : i32
    %c0_i32_0 = arith.constant 0 : i32
    return %arg0, %c0_i32 : i32, i32
  }
  func.func @transform_8(%arg0: i32) -> (i32, i32, i32) {
    %c0_i32 = arith.constant 0 : i32
    %c0_i32_0 = arith.constant 0 : i32
    %c0_i32_1 = arith.constant 0 : i32
    %c0_i32_2 = arith.constant 0 : i32
    return %c0_i32, %c0_i32_0, %c0_i32_1 : i32, i32, i32
  }
  func.func @transform_9(%arg0: i32) -> (i32, i32) {
    %c0_i32 = arith.constant 0 : i32
    %c0_i32_0 = arith.constant 0 : i32
    %c0_i32_1 = arith.constant 0 : i32
    return %c0_i32, %c0_i32_0 : i32, i32
  }
  func.func @transform_10(%arg0: i32) -> (i32, i32, i32) {
    %c0_i32 = arith.constant 0 : i32
    %c0_i32_0 = arith.constant 0 : i32
    %c0_i32_1 = arith.constant 0 : i32
    %c0_i32_2 = arith.constant 0 : i32
    return %c0_i32, %c0_i32_0, %c0_i32_1 : i32, i32, i32
  }
  func.func @transform_11(%arg0: i32) -> (i32, i32) {
    %c0_i32 = arith.constant 0 : i32
    %c0_i32_0 = arith.constant 0 : i32
    %c0_i32_1 = arith.constant 0 : i32
    return %c0_i32, %c0_i32_0 : i32, i32
  }
  func.func @transform_12(%arg0: i32) -> (i32, i32, i32) {
    %c0_i32 = arith.constant 0 : i32
    %c0_i32_0 = arith.constant 0 : i32
    %c0_i32_1 = arith.constant 0 : i32
    %c0_i32_2 = arith.constant 0 : i32
    return %c0_i32, %c0_i32_0, %c0_i32_1 : i32, i32, i32
  }
  func.func @transform_13(%arg0: i32) -> (i32, i32) {
    %c0_i32 = arith.constant 0 : i32
    %c0_i32_0 = arith.constant 0 : i32
    %c0_i32_1 = arith.constant 0 : i32
    return %c0_i32, %c0_i32_0 : i32, i32
  }
  func.func @transform_14(%arg0: i32) -> (i32, i32, i32) {
    %c0_i32 = arith.constant 0 : i32
    %c0_i32_0 = arith.constant 0 : i32
    %c0_i32_1 = arith.constant 0 : i32
    %c0_i32_2 = arith.constant 0 : i32
    return %c0_i32, %c0_i32_0, %c0_i32_1 : i32, i32, i32
  }
  func.func @transform_15(%arg0: i32) -> (i32, i32) {
    %c0_i32 = arith.constant 0 : i32
    %c0_i32_0 = arith.constant 0 : i32
    %c0_i32_1 = arith.constant 0 : i32
    return %c0_i32, %c0_i32_0 : i32, i32
  }
  func.func @transform_16(%arg0: i32) -> (i32, i32) {
    %c0_i32 = arith.constant 0 : i32
    %c0_i32_0 = arith.constant 0 : i32
    %c0_i32_1 = arith.constant 0 : i32
    return %c0_i32, %c0_i32_0 : i32, i32
  }
  func.func @transform_17(%arg0: i32) -> (i32, i32) {
    %c0_i32 = arith.constant 0 : i32
    %c0_i32_0 = arith.constant 0 : i32
    %c0_i32_1 = arith.constant 0 : i32
    return %c0_i32, %c0_i32_0 : i32, i32
  }
  func.func @transform_18(%arg0: i32) -> (i32, i32) {
    %c0_i32 = arith.constant 0 : i32
    %c0_i32_0 = arith.constant 0 : i32
    %c0_i32_1 = arith.constant 0 : i32
    return %c0_i32, %c0_i32_0 : i32, i32
  }
  func.func @transform_19(%arg0: i32) -> (i32, i32) {
    %c0_i32 = arith.constant 0 : i32
    %c0_i32_0 = arith.constant 0 : i32
    %c0_i32_1 = arith.constant 0 : i32
    return %c0_i32, %c0_i32_0 : i32, i32
  }
  func.func @transform_20(%arg0: i32) -> (i32, i32) {
    %c0_i32 = arith.constant 0 : i32
    %c0_i32_0 = arith.constant 0 : i32
    %c0_i32_1 = arith.constant 0 : i32
    return %c0_i32, %c0_i32_0 : i32, i32
  }
  func.func @transform_21(%arg0: i32) -> (i32, i32) {
    %c0_i32 = arith.constant 0 : i32
    %c0_i32_0 = arith.constant 0 : i32
    return %arg0, %c0_i32 : i32, i32
  }
}

</mosaic_0001>

<sc_bundles>
// kernel: kernel.11.cloned.1.call-start
scs
__scs_entry_jumppad:
0x0: {  	(pc) =	sbr.rel $0x88, $3  }
0x1: {  	(tag) =	ssettag $0x0;
	lr =	simm.s32 $0x1  }
0x2: {  	[smem:$0x3F8E] =	sst lr;
	_ =	strace $0xD0000000  }
0x3: {  	_ = 	snop  }
0x4: {  	_ = 	snop  }
0x5: {  	_ = 	snop  }
0x6: {  	_ = 	snop  }
0x7: {  	_ = 	snop  }
__scs_overlays_trampoline_lowered:
0x8: {  	[smem:$0x3F9D] =	sst s0  }
0x9: {  	[smem:$0x3F9E] =	sst s1  }
0xa: {  	[smem:$0x3F9F] =	sst s2  }
0xb: {  	[smem:$0x3FA0] =	sst s3  }
0xc: {  	[smem:$0x3FA1] =	sst s4  }
0xd: {  	[smem:$0x3FA2] =	sst s5  }
0xe: {  	[smem:$0x3FA3] =	sst s6  }
0xf: {  	[smem:$0x3FA4] =	sst s7  }
0x10: {  	[smem:$0x3FA5] =	sst s8  }
0x11: {  	[smem:$0x3FA6] =	sst s9;
	s0 =	simm.s32 @!p0 $0x0  }
0x12: {  	s1 =	sld [smem:$0x3F8C];
	s0 =	simm.s32 @p0 $0x1  }
0x13: {  	[smem:$0x3FA7] =	sst s0;
	s0 =	simm.s32 @!p1 $0x0  }
0x14: {  	s2 =	sld [smem:$0x3F8B];
	s0 =	simm.s32 @p1 $0x1  }
0x15: {  	[smem:$0x3FA8] =	sst s0;
	s0 =	simm.s32 @!p2 $0x0  }
0x16: {  	s3 =	sld [smem:$0x3FDB];
	s0 =	simm.s32 @p2 $0x1  }
0x17: {  	s4 =	simm.s32 $0x1BF5;
	[smem:$0x3FAA] =	sst s0  }
0x18: {  	s0 =	sld [smem:$0x3F8D];
	_ =	swait.ge [sflag:s4], $0x0  }
0x19: {  	s7 =	sld [smem:$0x3F8E]  }
0x1a: {  	s8 =	sadd.s32 $0xFFFFE003, lr  }
0x1b: {  	s9 =	sadd.s32 $0xFFFFFEF7, lr;
	s5 =	simm.s32 $0xFFFFFFFF;
	p2 =	slt.u32 s8, $0xFFFFF086  }
0x1c: {  	p1 =	slt.u32 s9, $0xF7A;
	s5 =	simm.s32 @!p2 $0x0  }
0x1d: {  	s5 =	simm.s32 @p1 $0x1;
	p0 =	seq.s32 s7, s2  }
0x1e: {  	s7 =	smul.u32 @!p0 $0xF7A, s2;
	p2 =	seq.s32 @!p0 s5, $0x0  }
0x1f: {  	s9 =	smul.u32 $0xF7A, s1;
	s8 =	simm.s32 @!p0 $0x1BF5;
	p2 =	por !p2, p0  }
0x20: {  	[sflag:s8] =	ssyncset.s32 @!p0 $0xFFFFF086;
	s6 =	sadd.s32 @!p0 s3, s7;
	s7 =	simm.s32 @!p0 $0x108  }
0x21: {  	s3 =	sadd.s32 s3, s9;
	s6 =	sadd.s32 @!p0 $0x88, s6;
	s7 =	simm.s32 @p2 $0x1082  }
0x22: {  	[simem:s7], [sflag:s8] =	dma.local @!p0 [hbm:s6], $0xF7A  }
0x23: {  	s9 =	sor.u32 $0xD0000000, s2;
	s6 =	simm.s32 $0x108;
	_ =	swait.ge @!p0 [sflag:s8], $0x0  }
0x24: {  	s3 =	sadd.s32 $0x88, s3;
	s6 =	simm.s32 @!p1 $0x1082;
	[sflag:s4] =	ssyncset.s32 $0xFFFFF086  }
0x25: {  	[simem:s6], [sflag:s4] =	dma.local [hbm:s3], $0xF7A  }
0x26: {  	[smem:$0x3F8E] =	sst s1;
	(tag) =	ssettag s2;
	_ =	strace s9  }
0x27: {  	s1 =	sld [smem:$0x3F9E]  }
0x28: {  	s2 =	sld [smem:$0x3F9F]  }
0x29: {  	s4 =	sld [smem:$0x3FA1]  }
0x2a: {  	p0 =	seq.s32 s5, $0x0;
	s5 =	sld [smem:$0x3FA2]  }
0x2b: {  	s6 =	sld [smem:$0x3FA3]  }
0x2c: {  	s7 =	sld [smem:$0x3FA4]  }
0x2d: {  	s3 =	simm.s32 $0x108;
	s8 =	sld [smem:$0x3FA5]  }
0x2e: {  	s3 =	simm.s32 @!p0 $0x1082;
	s9 =	sld [smem:$0x3FA6]  }
0x2f: {  	lr =	sadd.s32 s0, s3;
	s0 =	sld [smem:$0x3F9D]  }
0x30: {  	s3 =	sld [smem:$0x3FA0]  }
0x31: {  	[smem:$0x3FA9] =	sst s10  }
0x32: {  	s10 =	sld [smem:$0x3FA7];
	_ =	sdelay $0x3  }
0x33: {  	p0 =	seq.s32 s10, $0x1;
	s10 =	sld [smem:$0x3FA9];
	_ =	sdelay $0x3  }
0x34: {  	[smem:$0x3FA9] =	sst s10  }
0x35: {  	s10 =	sld [smem:$0x3FA8];
	_ =	sdelay $0x3  }
0x36: {  	p1 =	seq.s32 s10, $0x1;
	s10 =	sld [smem:$0x3FA9];
	_ =	sdelay $0x3  }
0x37: {  	[smem:$0x3FA9] =	sst s10  }
0x38: {  	s10 =	sld [smem:$0x3FAA]  }
0x39: {  	_ = 	snop;
	(pc) =	sbr.ind lr, $3  }
0x3a: {  	_ = 	snop  }
0x3b: {  	_ = 	snop  }
0x3c: {  	p2 =	seq.s32 s10, $0x1;
	s10 =	sld [smem:$0x3FA9]  }
0x3d: {  	_ =	shalt  }
0x3e: {  	_ =	shalt  }
0x3f: {  	_ =	shalt  }
0x40: {  	_ =	shalt  }
0x41: {  	_ =	shalt  }
0x42: {  	_ =	shalt  }
0x43: {  	_ =	shalt  }
0x44: {  	_ =	shalt  }
0x45: {  	_ =	shalt  }
0x46: {  	_ =	shalt  }
0x47: {  	_ =	shalt  }
0x48: {  	_ =	shalt  }
0x49: {  	_ =	shalt  }
0x4a: {  	_ =	shalt  }
0x4b: {  	_ =	shalt  }
0x4c: {  	_ =	shalt  }
0x4d: {  	_ =	shalt  }
0x4e: {  	_ =	shalt  }
0x4f: {  	_ =	shalt  }
0x50: {  	_ =	shalt  }
0x51: {  	_ =	shalt  }
0x52: {  	_ =	shalt  }
0x53: {  	_ =	shalt  }
0x54: {  	_ =	shalt  }
0x55: {  	_ =	shalt  }
0x56: {  	_ =	shalt  }
0x57: {  	_ =	shalt  }
0x58: {  	_ =	shalt  }
0x59: {  	_ =	shalt  }
0x5a: {  	_ =	shalt  }
0x5b: {  	_ =	shalt  }
0x5c: {  	_ =	shalt  }
0x5d: {  	_ =	shalt  }
0x5e: {  	_ =	shalt  }
0x5f: {  	_ =	shalt  }
0x60: {  	_ =	shalt  }
0x61: {  	_ =	shalt  }
0x62: {  	_ =	shalt  }
0x63: {  	_ =	shalt  }
0x64: {  	_ =	shalt  }
0x65: {  	_ =	shalt  }
0x66: {  	_ =	shalt  }
0x67: {  	_ =	shalt  }
0x68: {  	_ =	shalt  }
0x69: {  	_ =	shalt  }
0x6a: {  	_ =	shalt  }
0x6b: {  	_ =	shalt  }
0x6c: {  	_ =	shalt  }
0x6d: {  	_ =	shalt  }
0x6e: {  	_ =	shalt  }
0x6f: {  	_ =	shalt  }
0x70: {  	_ =	shalt  }
0x71: {  	_ =	shalt  }
0x72: {  	_ =	shalt  }
0x73: {  	_ =	shalt  }
0x74: {  	_ =	shalt  }
0x75: {  	_ =	shalt  }
0x76: {  	_ =	shalt  }
0x77: {  	_ =	shalt  }
0x78: {  	_ =	shalt  }
0x79: {  	_ =	shalt  }
0x7a: {  	_ =	shalt  }
0x7b: {  	_ =	shalt  }
0x7c: {  	_ =	shalt  }
0x7d: {  	_ =	shalt  }
0x7e: {  	_ =	shalt  }
0x7f: {  	_ =	shalt  }
0x80: {  	_ =	shalt  }
0x81: {  	_ =	shalt  }
0x82: {  	_ =	shalt  }
0x83: {  	_ =	shalt  }
0x84: {  	_ =	shalt  }
0x85: {  	_ =	shalt  }
0x86: {  	_ =	shalt  }
0x87: {  	_ =	shalt  }
.Lfunc_end0:
.L_simem_size_0:
called_computation.1_lowered:
.L_overlay_start_0:
0x88: {  	s2 =	sld [smem:$0x3FD9]  }
0x89: {  	s3 =	sld [smem:$0x3FFE];
	_ =	sdelay $0x1  }
0x8a: {  	s1 =	srdreg.scid  }
0x8b: {  	s0 =	sand.u32 $0x1, s1  }
0x8c: {  	s17 =	sshll.u32 s0, $0xA;
	s2 =	sadd.s32 s3, s2  }
0x8d: {  	s2 =	sadd.s32 s2, s17  }
0x8e: {  	[smem:$0x3FB5] =	sst s2  }
0x8f: {  	_ = 	snop  }
0x90: {  	s4 =	sld [smem:$0x3FC4]  }
0x91: {  	s18 =	sld [smem:$0x3FD0];
	(tm) =	ssettm $0x1  }
0x92: {  	s19 =	sld [smem:$0x3FFB];
	_ =	sdelay $0x3  }
0x93: {  	_ =	strace s19  }
0x94: {  	s2 =	sld [smem:$0x3FFC];
	_ =	sdelay $0x3  }
0x95: {  	_ =	strace s2  }
0x96: {  	s2 =	sld [smem:$0x3FFD];
	_ =	sdelay $0x3  }
0x97: {  	_ =	strace s2  }
0x98: {  	_ =	strace $0x8FFFFFFF  }
0x99: {  	s20 =	sld [smem:$0x3FDB];
	_ =	sdelay $0x1  }
0x9a: {  	s5 =	simm.s32 $_scs_section_size  }
0x9b: {  	s6 =	simm.s32 $_size__tile_overlayer_lowered;
	s7 =	simm.s32 $_tile_overlayer_lowered  }
0x9c: {  	s8 =	simm.s32 $0x1BFF;
	s21 =	sshll.u32 s7, $0x1;
	s5 =	sadd.s32 s5, s20  }
0x9d: {  	s22 =	simm.s32 $0x0;
	s6 =	sshll.u32 s6, $0x1;
	s7 =	sadd.s32 s21, s5  }
0x9e: {  	[timem:s22], [sflag:s8] =	dma.local [hbm:s7], s6  }
0x9f: {  	_ =	swait.ge [sflag:s8], s6  }
0xa0: {  	s6 =	ssub.s32 $0x0, s6;
	[sflag:s8] =	ssyncset.done $0x0  }
0xa1: {  	[sflag:s8] =	ssyncadd.s32 s6;
	_ =	sdelay $0x1  }
0xa2: {  	s23 =	simm.s32 $0x1B8B  }
0xa3: {  	_ =	swait.ge [sflag:s23], $0x1  }
0xa4: {  	[sflag:s23] =	ssyncset.done $0x0  }
0xa5: {  	[sflag:s23] =	ssyncadd.s32 $0xFFFFFFFF  }
0xa6: {  	s6 =	sld [smem:$0x0]  }
0xa7: {  	s7 =	sand.u32 $0xFFFFFFFE, s1  }
0xa8: {  	p0 =	sne.s32 s1, s7  }
0xa9: {  	s7 =	sshll.u32 @p0 s7, $0xE  }
0xaa: {  	s7 =	sadd.s32 @p0 $0x11B8D, s7;
	s8 =	sshll.u32 @p0 s6, $0x11  }
0xab: {  	s7 =	sor.u32 @p0 s8, s7  }
0xac: {  	[sflag:s7] =	ssyncadd.remote.s32 @p0 $0x1;
	_ =	sdelay $0x1  }
0xad: {  	s7 =	simm.s32 @p0 $0x1B8D  }
0xae: {  	_ =	swait.eq @p0 [sflag:s7], $0x1  }
0xaf: {  	[sflag:s7] =	ssyncadd.s32 @p0 $0xFFFFFFFF  }
0xb0: {  	s8 =	sshll.u32 @!p0 s1, $0xE  }
0xb1: {  	s8 =	sor.u32 @!p0 $0x4000, s8;
	s7 =	simm.s32 @!p0 $0x1B8D  }
0xb2: {  	s6 =	sshll.u32 @!p0 s6, $0x11;
	s8 =	sadd.s32 @!p0 $0x11B8D, s8;
	_ =	swait.eq @!p0 [sflag:s7], $0x1  }
0xb3: {  	s6 =	sor.u32 @!p0 s6, s8;
	[sflag:s7] =	ssyncadd.s32 @!p0 $0xFFFFFFFF  }
0xb4: {  	s25 =	simm.s32 $0x1B8E;
	s24 =	sld [smem:$0x3FFE];
	[sflag:s6] =	ssyncadd.remote.s32 @!p0 $0x1  }
0xb5: {  	s26 =	simm.s32 $execute0_lowered;
	[smem:$0x3FD2] =	sst s25  }
0xb6: {  	s7 =	sshll.u32 s26, $0x1;
	_ =	strace $0x80000049;
	[dreg:$0x1] =	wrdreg $0xFFFFFFFF  }
0xb7: {  	s28 =	simm.s32 $_size_execute0_lowered;
	s5 =	sadd.s32 s5, s7;
	[dreg:$0x0] =	wrdreg $0x0  }
0xb8: {  	s7 =	sshll.u32 s28, $0x1;
	[dreg:$0x2] =	wrdreg s5  }
0xb9: {  	[dreg:$0x3] =	wrdreg s7  }
0xba: {  	[dreg:$0x4] =	wrdreg $0xC0  }
0xbb: {  	_ =	task [dreg:s22], $0x5FFFF  }
0xbc: {  	[dreg:$0x1] =	wrdreg $0xFFFFFFFF  }
0xbd: {  	[dreg:$0x0] =	wrdreg $0x60  }
0xbe: {  	[dreg:$0x2] =	wrdreg s4  }
0xbf: {  	[dreg:$0x3] =	wrdreg s24  }
0xc0: {  	[dreg:$0x4] =	wrdreg s18  }
0xc1: {  	[dreg:$0x5] =	wrdreg $0x0  }
0xc2: {  	[dreg:$0x6] =	wrdreg $0x140000  }
0xc3: {  	[dreg:$0x7] =	wrdreg $0xA  }
0xc4: {  	_ =	task.clear_ibuf [dreg:s22], $0x8FFFF;
	_ =	strace $0x90000049  }
0xc5: {  	s29 =	simm.s32 $0xA;
	_ =	strace $0x8000004B  }
0xc6: {  	_ =	swait.ge [sflag:s29], $0x1  }
0xc7: {  	[sflag:s29] =	ssyncadd.s32 $0xFFFFFFFF  }
0xc8: {  	_ =	strace $0x9000004B  }
0xc9: {  	_ =	sfence  }
0xca: {  	s30 =	sld [smem:$0x0];
	_ =	sdelay $0x2  }
0xcb: {  	s31 =	sshll.u32 s1, $0xD;
	s1 =	sshrl.u32 s1, $0x2  }
0xcc: {  	s4 =	sand.u32 $0x4000, s31;
	s1 =	sadd.s32 s1, s30  }
0xcd: {  	s0 =	sor.u32 s4, s0;
	s1 =	sshll.u32 s1, $0x11  }
0xce: {  	s0 =	sor.u32 s1, s0  }
0xcf: {  	s0 =	sadd.s32 $0x8F2B, s0  }
0xd0: {  	[sflag:s0] =	ssyncadd.remote.s32 $0x1  }
0xd1: {  	_ =	sfence.sel $0xFFFF  }
0xd2: {  	[dreg:$0x0] =	wrdreg $0xFFFFFFFF;
	(pc) =	sbr.abs _section_cstart, $3  }
0xd3: {  	[dreg:$0x1] =	wrdreg $0xFFFFFFFF  }
0xd4: {  	_ =	task.clear_ibuf [dreg:s22], $0x2FFFF;
	_ =	strace $0x9FFFFFFF  }
0xd5: {  	(tm) =	ssettm $0x7FFFFFFF  }
tec
execute0_lowered:
.L_overlay_start_1:
0x0: {  	(tag) =	ssettag $0x1  }
0x1: {  	s0 =	rddreg [dreg:$0x0]  }
0x2: {  	s1 =	rddreg [dreg:$0x1]  }
0x3: {  	s2 =	srdreg.scid;
	s4 =	rddreg [dreg:$0x3]  }
0x4: {  	s14 =	stileid.u32;
	s5 =	rddreg [dreg:$0x4];
	s6 =	simm.s32 $0x0  }
0x5: {  	s28 =	simm.s32 $0x14280;
	s29 =	simm.s32 $0x1BB00;
	s31 =	simm.s32 $0x16A80  }
0x6: {  	s30 =	simm.s32 $0x1;
	s2 =	sand.u32 $0x1, s2;
	s7 =	smul.u32 $0x2710, s14  }
0x7: {  	s8 =	smul.u32 $0x280, s14;
	[smem:$0x7FF] =	sst s6;
	s12 =	sadd.s32 $0x19C00, s1  }
0x8: {  	s16 =	sadd.s32 $0x1C400, s1;
	s13 =	smul.u32 $0x50000, s14;
	s14 =	sshll.u32 s14, $0x6  }
0x9: {  	s3 =	smul.u32 $0x27100, s2;
	_ =	strace $0x8000004A;
	[dreg:$0x6] =	wrdreg s12  }
0xa: {  	s10 =	smul.u32 $0x2800, s2;
	[dreg:$0x7] =	wrdreg s16;
	s2 =	ssub.s32 $0x2, s2  }
0xb: {  	s18 =	sshrl.u32 s2, $0x1;
	s13 =	sshrl.u32 s13, $0x2;
	s3 =	sadd.s32 s7, s3  }
0xc: {  	s7 =	sadd.s32 $0x6D000, s1;
	s10 =	sadd.s32 s8, s10;
	s2 =	ssub.s32 s2, s18  }
0xd: {  	s13 =	sadd.s32 s13, s4;
	s8 =	sadd.s32 s8, s5;
	s9 =	sshrl.u32 s3, $0x3  }
0xe: {  	s17 =	sshll.u32 s10, $0x4;
	s10 =	sshrl.u32 s10, $0x3;
	[dreg:$0x8] =	wrdreg s8  }
0xf: {  	s22 =	sadd.s32 $0x140, s3;
	s24 =	sadd.s32 $0xA0, s3;
	s2 =	smax.u32 s2, $0x1  }
0x10: {  	s26 =	sadd.s32 $0xF0, s3;
	s3 =	simm.s32 $0x1BB80;
	s11 =	sadd.s32 s9, s1  }
0x11: {  	s12 =	sadd.s32 s17, s1;
	s1 =	sadd.s32 s10, s1;
	s10 =	sor.u32 $0x1C07, s14  }
0x12: {  	s20 =	sadd.s32 s7, s9;
	s23 =	sshrl.u32 s22, $0x3;
	[dreg:$0xe] =	wrdreg s2  }
0x13: {  	s25 =	sshrl.u32 s24, $0x3;
	[dreg:$0x10] =	wrdreg s26;
	s22 =	simm.s32 $0x7  }
0x14: {  	s26 =	simm.s32 $0x50;
	s19 =	sadd.s32 $0x76E00, s11;
	[dreg:$0xa] =	wrdreg s20  }
0x15: {  	s2 =	simm.s32 $0x4;
	s8 =	sadd.s32 $0xA, s20;
	[dreg:$0x9] =	wrdreg s19  }
0x16: {  	s9 =	simm.s32 $0x2;
	s21 =	sadd.s32 $0x81600, s12;
	[dreg:$0xb] =	wrdreg s8  }
0x17: {  	s14 =	simm.s32 $0x0;
	s1 =	sadd.s32 $0x80C00, s1;
	[dreg:$0xc] =	wrdreg s21  }
0x18: {  	s11 =	simm.s32 $0x6;
	s12 =	simm.s32 $0x3;
	[dreg:$0xd] =	wrdreg s1  }
0x19: {  	s1 =	sadd.s32 s23, s7;
	s21 =	sshrl.u32 s13, $0x3;
	s23 =	simm.s32 $0x1E380  }
0x1a: {  	s8 =	simm.s32 $0x5;
	[dreg:$0xf] =	wrdreg s1;
	s1 =	sadd.s32 s25, s7  }
0x1b: {  	s25 =	simm.s32 $0x1BA80;
	[dreg:$0x11] =	wrdreg s1;
	s1 =	simm.s32 $0x19280  }
.LBB2_1:
0x1c: {  	s13 =	rddreg [dreg:$0x6]  }
0x1d: {  	[spmem:s21], [sflag:s10] =	dma.local [hbm:s13], $0x2800  }
0x1e: {  	_ =	swait.ge [sflag:s22], $0x2800  }
0x1f: {  	[sflag:s22] =	ssyncset.done $0x0  }
0x20: {  	s17 =	rddreg [dreg:$0x8];
	[sflag:s22] =	ssyncadd.s32 $0xFFFFD800  }
0x21: {  	s15 =	sshrl.u32 s17, $0x3;
	s18 =	rddreg [dreg:$0x2]  }
0x22: {  	[spmem:s15], [sflag:s10] =	dma.local [hbm:s18], $0x50  }
0x23: {  	_ =	swait.ge [sflag:s22], $0x50  }
0x24: {  	[sflag:s22] =	ssyncset.done $0x0  }
0x25: {  	s19 =	rddreg [dreg:$0x7];
	[sflag:s22] =	ssyncadd.s32 $0xFFFFFFB0  }
0x26: {  	[tilespmem:s23], [sflag:$0x7] =	stream.linear.gather [hbm4b:s19+s6], $0x80, $0x38;
	[tilespmem:$0x1E400] =	vst v63  }
0x27: {  	_ =	swait.ge [sflag:s22], $0x80  }
0x28: {  	[sflag:s22] =	ssyncset.done $0x0  }
0x29: {  	[sflag:s22] =	ssyncadd.s32 $0xFFFFFF80  }
0x2a: {  	[bflag:$0x0] =	sbarrier.arrive $0xFFFF  }
0x2b: {  	s16 =	simm.s32 $0x1BC00;
	s20 =	rddreg [dreg:$0x9]  }
0x2c: {  	[tilespmem:s16], [sflag:$0x7] =	stream.linear.gather [hbm4b:s20+s6], $0x2710, $0x38;
	[tilespmem:$0x1E400] =	vst v63  }
0x2d: {  	_ =	swait.ge [sflag:s22], $0x2710  }
0x2e: {  	[sflag:s22] =	ssyncset.done $0x0  }
0x2f: {  	s24 =	rddreg [dreg:$0xa];
	[sflag:s22] =	ssyncadd.s32 $0xFFFFD8F0  }
0x30: {  	[tilespmem:s25], [sflag:$0x4] =	stream.linear.gather [hbm4b:s24+s6], $0x50, $0x38;
	[tilespmem:$0x1E400] =	vst v63  }
0x31: {  	_ = 	snop  }
0x32: {  	[tilespmem:s28], [sflag:$0x1] =	stream.indirect.gather [hbm4b:s0+s26], $0x80, s16, s26, $0xb8;
	[tilespmem:$0x1E400] =	vst v63  }
0x33: {  	s16 =	rddreg [dreg:$0xb]  }
0x34: {  	[tilespmem:s29], [sflag:$0x5] =	stream.linear.gather [hbm4b:s16+s6], $0x50, $0x38;
	[tilespmem:$0x1E400] =	vst v63  }
0x35: {  	s17 =	simm.s32 $0x1BC50  }
0x36: {  	[tilespmem:s31], [sflag:$0x2] =	stream.indirect.gather [hbm4b:s0+s26], $0x80, s17, s26, $0xb8;
	[tilespmem:$0x1E400] =	vst v63  }
0x37: {  	s16 =	rddreg [dreg:$0x11]  }
0x38: {  	[tilespmem:s3], [sflag:$0x6] =	stream.linear.gather [hbm4b:s16+s6], $0x50, $0x38;
	[tilespmem:$0x1E400] =	vst v63  }
0x39: {  	s18 =	simm.s32 $0x1BCA0  }
0x3a: {  	[tilespmem:s1], [sflag:$0x3] =	stream.indirect.gather [hbm4b:s0+s26], $0x80, s18, s26, $0xb8;
	[tilespmem:$0x1E400] =	vst v63  }
0x3b: {  	_ =	swait.ge [sflag:s2], $0x50  }
0x3c: {  	[sflag:s2] =	ssyncset.done $0x0  }
0x3d: {  	[sflag:s2] =	ssyncadd.s32 $0xFFFFFFB0  }
0x3e: {  	_ =	swait.ge [sflag:s30], $0x2800  }
0x3f: {  	[sflag:s30] =	ssyncset.done $0x0  }
0x40: {  	[sflag:s30] =	ssyncadd.s32 $0xFFFFD800  }
0x41: {  	[spmem:s4] =	stream.indirect.scatter.add.f32 [tilespmem:s28], [sflag:$0x7], $0x80, s25, s26, $0xb8;
	[tilespmem:$0x1E400] =	vst v63  }
0x42: {  	_ =	swait.ge [sflag:s22], $0x2800  }
0x43: {  	[sflag:s22] =	ssyncset.done $0x0  }
0x44: {  	[sflag:s22] =	ssyncadd.s32 $0xFFFFD800  }
0x45: {  	[spmem:s5] =	stream.indirect.scatter.add.f32 [tilespmem:s23], [sflag:$0x7], $0x1, s25, s26, $0xb8;
	[tilespmem:$0x1E400] =	vst v63  }
0x46: {  	_ =	swait.ge [sflag:s22], $0x50  }
0x47: {  	s18 =	rddreg [dreg:$0x10]  }
0x48: {  	[sflag:s22] =	ssyncset.done $0x0;
	s19 =	sshrl.u32 s18, $0x3  }
0x49: {  	[sflag:s22] =	ssyncadd.s32 $0xFFFFFFB0;
	s13 =	sadd.s32 s7, s19  }
0x4a: {  	[tilespmem:s25], [sflag:$0x4] =	stream.linear.gather [hbm4b:s13+s6], $0x50, $0x38;
	[tilespmem:$0x1E400] =	vst v63  }
0x4b: {  	s20 =	simm.s32 $0x1BCF0  }
0x4c: {  	[tilespmem:s28], [sflag:$0x1] =	stream.indirect.gather [hbm4b:s0+s26], $0x80, s20, s26, $0xb8;
	[tilespmem:$0x1E400] =	vst v63  }
0x4d: {  	_ =	swait.ge [sflag:s8], $0x50  }
0x4e: {  	[sflag:s8] =	ssyncset.done $0x0  }
0x4f: {  	[sflag:s8] =	ssyncadd.s32 $0xFFFFFFB0  }
0x50: {  	_ =	swait.ge [sflag:s9], $0x2800  }
0x51: {  	[sflag:s9] =	ssyncset.done $0x0  }
0x52: {  	[sflag:s9] =	ssyncadd.s32 $0xFFFFD800  }
0x53: {  	[spmem:s4] =	stream.indirect.scatter.add.f32 [tilespmem:s31], [sflag:$0x7], $0x80, s29, s26, $0xb8;
	[tilespmem:$0x1E400] =	vst v63  }
0x54: {  	_ =	swait.ge [sflag:s22], $0x2800  }
0x55: {  	[sflag:s22] =	ssyncset.done $0x0  }
0x56: {  	[sflag:s22] =	ssyncadd.s32 $0xFFFFD800  }
0x57: {  	[spmem:s5] =	stream.indirect.scatter.add.f32 [tilespmem:s23], [sflag:$0x7], $0x1, s29, s26, $0xb8;
	[tilespmem:$0x1E400] =	vst v63  }
0x58: {  	_ =	swait.ge [sflag:s22], $0x50  }
0x59: {  	[sflag:s22] =	ssyncset.done $0x0  }
0x5a: {  	s17 =	rddreg [dreg:$0xf];
	[sflag:s22] =	ssyncadd.s32 $0xFFFFFFB0  }
0x5b: {  	[tilespmem:s29], [sflag:$0x5] =	stream.linear.gather [hbm4b:s17+s6], $0x50, $0x38;
	[tilespmem:$0x1E400] =	vst v63  }
0x5c: {  	s24 =	simm.s32 $0x1BD40  }
0x5d: {  	[tilespmem:s31], [sflag:$0x2] =	stream.indirect.gather [hbm4b:s0+s26], $0x80, s24, s26, $0xb8;
	[tilespmem:$0x1E400] =	vst v63  }
0x5e: {  	_ =	swait.ge [sflag:s11], $0x50  }
0x5f: {  	[sflag:s11] =	ssyncset.done $0x0  }
0x60: {  	[sflag:s11] =	ssyncadd.s32 $0xFFFFFFB0  }
0x61: {  	_ =	swait.ge [sflag:s12], $0x2800  }
0x62: {  	[sflag:s12] =	ssyncset.done $0x0  }
0x63: {  	[sflag:s12] =	ssyncadd.s32 $0xFFFFD800  }
0x64: {  	[spmem:s4] =	stream.indirect.scatter.add.f32 [tilespmem:s1], [sflag:$0x7], $0x80, s3, s26, $0xb8;
	[tilespmem:$0x1E400] =	vst v63  }
0x65: {  	_ =	swait.ge [sflag:s22], $0x2800  }
0x66: {  	[sflag:s22] =	ssyncset.done $0x0  }
0x67: {  	[sflag:s22] =	ssyncadd.s32 $0xFFFFD800  }
0x68: {  	[spmem:s5] =	stream.indirect.scatter.add.f32 [tilespmem:s23], [sflag:$0x7], $0x1, s3, s26, $0xb8;
	[tilespmem:$0x1E400] =	vst v63  }
0x69: {  	s16 =	sadd.s32 $0x1E, s16;
	s13 =	sadd.s32 $0xF0, s18;
	_ =	swait.ge [sflag:s22], $0x50  }
0x6a: {  	s17 =	sadd.s32 $0x1E, s17;
	s24 =	simm.s32 $0x3C0;
	[sflag:s22] =	ssyncset.done $0x0  }
.LBB2_2:
0x6b: {  	s19 =	smov.u32 s24  }
0x6c: {  	s18 =	sshra.s32 s24, $0x2;
	[sflag:s22] =	ssyncadd.s32 $0xFFFFFFB0;
	s19 =	sadd.s32 $0x3C0, s24  }
0x6d: {  	[tilespmem:s3], [sflag:$0x6] =	stream.linear.gather [hbm4b:s16+s6], $0x50, $0x38;
	[tilespmem:$0x1E400] =	vst v63  }
0x6e: {  	p0 =	sne.s32 s24, $0x9600;
	s20 =	sadd.s32 $0x1BCA0, s18  }
0x6f: {  	[tilespmem:s1], [sflag:$0x3] =	stream.indirect.gather [hbm4b:s0+s26], $0x80, s20, s26, $0xb8;
	[tilespmem:$0x1E400] =	vst v63  }
0x70: {  	_ =	swait.ge [sflag:s2], $0x50  }
0x71: {  	[sflag:s2] =	ssyncset.done $0x0  }
0x72: {  	[sflag:s2] =	ssyncadd.s32 $0xFFFFFFB0  }
0x73: {  	_ =	swait.ge [sflag:s30], $0x2800  }
0x74: {  	[sflag:s30] =	ssyncset.done $0x0  }
0x75: {  	[sflag:s30] =	ssyncadd.s32 $0xFFFFD800  }
0x76: {  	[spmem:s4] =	stream.indirect.scatter.add.f32 [tilespmem:s28], [sflag:$0x7], $0x80, s25, s26, $0xb8;
	[tilespmem:$0x1E400] =	vst v63  }
0x77: {  	_ =	swait.ge [sflag:s22], $0x2800  }
0x78: {  	[sflag:s22] =	ssyncset.done $0x0  }
0x79: {  	[sflag:s22] =	ssyncadd.s32 $0xFFFFD800  }
0x7a: {  	[spmem:s5] =	stream.indirect.scatter.add.f32 [tilespmem:s23], [sflag:$0x7], $0x1, s25, s26, $0xb8;
	[tilespmem:$0x1E400] =	vst v63  }
0x7b: {  	_ =	swait.ge [sflag:s22], $0x50  }
0x7c: {  	s20 =	sshrl.u32 s13, $0x3;
	[sflag:s22] =	ssyncset.done $0x0  }
0x7d: {  	s20 =	sadd.s32 s7, s20;
	[sflag:s22] =	ssyncadd.s32 $0xFFFFFFB0  }
0x7e: {  	[tilespmem:s25], [sflag:$0x4] =	stream.linear.gather [hbm4b:s20+s6], $0x50, $0x38;
	[tilespmem:$0x1E400] =	vst v63  }
0x7f: {  	s20 =	sadd.s32 $0x1BCF0, s18  }
0x80: {  	[tilespmem:s28], [sflag:$0x1] =	stream.indirect.gather [hbm4b:s0+s26], $0x80, s20, s26, $0xb8;
	[tilespmem:$0x1E400] =	vst v63  }
0x81: {  	_ =	swait.ge [sflag:s8], $0x50  }
0x82: {  	[sflag:s8] =	ssyncset.done $0x0  }
0x83: {  	[sflag:s8] =	ssyncadd.s32 $0xFFFFFFB0  }
0x84: {  	_ =	swait.ge [sflag:s9], $0x2800  }
0x85: {  	[sflag:s9] =	ssyncset.done $0x0  }
0x86: {  	[sflag:s9] =	ssyncadd.s32 $0xFFFFD800  }
0x87: {  	[spmem:s4] =	stream.indirect.scatter.add.f32 [tilespmem:s31], [sflag:$0x7], $0x80, s29, s26, $0xb8;
	[tilespmem:$0x1E400] =	vst v63  }
0x88: {  	_ =	swait.ge [sflag:s22], $0x2800  }
0x89: {  	[sflag:s22] =	ssyncset.done $0x0  }
0x8a: {  	[sflag:s22] =	ssyncadd.s32 $0xFFFFD800  }
0x8b: {  	[spmem:s5] =	stream.indirect.scatter.add.f32 [tilespmem:s23], [sflag:$0x7], $0x1, s29, s26, $0xb8;
	[tilespmem:$0x1E400] =	vst v63  }
0x8c: {  	_ =	swait.ge [sflag:s22], $0x50  }
0x8d: {  	[sflag:s22] =	ssyncset.done $0x0  }
0x8e: {  	[sflag:s22] =	ssyncadd.s32 $0xFFFFFFB0  }
0x8f: {  	[tilespmem:s29], [sflag:$0x5] =	stream.linear.gather [hbm4b:s17+s6], $0x50, $0x38;
	[tilespmem:$0x1E400] =	vst v63  }
0x90: {  	s18 =	sadd.s32 $0x1BD40, s18  }
0x91: {  	[tilespmem:s31], [sflag:$0x2] =	stream.indirect.gather [hbm4b:s0+s26], $0x80, s18, s26, $0xb8;
	[tilespmem:$0x1E400] =	vst v63  }
0x92: {  	_ =	swait.ge [sflag:s11], $0x50  }
0x93: {  	[sflag:s11] =	ssyncset.done $0x0  }
0x94: {  	[sflag:s11] =	ssyncadd.s32 $0xFFFFFFB0  }
0x95: {  	_ =	swait.ge [sflag:s12], $0x2800  }
0x96: {  	[sflag:s12] =	ssyncset.done $0x0  }
0x97: {  	[sflag:s12] =	ssyncadd.s32 $0xFFFFD800  }
0x98: {  	[spmem:s4] =	stream.indirect.scatter.add.f32 [tilespmem:s1], [sflag:$0x7], $0x80, s3, s26, $0xb8;
	[tilespmem:$0x1E400] =	vst v63  }
0x99: {  	_ =	swait.ge [sflag:s22], $0x2800  }
.Ltmp0:
0x9a: {  	[sflag:s22] =	ssyncset.done $0x0;
	(pc) =	sbr.rel @p0 .LBB2_2-.Ltmp0, $4  }
0x9b: {  	[sflag:s22] =	ssyncadd.s32 $0xFFFFD800  }
0x9c: {  	[spmem:s5] =	stream.indirect.scatter.add.f32 [tilespmem:s23], [sflag:$0x7], $0x1, s3, s26, $0xb8;
	[tilespmem:$0x1E400] =	vst v63  }
0x9d: {  	s16 =	sadd.s32 $0x1E, s16;
	s24 =	smov.u32 s19;
	_ =	swait.ge [sflag:s22], $0x50  }
0x9e: {  	s13 =	sadd.s32 $0xF0, s13;
	s17 =	sadd.s32 $0x1E, s17;
	[sflag:s22] =	ssyncset.done $0x0  }
0x9f: {  	[sflag:s22] =	ssyncadd.s32 $0xFFFFFFB0  }
0xa0: {  	_ =	swait.ge [sflag:s2], $0x50  }
0xa1: {  	[sflag:s2] =	ssyncset.done $0x0  }
0xa2: {  	[sflag:s2] =	ssyncadd.s32 $0xFFFFFFB0  }
0xa3: {  	_ =	swait.ge [sflag:s30], $0x2800  }
0xa4: {  	[sflag:s30] =	ssyncset.done $0x0  }
0xa5: {  	[sflag:s30] =	ssyncadd.s32 $0xFFFFD800  }
0xa6: {  	[spmem:s4] =	stream.indirect.scatter.add.f32 [tilespmem:s28], [sflag:$0x7], $0x80, s25, s26, $0xb8;
	[tilespmem:$0x1E400] =	vst v63  }
0xa7: {  	_ =	swait.ge [sflag:s22], $0x2800  }
0xa8: {  	[sflag:s22] =	ssyncset.done $0x0  }
0xa9: {  	[sflag:s22] =	ssyncadd.s32 $0xFFFFD800  }
0xaa: {  	[spmem:s5] =	stream.indirect.scatter.add.f32 [tilespmem:s23], [sflag:$0x7], $0x1, s25, s26, $0xb8;
	[tilespmem:$0x1E400] =	vst v63  }
0xab: {  	_ =	swait.ge [sflag:s22], $0x50  }
0xac: {  	[sflag:s22] =	ssyncset.done $0x0  }
0xad: {  	[sflag:s22] =	ssyncadd.s32 $0xFFFFFFB0  }
0xae: {  	_ =	swait.ge [sflag:s8], $0x50  }
0xaf: {  	[sflag:s8] =	ssyncset.done $0x0  }
0xb0: {  	[sflag:s8] =	ssyncadd.s32 $0xFFFFFFB0  }
0xb1: {  	_ =	swait.ge [sflag:s9], $0x2800  }
0xb2: {  	[sflag:s9] =	ssyncset.done $0x0  }
0xb3: {  	[sflag:s9] =	ssyncadd.s32 $0xFFFFD800  }
0xb4: {  	[spmem:s4] =	stream.indirect.scatter.add.f32 [tilespmem:s31], [sflag:$0x7], $0x80, s29, s26, $0xb8;
	[tilespmem:$0x1E400] =	vst v63  }
0xb5: {  	_ =	swait.ge [sflag:s22], $0x2800  }
0xb6: {  	[sflag:s22] =	ssyncset.done $0x0  }
0xb7: {  	[sflag:s22] =	ssyncadd.s32 $0xFFFFD800  }
0xb8: {  	[spmem:s5] =	stream.indirect.scatter.add.f32 [tilespmem:s23], [sflag:$0x7], $0x1, s29, s26, $0xb8;
	[tilespmem:$0x1E400] =	vst v63  }
0xb9: {  	_ =	swait.ge [sflag:s22], $0x50  }
0xba: {  	[sflag:s22] =	ssyncset.done $0x0  }
0xbb: {  	[sflag:s22] =	ssyncadd.s32 $0xFFFFFFB0  }
0xbc: {  	[bflag:$0x0] =	sbarrier.arrive $0xFFFF  }
0xbd: {  	s13 =	rddreg [dreg:$0xc]  }
0xbe: {  	[hbm:s13], [sflag:s10] =	dma.local [spmem:s21], $0x2800  }
0xbf: {  	_ =	swait.ge [sflag:s22], $0x2800  }
0xc0: {  	[sflag:s22] =	ssyncset.done $0x0  }
0xc1: {  	s20 =	rddreg [dreg:$0xd];
	[sflag:s22] =	ssyncadd.s32 $0xFFFFD800  }
0xc2: {  	[hbm:s20], [sflag:s10] =	dma.local [spmem:s15], $0x50  }
0xc3: {  	_ =	swait.ge [sflag:s22], $0x50  }
0xc4: {  	s14 =	sadd.s32 $0x1, s14;
	s24 =	rddreg [dreg:$0xe]  }
0xc5: {  	p0 =	sne.s32 s14, s24  }
.Ltmp1:
0xc6: {  	_ = 	snop;
	(pc) =	sbr.rel @p0 .LBB2_1-.Ltmp1, $3  }
0xc7: {  	_ =	sdelay $0x1  }
0xc8: {  	[sflag:s22] =	ssyncset.done $0x0  }
0xc9: {  	[sflag:s22] =	ssyncadd.s32 $0xFFFFFFB0  }
0xca: {  	_ =	sfence.sel $0x180000  }
0xcb: {  	[bflag:$0x0] =	sbarrier.arrive $0xFFFF  }
0xcc: {  	_ =	strace $0x9000004A  }
0xcd: {  	s0 =	stileid.u32;
	[bflag:$0x2] =	sbarrier.arrive $0xFFFF  }
0xce: {  	p0 =	sne.s32 s0, $0x0;
	s0 =	rddreg [dreg:$0x5]  }
0xcf: {  	s0 =	sadd.s32 @!p0 $0x100000, s0  }
0xd0: {  	[sflag:s0] =	ssyncadd.tile.s32 @!p0 $0x1;
	_ =	shalt  }
.Lfunc_end2:
_tile_overlayer_lowered:
.L_overlay_start_2:
0xd1: {  	(tag) =	ssettag $0x2  }
0xd2: {  	s0 =	rddreg [dreg:$0x0];
	s2 =	stileid.u32  }
0xd3: {  	s1 =	rddreg [dreg:$0x1];
	p0 =	sne.s32 s2, $0x0  }
0xd4: {  	s3 =	rddreg [dreg:$0x2];
	[bflag:$0x3] =	sbarrier.arrive $0xFFFF;
	s2 =	simm.s32 @!p0 $0x1C07  }
0xd5: {  	[timem:s3], [sflag:s2] =	dma.local @!p0 [hbm:s0], s1  }
0xd6: {  	s0 =	simm.s32 @!p0 $0x7  }
0xd7: {  	_ =	swait.ge @!p0 [sflag:s0], s1  }
0xd8: {  	s1 =	ssub.s32 @!p0 $0x0, s1;
	[sflag:s0] =	ssyncset.done @!p0 $0x0  }
0xd9: {  	[sflag:s0] =	ssyncadd.s32 @!p0 s1  }
0xda: {  	[bflag:$0x3] =	sbarrier.arrive $0xFFFF  }
0xdb: {  	_ =	shalt  }

// kernel: kernel.14.cloned.1.call-start
scs
__scs_entry_jumppad:
0x0: {  	(pc) =	sbr.rel $0x88, $3  }
0x1: {  	(tag) =	ssettag $0x0;
	lr =	simm.s32 $0x1  }
0x2: {  	[smem:$0x3F8E] =	sst lr;
	_ =	strace $0xD0000000  }
0x3: {  	_ = 	snop  }
0x4: {  	_ = 	snop  }
0x5: {  	_ = 	snop  }
0x6: {  	_ = 	snop  }
0x7: {  	_ = 	snop  }
__scs_overlays_trampoline_lowered:
0x8: {  	[smem:$0x3F9D] =	sst s0  }
0x9: {  	[smem:$0x3F9E] =	sst s1  }
0xa: {  	[smem:$0x3F9F] =	sst s2  }
0xb: {  	[smem:$0x3FA0] =	sst s3  }
0xc: {  	[smem:$0x3FA1] =	sst s4  }
0xd: {  	[smem:$0x3FA2] =	sst s5  }
0xe: {  	[smem:$0x3FA3] =	sst s6  }
0xf: {  	[smem:$0x3FA4] =	sst s7  }
0x10: {  	[smem:$0x3FA5] =	sst s8  }
0x11: {  	[smem:$0x3FA6] =	sst s9;
	s0 =	simm.s32 @!p0 $0x0  }
0x12: {  	s1 =	sld [smem:$0x3F8C];
	s0 =	simm.s32 @p0 $0x1  }
0x13: {  	[smem:$0x3FA7] =	sst s0;
	s0 =	simm.s32 @!p1 $0x0  }
0x14: {  	s2 =	sld [smem:$0x3F8B];
	s0 =	simm.s32 @p1 $0x1  }
0x15: {  	[smem:$0x3FA8] =	sst s0;
	s0 =	simm.s32 @!p2 $0x0  }
0x16: {  	s3 =	sld [smem:$0x3FDB];
	s0 =	simm.s32 @p2 $0x1  }
0x17: {  	s4 =	simm.s32 $0x1BF5;
	[smem:$0x3FAA] =	sst s0  }
0x18: {  	s0 =	sld [smem:$0x3F8D];
	_ =	swait.ge [sflag:s4], $0x0  }
0x19: {  	s7 =	sld [smem:$0x3F8E]  }
0x1a: {  	s8 =	sadd.s32 $0xFFFFE003, lr  }
0x1b: {  	s9 =	sadd.s32 $0xFFFFFEF7, lr;
	s5 =	simm.s32 $0xFFFFFFFF;
	p2 =	slt.u32 s8, $0xFFFFF086  }
0x1c: {  	p1 =	slt.u32 s9, $0xF7A;
	s5 =	simm.s32 @!p2 $0x0  }
0x1d: {  	s5 =	simm.s32 @p1 $0x1;
	p0 =	seq.s32 s7, s2  }
0x1e: {  	s7 =	smul.u32 @!p0 $0xF7A, s2;
	p2 =	seq.s32 @!p0 s5, $0x0  }
0x1f: {  	s9 =	smul.u32 $0xF7A, s1;
	s8 =	simm.s32 @!p0 $0x1BF5;
	p2 =	por !p2, p0  }
0x20: {  	[sflag:s8] =	ssyncset.s32 @!p0 $0xFFFFF086;
	s6 =	sadd.s32 @!p0 s3, s7;
	s7 =	simm.s32 @!p0 $0x108  }
0x21: {  	s3 =	sadd.s32 s3, s9;
	s6 =	sadd.s32 @!p0 $0x88, s6;
	s7 =	simm.s32 @p2 $0x1082  }
0x22: {  	[simem:s7], [sflag:s8] =	dma.local @!p0 [hbm:s6], $0xF7A  }
0x23: {  	s9 =	sor.u32 $0xD0000000, s2;
	s6 =	simm.s32 $0x108;
	_ =	swait.ge @!p0 [sflag:s8], $0x0  }
0x24: {  	s3 =	sadd.s32 $0x88, s3;
	s6 =	simm.s32 @!p1 $0x1082;
	[sflag:s4] =	ssyncset.s32 $0xFFFFF086  }
0x25: {  	[simem:s6], [sflag:s4] =	dma.local [hbm:s3], $0xF7A  }
0x26: {  	[smem:$0x3F8E] =	sst s1;
	(tag) =	ssettag s2;
	_ =	strace s9  }
0x27: {  	s1 =	sld [smem:$0x3F9E]  }
0x28: {  	s2 =	sld [smem:$0x3F9F]  }
0x29: {  	s4 =	sld [smem:$0x3FA1]  }
0x2a: {  	p0 =	seq.s32 s5, $0x0;
	s5 =	sld [smem:$0x3FA2]  }
0x2b: {  	s6 =	sld [smem:$0x3FA3]  }
0x2c: {  	s7 =	sld [smem:$0x3FA4]  }
0x2d: {  	s3 =	simm.s32 $0x108;
	s8 =	sld [smem:$0x3FA5]  }
0x2e: {  	s3 =	simm.s32 @!p0 $0x1082;
	s9 =	sld [smem:$0x3FA6]  }
0x2f: {  	lr =	sadd.s32 s0, s3;
	s0 =	sld [smem:$0x3F9D]  }
0x30: {  	s3 =	sld [smem:$0x3FA0]  }
0x31: {  	[smem:$0x3FA9] =	sst s10  }
0x32: {  	s10 =	sld [smem:$0x3FA7];
	_ =	sdelay $0x3  }
0x33: {  	p0 =	seq.s32 s10, $0x1;
	s10 =	sld [smem:$0x3FA9];
	_ =	sdelay $0x3  }
0x34: {  	[smem:$0x3FA9] =	sst s10  }
0x35: {  	s10 =	sld [smem:$0x3FA8];
	_ =	sdelay $0x3  }
0x36: {  	p1 =	seq.s32 s10, $0x1;
	s10 =	sld [smem:$0x3FA9];
	_ =	sdelay $0x3  }
0x37: {  	[smem:$0x3FA9] =	sst s10  }
0x38: {  	s10 =	sld [smem:$0x3FAA]  }
0x39: {  	_ = 	snop;
	(pc) =	sbr.ind lr, $3  }
0x3a: {  	_ = 	snop  }
0x3b: {  	_ = 	snop  }
0x3c: {  	p2 =	seq.s32 s10, $0x1;
	s10 =	sld [smem:$0x3FA9]  }
0x3d: {  	_ =	shalt  }
0x3e: {  	_ =	shalt  }
0x3f: {  	_ =	shalt  }
0x40: {  	_ =	shalt  }
0x41: {  	_ =	shalt  }
0x42: {  	_ =	shalt  }
0x43: {  	_ =	shalt  }
0x44: {  	_ =	shalt  }
0x45: {  	_ =	shalt  }
0x46: {  	_ =	shalt  }
0x47: {  	_ =	shalt  }
0x48: {  	_ =	shalt  }
0x49: {  	_ =	shalt  }
0x4a: {  	_ =	shalt  }
0x4b: {  	_ =	shalt  }
0x4c: {  	_ =	shalt  }
0x4d: {  	_ =	shalt  }
0x4e: {  	_ =	shalt  }
0x4f: {  	_ =	shalt  }
0x50: {  	_ =	shalt  }
0x51: {  	_ =	shalt  }
0x52: {  	_ =	shalt  }
0x53: {  	_ =	shalt  }
0x54: {  	_ =	shalt  }
0x55: {  	_ =	shalt  }
0x56: {  	_ =	shalt  }
0x57: {  	_ =	shalt  }
0x58: {  	_ =	shalt  }
0x59: {  	_ =	shalt  }
0x5a: {  	_ =	shalt  }
0x5b: {  	_ =	shalt  }
0x5c: {  	_ =	shalt  }
0x5d: {  	_ =	shalt  }
0x5e: {  	_ =	shalt  }
0x5f: {  	_ =	shalt  }
0x60: {  	_ =	shalt  }
0x61: {  	_ =	shalt  }
0x62: {  	_ =	shalt  }
0x63: {  	_ =	shalt  }
0x64: {  	_ =	shalt  }
0x65: {  	_ =	shalt  }
0x66: {  	_ =	shalt  }
0x67: {  	_ =	shalt  }
0x68: {  	_ =	shalt  }
0x69: {  	_ =	shalt  }
0x6a: {  	_ =	shalt  }
0x6b: {  	_ =	shalt  }
0x6c: {  	_ =	shalt  }
0x6d: {  	_ =	shalt  }
0x6e: {  	_ =	shalt  }
0x6f: {  	_ =	shalt  }
0x70: {  	_ =	shalt  }
0x71: {  	_ =	shalt  }
0x72: {  	_ =	shalt  }
0x73: {  	_ =	shalt  }
0x74: {  	_ =	shalt  }
0x75: {  	_ =	shalt  }
0x76: {  	_ =	shalt  }
0x77: {  	_ =	shalt  }
0x78: {  	_ =	shalt  }
0x79: {  	_ =	shalt  }
0x7a: {  	_ =	shalt  }
0x7b: {  	_ =	shalt  }
0x7c: {  	_ =	shalt  }
0x7d: {  	_ =	shalt  }
0x7e: {  	_ =	shalt  }
0x7f: {  	_ =	shalt  }
0x80: {  	_ =	shalt  }
0x81: {  	_ =	shalt  }
0x82: {  	_ =	shalt  }
0x83: {  	_ =	shalt  }
0x84: {  	_ =	shalt  }
0x85: {  	_ =	shalt  }
0x86: {  	_ =	shalt  }
0x87: {  	_ =	shalt  }
.Lfunc_end0:
.L_simem_size_0:
called_computation.2_lowered:
.L_overlay_start_0:
0x88: {  	s2 =	sld [smem:$0x3FD9]  }
0x89: {  	s3 =	sld [smem:$0x3FFE];
	_ =	sdelay $0x1  }
0x8a: {  	s1 =	srdreg.scid  }
0x8b: {  	s0 =	sand.u32 $0x1, s1  }
0x8c: {  	s17 =	sshll.u32 s0, $0xA;
	s2 =	sadd.s32 s3, s2  }
0x8d: {  	s2 =	sadd.s32 s2, s17  }
0x8e: {  	[smem:$0x3FB5] =	sst s2  }
0x8f: {  	_ = 	snop  }
0x90: {  	s18 =	sld [smem:$0x3FC7];
	(tm) =	ssettm $0x1  }
0x91: {  	s19 =	sld [smem:$0x3FFB];
	_ =	sdelay $0x3  }
0x92: {  	_ =	strace s19  }
0x93: {  	s2 =	sld [smem:$0x3FFC];
	_ =	sdelay $0x3  }
0x94: {  	_ =	strace s2  }
0x95: {  	s2 =	sld [smem:$0x3FFD];
	_ =	sdelay $0x3  }
0x96: {  	_ =	strace s2  }
0x97: {  	_ =	strace $0x8FFFFFFF  }
0x98: {  	s20 =	sld [smem:$0x3FDB];
	_ =	sdelay $0x1  }
0x99: {  	s4 =	simm.s32 $_scs_section_size  }
0x9a: {  	s5 =	simm.s32 $_size__tile_overlayer_lowered;
	s6 =	simm.s32 $_tile_overlayer_lowered  }
0x9b: {  	s7 =	simm.s32 $0x1BFF;
	s21 =	sshll.u32 s6, $0x1;
	s4 =	sadd.s32 s4, s20  }
0x9c: {  	s22 =	simm.s32 $0x0;
	s5 =	sshll.u32 s5, $0x1;
	s6 =	sadd.s32 s21, s4  }
0x9d: {  	[timem:s22], [sflag:s7] =	dma.local [hbm:s6], s5  }
0x9e: {  	_ =	swait.ge [sflag:s7], s5  }
0x9f: {  	s5 =	ssub.s32 $0x0, s5;
	[sflag:s7] =	ssyncset.done $0x0  }
0xa0: {  	[sflag:s7] =	ssyncadd.s32 s5;
	_ =	sdelay $0x1  }
0xa1: {  	s23 =	simm.s32 $0x1B8B  }
0xa2: {  	_ =	swait.ge [sflag:s23], $0x1  }
0xa3: {  	[sflag:s23] =	ssyncset.done $0x0  }
0xa4: {  	[sflag:s23] =	ssyncadd.s32 $0xFFFFFFFF  }
0xa5: {  	s5 =	sld [smem:$0x0]  }
0xa6: {  	s6 =	sand.u32 $0xFFFFFFFE, s1  }
0xa7: {  	p0 =	sne.s32 s1, s6  }
0xa8: {  	s6 =	sshll.u32 @p0 s6, $0xE  }
0xa9: {  	s6 =	sadd.s32 @p0 $0x11B8D, s6;
	s7 =	sshll.u32 @p0 s5, $0x11  }
0xaa: {  	s6 =	sor.u32 @p0 s7, s6  }
0xab: {  	[sflag:s6] =	ssyncadd.remote.s32 @p0 $0x1;
	_ =	sdelay $0x1  }
0xac: {  	s6 =	simm.s32 @p0 $0x1B8D  }
0xad: {  	_ =	swait.eq @p0 [sflag:s6], $0x1  }
0xae: {  	[sflag:s6] =	ssyncadd.s32 @p0 $0xFFFFFFFF  }
0xaf: {  	s7 =	sshll.u32 @!p0 s1, $0xE  }
0xb0: {  	s7 =	sor.u32 @!p0 $0x4000, s7;
	s6 =	simm.s32 @!p0 $0x1B8D  }
0xb1: {  	s5 =	sshll.u32 @!p0 s5, $0x11;
	s7 =	sadd.s32 @!p0 $0x11B8D, s7;
	_ =	swait.eq @!p0 [sflag:s6], $0x1  }
0xb2: {  	s5 =	sor.u32 @!p0 s5, s7;
	[sflag:s6] =	ssyncadd.s32 @!p0 $0xFFFFFFFF  }
0xb3: {  	s25 =	simm.s32 $0x1B8E;
	s24 =	sld [smem:$0x3FFE];
	[sflag:s5] =	ssyncadd.remote.s32 @!p0 $0x1  }
0xb4: {  	s26 =	simm.s32 $execute0_lowered;
	[smem:$0x3FD2] =	sst s25  }
0xb5: {  	s6 =	sshll.u32 s26, $0x1;
	_ =	strace $0x8000004F;
	[dreg:$0x1] =	wrdreg $0xFFFFFFFF  }
0xb6: {  	s28 =	simm.s32 $_size_execute0_lowered;
	s4 =	sadd.s32 s4, s6;
	[dreg:$0x0] =	wrdreg $0x0  }
0xb7: {  	s6 =	sshll.u32 s28, $0x1;
	[dreg:$0x2] =	wrdreg s4  }
0xb8: {  	[dreg:$0x3] =	wrdreg s6  }
0xb9: {  	[dreg:$0x4] =	wrdreg $0xC0  }
0xba: {  	_ =	task [dreg:s22], $0x5FFFF  }
0xbb: {  	[dreg:$0x1] =	wrdreg $0xFFFFFFFF  }
0xbc: {  	[dreg:$0x0] =	wrdreg $0x60  }
0xbd: {  	[dreg:$0x2] =	wrdreg s24  }
0xbe: {  	[dreg:$0x3] =	wrdreg s18  }
0xbf: {  	[dreg:$0x4] =	wrdreg $0x0  }
0xc0: {  	[dreg:$0x5] =	wrdreg $0x9  }
0xc1: {  	_ =	task.clear_ibuf [dreg:s22], $0x6FFFF;
	_ =	strace $0x9000004F  }
0xc2: {  	s29 =	simm.s32 $0x9;
	_ =	strace $0x80000051  }
0xc3: {  	_ =	swait.ge [sflag:s29], $0x1  }
0xc4: {  	[sflag:s29] =	ssyncadd.s32 $0xFFFFFFFF  }
0xc5: {  	_ =	strace $0x90000051  }
0xc6: {  	_ =	sfence  }
0xc7: {  	s30 =	sld [smem:$0x0];
	_ =	sdelay $0x2  }
0xc8: {  	s31 =	sshll.u32 s1, $0xD;
	s1 =	sshrl.u32 s1, $0x2  }
0xc9: {  	s4 =	sand.u32 $0x4000, s31;
	s1 =	sadd.s32 s1, s30  }
0xca: {  	s0 =	sor.u32 s4, s0;
	s1 =	sshll.u32 s1, $0x11  }
0xcb: {  	s0 =	sor.u32 s1, s0  }
0xcc: {  	s0 =	sadd.s32 $0x8F2B, s0  }
0xcd: {  	[sflag:s0] =	ssyncadd.remote.s32 $0x1  }
0xce: {  	_ =	sfence.sel $0xFFFF  }
0xcf: {  	[dreg:$0x0] =	wrdreg $0xFFFFFFFF;
	(pc) =	sbr.abs _section_cstart, $3  }
0xd0: {  	[dreg:$0x1] =	wrdreg $0xFFFFFFFF  }
0xd1: {  	_ =	task.clear_ibuf [dreg:s22], $0x2FFFF;
	_ =	strace $0x9FFFFFFF  }
0xd2: {  	(tm) =	ssettm $0x7FFFFFFF  }
0xd3: {  	_ =	shalt  }
tec
execute0_lowered:
.L_overlay_start_1:
0x0: {  	(tag) =	ssettag $0x1  }
0x1: {  	s1 =	rddreg [dreg:$0x0];
	s0 =	srdreg.scid  }
0x2: {  	s7 =	rddreg [dreg:$0x1];
	s20 =	stileid.u32  }
0x3: {  	s2 =	rddreg [dreg:$0x2];
	s3 =	simm.s32 $0x0;
	s30 =	simm.s32 $0x7  }
0x4: {  	s8 =	sand.u32 $0x1, s0;
	s4 =	smul.u32 $0x2710, s20;
	[smem:$0x7FF] =	sst s3  }
0x5: {  	s5 =	sadd.s32 $0x6D000, s1;
	s11 =	sadd.s32 $0xF6200, s1;
	s6 =	sadd.s32 $0xA7E00, s1  }
0x6: {  	s14 =	sshll.u32 s20, $0x8;
	s16 =	sadd.s32 $0x15D400, s1;
	s17 =	smul.u32 $0x50000, s20  }
0x7: {  	s18 =	sshll.u32 s20, $0x5;
	s0 =	smul.u32 $0x27100, s8;
	_ =	strace $0x80000050  }
0x8: {  	s12 =	ssub.s32 $0x2, s8;
	s15 =	sshll.u32 s8, $0xC;
	s18 =	sadd.s32 s7, s18  }
0x9: {  	s22 =	sor.u32 $0x40, s14;
	p0 =	seq.s32 s8, $0x0;
	s24 =	sor.u32 $0x80, s14  }
0xa: {  	s13 =	sshrl.u32 s12, $0x1;
	s21 =	sor.u32 s14, s15;
	[dreg:$0x4] =	wrdreg s18  }
0xb: {  	s23 =	sshrl.u32 s22, $0x3;
	s25 =	sshrl.u32 s24, $0x3;
	s14 =	sor.u32 $0xC0, s14  }
0xc: {  	s19 =	sor.u32 s15, s22;
	s28 =	sor.u32 s15, s24;
	s6 =	smov.u32 @p0 s11  }
0xd: {  	s18 =	sshll.u32 s24, $0x4;
	s11 =	simm.s32 $0x19000;
	s0 =	sadd.s32 s4, s0  }
0xe: {  	s4 =	sadd.s32 $0xCF000, s1;
	s12 =	ssub.s32 s12, s13;
	s13 =	sshll.u32 s21, $0x4  }
0xf: {  	s8 =	sadd.s32 s7, s23;
	s26 =	sshrl.u32 s14, $0x3;
	s29 =	sor.u32 s15, s14  }
0x10: {  	s31 =	sshll.u32 s19, $0x4;
	s14 =	sshll.u32 s14, $0x4;
	s23 =	sshll.u32 s20, $0x6  }
0x11: {  	s9 =	sshrl.u32 s0, $0x3;
	s13 =	sadd.s32 s16, s13;
	[dreg:$0x6] =	wrdreg s8  }
0x12: {  	s8 =	sadd.s32 s7, s25;
	s7 =	sadd.s32 s7, s26;
	[dreg:$0x5] =	wrdreg s13  }
0x13: {  	s15 =	sadd.s32 s16, s31;
	s25 =	sadd.s32 $0x140, s0;
	[dreg:$0x7] =	wrdreg s8  }
0x14: {  	s26 =	sadd.s32 $0xA0, s0;
	s10 =	sadd.s32 s9, s1;
	[dreg:$0x8] =	wrdreg s7  }
0x15: {  	s7 =	sshll.u32 s28, $0x4;
	s8 =	sshll.u32 s29, $0x4;
	[dreg:$0x9] =	wrdreg s15  }
0x16: {  	s15 =	sshrl.u32 s17, $0x2;
	s17 =	sshll.u32 s22, $0x4;
	s28 =	smax.u32 s12, $0x1  }
0x17: {  	s9 =	sadd.s32 s5, s9;
	s12 =	simm.s32 $0x4;
	[dreg:$0x14] =	wrdreg s28  }
0x18: {  	s13 =	simm.s32 $0x1;
	s7 =	sadd.s32 s16, s7;
	[dreg:$0x13] =	wrdreg s9  }
0x19: {  	s8 =	sadd.s32 s16, s8;
	s16 =	sshll.u32 s20, $0xC;
	[dreg:$0xa] =	wrdreg s7  }
0x1a: {  	s24 =	sadd.s32 $0x76E00, s10;
	s31 =	sadd.s32 $0xA, s9;
	[dreg:$0xb] =	wrdreg s8  }
0x1b: {  	s9 =	simm.s32 $0x16800;
	s7 =	sadd.s32 $0x17D400, s1;
	[dreg:$0x12] =	wrdreg s24  }
0x1c: {  	s8 =	sadd.s32 $0x18D400, s1;
	s1 =	sadd.s32 $0x19C00, s1;
	[dreg:$0x17] =	wrdreg s31  }
0x1d: {  	s10 =	simm.s32 $0x1B900;
	s20 =	simm.s32 $0x0;
	[dreg:$0xc] =	wrdreg s1  }
0x1e: {  	s8 =	smov.u32 @p0 s7;
	s1 =	sadd.s32 s15, s2;
	s15 =	simm.s32 $0x2  }
0x1f: {  	s7 =	sadd.s32 s8, s16;
	s19 =	sadd.s32 s8, s17;
	s21 =	sadd.s32 s8, s18  }
0x20: {  	s22 =	sadd.s32 s8, s14;
	s8 =	sshrl.u32 s26, $0x3;
	[dreg:$0xd] =	wrdreg s7  }
0x21: {  	s29 =	sshrl.u32 s1, $0x3;
	s1 =	simm.s32 $0x1B800;
	[dreg:$0xe] =	wrdreg s19  }
0x22: {  	s14 =	simm.s32 $0x5;
	s16 =	simm.s32 $0x6;
	[dreg:$0xf] =	wrdreg s21  }
0x23: {  	s17 =	simm.s32 $0x3;
	s18 =	simm.s32 $0x1E100;
	[dreg:$0x10] =	wrdreg s22  }
0x24: {  	s7 =	sor.u32 $0x1C07, s23;
	s26 =	sadd.s32 s8, s5;
	[dreg:$0x16] =	wrdreg s29  }
0x25: {  	s8 =	simm.s32 $0x1B880;
	[dreg:$0x11] =	wrdreg s7;
	s7 =	sshrl.u32 s25, $0x3  }
0x26: {  	s19 =	simm.s32 $0x40;
	s25 =	sadd.s32 $0xF0, s0;
	s7 =	sadd.s32 s7, s5  }
0x27: {  	s0 =	simm.s32 $0x50;
	[dreg:$0x15] =	wrdreg s7;
	s7 =	simm.s32 $0x14000  }
.LBB2_1:
0x28: {  	s21 =	rddreg [dreg:$0xc]  }
0x29: {  	s22 =	rddreg [dreg:$0x11]  }
0x2a: {  	s23 =	rddreg [dreg:$0x16]  }
0x2b: {  	[spmem:s23], [sflag:s22] =	dma.local [hbm:s21], $0x2800  }
0x2c: {  	_ =	swait.ge [sflag:s30], $0x2800  }
0x2d: {  	[sflag:s30] =	ssyncset.done $0x0  }
0x2e: {  	[sflag:s30] =	ssyncadd.s32 $0xFFFFD800  }
0x2f: {  	[bflag:$0x0] =	sbarrier.arrive $0xFFFF  }
0x30: {  	s24 =	simm.s32 $0x1B980;
	s23 =	rddreg [dreg:$0x12]  }
0x31: {  	[tilespmem:s24], [sflag:$0x7] =	stream.linear.gather [hbm4b:s23+s3], $0x2710, $0x38;
	[tilespmem:$0x1E180] =	vst v63  }
0x32: {  	_ =	swait.ge [sflag:s30], $0x2710  }
0x33: {  	[sflag:s30] =	ssyncset.done $0x0  }
0x34: {  	s29 =	rddreg [dreg:$0x13];
	[sflag:s30] =	ssyncadd.s32 $0xFFFFD8F0  }
0x35: {  	[tilespmem:s1], [sflag:$0x4] =	stream.linear.gather [hbm4b:s29+s3], $0x50, $0x38;
	[tilespmem:$0x1E180] =	vst v63  }
0x36: {  	_ = 	snop  }
0x37: {  	[tilespmem:s7], [sflag:$0x1] =	stream.indirect.gather [hbm4b:s4+s0], $0x80, s24, s0, $0xb8;
	[tilespmem:$0x1E180] =	vst v63  }
0x38: {  	s23 =	rddreg [dreg:$0x17]  }
0x39: {  	[tilespmem:s8], [sflag:$0x5] =	stream.linear.gather [hbm4b:s23+s3], $0x50, $0x38;
	[tilespmem:$0x1E180] =	vst v63  }
0x3a: {  	s24 =	simm.s32 $0x1B9D0  }
0x3b: {  	[tilespmem:s9], [sflag:$0x2] =	stream.indirect.gather [hbm4b:s4+s0], $0x80, s24, s0, $0xb8;
	[tilespmem:$0x1E180] =	vst v63  }
0x3c: {  	_ = 	snop  }
0x3d: {  	[tilespmem:s10], [sflag:$0x6] =	stream.linear.gather [hbm4b:s26+s3], $0x50, $0x38;
	[tilespmem:$0x1E180] =	vst v63  }
0x3e: {  	s29 =	simm.s32 $0x1BA20  }
0x3f: {  	[tilespmem:s11], [sflag:$0x3] =	stream.indirect.gather [hbm4b:s4+s0], $0x80, s29, s0, $0xb8;
	[tilespmem:$0x1E180] =	vst v63  }
0x40: {  	_ =	swait.ge [sflag:s12], $0x50  }
0x41: {  	[sflag:s12] =	ssyncset.done $0x0  }
0x42: {  	[sflag:s12] =	ssyncadd.s32 $0xFFFFFFB0  }
0x43: {  	_ =	swait.ge [sflag:s13], $0x2800  }
0x44: {  	[sflag:s13] =	ssyncset.done $0x0  }
0x45: {  	[sflag:s13] =	ssyncadd.s32 $0xFFFFD800  }
0x46: {  	[spmem:s2] =	stream.indirect.scatter.add.f32 [tilespmem:s7], [sflag:$0x7], $0x80, s1, s0, $0xb8;
	[tilespmem:$0x1E180] =	vst v63  }
0x47: {  	_ =	swait.ge [sflag:s30], $0x2800  }
0x48: {  	s22 =	sshrl.u32 s25, $0x3;
	[sflag:s30] =	ssyncset.done $0x0  }
0x49: {  	s21 =	sadd.s32 s5, s22;
	[sflag:s30] =	ssyncadd.s32 $0xFFFFD800  }
0x4a: {  	[tilespmem:s1], [sflag:$0x4] =	stream.linear.gather [hbm4b:s21+s3], $0x50, $0x38;
	[tilespmem:$0x1E180] =	vst v63  }
0x4b: {  	s23 =	simm.s32 $0x1BA70  }
0x4c: {  	[tilespmem:s7], [sflag:$0x1] =	stream.indirect.gather [hbm4b:s4+s0], $0x80, s23, s0, $0xb8;
	[tilespmem:$0x1E180] =	vst v63  }
0x4d: {  	_ =	swait.ge [sflag:s14], $0x50  }
0x4e: {  	[sflag:s14] =	ssyncset.done $0x0  }
0x4f: {  	[sflag:s14] =	ssyncadd.s32 $0xFFFFFFB0  }
0x50: {  	_ =	swait.ge [sflag:s15], $0x2800  }
0x51: {  	[sflag:s15] =	ssyncset.done $0x0  }
0x52: {  	[sflag:s15] =	ssyncadd.s32 $0xFFFFD800  }
0x53: {  	[spmem:s2] =	stream.indirect.scatter.add.f32 [tilespmem:s9], [sflag:$0x7], $0x80, s8, s0, $0xb8;
	[tilespmem:$0x1E180] =	vst v63  }
0x54: {  	_ =	swait.ge [sflag:s30], $0x2800  }
0x55: {  	[sflag:s30] =	ssyncset.done $0x0  }
0x56: {  	s24 =	rddreg [dreg:$0x15];
	[sflag:s30] =	ssyncadd.s32 $0xFFFFD800  }
0x57: {  	[tilespmem:s8], [sflag:$0x5] =	stream.linear.gather [hbm4b:s24+s3], $0x50, $0x38;
	[tilespmem:$0x1E180] =	vst v63  }
0x58: {  	s29 =	simm.s32 $0x1BAC0  }
0x59: {  	[tilespmem:s9], [sflag:$0x2] =	stream.indirect.gather [hbm4b:s4+s0], $0x80, s29, s0, $0xb8;
	[tilespmem:$0x1E180] =	vst v63  }
0x5a: {  	_ =	swait.ge [sflag:s16], $0x50  }
0x5b: {  	[sflag:s16] =	ssyncset.done $0x0  }
0x5c: {  	[sflag:s16] =	ssyncadd.s32 $0xFFFFFFB0  }
0x5d: {  	_ =	swait.ge [sflag:s17], $0x2800  }
0x5e: {  	[sflag:s17] =	ssyncset.done $0x0  }
0x5f: {  	[sflag:s17] =	ssyncadd.s32 $0xFFFFD800  }
0x60: {  	[spmem:s2] =	stream.indirect.scatter.add.f32 [tilespmem:s11], [sflag:$0x7], $0x80, s10, s0, $0xb8;
	[tilespmem:$0x1E180] =	vst v63  }
0x61: {  	s28 =	simm.s32 $0x3C0;
	s31 =	sadd.s32 $0xF0, s25;
	_ =	swait.ge [sflag:s30], $0x2800  }
0x62: {  	s21 =	sadd.s32 $0x1E, s26;
	s23 =	sadd.s32 $0x1E, s24;
	[sflag:s30] =	ssyncset.done $0x0  }
.LBB2_2:
0x63: {  	s22 =	smov.u32 s28  }
0x64: {  	s29 =	sshra.s32 s28, $0x2;
	[sflag:s30] =	ssyncadd.s32 $0xFFFFD800;
	s22 =	sadd.s32 $0x3C0, s28  }
0x65: {  	[tilespmem:s10], [sflag:$0x6] =	stream.linear.gather [hbm4b:s21+s3], $0x50, $0x38;
	[tilespmem:$0x1E180] =	vst v63  }
0x66: {  	p0 =	sne.s32 s28, $0x9600;
	s24 =	sadd.s32 $0x1BA20, s29  }
0x67: {  	[tilespmem:s11], [sflag:$0x3] =	stream.indirect.gather [hbm4b:s4+s0], $0x80, s24, s0, $0xb8;
	[tilespmem:$0x1E180] =	vst v63  }
0x68: {  	_ =	swait.ge [sflag:s12], $0x50  }
0x69: {  	[sflag:s12] =	ssyncset.done $0x0  }
0x6a: {  	[sflag:s12] =	ssyncadd.s32 $0xFFFFFFB0  }
0x6b: {  	_ =	swait.ge [sflag:s13], $0x2800  }
0x6c: {  	[sflag:s13] =	ssyncset.done $0x0  }
0x6d: {  	[sflag:s13] =	ssyncadd.s32 $0xFFFFD800  }
0x6e: {  	[spmem:s2] =	stream.indirect.scatter.add.f32 [tilespmem:s7], [sflag:$0x7], $0x80, s1, s0, $0xb8;
	[tilespmem:$0x1E180] =	vst v63  }
0x6f: {  	_ =	swait.ge [sflag:s30], $0x2800  }
0x70: {  	s24 =	sshrl.u32 s31, $0x3;
	[sflag:s30] =	ssyncset.done $0x0  }
0x71: {  	s24 =	sadd.s32 s5, s24;
	[sflag:s30] =	ssyncadd.s32 $0xFFFFD800  }
0x72: {  	[tilespmem:s1], [sflag:$0x4] =	stream.linear.gather [hbm4b:s24+s3], $0x50, $0x38;
	[tilespmem:$0x1E180] =	vst v63  }
0x73: {  	s24 =	sadd.s32 $0x1BA70, s29  }
0x74: {  	[tilespmem:s7], [sflag:$0x1] =	stream.indirect.gather [hbm4b:s4+s0], $0x80, s24, s0, $0xb8;
	[tilespmem:$0x1E180] =	vst v63  }
0x75: {  	_ =	swait.ge [sflag:s14], $0x50  }
0x76: {  	[sflag:s14] =	ssyncset.done $0x0  }
0x77: {  	[sflag:s14] =	ssyncadd.s32 $0xFFFFFFB0  }
0x78: {  	_ =	swait.ge [sflag:s15], $0x2800  }
0x79: {  	[sflag:s15] =	ssyncset.done $0x0  }
0x7a: {  	[sflag:s15] =	ssyncadd.s32 $0xFFFFD800  }
0x7b: {  	[spmem:s2] =	stream.indirect.scatter.add.f32 [tilespmem:s9], [sflag:$0x7], $0x80, s8, s0, $0xb8;
	[tilespmem:$0x1E180] =	vst v63  }
0x7c: {  	_ =	swait.ge [sflag:s30], $0x2800  }
0x7d: {  	[sflag:s30] =	ssyncset.done $0x0  }
0x7e: {  	[sflag:s30] =	ssyncadd.s32 $0xFFFFD800  }
0x7f: {  	[tilespmem:s8], [sflag:$0x5] =	stream.linear.gather [hbm4b:s23+s3], $0x50, $0x38;
	[tilespmem:$0x1E180] =	vst v63  }
0x80: {  	s24 =	sadd.s32 $0x1BAC0, s29  }
0x81: {  	[tilespmem:s9], [sflag:$0x2] =	stream.indirect.gather [hbm4b:s4+s0], $0x80, s24, s0, $0xb8;
	[tilespmem:$0x1E180] =	vst v63  }
0x82: {  	_ =	swait.ge [sflag:s16], $0x50  }
0x83: {  	[sflag:s16] =	ssyncset.done $0x0  }
0x84: {  	[sflag:s16] =	ssyncadd.s32 $0xFFFFFFB0  }
0x85: {  	_ =	swait.ge [sflag:s17], $0x2800  }
.Ltmp0:
0x86: {  	[sflag:s17] =	ssyncset.done $0x0;
	(pc) =	sbr.rel @p0 .LBB2_2-.Ltmp0, $4  }
0x87: {  	[sflag:s17] =	ssyncadd.s32 $0xFFFFD800  }
0x88: {  	[spmem:s2] =	stream.indirect.scatter.add.f32 [tilespmem:s11], [sflag:$0x7], $0x80, s10, s0, $0xb8;
	[tilespmem:$0x1E180] =	vst v63  }
0x89: {  	s21 =	sadd.s32 $0x1E, s21;
	s28 =	smov.u32 s22;
	_ =	swait.ge [sflag:s30], $0x2800  }
0x8a: {  	s31 =	sadd.s32 $0xF0, s31;
	s23 =	sadd.s32 $0x1E, s23;
	[sflag:s30] =	ssyncset.done $0x0  }
0x8b: {  	[sflag:s30] =	ssyncadd.s32 $0xFFFFD800  }
0x8c: {  	_ =	swait.ge [sflag:s12], $0x50  }
0x8d: {  	[sflag:s12] =	ssyncset.done $0x0  }
0x8e: {  	[sflag:s12] =	ssyncadd.s32 $0xFFFFFFB0  }
0x8f: {  	_ =	swait.ge [sflag:s13], $0x2800  }
0x90: {  	[sflag:s13] =	ssyncset.done $0x0  }
0x91: {  	[sflag:s13] =	ssyncadd.s32 $0xFFFFD800  }
0x92: {  	[spmem:s2] =	stream.indirect.scatter.add.f32 [tilespmem:s7], [sflag:$0x7], $0x80, s1, s0, $0xb8;
	[tilespmem:$0x1E180] =	vst v63  }
0x93: {  	_ =	swait.ge [sflag:s30], $0x2800  }
0x94: {  	[sflag:s30] =	ssyncset.done $0x0  }
0x95: {  	[sflag:s30] =	ssyncadd.s32 $0xFFFFD800  }
0x96: {  	_ =	swait.ge [sflag:s14], $0x50  }
0x97: {  	[sflag:s14] =	ssyncset.done $0x0  }
0x98: {  	[sflag:s14] =	ssyncadd.s32 $0xFFFFFFB0  }
0x99: {  	_ =	swait.ge [sflag:s15], $0x2800  }
0x9a: {  	[sflag:s15] =	ssyncset.done $0x0  }
0x9b: {  	[sflag:s15] =	ssyncadd.s32 $0xFFFFD800  }
0x9c: {  	[spmem:s2] =	stream.indirect.scatter.add.f32 [tilespmem:s9], [sflag:$0x7], $0x80, s8, s0, $0xb8;
	[tilespmem:$0x1E180] =	vst v63  }
0x9d: {  	_ =	swait.ge [sflag:s30], $0x2800  }
0x9e: {  	[sflag:s30] =	ssyncset.done $0x0  }
0x9f: {  	[sflag:s30] =	ssyncadd.s32 $0xFFFFD800  }
0xa0: {  	[bflag:$0x0] =	sbarrier.arrive $0xFFFF  }
0xa1: {  	s21 =	rddreg [dreg:$0x4]  }
0xa2: {  	[tilespmem:s18], [sflag:$0x7] =	stream.linear.gather [hbm4b:s21+s3], $0x40, $0x38;
	[tilespmem:$0x1E180] =	vst v63  }
0xa3: {  	_ =	swait.ge [sflag:s30], $0x40  }
0xa4: {  	[sflag:s30] =	ssyncset.done $0x0  }
0xa5: {  	[sflag:s30] =	ssyncadd.s32 $0xFFFFFFC0  }
0xa6: {  	[tilespmem:s7], [sflag:$0x1] =	stream.indirect.gather [spmem:s2], $0x80, s18, s19, $0xb8;
	[tilespmem:$0x1E180] =	vst v63  }
0xa7: {  	_ =	swait.ge [sflag:s13], $0x2000  }
0xa8: {  	[sflag:s13] =	ssyncset.done $0x0  }
0xa9: {  	s22 =	rddreg [dreg:$0x5];
	[sflag:s13] =	ssyncadd.s32 $0xFFFFE000  }
0xaa: {  	[hbm4b:s22+s3] =	stream.linear.scatter [tilespmem:s7], [sflag:$0x7], $0x2000, $0x38;
	[tilespmem:$0x1E180] =	vst v63  }
0xab: {  	_ =	swait.ge [sflag:s30], $0x2000  }
0xac: {  	[sflag:s30] =	ssyncset.done $0x0  }
0xad: {  	[sflag:s30] =	ssyncadd.s32 $0xFFFFE000  }
0xae: {  	[tilespmem:s9], [sflag:$0x2] =	stream.indirect.gather [hbm4b:s6+s19], $0x80, s18, s19, $0xb8;
	[tilespmem:$0x1E180] =	vst v63  }
0xaf: {  	_ =	swait.ge [sflag:s15], $0x2000  }
0xb0: {  	[sflag:s15] =	ssyncset.done $0x0  }
0xb1: {  	s23 =	rddreg [dreg:$0xd];
	[sflag:s15] =	ssyncadd.s32 $0xFFFFE000  }
0xb2: {  	[hbm4b:s23+s3] =	stream.linear.scatter [tilespmem:s9], [sflag:$0x7], $0x2000, $0x38;
	[tilespmem:$0x1E180] =	vst v63  }
0xb3: {  	_ =	swait.ge [sflag:s30], $0x2000  }
0xb4: {  	[sflag:s30] =	ssyncset.done $0x0  }
0xb5: {  	s24 =	rddreg [dreg:$0x6];
	[sflag:s30] =	ssyncadd.s32 $0xFFFFE000  }
0xb6: {  	[tilespmem:s18], [sflag:$0x7] =	stream.linear.gather [hbm4b:s24+s3], $0x40, $0x38;
	[tilespmem:$0x1E180] =	vst v63  }
0xb7: {  	_ =	swait.ge [sflag:s30], $0x40  }
0xb8: {  	[sflag:s30] =	ssyncset.done $0x0  }
0xb9: {  	[sflag:s30] =	ssyncadd.s32 $0xFFFFFFC0  }
0xba: {  	[tilespmem:s7], [sflag:$0x1] =	stream.indirect.gather [spmem:s2], $0x80, s18, s19, $0xb8;
	[tilespmem:$0x1E180] =	vst v63  }
0xbb: {  	_ =	swait.ge [sflag:s13], $0x2000  }
0xbc: {  	[sflag:s13] =	ssyncset.done $0x0  }
0xbd: {  	s28 =	rddreg [dreg:$0x9];
	[sflag:s13] =	ssyncadd.s32 $0xFFFFE000  }
0xbe: {  	[hbm4b:s28+s3] =	stream.linear.scatter [tilespmem:s7], [sflag:$0x7], $0x2000, $0x38;
	[tilespmem:$0x1E180] =	vst v63  }
0xbf: {  	_ =	swait.ge [sflag:s30], $0x2000  }
0xc0: {  	[sflag:s30] =	ssyncset.done $0x0  }
0xc1: {  	[sflag:s30] =	ssyncadd.s32 $0xFFFFE000  }
0xc2: {  	[tilespmem:s9], [sflag:$0x2] =	stream.indirect.gather [hbm4b:s6+s19], $0x80, s18, s19, $0xb8;
	[tilespmem:$0x1E180] =	vst v63  }
0xc3: {  	_ =	swait.ge [sflag:s15], $0x2000  }
0xc4: {  	[sflag:s15] =	ssyncset.done $0x0  }
0xc5: {  	s29 =	rddreg [dreg:$0xe];
	[sflag:s15] =	ssyncadd.s32 $0xFFFFE000  }
0xc6: {  	[hbm4b:s29+s3] =	stream.linear.scatter [tilespmem:s9], [sflag:$0x7], $0x2000, $0x38;
	[tilespmem:$0x1E180] =	vst v63  }
0xc7: {  	_ =	swait.ge [sflag:s30], $0x2000  }
0xc8: {  	[sflag:s30] =	ssyncset.done $0x0  }
0xc9: {  	s31 =	rddreg [dreg:$0x7];
	[sflag:s30] =	ssyncadd.s32 $0xFFFFE000  }
0xca: {  	[tilespmem:s18], [sflag:$0x7] =	stream.linear.gather [hbm4b:s31+s3], $0x40, $0x38;
	[tilespmem:$0x1E180] =	vst v63  }
0xcb: {  	_ =	swait.ge [sflag:s30], $0x40  }
0xcc: {  	[sflag:s30] =	ssyncset.done $0x0  }
0xcd: {  	[sflag:s30] =	ssyncadd.s32 $0xFFFFFFC0  }
0xce: {  	[tilespmem:s7], [sflag:$0x1] =	stream.indirect.gather [spmem:s2], $0x80, s18, s19, $0xb8;
	[tilespmem:$0x1E180] =	vst v63  }
0xcf: {  	_ =	swait.ge [sflag:s13], $0x2000  }
0xd0: {  	[sflag:s13] =	ssyncset.done $0x0  }
0xd1: {  	s22 =	rddreg [dreg:$0xa];
	[sflag:s13] =	ssyncadd.s32 $0xFFFFE000  }
0xd2: {  	[hbm4b:s22+s3] =	stream.linear.scatter [tilespmem:s7], [sflag:$0x7], $0x2000, $0x38;
	[tilespmem:$0x1E180] =	vst v63  }
0xd3: {  	_ =	swait.ge [sflag:s30], $0x2000  }
0xd4: {  	[sflag:s30] =	ssyncset.done $0x0  }
0xd5: {  	[sflag:s30] =	ssyncadd.s32 $0xFFFFE000  }
0xd6: {  	[tilespmem:s9], [sflag:$0x2] =	stream.indirect.gather [hbm4b:s6+s19], $0x80, s18, s19, $0xb8;
	[tilespmem:$0x1E180] =	vst v63  }
0xd7: {  	_ =	swait.ge [sflag:s15], $0x2000  }
0xd8: {  	[sflag:s15] =	ssyncset.done $0x0  }
0xd9: {  	s23 =	rddreg [dreg:$0xf];
	[sflag:s15] =	ssyncadd.s32 $0xFFFFE000  }
0xda: {  	[hbm4b:s23+s3] =	stream.linear.scatter [tilespmem:s9], [sflag:$0x7], $0x2000, $0x38;
	[tilespmem:$0x1E180] =	vst v63  }
0xdb: {  	_ =	swait.ge [sflag:s30], $0x2000  }
0xdc: {  	[sflag:s30] =	ssyncset.done $0x0  }
0xdd: {  	s24 =	rddreg [dreg:$0x8];
	[sflag:s30] =	ssyncadd.s32 $0xFFFFE000  }
0xde: {  	[tilespmem:s18], [sflag:$0x7] =	stream.linear.gather [hbm4b:s24+s3], $0x40, $0x38;
	[tilespmem:$0x1E180] =	vst v63  }
0xdf: {  	_ =	swait.ge [sflag:s30], $0x40  }
0xe0: {  	[sflag:s30] =	ssyncset.done $0x0  }
0xe1: {  	[sflag:s30] =	ssyncadd.s32 $0xFFFFFFC0  }
0xe2: {  	[tilespmem:s7], [sflag:$0x1] =	stream.indirect.gather [spmem:s2], $0x80, s18, s19, $0xb8;
	[tilespmem:$0x1E180] =	vst v63  }
0xe3: {  	_ =	swait.ge [sflag:s13], $0x2000  }
0xe4: {  	[sflag:s13] =	ssyncset.done $0x0  }
0xe5: {  	s28 =	rddreg [dreg:$0xb];
	[sflag:s13] =	ssyncadd.s32 $0xFFFFE000  }
0xe6: {  	[hbm4b:s28+s3] =	stream.linear.scatter [tilespmem:s7], [sflag:$0x7], $0x2000, $0x38;
	[tilespmem:$0x1E180] =	vst v63  }
0xe7: {  	_ =	swait.ge [sflag:s30], $0x2000  }
0xe8: {  	[sflag:s30] =	ssyncset.done $0x0  }
0xe9: {  	[sflag:s30] =	ssyncadd.s32 $0xFFFFE000  }
0xea: {  	[tilespmem:s9], [sflag:$0x2] =	stream.indirect.gather [hbm4b:s6+s19], $0x80, s18, s19, $0xb8;
	[tilespmem:$0x1E180] =	vst v63  }
0xeb: {  	_ =	swait.ge [sflag:s15], $0x2000  }
0xec: {  	[sflag:s15] =	ssyncset.done $0x0  }
0xed: {  	s29 =	rddreg [dreg:$0x10];
	[sflag:s15] =	ssyncadd.s32 $0xFFFFE000  }
0xee: {  	[hbm4b:s29+s3] =	stream.linear.scatter [tilespmem:s9], [sflag:$0x7], $0x2000, $0x38;
	[tilespmem:$0x1E180] =	vst v63  }
0xef: {  	_ =	swait.ge [sflag:s30], $0x2000  }
0xf0: {  	s20 =	sadd.s32 $0x1, s20;
	s31 =	rddreg [dreg:$0x14]  }
0xf1: {  	p0 =	sne.s32 s20, s31  }
.Ltmp1:
0xf2: {  	_ = 	snop;
	(pc) =	sbr.rel @p0 .LBB2_1-.Ltmp1, $3  }
0xf3: {  	_ =	sdelay $0x1  }
0xf4: {  	[sflag:s30] =	ssyncset.done $0x0  }
0xf5: {  	[sflag:s30] =	ssyncadd.s32 $0xFFFFE000  }
0xf6: {  	_ =	sfence.sel $0x180000  }
0xf7: {  	[bflag:$0x0] =	sbarrier.arrive $0xFFFF  }
0xf8: {  	_ =	strace $0x90000050  }
0xf9: {  	s0 =	stileid.u32;
	[bflag:$0x2] =	sbarrier.arrive $0xFFFF  }
0xfa: {  	p0 =	sne.s32 s0, $0x0;
	s0 =	rddreg [dreg:$0x3]  }
0xfb: {  	s0 =	sadd.s32 @!p0 $0x100000, s0  }
0xfc: {  	[sflag:s0] =	ssyncadd.tile.s32 @!p0 $0x1;
	_ =	shalt  }
.Lfunc_end2:
_tile_overlayer_lowered:
.L_overlay_start_2:
0xfd: {  	(tag) =	ssettag $0x2  }
0xfe: {  	s0 =	rddreg [dreg:$0x0];
	s2 =	stileid.u32  }
0xff: {  	s1 =	rddreg [dreg:$0x1];
	p0 =	sne.s32 s2, $0x0  }
0x100: {  	s3 =	rddreg [dreg:$0x2];
	[bflag:$0x3] =	sbarrier.arrive $0xFFFF;
	s2 =	simm.s32 @!p0 $0x1C07  }
0x101: {  	[timem:s3], [sflag:s2] =	dma.local @!p0 [hbm:s0], s1  }
0x102: {  	s0 =	simm.s32 @!p0 $0x7  }
0x103: {  	_ =	swait.ge @!p0 [sflag:s0], s1  }
0x104: {  	s1 =	ssub.s32 @!p0 $0x0, s1;
	[sflag:s0] =	ssyncset.done @!p0 $0x0  }
0x105: {  	[sflag:s0] =	ssyncadd.s32 @!p0 s1  }
0x106: {  	[bflag:$0x3] =	sbarrier.arrive $0xFFFF  }
0x107: {  	_ =	shalt  }

// kernel: kernel.17.cloned.1.call-start
scs
__scs_entry_jumppad:
0x0: {  	(pc) =	sbr.rel $0x88, $3  }
0x1: {  	(tag) =	ssettag $0x0;
	lr =	simm.s32 $0x1  }
0x2: {  	[smem:$0x3F8E] =	sst lr;
	_ =	strace $0xD0000000  }
0x3: {  	_ = 	snop  }
0x4: {  	_ = 	snop  }
0x5: {  	_ = 	snop  }
0x6: {  	_ = 	snop  }
0x7: {  	_ = 	snop  }
__scs_overlays_trampoline_lowered:
0x8: {  	[smem:$0x3F9D] =	sst s0  }
0x9: {  	[smem:$0x3F9E] =	sst s1  }
0xa: {  	[smem:$0x3F9F] =	sst s2  }
0xb: {  	[smem:$0x3FA0] =	sst s3  }
0xc: {  	[smem:$0x3FA1] =	sst s4  }
0xd: {  	[smem:$0x3FA2] =	sst s5  }
0xe: {  	[smem:$0x3FA3] =	sst s6  }
0xf: {  	[smem:$0x3FA4] =	sst s7  }
0x10: {  	[smem:$0x3FA5] =	sst s8  }
0x11: {  	[smem:$0x3FA6] =	sst s9;
	s0 =	simm.s32 @!p0 $0x0  }
0x12: {  	s1 =	sld [smem:$0x3F8C];
	s0 =	simm.s32 @p0 $0x1  }
0x13: {  	[smem:$0x3FA7] =	sst s0;
	s0 =	simm.s32 @!p1 $0x0  }
0x14: {  	s2 =	sld [smem:$0x3F8B];
	s0 =	simm.s32 @p1 $0x1  }
0x15: {  	[smem:$0x3FA8] =	sst s0;
	s0 =	simm.s32 @!p2 $0x0  }
0x16: {  	s3 =	sld [smem:$0x3FDB];
	s0 =	simm.s32 @p2 $0x1  }
0x17: {  	s4 =	simm.s32 $0x1BF5;
	[smem:$0x3FAA] =	sst s0  }
0x18: {  	s0 =	sld [smem:$0x3F8D];
	_ =	swait.ge [sflag:s4], $0x0  }
0x19: {  	s7 =	sld [smem:$0x3F8E]  }
0x1a: {  	s8 =	sadd.s32 $0xFFFFE003, lr  }
0x1b: {  	s9 =	sadd.s32 $0xFFFFFEF7, lr;
	s5 =	simm.s32 $0xFFFFFFFF;
	p2 =	slt.u32 s8, $0xFFFFF086  }
0x1c: {  	p1 =	slt.u32 s9, $0xF7A;
	s5 =	simm.s32 @!p2 $0x0  }
0x1d: {  	s5 =	simm.s32 @p1 $0x1;
	p0 =	seq.s32 s7, s2  }
0x1e: {  	s7 =	smul.u32 @!p0 $0xF7A, s2;
	p2 =	seq.s32 @!p0 s5, $0x0  }
0x1f: {  	s9 =	smul.u32 $0xF7A, s1;
	s8 =	simm.s32 @!p0 $0x1BF5;
	p2 =	por !p2, p0  }
0x20: {  	[sflag:s8] =	ssyncset.s32 @!p0 $0xFFFFF086;
	s6 =	sadd.s32 @!p0 s3, s7;
	s7 =	simm.s32 @!p0 $0x108  }
0x21: {  	s3 =	sadd.s32 s3, s9;
	s6 =	sadd.s32 @!p0 $0x88, s6;
	s7 =	simm.s32 @p2 $0x1082  }
0x22: {  	[simem:s7], [sflag:s8] =	dma.local @!p0 [hbm:s6], $0xF7A  }
0x23: {  	s9 =	sor.u32 $0xD0000000, s2;
	s6 =	simm.s32 $0x108;
	_ =	swait.ge @!p0 [sflag:s8], $0x0  }
0x24: {  	s3 =	sadd.s32 $0x88, s3;
	s6 =	simm.s32 @!p1 $0x1082;
	[sflag:s4] =	ssyncset.s32 $0xFFFFF086  }
0x25: {  	[simem:s6], [sflag:s4] =	dma.local [hbm:s3], $0xF7A  }
0x26: {  	[smem:$0x3F8E] =	sst s1;
	(tag) =	ssettag s2;
	_ =	strace s9  }
0x27: {  	s1 =	sld [smem:$0x3F9E]  }
0x28: {  	s2 =	sld [smem:$0x3F9F]  }
0x29: {  	s4 =	sld [smem:$0x3FA1]  }
0x2a: {  	p0 =	seq.s32 s5, $0x0;
	s5 =	sld [smem:$0x3FA2]  }
0x2b: {  	s6 =	sld [smem:$0x3FA3]  }
0x2c: {  	s7 =	sld [smem:$0x3FA4]  }
0x2d: {  	s3 =	simm.s32 $0x108;
	s8 =	sld [smem:$0x3FA5]  }
0x2e: {  	s3 =	simm.s32 @!p0 $0x1082;
	s9 =	sld [smem:$0x3FA6]  }
0x2f: {  	lr =	sadd.s32 s0, s3;
	s0 =	sld [smem:$0x3F9D]  }
0x30: {  	s3 =	sld [smem:$0x3FA0]  }
0x31: {  	[smem:$0x3FA9] =	sst s10  }
0x32: {  	s10 =	sld [smem:$0x3FA7];
	_ =	sdelay $0x3  }
0x33: {  	p0 =	seq.s32 s10, $0x1;
	s10 =	sld [smem:$0x3FA9];
	_ =	sdelay $0x3  }
0x34: {  	[smem:$0x3FA9] =	sst s10  }
0x35: {  	s10 =	sld [smem:$0x3FA8];
	_ =	sdelay $0x3  }
0x36: {  	p1 =	seq.s32 s10, $0x1;
	s10 =	sld [smem:$0x3FA9];
	_ =	sdelay $0x3  }
0x37: {  	[smem:$0x3FA9] =	sst s10  }
0x38: {  	s10 =	sld [smem:$0x3FAA]  }
0x39: {  	_ = 	snop;
	(pc) =	sbr.ind lr, $3  }
0x3a: {  	_ = 	snop  }
0x3b: {  	_ = 	snop  }
0x3c: {  	p2 =	seq.s32 s10, $0x1;
	s10 =	sld [smem:$0x3FA9]  }
0x3d: {  	_ =	shalt  }
0x3e: {  	_ =	shalt  }
0x3f: {  	_ =	shalt  }
0x40: {  	_ =	shalt  }
0x41: {  	_ =	shalt  }
0x42: {  	_ =	shalt  }
0x43: {  	_ =	shalt  }
0x44: {  	_ =	shalt  }
0x45: {  	_ =	shalt  }
0x46: {  	_ =	shalt  }
0x47: {  	_ =	shalt  }
0x48: {  	_ =	shalt  }
0x49: {  	_ =	shalt  }
0x4a: {  	_ =	shalt  }
0x4b: {  	_ =	shalt  }
0x4c: {  	_ =	shalt  }
0x4d: {  	_ =	shalt  }
0x4e: {  	_ =	shalt  }
0x4f: {  	_ =	shalt  }
0x50: {  	_ =	shalt  }
0x51: {  	_ =	shalt  }
0x52: {  	_ =	shalt  }
0x53: {  	_ =	shalt  }
0x54: {  	_ =	shalt  }
0x55: {  	_ =	shalt  }
0x56: {  	_ =	shalt  }
0x57: {  	_ =	shalt  }
0x58: {  	_ =	shalt  }
0x59: {  	_ =	shalt  }
0x5a: {  	_ =	shalt  }
0x5b: {  	_ =	shalt  }
0x5c: {  	_ =	shalt  }
0x5d: {  	_ =	shalt  }
0x5e: {  	_ =	shalt  }
0x5f: {  	_ =	shalt  }
0x60: {  	_ =	shalt  }
0x61: {  	_ =	shalt  }
0x62: {  	_ =	shalt  }
0x63: {  	_ =	shalt  }
0x64: {  	_ =	shalt  }
0x65: {  	_ =	shalt  }
0x66: {  	_ =	shalt  }
0x67: {  	_ =	shalt  }
0x68: {  	_ =	shalt  }
0x69: {  	_ =	shalt  }
0x6a: {  	_ =	shalt  }
0x6b: {  	_ =	shalt  }
0x6c: {  	_ =	shalt  }
0x6d: {  	_ =	shalt  }
0x6e: {  	_ =	shalt  }
0x6f: {  	_ =	shalt  }
0x70: {  	_ =	shalt  }
0x71: {  	_ =	shalt  }
0x72: {  	_ =	shalt  }
0x73: {  	_ =	shalt  }
0x74: {  	_ =	shalt  }
0x75: {  	_ =	shalt  }
0x76: {  	_ =	shalt  }
0x77: {  	_ =	shalt  }
0x78: {  	_ =	shalt  }
0x79: {  	_ =	shalt  }
0x7a: {  	_ =	shalt  }
0x7b: {  	_ =	shalt  }
0x7c: {  	_ =	shalt  }
0x7d: {  	_ =	shalt  }
0x7e: {  	_ =	shalt  }
0x7f: {  	_ =	shalt  }
0x80: {  	_ =	shalt  }
0x81: {  	_ =	shalt  }
0x82: {  	_ =	shalt  }
0x83: {  	_ =	shalt  }
0x84: {  	_ =	shalt  }
0x85: {  	_ =	shalt  }
0x86: {  	_ =	shalt  }
0x87: {  	_ =	shalt  }
.Lfunc_end0:
.L_simem_size_0:
called_computation.3_lowered:
.L_overlay_start_0:
0x88: {  	s2 =	sld [smem:$0x3FD9]  }
0x89: {  	s3 =	sld [smem:$0x3FFE];
	_ =	sdelay $0x1  }
0x8a: {  	s1 =	srdreg.scid  }
0x8b: {  	s0 =	sand.u32 $0x1, s1  }
0x8c: {  	s17 =	sshll.u32 s0, $0xA;
	s2 =	sadd.s32 s3, s2  }
0x8d: {  	s2 =	sadd.s32 s2, s17  }
0x8e: {  	[smem:$0x3FB5] =	sst s2  }
0x8f: {  	_ = 	snop  }
0x90: {  	s2 =	sld [smem:$0x3FC6];
	(tm) =	ssettm $0x1  }
0x91: {  	s18 =	sld [smem:$0x3FFB];
	_ =	sdelay $0x3  }
0x92: {  	_ =	strace s18  }
0x93: {  	s3 =	sld [smem:$0x3FFC];
	_ =	sdelay $0x3  }
0x94: {  	_ =	strace s3  }
0x95: {  	s3 =	sld [smem:$0x3FFD];
	_ =	sdelay $0x3  }
0x96: {  	_ =	strace s3  }
0x97: {  	_ =	strace $0x8FFFFFFF  }
0x98: {  	s19 =	sld [smem:$0x3FDB];
	_ =	sdelay $0x1  }
0x99: {  	s4 =	simm.s32 $_scs_section_size  }
0x9a: {  	s5 =	simm.s32 $_size__tile_overlayer_lowered;
	s6 =	simm.s32 $_tile_overlayer_lowered  }
0x9b: {  	s22 =	simm.s32 $0x1BFF;
	s21 =	sshll.u32 s6, $0x1;
	s3 =	sadd.s32 s4, s19  }
0x9c: {  	s7 =	simm.s32 $0x0;
	s20 =	sshll.u32 s5, $0x1;
	s5 =	sadd.s32 s21, s3  }
0x9d: {  	[timem:s7], [sflag:s22] =	dma.local [hbm:s5], s20  }
0x9e: {  	_ =	swait.ge [sflag:s22], s20  }
0x9f: {  	s4 =	ssub.s32 $0x0, s20;
	[sflag:s22] =	ssyncset.done $0x0  }
0xa0: {  	[sflag:s22] =	ssyncadd.s32 s4;
	_ =	sdelay $0x1  }
0xa1: {  	s23 =	simm.s32 $0x1B8B  }
0xa2: {  	_ =	swait.ge [sflag:s23], $0x1  }
0xa3: {  	[sflag:s23] =	ssyncset.done $0x0  }
0xa4: {  	s25 =	simm.s32 $0x1B8E;
	s24 =	sld [smem:$0x3FFE];
	[sflag:s23] =	ssyncadd.s32 $0xFFFFFFFF  }
0xa5: {  	s26 =	simm.s32 $execute0_lowered;
	[smem:$0x3FD2] =	sst s25  }
0xa6: {  	s5 =	sshll.u32 s26, $0x1;
	_ =	strace $0x8000004C;
	[dreg:$0x1] =	wrdreg $0xFFFFFFFF  }
0xa7: {  	s28 =	simm.s32 $_size_execute0_lowered;
	s3 =	sadd.s32 s3, s5;
	[dreg:$0x0] =	wrdreg $0x0  }
0xa8: {  	s5 =	sshll.u32 s28, $0x1;
	[dreg:$0x2] =	wrdreg s3  }
0xa9: {  	[dreg:$0x3] =	wrdreg s5  }
0xaa: {  	[dreg:$0x4] =	wrdreg $0xC0  }
0xab: {  	_ =	task [dreg:s7], $0x5FFFF  }
0xac: {  	[dreg:$0x1] =	wrdreg $0xFFFFFFFF  }
0xad: {  	[dreg:$0x0] =	wrdreg $0x60  }
0xae: {  	[dreg:$0x2] =	wrdreg s24  }
0xaf: {  	[dreg:$0x3] =	wrdreg s2  }
0xb0: {  	[dreg:$0x4] =	wrdreg $0x0  }
0xb1: {  	[dreg:$0x5] =	wrdreg $0xA  }
0xb2: {  	_ =	task.clear_ibuf [dreg:s7], $0x6FFFF;
	_ =	strace $0x9000004C  }
0xb3: {  	s29 =	simm.s32 $0xA;
	_ =	strace $0x8000004E  }
0xb4: {  	_ =	swait.ge [sflag:s29], $0x1  }
0xb5: {  	[sflag:s29] =	ssyncadd.s32 $0xFFFFFFFF  }
0xb6: {  	_ =	strace $0x9000004E  }
0xb7: {  	_ =	sfence  }
0xb8: {  	s30 =	sld [smem:$0x0];
	_ =	sdelay $0x2  }
0xb9: {  	s31 =	sshll.u32 s1, $0xD;
	s1 =	sshrl.u32 s1, $0x2  }
0xba: {  	s3 =	sand.u32 $0x4000, s31;
	s1 =	sadd.s32 s1, s30  }
0xbb: {  	s0 =	sor.u32 s3, s0;
	s1 =	sshll.u32 s1, $0x11  }
0xbc: {  	s0 =	sor.u32 s1, s0  }
0xbd: {  	s0 =	sadd.s32 $0x8F2B, s0  }
0xbe: {  	[sflag:s0] =	ssyncadd.remote.s32 $0x1  }
0xbf: {  	_ =	sfence.sel $0xFFFF  }
0xc0: {  	[dreg:$0x0] =	wrdreg $0xFFFFFFFF;
	(pc) =	sbr.abs _section_cstart, $3  }
0xc1: {  	[dreg:$0x1] =	wrdreg $0xFFFFFFFF  }
0xc2: {  	_ =	task.clear_ibuf [dreg:s7], $0x2FFFF;
	_ =	strace $0x9FFFFFFF  }
0xc3: {  	(tm) =	ssettm $0x7FFFFFFF  }
tec
execute0_lowered:
.L_overlay_start_1:
0x0: {  	(tag) =	ssettag $0x1  }
0x1: {  	s1 =	rddreg [dreg:$0x0];
	s0 =	srdreg.scid  }
0x2: {  	s7 =	rddreg [dreg:$0x1];
	s20 =	stileid.u32  }
0x3: {  	s2 =	rddreg [dreg:$0x2];
	s3 =	simm.s32 $0x0;
	s30 =	simm.s32 $0x7  }
0x4: {  	s8 =	sand.u32 $0x1, s0;
	s4 =	smul.u32 $0x2710, s20;
	[smem:$0x7FF] =	sst s3  }
0x5: {  	s5 =	sadd.s32 $0x6000, s1;
	s11 =	sadd.s32 $0x43600, s1;
	s6 =	sadd.s32 $0x80C00, s1  }
0x6: {  	s14 =	sshll.u32 s20, $0x8;
	s16 =	sadd.s32 $0x11D400, s1;
	s17 =	smul.u32 $0x50000, s20  }
0x7: {  	s18 =	sshll.u32 s20, $0x5;
	s0 =	smul.u32 $0x27100, s8;
	_ =	strace $0x8000004D  }
0x8: {  	s12 =	ssub.s32 $0x2, s8;
	s15 =	sshll.u32 s8, $0xC;
	s18 =	sadd.s32 s7, s18  }
0x9: {  	s22 =	sor.u32 $0x40, s14;
	p0 =	seq.s32 s8, $0x0;
	s24 =	sor.u32 $0x80, s14  }
0xa: {  	s13 =	sshrl.u32 s12, $0x1;
	s21 =	sor.u32 s14, s15;
	[dreg:$0x4] =	wrdreg s18  }
0xb: {  	s23 =	sshrl.u32 s22, $0x3;
	s25 =	sshrl.u32 s24, $0x3;
	s14 =	sor.u32 $0xC0, s14  }
0xc: {  	s19 =	sor.u32 s15, s22;
	s28 =	sor.u32 s15, s24;
	s6 =	smov.u32 @p0 s11  }
0xd: {  	s18 =	sshll.u32 s24, $0x4;
	s11 =	simm.s32 $0x19000;
	s0 =	sadd.s32 s4, s0  }
0xe: {  	s4 =	sadd.s32 $0x1C400, s1;
	s12 =	ssub.s32 s12, s13;
	s13 =	sshll.u32 s21, $0x4  }
0xf: {  	s8 =	sadd.s32 s7, s23;
	s26 =	sshrl.u32 s14, $0x3;
	s29 =	sor.u32 s15, s14  }
0x10: {  	s31 =	sshll.u32 s19, $0x4;
	s14 =	sshll.u32 s14, $0x4;
	s23 =	sshll.u32 s20, $0x6  }
0x11: {  	s9 =	sshrl.u32 s0, $0x3;
	s13 =	sadd.s32 s16, s13;
	[dreg:$0x6] =	wrdreg s8  }
0x12: {  	s8 =	sadd.s32 s7, s25;
	s7 =	sadd.s32 s7, s26;
	[dreg:$0x5] =	wrdreg s13  }
0x13: {  	s15 =	sadd.s32 s16, s31;
	s25 =	sadd.s32 $0x140, s0;
	[dreg:$0x7] =	wrdreg s8  }
0x14: {  	s26 =	sadd.s32 $0xA0, s0;
	s10 =	sadd.s32 s9, s1;
	[dreg:$0x8] =	wrdreg s7  }
0x15: {  	s7 =	sshll.u32 s28, $0x4;
	s8 =	sshll.u32 s29, $0x4;
	[dreg:$0x9] =	wrdreg s15  }
0x16: {  	s15 =	sshrl.u32 s17, $0x2;
	s17 =	sshll.u32 s22, $0x4;
	s28 =	smax.u32 s12, $0x1  }
0x17: {  	s9 =	sadd.s32 s5, s9;
	s12 =	simm.s32 $0x4;
	[dreg:$0x14] =	wrdreg s28  }
0x18: {  	s13 =	simm.s32 $0x1;
	s7 =	sadd.s32 s16, s7;
	[dreg:$0x13] =	wrdreg s9  }
0x19: {  	s8 =	sadd.s32 s16, s8;
	s16 =	sshll.u32 s20, $0xC;
	[dreg:$0xa] =	wrdreg s7  }
0x1a: {  	s24 =	sadd.s32 $0xFE00, s10;
	s31 =	sadd.s32 $0xA, s9;
	[dreg:$0xb] =	wrdreg s8  }
0x1b: {  	s9 =	simm.s32 $0x16800;
	s7 =	sadd.s32 $0x13D400, s1;
	[dreg:$0x12] =	wrdreg s24  }
0x1c: {  	s8 =	sadd.s32 $0x14D400, s1;
	s1 =	sadd.s32 $0x19C00, s1;
	[dreg:$0x17] =	wrdreg s31  }
0x1d: {  	s10 =	simm.s32 $0x1B900;
	s20 =	simm.s32 $0x0;
	[dreg:$0xc] =	wrdreg s1  }
0x1e: {  	s8 =	smov.u32 @p0 s7;
	s1 =	sadd.s32 s15, s2;
	s15 =	simm.s32 $0x2  }
0x1f: {  	s7 =	sadd.s32 s8, s16;
	s19 =	sadd.s32 s8, s17;
	s21 =	sadd.s32 s8, s18  }
0x20: {  	s22 =	sadd.s32 s8, s14;
	s8 =	sshrl.u32 s26, $0x3;
	[dreg:$0xd] =	wrdreg s7  }
0x21: {  	s29 =	sshrl.u32 s1, $0x3;
	s1 =	simm.s32 $0x1B800;
	[dreg:$0xe] =	wrdreg s19  }
0x22: {  	s14 =	simm.s32 $0x5;
	s16 =	simm.s32 $0x6;
	[dreg:$0xf] =	wrdreg s21  }
0x23: {  	s17 =	simm.s32 $0x3;
	s18 =	simm.s32 $0x1E100;
	[dreg:$0x10] =	wrdreg s22  }
0x24: {  	s7 =	sor.u32 $0x1C07, s23;
	s26 =	sadd.s32 s8, s5;
	[dreg:$0x16] =	wrdreg s29  }
0x25: {  	s8 =	simm.s32 $0x1B880;
	[dreg:$0x11] =	wrdreg s7;
	s7 =	sshrl.u32 s25, $0x3  }
0x26: {  	s19 =	simm.s32 $0x40;
	s25 =	sadd.s32 $0xF0, s0;
	s7 =	sadd.s32 s7, s5  }
0x27: {  	s0 =	simm.s32 $0x50;
	[dreg:$0x15] =	wrdreg s7;
	s7 =	simm.s32 $0x14000  }
.LBB2_1:
0x28: {  	s21 =	rddreg [dreg:$0xc]  }
0x29: {  	s22 =	rddreg [dreg:$0x11]  }
0x2a: {  	s23 =	rddreg [dreg:$0x16]  }
0x2b: {  	[spmem:s23], [sflag:s22] =	dma.local [hbm:s21], $0x2800  }
0x2c: {  	_ =	swait.ge [sflag:s30], $0x2800  }
0x2d: {  	[sflag:s30] =	ssyncset.done $0x0  }
0x2e: {  	[sflag:s30] =	ssyncadd.s32 $0xFFFFD800  }
0x2f: {  	[bflag:$0x0] =	sbarrier.arrive $0xFFFF  }
0x30: {  	s24 =	simm.s32 $0x1B980;
	s23 =	rddreg [dreg:$0x12]  }
0x31: {  	[tilespmem:s24], [sflag:$0x7] =	stream.linear.gather [hbm4b:s23+s3], $0x2710, $0x38;
	[tilespmem:$0x1E180] =	vst v63  }
0x32: {  	_ =	swait.ge [sflag:s30], $0x2710  }
0x33: {  	[sflag:s30] =	ssyncset.done $0x0  }
0x34: {  	s29 =	rddreg [dreg:$0x13];
	[sflag:s30] =	ssyncadd.s32 $0xFFFFD8F0  }
0x35: {  	[tilespmem:s1], [sflag:$0x4] =	stream.linear.gather [hbm4b:s29+s3], $0x50, $0x38;
	[tilespmem:$0x1E180] =	vst v63  }
0x36: {  	_ = 	snop  }
0x37: {  	[tilespmem:s7], [sflag:$0x1] =	stream.indirect.gather [hbm4b:s4+s0], $0x80, s24, s0, $0xb8;
	[tilespmem:$0x1E180] =	vst v63  }
0x38: {  	s23 =	rddreg [dreg:$0x17]  }
0x39: {  	[tilespmem:s8], [sflag:$0x5] =	stream.linear.gather [hbm4b:s23+s3], $0x50, $0x38;
	[tilespmem:$0x1E180] =	vst v63  }
0x3a: {  	s24 =	simm.s32 $0x1B9D0  }
0x3b: {  	[tilespmem:s9], [sflag:$0x2] =	stream.indirect.gather [hbm4b:s4+s0], $0x80, s24, s0, $0xb8;
	[tilespmem:$0x1E180] =	vst v63  }
0x3c: {  	_ = 	snop  }
0x3d: {  	[tilespmem:s10], [sflag:$0x6] =	stream.linear.gather [hbm4b:s26+s3], $0x50, $0x38;
	[tilespmem:$0x1E180] =	vst v63  }
0x3e: {  	s29 =	simm.s32 $0x1BA20  }
0x3f: {  	[tilespmem:s11], [sflag:$0x3] =	stream.indirect.gather [hbm4b:s4+s0], $0x80, s29, s0, $0xb8;
	[tilespmem:$0x1E180] =	vst v63  }
0x40: {  	_ =	swait.ge [sflag:s12], $0x50  }
0x41: {  	[sflag:s12] =	ssyncset.done $0x0  }
0x42: {  	[sflag:s12] =	ssyncadd.s32 $0xFFFFFFB0  }
0x43: {  	_ =	swait.ge [sflag:s13], $0x2800  }
0x44: {  	[sflag:s13] =	ssyncset.done $0x0  }
0x45: {  	[sflag:s13] =	ssyncadd.s32 $0xFFFFD800  }
0x46: {  	[spmem:s2] =	stream.indirect.scatter.add.f32 [tilespmem:s7], [sflag:$0x7], $0x80, s1, s0, $0xb8;
	[tilespmem:$0x1E180] =	vst v63  }
0x47: {  	_ =	swait.ge [sflag:s30], $0x2800  }
0x48: {  	s22 =	sshrl.u32 s25, $0x3;
	[sflag:s30] =	ssyncset.done $0x0  }
0x49: {  	s21 =	sadd.s32 s5, s22;
	[sflag:s30] =	ssyncadd.s32 $0xFFFFD800  }
0x4a: {  	[tilespmem:s1], [sflag:$0x4] =	stream.linear.gather [hbm4b:s21+s3], $0x50, $0x38;
	[tilespmem:$0x1E180] =	vst v63  }
0x4b: {  	s23 =	simm.s32 $0x1BA70  }
0x4c: {  	[tilespmem:s7], [sflag:$0x1] =	stream.indirect.gather [hbm4b:s4+s0], $0x80, s23, s0, $0xb8;
	[tilespmem:$0x1E180] =	vst v63  }
0x4d: {  	_ =	swait.ge [sflag:s14], $0x50  }
0x4e: {  	[sflag:s14] =	ssyncset.done $0x0  }
0x4f: {  	[sflag:s14] =	ssyncadd.s32 $0xFFFFFFB0  }
0x50: {  	_ =	swait.ge [sflag:s15], $0x2800  }
0x51: {  	[sflag:s15] =	ssyncset.done $0x0  }
0x52: {  	[sflag:s15] =	ssyncadd.s32 $0xFFFFD800  }
0x53: {  	[spmem:s2] =	stream.indirect.scatter.add.f32 [tilespmem:s9], [sflag:$0x7], $0x80, s8, s0, $0xb8;
	[tilespmem:$0x1E180] =	vst v63  }
0x54: {  	_ =	swait.ge [sflag:s30], $0x2800  }
0x55: {  	[sflag:s30] =	ssyncset.done $0x0  }
0x56: {  	s24 =	rddreg [dreg:$0x15];
	[sflag:s30] =	ssyncadd.s32 $0xFFFFD800  }
0x57: {  	[tilespmem:s8], [sflag:$0x5] =	stream.linear.gather [hbm4b:s24+s3], $0x50, $0x38;
	[tilespmem:$0x1E180] =	vst v63  }
0x58: {  	s29 =	simm.s32 $0x1BAC0  }
0x59: {  	[tilespmem:s9], [sflag:$0x2] =	stream.indirect.gather [hbm4b:s4+s0], $0x80, s29, s0, $0xb8;
	[tilespmem:$0x1E180] =	vst v63  }
0x5a: {  	_ =	swait.ge [sflag:s16], $0x50  }
0x5b: {  	[sflag:s16] =	ssyncset.done $0x0  }
0x5c: {  	[sflag:s16] =	ssyncadd.s32 $0xFFFFFFB0  }
0x5d: {  	_ =	swait.ge [sflag:s17], $0x2800  }
0x5e: {  	[sflag:s17] =	ssyncset.done $0x0  }
0x5f: {  	[sflag:s17] =	ssyncadd.s32 $0xFFFFD800  }
0x60: {  	[spmem:s2] =	stream.indirect.scatter.add.f32 [tilespmem:s11], [sflag:$0x7], $0x80, s10, s0, $0xb8;
	[tilespmem:$0x1E180] =	vst v63  }
0x61: {  	s28 =	simm.s32 $0x3C0;
	s31 =	sadd.s32 $0xF0, s25;
	_ =	swait.ge [sflag:s30], $0x2800  }
0x62: {  	s21 =	sadd.s32 $0x1E, s26;
	s23 =	sadd.s32 $0x1E, s24;
	[sflag:s30] =	ssyncset.done $0x0  }
.LBB2_2:
0x63: {  	s22 =	smov.u32 s28  }
0x64: {  	s29 =	sshra.s32 s28, $0x2;
	[sflag:s30] =	ssyncadd.s32 $0xFFFFD800;
	s22 =	sadd.s32 $0x3C0, s28  }
0x65: {  	[tilespmem:s10], [sflag:$0x6] =	stream.linear.gather [hbm4b:s21+s3], $0x50, $0x38;
	[tilespmem:$0x1E180] =	vst v63  }
0x66: {  	p0 =	sne.s32 s28, $0x9600;
	s24 =	sadd.s32 $0x1BA20, s29  }
0x67: {  	[tilespmem:s11], [sflag:$0x3] =	stream.indirect.gather [hbm4b:s4+s0], $0x80, s24, s0, $0xb8;
	[tilespmem:$0x1E180] =	vst v63  }
0x68: {  	_ =	swait.ge [sflag:s12], $0x50  }
0x69: {  	[sflag:s12] =	ssyncset.done $0x0  }
0x6a: {  	[sflag:s12] =	ssyncadd.s32 $0xFFFFFFB0  }
0x6b: {  	_ =	swait.ge [sflag:s13], $0x2800  }
0x6c: {  	[sflag:s13] =	ssyncset.done $0x0  }
0x6d: {  	[sflag:s13] =	ssyncadd.s32 $0xFFFFD800  }
0x6e: {  	[spmem:s2] =	stream.indirect.scatter.add.f32 [tilespmem:s7], [sflag:$0x7], $0x80, s1, s0, $0xb8;
	[tilespmem:$0x1E180] =	vst v63  }
0x6f: {  	_ =	swait.ge [sflag:s30], $0x2800  }
0x70: {  	s24 =	sshrl.u32 s31, $0x3;
	[sflag:s30] =	ssyncset.done $0x0  }
0x71: {  	s24 =	sadd.s32 s5, s24;
	[sflag:s30] =	ssyncadd.s32 $0xFFFFD800  }
0x72: {  	[tilespmem:s1], [sflag:$0x4] =	stream.linear.gather [hbm4b:s24+s3], $0x50, $0x38;
	[tilespmem:$0x1E180] =	vst v63  }
0x73: {  	s24 =	sadd.s32 $0x1BA70, s29  }
0x74: {  	[tilespmem:s7], [sflag:$0x1] =	stream.indirect.gather [hbm4b:s4+s0], $0x80, s24, s0, $0xb8;
	[tilespmem:$0x1E180] =	vst v63  }
0x75: {  	_ =	swait.ge [sflag:s14], $0x50  }
0x76: {  	[sflag:s14] =	ssyncset.done $0x0  }
0x77: {  	[sflag:s14] =	ssyncadd.s32 $0xFFFFFFB0  }
0x78: {  	_ =	swait.ge [sflag:s15], $0x2800  }
0x79: {  	[sflag:s15] =	ssyncset.done $0x0  }
0x7a: {  	[sflag:s15] =	ssyncadd.s32 $0xFFFFD800  }
0x7b: {  	[spmem:s2] =	stream.indirect.scatter.add.f32 [tilespmem:s9], [sflag:$0x7], $0x80, s8, s0, $0xb8;
	[tilespmem:$0x1E180] =	vst v63  }
0x7c: {  	_ =	swait.ge [sflag:s30], $0x2800  }
0x7d: {  	[sflag:s30] =	ssyncset.done $0x0  }
0x7e: {  	[sflag:s30] =	ssyncadd.s32 $0xFFFFD800  }
0x7f: {  	[tilespmem:s8], [sflag:$0x5] =	stream.linear.gather [hbm4b:s23+s3], $0x50, $0x38;
	[tilespmem:$0x1E180] =	vst v63  }
0x80: {  	s24 =	sadd.s32 $0x1BAC0, s29  }
0x81: {  	[tilespmem:s9], [sflag:$0x2] =	stream.indirect.gather [hbm4b:s4+s0], $0x80, s24, s0, $0xb8;
	[tilespmem:$0x1E180] =	vst v63  }
0x82: {  	_ =	swait.ge [sflag:s16], $0x50  }
0x83: {  	[sflag:s16] =	ssyncset.done $0x0  }
0x84: {  	[sflag:s16] =	ssyncadd.s32 $0xFFFFFFB0  }
0x85: {  	_ =	swait.ge [sflag:s17], $0x2800  }
.Ltmp0:
0x86: {  	[sflag:s17] =	ssyncset.done $0x0;
	(pc) =	sbr.rel @p0 .LBB2_2-.Ltmp0, $4  }
0x87: {  	[sflag:s17] =	ssyncadd.s32 $0xFFFFD800  }
0x88: {  	[spmem:s2] =	stream.indirect.scatter.add.f32 [tilespmem:s11], [sflag:$0x7], $0x80, s10, s0, $0xb8;
	[tilespmem:$0x1E180] =	vst v63  }
0x89: {  	s21 =	sadd.s32 $0x1E, s21;
	s28 =	smov.u32 s22;
	_ =	swait.ge [sflag:s30], $0x2800  }
0x8a: {  	s31 =	sadd.s32 $0xF0, s31;
	s23 =	sadd.s32 $0x1E, s23;
	[sflag:s30] =	ssyncset.done $0x0  }
0x8b: {  	[sflag:s30] =	ssyncadd.s32 $0xFFFFD800  }
0x8c: {  	_ =	swait.ge [sflag:s12], $0x50  }
0x8d: {  	[sflag:s12] =	ssyncset.done $0x0  }
0x8e: {  	[sflag:s12] =	ssyncadd.s32 $0xFFFFFFB0  }
0x8f: {  	_ =	swait.ge [sflag:s13], $0x2800  }
0x90: {  	[sflag:s13] =	ssyncset.done $0x0  }
0x91: {  	[sflag:s13] =	ssyncadd.s32 $0xFFFFD800  }
0x92: {  	[spmem:s2] =	stream.indirect.scatter.add.f32 [tilespmem:s7], [sflag:$0x7], $0x80, s1, s0, $0xb8;
	[tilespmem:$0x1E180] =	vst v63  }
0x93: {  	_ =	swait.ge [sflag:s30], $0x2800  }
0x94: {  	[sflag:s30] =	ssyncset.done $0x0  }
0x95: {  	[sflag:s30] =	ssyncadd.s32 $0xFFFFD800  }
0x96: {  	_ =	swait.ge [sflag:s14], $0x50  }
0x97: {  	[sflag:s14] =	ssyncset.done $0x0  }
0x98: {  	[sflag:s14] =	ssyncadd.s32 $0xFFFFFFB0  }
0x99: {  	_ =	swait.ge [sflag:s15], $0x2800  }
0x9a: {  	[sflag:s15] =	ssyncset.done $0x0  }
0x9b: {  	[sflag:s15] =	ssyncadd.s32 $0xFFFFD800  }
0x9c: {  	[spmem:s2] =	stream.indirect.scatter.add.f32 [tilespmem:s9], [sflag:$0x7], $0x80, s8, s0, $0xb8;
	[tilespmem:$0x1E180] =	vst v63  }
0x9d: {  	_ =	swait.ge [sflag:s30], $0x2800  }
0x9e: {  	[sflag:s30] =	ssyncset.done $0x0  }
0x9f: {  	[sflag:s30] =	ssyncadd.s32 $0xFFFFD800  }
0xa0: {  	[bflag:$0x0] =	sbarrier.arrive $0xFFFF  }
0xa1: {  	s21 =	rddreg [dreg:$0x4]  }
0xa2: {  	[tilespmem:s18], [sflag:$0x7] =	stream.linear.gather [hbm4b:s21+s3], $0x40, $0x38;
	[tilespmem:$0x1E180] =	vst v63  }
0xa3: {  	_ =	swait.ge [sflag:s30], $0x40  }
0xa4: {  	[sflag:s30] =	ssyncset.done $0x0  }
0xa5: {  	[sflag:s30] =	ssyncadd.s32 $0xFFFFFFC0  }
0xa6: {  	[tilespmem:s7], [sflag:$0x1] =	stream.indirect.gather [spmem:s2], $0x80, s18, s19, $0xb8;
	[tilespmem:$0x1E180] =	vst v63  }
0xa7: {  	_ =	swait.ge [sflag:s13], $0x2000  }
0xa8: {  	[sflag:s13] =	ssyncset.done $0x0  }
0xa9: {  	s22 =	rddreg [dreg:$0x5];
	[sflag:s13] =	ssyncadd.s32 $0xFFFFE000  }
0xaa: {  	[hbm4b:s22+s3] =	stream.linear.scatter [tilespmem:s7], [sflag:$0x7], $0x2000, $0x38;
	[tilespmem:$0x1E180] =	vst v63  }
0xab: {  	_ =	swait.ge [sflag:s30], $0x2000  }
0xac: {  	[sflag:s30] =	ssyncset.done $0x0  }
0xad: {  	[sflag:s30] =	ssyncadd.s32 $0xFFFFE000  }
0xae: {  	[tilespmem:s9], [sflag:$0x2] =	stream.indirect.gather [hbm4b:s6+s19], $0x80, s18, s19, $0xb8;
	[tilespmem:$0x1E180] =	vst v63  }
0xaf: {  	_ =	swait.ge [sflag:s15], $0x2000  }
0xb0: {  	[sflag:s15] =	ssyncset.done $0x0  }
0xb1: {  	s23 =	rddreg [dreg:$0xd];
	[sflag:s15] =	ssyncadd.s32 $0xFFFFE000  }
0xb2: {  	[hbm4b:s23+s3] =	stream.linear.scatter [tilespmem:s9], [sflag:$0x7], $0x2000, $0x38;
	[tilespmem:$0x1E180] =	vst v63  }
0xb3: {  	_ =	swait.ge [sflag:s30], $0x2000  }
0xb4: {  	[sflag:s30] =	ssyncset.done $0x0  }
0xb5: {  	s24 =	rddreg [dreg:$0x6];
	[sflag:s30] =	ssyncadd.s32 $0xFFFFE000  }
0xb6: {  	[tilespmem:s18], [sflag:$0x7] =	stream.linear.gather [hbm4b:s24+s3], $0x40, $0x38;
	[tilespmem:$0x1E180] =	vst v63  }
0xb7: {  	_ =	swait.ge [sflag:s30], $0x40  }
0xb8: {  	[sflag:s30] =	ssyncset.done $0x0  }
0xb9: {  	[sflag:s30] =	ssyncadd.s32 $0xFFFFFFC0  }
0xba: {  	[tilespmem:s7], [sflag:$0x1] =	stream.indirect.gather [spmem:s2], $0x80, s18, s19, $0xb8;
	[tilespmem:$0x1E180] =	vst v63  }
0xbb: {  	_ =	swait.ge [sflag:s13], $0x2000  }
0xbc: {  	[sflag:s13] =	ssyncset.done $0x0  }
0xbd: {  	s28 =	rddreg [dreg:$0x9];
	[sflag:s13] =	ssyncadd.s32 $0xFFFFE000  }
0xbe: {  	[hbm4b:s28+s3] =	stream.linear.scatter [tilespmem:s7], [sflag:$0x7], $0x2000, $0x38;
	[tilespmem:$0x1E180] =	vst v63  }
0xbf: {  	_ =	swait.ge [sflag:s30], $0x2000  }
0xc0: {  	[sflag:s30] =	ssyncset.done $0x0  }
0xc1: {  	[sflag:s30] =	ssyncadd.s32 $0xFFFFE000  }
0xc2: {  	[tilespmem:s9], [sflag:$0x2] =	stream.indirect.gather [hbm4b:s6+s19], $0x80, s18, s19, $0xb8;
	[tilespmem:$0x1E180] =	vst v63  }
0xc3: {  	_ =	swait.ge [sflag:s15], $0x2000  }
0xc4: {  	[sflag:s15] =	ssyncset.done $0x0  }
0xc5: {  	s29 =	rddreg [dreg:$0xe];
	[sflag:s15] =	ssyncadd.s32 $0xFFFFE000  }
0xc6: {  	[hbm4b:s29+s3] =	stream.linear.scatter [tilespmem:s9], [sflag:$0x7], $0x2000, $0x38;
	[tilespmem:$0x1E180] =	vst v63  }
0xc7: {  	_ =	swait.ge [sflag:s30], $0x2000  }
0xc8: {  	[sflag:s30] =	ssyncset.done $0x0  }
0xc9: {  	s31 =	rddreg [dreg:$0x7];
	[sflag:s30] =	ssyncadd.s32 $0xFFFFE000  }
0xca: {  	[tilespmem:s18], [sflag:$0x7] =	stream.linear.gather [hbm4b:s31+s3], $0x40, $0x38;
	[tilespmem:$0x1E180] =	vst v63  }
0xcb: {  	_ =	swait.ge [sflag:s30], $0x40  }
0xcc: {  	[sflag:s30] =	ssyncset.done $0x0  }
0xcd: {  	[sflag:s30] =	ssyncadd.s32 $0xFFFFFFC0  }
0xce: {  	[tilespmem:s7], [sflag:$0x1] =	stream.indirect.gather [spmem:s2], $0x80, s18, s19, $0xb8;
	[tilespmem:$0x1E180] =	vst v63  }
0xcf: {  	_ =	swait.ge [sflag:s13], $0x2000  }
0xd0: {  	[sflag:s13] =	ssyncset.done $0x0  }
0xd1: {  	s22 =	rddreg [dreg:$0xa];
	[sflag:s13] =	ssyncadd.s32 $0xFFFFE000  }
0xd2: {  	[hbm4b:s22+s3] =	stream.linear.scatter [tilespmem:s7], [sflag:$0x7], $0x2000, $0x38;
	[tilespmem:$0x1E180] =	vst v63  }
0xd3: {  	_ =	swait.ge [sflag:s30], $0x2000  }
0xd4: {  	[sflag:s30] =	ssyncset.done $0x0  }
0xd5: {  	[sflag:s30] =	ssyncadd.s32 $0xFFFFE000  }
0xd6: {  	[tilespmem:s9], [sflag:$0x2] =	stream.indirect.gather [hbm4b:s6+s19], $0x80, s18, s19, $0xb8;
	[tilespmem:$0x1E180] =	vst v63  }
0xd7: {  	_ =	swait.ge [sflag:s15], $0x2000  }
0xd8: {  	[sflag:s15] =	ssyncset.done $0x0  }
0xd9: {  	s23 =	rddreg [dreg:$0xf];
	[sflag:s15] =	ssyncadd.s32 $0xFFFFE000  }
0xda: {  	[hbm4b:s23+s3] =	stream.linear.scatter [tilespmem:s9], [sflag:$0x7], $0x2000, $0x38;
	[tilespmem:$0x1E180] =	vst v63  }
0xdb: {  	_ =	swait.ge [sflag:s30], $0x2000  }
0xdc: {  	[sflag:s30] =	ssyncset.done $0x0  }
0xdd: {  	s24 =	rddreg [dreg:$0x8];
	[sflag:s30] =	ssyncadd.s32 $0xFFFFE000  }
0xde: {  	[tilespmem:s18], [sflag:$0x7] =	stream.linear.gather [hbm4b:s24+s3], $0x40, $0x38;
	[tilespmem:$0x1E180] =	vst v63  }
0xdf: {  	_ =	swait.ge [sflag:s30], $0x40  }
0xe0: {  	[sflag:s30] =	ssyncset.done $0x0  }
0xe1: {  	[sflag:s30] =	ssyncadd.s32 $0xFFFFFFC0  }
0xe2: {  	[tilespmem:s7], [sflag:$0x1] =	stream.indirect.gather [spmem:s2], $0x80, s18, s19, $0xb8;
	[tilespmem:$0x1E180] =	vst v63  }
0xe3: {  	_ =	swait.ge [sflag:s13], $0x2000  }
0xe4: {  	[sflag:s13] =	ssyncset.done $0x0  }
0xe5: {  	s28 =	rddreg [dreg:$0xb];
	[sflag:s13] =	ssyncadd.s32 $0xFFFFE000  }
0xe6: {  	[hbm4b:s28+s3] =	stream.linear.scatter [tilespmem:s7], [sflag:$0x7], $0x2000, $0x38;
	[tilespmem:$0x1E180] =	vst v63  }
0xe7: {  	_ =	swait.ge [sflag:s30], $0x2000  }
0xe8: {  	[sflag:s30] =	ssyncset.done $0x0  }
0xe9: {  	[sflag:s30] =	ssyncadd.s32 $0xFFFFE000  }
0xea: {  	[tilespmem:s9], [sflag:$0x2] =	stream.indirect.gather [hbm4b:s6+s19], $0x80, s18, s19, $0xb8;
	[tilespmem:$0x1E180] =	vst v63  }
0xeb: {  	_ =	swait.ge [sflag:s15], $0x2000  }
0xec: {  	[sflag:s15] =	ssyncset.done $0x0  }
0xed: {  	s29 =	rddreg [dreg:$0x10];
	[sflag:s15] =	ssyncadd.s32 $0xFFFFE000  }
0xee: {  	[hbm4b:s29+s3] =	stream.linear.scatter [tilespmem:s9], [sflag:$0x7], $0x2000, $0x38;
	[tilespmem:$0x1E180] =	vst v63  }
0xef: {  	_ =	swait.ge [sflag:s30], $0x2000  }
0xf0: {  	s20 =	sadd.s32 $0x1, s20;
	s31 =	rddreg [dreg:$0x14]  }
0xf1: {  	p0 =	sne.s32 s20, s31  }
.Ltmp1:
0xf2: {  	_ = 	snop;
	(pc) =	sbr.rel @p0 .LBB2_1-.Ltmp1, $3  }
0xf3: {  	_ =	sdelay $0x1  }
0xf4: {  	[sflag:s30] =	ssyncset.done $0x0  }
0xf5: {  	[sflag:s30] =	ssyncadd.s32 $0xFFFFE000  }
0xf6: {  	_ =	sfence.sel $0x180000  }
0xf7: {  	[bflag:$0x0] =	sbarrier.arrive $0xFFFF  }
0xf8: {  	_ =	strace $0x9000004D  }
0xf9: {  	s0 =	stileid.u32;
	[bflag:$0x2] =	sbarrier.arrive $0xFFFF  }
0xfa: {  	p0 =	sne.s32 s0, $0x0;
	s0 =	rddreg [dreg:$0x3]  }
0xfb: {  	s0 =	sadd.s32 @!p0 $0x100000, s0  }
0xfc: {  	[sflag:s0] =	ssyncadd.tile.s32 @!p0 $0x1;
	_ =	shalt  }
.Lfunc_end2:
_tile_overlayer_lowered:
.L_overlay_start_2:
0xfd: {  	(tag) =	ssettag $0x2  }
0xfe: {  	s0 =	rddreg [dreg:$0x0];
	s2 =	stileid.u32  }
0xff: {  	s1 =	rddreg [dreg:$0x1];
	p0 =	sne.s32 s2, $0x0  }
0x100: {  	s3 =	rddreg [dreg:$0x2];
	[bflag:$0x3] =	sbarrier.arrive $0xFFFF;
	s2 =	simm.s32 @!p0 $0x1C07  }
0x101: {  	[timem:s3], [sflag:s2] =	dma.local @!p0 [hbm:s0], s1  }
0x102: {  	s0 =	simm.s32 @!p0 $0x7  }
0x103: {  	_ =	swait.ge @!p0 [sflag:s0], s1  }
0x104: {  	s1 =	ssub.s32 @!p0 $0x0, s1;
	[sflag:s0] =	ssyncset.done @!p0 $0x0  }
0x105: {  	[sflag:s0] =	ssyncadd.s32 @!p0 s1  }
0x106: {  	[bflag:$0x3] =	sbarrier.arrive $0xFFFF  }
0x107: {  	_ =	shalt  }

// kernel: kernel.8.cloned.1.call-start
scs
__scs_entry_jumppad:
0x0: {  	(pc) =	sbr.rel $0x88, $3  }
0x1: {  	(tag) =	ssettag $0x0;
	lr =	simm.s32 $0x1  }
0x2: {  	[smem:$0x3F8E] =	sst lr;
	_ =	strace $0xD0000000  }
0x3: {  	_ = 	snop  }
0x4: {  	_ = 	snop  }
0x5: {  	_ = 	snop  }
0x6: {  	_ = 	snop  }
0x7: {  	_ = 	snop  }
__scs_overlays_trampoline_lowered:
0x8: {  	[smem:$0x3F9D] =	sst s0  }
0x9: {  	[smem:$0x3F9E] =	sst s1  }
0xa: {  	[smem:$0x3F9F] =	sst s2  }
0xb: {  	[smem:$0x3FA0] =	sst s3  }
0xc: {  	[smem:$0x3FA1] =	sst s4  }
0xd: {  	[smem:$0x3FA2] =	sst s5  }
0xe: {  	[smem:$0x3FA3] =	sst s6  }
0xf: {  	[smem:$0x3FA4] =	sst s7  }
0x10: {  	[smem:$0x3FA5] =	sst s8  }
0x11: {  	[smem:$0x3FA6] =	sst s9;
	s0 =	simm.s32 @!p0 $0x0  }
0x12: {  	s1 =	sld [smem:$0x3F8C];
	s0 =	simm.s32 @p0 $0x1  }
0x13: {  	[smem:$0x3FA7] =	sst s0;
	s0 =	simm.s32 @!p1 $0x0  }
0x14: {  	s2 =	sld [smem:$0x3F8B];
	s0 =	simm.s32 @p1 $0x1  }
0x15: {  	[smem:$0x3FA8] =	sst s0;
	s0 =	simm.s32 @!p2 $0x0  }
0x16: {  	s3 =	sld [smem:$0x3FDB];
	s0 =	simm.s32 @p2 $0x1  }
0x17: {  	s4 =	simm.s32 $0x1BF5;
	[smem:$0x3FAA] =	sst s0  }
0x18: {  	s0 =	sld [smem:$0x3F8D];
	_ =	swait.ge [sflag:s4], $0x0  }
0x19: {  	s7 =	sld [smem:$0x3F8E]  }
0x1a: {  	s8 =	sadd.s32 $0xFFFFE003, lr  }
0x1b: {  	s9 =	sadd.s32 $0xFFFFFEF7, lr;
	s5 =	simm.s32 $0xFFFFFFFF;
	p2 =	slt.u32 s8, $0xFFFFF086  }
0x1c: {  	p1 =	slt.u32 s9, $0xF7A;
	s5 =	simm.s32 @!p2 $0x0  }
0x1d: {  	s5 =	simm.s32 @p1 $0x1;
	p0 =	seq.s32 s7, s2  }
0x1e: {  	s7 =	smul.u32 @!p0 $0xF7A, s2;
	p2 =	seq.s32 @!p0 s5, $0x0  }
0x1f: {  	s9 =	smul.u32 $0xF7A, s1;
	s8 =	simm.s32 @!p0 $0x1BF5;
	p2 =	por !p2, p0  }
0x20: {  	[sflag:s8] =	ssyncset.s32 @!p0 $0xFFFFF086;
	s6 =	sadd.s32 @!p0 s3, s7;
	s7 =	simm.s32 @!p0 $0x108  }
0x21: {  	s3 =	sadd.s32 s3, s9;
	s6 =	sadd.s32 @!p0 $0x88, s6;
	s7 =	simm.s32 @p2 $0x1082  }
0x22: {  	[simem:s7], [sflag:s8] =	dma.local @!p0 [hbm:s6], $0xF7A  }
0x23: {  	s9 =	sor.u32 $0xD0000000, s2;
	s6 =	simm.s32 $0x108;
	_ =	swait.ge @!p0 [sflag:s8], $0x0  }
0x24: {  	s3 =	sadd.s32 $0x88, s3;
	s6 =	simm.s32 @!p1 $0x1082;
	[sflag:s4] =	ssyncset.s32 $0xFFFFF086  }
0x25: {  	[simem:s6], [sflag:s4] =	dma.local [hbm:s3], $0xF7A  }
0x26: {  	[smem:$0x3F8E] =	sst s1;
	(tag) =	ssettag s2;
	_ =	strace s9  }
0x27: {  	s1 =	sld [smem:$0x3F9E]  }
0x28: {  	s2 =	sld [smem:$0x3F9F]  }
0x29: {  	s4 =	sld [smem:$0x3FA1]  }
0x2a: {  	p0 =	seq.s32 s5, $0x0;
	s5 =	sld [smem:$0x3FA2]  }
0x2b: {  	s6 =	sld [smem:$0x3FA3]  }
0x2c: {  	s7 =	sld [smem:$0x3FA4]  }
0x2d: {  	s3 =	simm.s32 $0x108;
	s8 =	sld [smem:$0x3FA5]  }
0x2e: {  	s3 =	simm.s32 @!p0 $0x1082;
	s9 =	sld [smem:$0x3FA6]  }
0x2f: {  	lr =	sadd.s32 s0, s3;
	s0 =	sld [smem:$0x3F9D]  }
0x30: {  	s3 =	sld [smem:$0x3FA0]  }
0x31: {  	[smem:$0x3FA9] =	sst s10  }
0x32: {  	s10 =	sld [smem:$0x3FA7];
	_ =	sdelay $0x3  }
0x33: {  	p0 =	seq.s32 s10, $0x1;
	s10 =	sld [smem:$0x3FA9];
	_ =	sdelay $0x3  }
0x34: {  	[smem:$0x3FA9] =	sst s10  }
0x35: {  	s10 =	sld [smem:$0x3FA8];
	_ =	sdelay $0x3  }
0x36: {  	p1 =	seq.s32 s10, $0x1;
	s10 =	sld [smem:$0x3FA9];
	_ =	sdelay $0x3  }
0x37: {  	[smem:$0x3FA9] =	sst s10  }
0x38: {  	s10 =	sld [smem:$0x3FAA]  }
0x39: {  	_ = 	snop;
	(pc) =	sbr.ind lr, $3  }
0x3a: {  	_ = 	snop  }
0x3b: {  	_ = 	snop  }
0x3c: {  	p2 =	seq.s32 s10, $0x1;
	s10 =	sld [smem:$0x3FA9]  }
0x3d: {  	_ =	shalt  }
0x3e: {  	_ =	shalt  }
0x3f: {  	_ =	shalt  }
0x40: {  	_ =	shalt  }
0x41: {  	_ =	shalt  }
0x42: {  	_ =	shalt  }
0x43: {  	_ =	shalt  }
0x44: {  	_ =	shalt  }
0x45: {  	_ =	shalt  }
0x46: {  	_ =	shalt  }
0x47: {  	_ =	shalt  }
0x48: {  	_ =	shalt  }
0x49: {  	_ =	shalt  }
0x4a: {  	_ =	shalt  }
0x4b: {  	_ =	shalt  }
0x4c: {  	_ =	shalt  }
0x4d: {  	_ =	shalt  }
0x4e: {  	_ =	shalt  }
0x4f: {  	_ =	shalt  }
0x50: {  	_ =	shalt  }
0x51: {  	_ =	shalt  }
0x52: {  	_ =	shalt  }
0x53: {  	_ =	shalt  }
0x54: {  	_ =	shalt  }
0x55: {  	_ =	shalt  }
0x56: {  	_ =	shalt  }
0x57: {  	_ =	shalt  }
0x58: {  	_ =	shalt  }
0x59: {  	_ =	shalt  }
0x5a: {  	_ =	shalt  }
0x5b: {  	_ =	shalt  }
0x5c: {  	_ =	shalt  }
0x5d: {  	_ =	shalt  }
0x5e: {  	_ =	shalt  }
0x5f: {  	_ =	shalt  }
0x60: {  	_ =	shalt  }
0x61: {  	_ =	shalt  }
0x62: {  	_ =	shalt  }
0x63: {  	_ =	shalt  }
0x64: {  	_ =	shalt  }
0x65: {  	_ =	shalt  }
0x66: {  	_ =	shalt  }
0x67: {  	_ =	shalt  }
0x68: {  	_ =	shalt  }
0x69: {  	_ =	shalt  }
0x6a: {  	_ =	shalt  }
0x6b: {  	_ =	shalt  }
0x6c: {  	_ =	shalt  }
0x6d: {  	_ =	shalt  }
0x6e: {  	_ =	shalt  }
0x6f: {  	_ =	shalt  }
0x70: {  	_ =	shalt  }
0x71: {  	_ =	shalt  }
0x72: {  	_ =	shalt  }
0x73: {  	_ =	shalt  }
0x74: {  	_ =	shalt  }
0x75: {  	_ =	shalt  }
0x76: {  	_ =	shalt  }
0x77: {  	_ =	shalt  }
0x78: {  	_ =	shalt  }
0x79: {  	_ =	shalt  }
0x7a: {  	_ =	shalt  }
0x7b: {  	_ =	shalt  }
0x7c: {  	_ =	shalt  }
0x7d: {  	_ =	shalt  }
0x7e: {  	_ =	shalt  }
0x7f: {  	_ =	shalt  }
0x80: {  	_ =	shalt  }
0x81: {  	_ =	shalt  }
0x82: {  	_ =	shalt  }
0x83: {  	_ =	shalt  }
0x84: {  	_ =	shalt  }
0x85: {  	_ =	shalt  }
0x86: {  	_ =	shalt  }
0x87: {  	_ =	shalt  }
.Lfunc_end0:
.L_simem_size_0:
called_computation_lowered:
.L_overlay_start_0:
0x88: {  	s2 =	sld [smem:$0x3FD9]  }
0x89: {  	s3 =	sld [smem:$0x3FFE];
	_ =	sdelay $0x1  }
0x8a: {  	s1 =	srdreg.scid  }
0x8b: {  	s0 =	sand.u32 $0x1, s1  }
0x8c: {  	s17 =	sshll.u32 s0, $0xA;
	s2 =	sadd.s32 s3, s2  }
0x8d: {  	s2 =	sadd.s32 s2, s17  }
0x8e: {  	[smem:$0x3FB5] =	sst s2  }
0x8f: {  	_ = 	snop  }
0x90: {  	s2 =	sld [smem:$0x3FC5]  }
0x91: {  	s18 =	sld [smem:$0x3FD0];
	(tm) =	ssettm $0x1  }
0x92: {  	s4 =	sld [smem:$0x3FFB];
	_ =	sdelay $0x3  }
0x93: {  	_ =	strace s4  }
0x94: {  	s4 =	sld [smem:$0x3FFC];
	_ =	sdelay $0x3  }
0x95: {  	_ =	strace s4  }
0x96: {  	s4 =	sld [smem:$0x3FFD];
	_ =	sdelay $0x3  }
0x97: {  	_ =	strace s4  }
0x98: {  	_ =	strace $0x8FFFFFFF  }
0x99: {  	s19 =	sld [smem:$0x3FDB];
	_ =	sdelay $0x1  }
0x9a: {  	s5 =	simm.s32 $_scs_section_size  }
0x9b: {  	s6 =	simm.s32 $_size__tile_overlayer_lowered;
	s7 =	simm.s32 $_tile_overlayer_lowered  }
0x9c: {  	s22 =	simm.s32 $0x1BFF;
	s21 =	sshll.u32 s7, $0x1;
	s4 =	sadd.s32 s5, s19  }
0x9d: {  	s8 =	simm.s32 $0x0;
	s20 =	sshll.u32 s6, $0x1;
	s6 =	sadd.s32 s21, s4  }
0x9e: {  	[timem:s8], [sflag:s22] =	dma.local [hbm:s6], s20  }
0x9f: {  	_ =	swait.ge [sflag:s22], s20  }
0xa0: {  	s5 =	ssub.s32 $0x0, s20;
	[sflag:s22] =	ssyncset.done $0x0  }
0xa1: {  	[sflag:s22] =	ssyncadd.s32 s5;
	_ =	sdelay $0x1  }
0xa2: {  	s23 =	simm.s32 $0x1B8B  }
0xa3: {  	_ =	swait.ge [sflag:s23], $0x1  }
0xa4: {  	[sflag:s23] =	ssyncset.done $0x0  }
0xa5: {  	s25 =	simm.s32 $0x1B8E;
	s24 =	sld [smem:$0x3FFE];
	[sflag:s23] =	ssyncadd.s32 $0xFFFFFFFF  }
0xa6: {  	s26 =	simm.s32 $execute0_lowered;
	[smem:$0x3FD2] =	sst s25  }
0xa7: {  	s6 =	sshll.u32 s26, $0x1;
	_ =	strace $0x80000046;
	[dreg:$0x1] =	wrdreg $0xFFFFFFFF  }
0xa8: {  	s28 =	simm.s32 $_size_execute0_lowered;
	s4 =	sadd.s32 s4, s6;
	[dreg:$0x0] =	wrdreg $0x0  }
0xa9: {  	s6 =	sshll.u32 s28, $0x1;
	[dreg:$0x2] =	wrdreg s4  }
0xaa: {  	[dreg:$0x3] =	wrdreg s6  }
0xab: {  	[dreg:$0x4] =	wrdreg $0xC0  }
0xac: {  	_ =	task [dreg:s8], $0x5FFFF  }
0xad: {  	[dreg:$0x1] =	wrdreg $0xFFFFFFFF  }
0xae: {  	[dreg:$0x0] =	wrdreg $0x60  }
0xaf: {  	[dreg:$0x2] =	wrdreg s2  }
0xb0: {  	[dreg:$0x3] =	wrdreg s24  }
0xb1: {  	[dreg:$0x4] =	wrdreg s18  }
0xb2: {  	[dreg:$0x5] =	wrdreg $0x0  }
0xb3: {  	[dreg:$0x6] =	wrdreg $0x140000  }
0xb4: {  	[dreg:$0x7] =	wrdreg $0x9  }
0xb5: {  	_ =	task.clear_ibuf [dreg:s8], $0x8FFFF;
	_ =	strace $0x90000046  }
0xb6: {  	s29 =	simm.s32 $0x9;
	_ =	strace $0x80000048  }
0xb7: {  	_ =	swait.ge [sflag:s29], $0x1  }
0xb8: {  	[sflag:s29] =	ssyncadd.s32 $0xFFFFFFFF  }
0xb9: {  	_ =	strace $0x90000048  }
0xba: {  	_ =	sfence  }
0xbb: {  	s30 =	sld [smem:$0x0];
	_ =	sdelay $0x2  }
0xbc: {  	s31 =	sshll.u32 s1, $0xD;
	s1 =	sshrl.u32 s1, $0x2  }
0xbd: {  	s3 =	sand.u32 $0x4000, s31;
	s1 =	sadd.s32 s1, s30  }
0xbe: {  	s0 =	sor.u32 s3, s0;
	s1 =	sshll.u32 s1, $0x11  }
0xbf: {  	s0 =	sor.u32 s1, s0  }
0xc0: {  	s0 =	sadd.s32 $0x8F2B, s0  }
0xc1: {  	[sflag:s0] =	ssyncadd.remote.s32 $0x1  }
0xc2: {  	_ =	sfence.sel $0xFFFF  }
0xc3: {  	[dreg:$0x0] =	wrdreg $0xFFFFFFFF;
	(pc) =	sbr.abs _section_cstart, $3  }
0xc4: {  	[dreg:$0x1] =	wrdreg $0xFFFFFFFF  }
0xc5: {  	_ =	task.clear_ibuf [dreg:s8], $0x2FFFF;
	_ =	strace $0x9FFFFFFF  }
0xc6: {  	(tm) =	ssettm $0x7FFFFFFF  }
0xc7: {  	_ =	shalt  }
tec
execute0_lowered:
.L_overlay_start_1:
0x0: {  	(tag) =	ssettag $0x1  }
0x1: {  	s0 =	rddreg [dreg:$0x0]  }
0x2: {  	s1 =	rddreg [dreg:$0x1]  }
0x3: {  	s2 =	srdreg.scid;
	s4 =	rddreg [dreg:$0x3]  }
0x4: {  	s14 =	stileid.u32;
	s5 =	rddreg [dreg:$0x4];
	s6 =	simm.s32 $0x0  }
0x5: {  	s28 =	simm.s32 $0x14280;
	s29 =	simm.s32 $0x1BB00;
	s31 =	simm.s32 $0x16A80  }
0x6: {  	s30 =	simm.s32 $0x1;
	s2 =	sand.u32 $0x1, s2;
	s7 =	smul.u32 $0x2710, s14  }
0x7: {  	s8 =	smul.u32 $0x280, s14;
	[smem:$0x7FF] =	sst s6;
	s12 =	sadd.s32 $0x19C00, s1  }
0x8: {  	s16 =	sadd.s32 $0x1C400, s1;
	s13 =	smul.u32 $0x50000, s14;
	s14 =	sshll.u32 s14, $0x6  }
0x9: {  	s3 =	smul.u32 $0x27100, s2;
	_ =	strace $0x80000047;
	[dreg:$0x6] =	wrdreg s12  }
0xa: {  	s10 =	smul.u32 $0x2800, s2;
	[dreg:$0x7] =	wrdreg s16;
	s2 =	ssub.s32 $0x2, s2  }
0xb: {  	s18 =	sshrl.u32 s2, $0x1;
	s13 =	sshrl.u32 s13, $0x2;
	s3 =	sadd.s32 s7, s3  }
0xc: {  	s7 =	sadd.s32 $0x6000, s1;
	s10 =	sadd.s32 s8, s10;
	s2 =	ssub.s32 s2, s18  }
0xd: {  	s13 =	sadd.s32 s13, s4;
	s8 =	sadd.s32 s8, s5;
	s9 =	sshrl.u32 s3, $0x3  }
0xe: {  	s17 =	sshll.u32 s10, $0x4;
	s10 =	sshrl.u32 s10, $0x3;
	[dreg:$0x8] =	wrdreg s8  }
0xf: {  	s22 =	sadd.s32 $0x140, s3;
	s24 =	sadd.s32 $0xA0, s3;
	s2 =	smax.u32 s2, $0x1  }
0x10: {  	s26 =	sadd.s32 $0xF0, s3;
	s3 =	simm.s32 $0x1BB80;
	s11 =	sadd.s32 s9, s1  }
0x11: {  	s12 =	sadd.s32 s17, s1;
	s1 =	sadd.s32 s10, s1;
	s10 =	sor.u32 $0x1C07, s14  }
0x12: {  	s20 =	sadd.s32 s7, s9;
	s23 =	sshrl.u32 s22, $0x3;
	[dreg:$0xe] =	wrdreg s2  }
0x13: {  	s25 =	sshrl.u32 s24, $0x3;
	[dreg:$0x10] =	wrdreg s26;
	s22 =	simm.s32 $0x7  }
0x14: {  	s26 =	simm.s32 $0x50;
	s19 =	sadd.s32 $0xFE00, s11;
	[dreg:$0xa] =	wrdreg s20  }
0x15: {  	s2 =	simm.s32 $0x4;
	s8 =	sadd.s32 $0xA, s20;
	[dreg:$0x9] =	wrdreg s19  }
0x16: {  	s9 =	simm.s32 $0x2;
	s21 =	sadd.s32 $0x1D000, s12;
	[dreg:$0xb] =	wrdreg s8  }
0x17: {  	s14 =	simm.s32 $0x0;
	s1 =	sadd.s32 $0x1C600, s1;
	[dreg:$0xc] =	wrdreg s21  }
0x18: {  	s11 =	simm.s32 $0x6;
	s12 =	simm.s32 $0x3;
	[dreg:$0xd] =	wrdreg s1  }
0x19: {  	s1 =	sadd.s32 s23, s7;
	s21 =	sshrl.u32 s13, $0x3;
	s23 =	simm.s32 $0x1E380  }
0x1a: {  	s8 =	simm.s32 $0x5;
	[dreg:$0xf] =	wrdreg s1;
	s1 =	sadd.s32 s25, s7  }
0x1b: {  	s25 =	simm.s32 $0x1BA80;
	[dreg:$0x11] =	wrdreg s1;
	s1 =	simm.s32 $0x19280  }
.LBB2_1:
0x1c: {  	s13 =	rddreg [dreg:$0x6]  }
0x1d: {  	[spmem:s21], [sflag:s10] =	dma.local [hbm:s13], $0x2800  }
0x1e: {  	_ =	swait.ge [sflag:s22], $0x2800  }
0x1f: {  	[sflag:s22] =	ssyncset.done $0x0  }
0x20: {  	s17 =	rddreg [dreg:$0x8];
	[sflag:s22] =	ssyncadd.s32 $0xFFFFD800  }
0x21: {  	s15 =	sshrl.u32 s17, $0x3;
	s18 =	rddreg [dreg:$0x2]  }
0x22: {  	[spmem:s15], [sflag:s10] =	dma.local [hbm:s18], $0x50  }
0x23: {  	_ =	swait.ge [sflag:s22], $0x50  }
0x24: {  	[sflag:s22] =	ssyncset.done $0x0  }
0x25: {  	s19 =	rddreg [dreg:$0x7];
	[sflag:s22] =	ssyncadd.s32 $0xFFFFFFB0  }
0x26: {  	[tilespmem:s23], [sflag:$0x7] =	stream.linear.gather [hbm4b:s19+s6], $0x80, $0x38;
	[tilespmem:$0x1E400] =	vst v63  }
0x27: {  	_ =	swait.ge [sflag:s22], $0x80  }
0x28: {  	[sflag:s22] =	ssyncset.done $0x0  }
0x29: {  	[sflag:s22] =	ssyncadd.s32 $0xFFFFFF80  }
0x2a: {  	[bflag:$0x0] =	sbarrier.arrive $0xFFFF  }
0x2b: {  	s16 =	simm.s32 $0x1BC00;
	s20 =	rddreg [dreg:$0x9]  }
0x2c: {  	[tilespmem:s16], [sflag:$0x7] =	stream.linear.gather [hbm4b:s20+s6], $0x2710, $0x38;
	[tilespmem:$0x1E400] =	vst v63  }
0x2d: {  	_ =	swait.ge [sflag:s22], $0x2710  }
0x2e: {  	[sflag:s22] =	ssyncset.done $0x0  }
0x2f: {  	s24 =	rddreg [dreg:$0xa];
	[sflag:s22] =	ssyncadd.s32 $0xFFFFD8F0  }
0x30: {  	[tilespmem:s25], [sflag:$0x4] =	stream.linear.gather [hbm4b:s24+s6], $0x50, $0x38;
	[tilespmem:$0x1E400] =	vst v63  }
0x31: {  	_ = 	snop  }
0x32: {  	[tilespmem:s28], [sflag:$0x1] =	stream.indirect.gather [hbm4b:s0+s26], $0x80, s16, s26, $0xb8;
	[tilespmem:$0x1E400] =	vst v63  }
0x33: {  	s16 =	rddreg [dreg:$0xb]  }
0x34: {  	[tilespmem:s29], [sflag:$0x5] =	stream.linear.gather [hbm4b:s16+s6], $0x50, $0x38;
	[tilespmem:$0x1E400] =	vst v63  }
0x35: {  	s17 =	simm.s32 $0x1BC50  }
0x36: {  	[tilespmem:s31], [sflag:$0x2] =	stream.indirect.gather [hbm4b:s0+s26], $0x80, s17, s26, $0xb8;
	[tilespmem:$0x1E400] =	vst v63  }
0x37: {  	s16 =	rddreg [dreg:$0x11]  }
0x38: {  	[tilespmem:s3], [sflag:$0x6] =	stream.linear.gather [hbm4b:s16+s6], $0x50, $0x38;
	[tilespmem:$0x1E400] =	vst v63  }
0x39: {  	s18 =	simm.s32 $0x1BCA0  }
0x3a: {  	[tilespmem:s1], [sflag:$0x3] =	stream.indirect.gather [hbm4b:s0+s26], $0x80, s18, s26, $0xb8;
	[tilespmem:$0x1E400] =	vst v63  }
0x3b: {  	_ =	swait.ge [sflag:s2], $0x50  }
0x3c: {  	[sflag:s2] =	ssyncset.done $0x0  }
0x3d: {  	[sflag:s2] =	ssyncadd.s32 $0xFFFFFFB0  }
0x3e: {  	_ =	swait.ge [sflag:s30], $0x2800  }
0x3f: {  	[sflag:s30] =	ssyncset.done $0x0  }
0x40: {  	[sflag:s30] =	ssyncadd.s32 $0xFFFFD800  }
0x41: {  	[spmem:s4] =	stream.indirect.scatter.add.f32 [tilespmem:s28], [sflag:$0x7], $0x80, s25, s26, $0xb8;
	[tilespmem:$0x1E400] =	vst v63  }
0x42: {  	_ =	swait.ge [sflag:s22], $0x2800  }
0x43: {  	[sflag:s22] =	ssyncset.done $0x0  }
0x44: {  	[sflag:s22] =	ssyncadd.s32 $0xFFFFD800  }
0x45: {  	[spmem:s5] =	stream.indirect.scatter.add.f32 [tilespmem:s23], [sflag:$0x7], $0x1, s25, s26, $0xb8;
	[tilespmem:$0x1E400] =	vst v63  }
0x46: {  	_ =	swait.ge [sflag:s22], $0x50  }
0x47: {  	s18 =	rddreg [dreg:$0x10]  }
0x48: {  	[sflag:s22] =	ssyncset.done $0x0;
	s19 =	sshrl.u32 s18, $0x3  }
0x49: {  	[sflag:s22] =	ssyncadd.s32 $0xFFFFFFB0;
	s13 =	sadd.s32 s7, s19  }
0x4a: {  	[tilespmem:s25], [sflag:$0x4] =	stream.linear.gather [hbm4b:s13+s6], $0x50, $0x38;
	[tilespmem:$0x1E400] =	vst v63  }
0x4b: {  	s20 =	simm.s32 $0x1BCF0  }
0x4c: {  	[tilespmem:s28], [sflag:$0x1] =	stream.indirect.gather [hbm4b:s0+s26], $0x80, s20, s26, $0xb8;
	[tilespmem:$0x1E400] =	vst v63  }
0x4d: {  	_ =	swait.ge [sflag:s8], $0x50  }
0x4e: {  	[sflag:s8] =	ssyncset.done $0x0  }
0x4f: {  	[sflag:s8] =	ssyncadd.s32 $0xFFFFFFB0  }
0x50: {  	_ =	swait.ge [sflag:s9], $0x2800  }
0x51: {  	[sflag:s9] =	ssyncset.done $0x0  }
0x52: {  	[sflag:s9] =	ssyncadd.s32 $0xFFFFD800  }
0x53: {  	[spmem:s4] =	stream.indirect.scatter.add.f32 [tilespmem:s31], [sflag:$0x7], $0x80, s29, s26, $0xb8;
	[tilespmem:$0x1E400] =	vst v63  }
0x54: {  	_ =	swait.ge [sflag:s22], $0x2800  }
0x55: {  	[sflag:s22] =	ssyncset.done $0x0  }
0x56: {  	[sflag:s22] =	ssyncadd.s32 $0xFFFFD800  }
0x57: {  	[spmem:s5] =	stream.indirect.scatter.add.f32 [tilespmem:s23], [sflag:$0x7], $0x1, s29, s26, $0xb8;
	[tilespmem:$0x1E400] =	vst v63  }
0x58: {  	_ =	swait.ge [sflag:s22], $0x50  }
0x59: {  	[sflag:s22] =	ssyncset.done $0x0  }
0x5a: {  	s17 =	rddreg [dreg:$0xf];
	[sflag:s22] =	ssyncadd.s32 $0xFFFFFFB0  }
0x5b: {  	[tilespmem:s29], [sflag:$0x5] =	stream.linear.gather [hbm4b:s17+s6], $0x50, $0x38;
	[tilespmem:$0x1E400] =	vst v63  }
0x5c: {  	s24 =	simm.s32 $0x1BD40  }
0x5d: {  	[tilespmem:s31], [sflag:$0x2] =	stream.indirect.gather [hbm4b:s0+s26], $0x80, s24, s26, $0xb8;
	[tilespmem:$0x1E400] =	vst v63  }
0x5e: {  	_ =	swait.ge [sflag:s11], $0x50  }
0x5f: {  	[sflag:s11] =	ssyncset.done $0x0  }
0x60: {  	[sflag:s11] =	ssyncadd.s32 $0xFFFFFFB0  }
0x61: {  	_ =	swait.ge [sflag:s12], $0x2800  }
0x62: {  	[sflag:s12] =	ssyncset.done $0x0  }
0x63: {  	[sflag:s12] =	ssyncadd.s32 $0xFFFFD800  }
0x64: {  	[spmem:s4] =	stream.indirect.scatter.add.f32 [tilespmem:s1], [sflag:$0x7], $0x80, s3, s26, $0xb8;
	[tilespmem:$0x1E400] =	vst v63  }
0x65: {  	_ =	swait.ge [sflag:s22], $0x2800  }
0x66: {  	[sflag:s22] =	ssyncset.done $0x0  }
0x67: {  	[sflag:s22] =	ssyncadd.s32 $0xFFFFD800  }
0x68: {  	[spmem:s5] =	stream.indirect.scatter.add.f32 [tilespmem:s23], [sflag:$0x7], $0x1, s3, s26, $0xb8;
	[tilespmem:$0x1E400] =	vst v63  }
0x69: {  	s16 =	sadd.s32 $0x1E, s16;
	s13 =	sadd.s32 $0xF0, s18;
	_ =	swait.ge [sflag:s22], $0x50  }
0x6a: {  	s17 =	sadd.s32 $0x1E, s17;
	s24 =	simm.s32 $0x3C0;
	[sflag:s22] =	ssyncset.done $0x0  }
.LBB2_2:
0x6b: {  	s19 =	smov.u32 s24  }
0x6c: {  	s18 =	sshra.s32 s24, $0x2;
	[sflag:s22] =	ssyncadd.s32 $0xFFFFFFB0;
	s19 =	sadd.s32 $0x3C0, s24  }
0x6d: {  	[tilespmem:s3], [sflag:$0x6] =	stream.linear.gather [hbm4b:s16+s6], $0x50, $0x38;
	[tilespmem:$0x1E400] =	vst v63  }
0x6e: {  	p0 =	sne.s32 s24, $0x9600;
	s20 =	sadd.s32 $0x1BCA0, s18  }
0x6f: {  	[tilespmem:s1], [sflag:$0x3] =	stream.indirect.gather [hbm4b:s0+s26], $0x80, s20, s26, $0xb8;
	[tilespmem:$0x1E400] =	vst v63  }
0x70: {  	_ =	swait.ge [sflag:s2], $0x50  }
0x71: {  	[sflag:s2] =	ssyncset.done $0x0  }
0x72: {  	[sflag:s2] =	ssyncadd.s32 $0xFFFFFFB0  }
0x73: {  	_ =	swait.ge [sflag:s30], $0x2800  }
0x74: {  	[sflag:s30] =	ssyncset.done $0x0  }
0x75: {  	[sflag:s30] =	ssyncadd.s32 $0xFFFFD800  }
0x76: {  	[spmem:s4] =	stream.indirect.scatter.add.f32 [tilespmem:s28], [sflag:$0x7], $0x80, s25, s26, $0xb8;
	[tilespmem:$0x1E400] =	vst v63  }
0x77: {  	_ =	swait.ge [sflag:s22], $0x2800  }
0x78: {  	[sflag:s22] =	ssyncset.done $0x0  }
0x79: {  	[sflag:s22] =	ssyncadd.s32 $0xFFFFD800  }
0x7a: {  	[spmem:s5] =	stream.indirect.scatter.add.f32 [tilespmem:s23], [sflag:$0x7], $0x1, s25, s26, $0xb8;
	[tilespmem:$0x1E400] =	vst v63  }
0x7b: {  	_ =	swait.ge [sflag:s22], $0x50  }
0x7c: {  	s20 =	sshrl.u32 s13, $0x3;
	[sflag:s22] =	ssyncset.done $0x0  }
0x7d: {  	s20 =	sadd.s32 s7, s20;
	[sflag:s22] =	ssyncadd.s32 $0xFFFFFFB0  }
0x7e: {  	[tilespmem:s25], [sflag:$0x4] =	stream.linear.gather [hbm4b:s20+s6], $0x50, $0x38;
	[tilespmem:$0x1E400] =	vst v63  }
0x7f: {  	s20 =	sadd.s32 $0x1BCF0, s18  }
0x80: {  	[tilespmem:s28], [sflag:$0x1] =	stream.indirect.gather [hbm4b:s0+s26], $0x80, s20, s26, $0xb8;
	[tilespmem:$0x1E400] =	vst v63  }
0x81: {  	_ =	swait.ge [sflag:s8], $0x50  }
0x82: {  	[sflag:s8] =	ssyncset.done $0x0  }
0x83: {  	[sflag:s8] =	ssyncadd.s32 $0xFFFFFFB0  }
0x84: {  	_ =	swait.ge [sflag:s9], $0x2800  }
0x85: {  	[sflag:s9] =	ssyncset.done $0x0  }
0x86: {  	[sflag:s9] =	ssyncadd.s32 $0xFFFFD800  }
0x87: {  	[spmem:s4] =	stream.indirect.scatter.add.f32 [tilespmem:s31], [sflag:$0x7], $0x80, s29, s26, $0xb8;
	[tilespmem:$0x1E400] =	vst v63  }
0x88: {  	_ =	swait.ge [sflag:s22], $0x2800  }
0x89: {  	[sflag:s22] =	ssyncset.done $0x0  }
0x8a: {  	[sflag:s22] =	ssyncadd.s32 $0xFFFFD800  }
0x8b: {  	[spmem:s5] =	stream.indirect.scatter.add.f32 [tilespmem:s23], [sflag:$0x7], $0x1, s29, s26, $0xb8;
	[tilespmem:$0x1E400] =	vst v63  }
0x8c: {  	_ =	swait.ge [sflag:s22], $0x50  }
0x8d: {  	[sflag:s22] =	ssyncset.done $0x0  }
0x8e: {  	[sflag:s22] =	ssyncadd.s32 $0xFFFFFFB0  }
0x8f: {  	[tilespmem:s29], [sflag:$0x5] =	stream.linear.gather [hbm4b:s17+s6], $0x50, $0x38;
	[tilespmem:$0x1E400] =	vst v63  }
0x90: {  	s18 =	sadd.s32 $0x1BD40, s18  }
0x91: {  	[tilespmem:s31], [sflag:$0x2] =	stream.indirect.gather [hbm4b:s0+s26], $0x80, s18, s26, $0xb8;
	[tilespmem:$0x1E400] =	vst v63  }
0x92: {  	_ =	swait.ge [sflag:s11], $0x50  }
0x93: {  	[sflag:s11] =	ssyncset.done $0x0  }
0x94: {  	[sflag:s11] =	ssyncadd.s32 $0xFFFFFFB0  }
0x95: {  	_ =	swait.ge [sflag:s12], $0x2800  }
0x96: {  	[sflag:s12] =	ssyncset.done $0x0  }
0x97: {  	[sflag:s12] =	ssyncadd.s32 $0xFFFFD800  }
0x98: {  	[spmem:s4] =	stream.indirect.scatter.add.f32 [tilespmem:s1], [sflag:$0x7], $0x80, s3, s26, $0xb8;
	[tilespmem:$0x1E400] =	vst v63  }
0x99: {  	_ =	swait.ge [sflag:s22], $0x2800  }
.Ltmp0:
0x9a: {  	[sflag:s22] =	ssyncset.done $0x0;
	(pc) =	sbr.rel @p0 .LBB2_2-.Ltmp0, $4  }
0x9b: {  	[sflag:s22] =	ssyncadd.s32 $0xFFFFD800  }
0x9c: {  	[spmem:s5] =	stream.indirect.scatter.add.f32 [tilespmem:s23], [sflag:$0x7], $0x1, s3, s26, $0xb8;
	[tilespmem:$0x1E400] =	vst v63  }
0x9d: {  	s16 =	sadd.s32 $0x1E, s16;
	s24 =	smov.u32 s19;
	_ =	swait.ge [sflag:s22], $0x50  }
0x9e: {  	s13 =	sadd.s32 $0xF0, s13;
	s17 =	sadd.s32 $0x1E, s17;
	[sflag:s22] =	ssyncset.done $0x0  }
0x9f: {  	[sflag:s22] =	ssyncadd.s32 $0xFFFFFFB0  }
0xa0: {  	_ =	swait.ge [sflag:s2], $0x50  }
0xa1: {  	[sflag:s2] =	ssyncset.done $0x0  }
0xa2: {  	[sflag:s2] =	ssyncadd.s32 $0xFFFFFFB0  }
0xa3: {  	_ =	swait.ge [sflag:s30], $0x2800  }
0xa4: {  	[sflag:s30] =	ssyncset.done $0x0  }
0xa5: {  	[sflag:s30] =	ssyncadd.s32 $0xFFFFD800  }
0xa6: {  	[spmem:s4] =	stream.indirect.scatter.add.f32 [tilespmem:s28], [sflag:$0x7], $0x80, s25, s26, $0xb8;
	[tilespmem:$0x1E400] =	vst v63  }
0xa7: {  	_ =	swait.ge [sflag:s22], $0x2800  }
0xa8: {  	[sflag:s22] =	ssyncset.done $0x0  }
0xa9: {  	[sflag:s22] =	ssyncadd.s32 $0xFFFFD800  }
0xaa: {  	[spmem:s5] =	stream.indirect.scatter.add.f32 [tilespmem:s23], [sflag:$0x7], $0x1, s25, s26, $0xb8;
	[tilespmem:$0x1E400] =	vst v63  }
0xab: {  	_ =	swait.ge [sflag:s22], $0x50  }
0xac: {  	[sflag:s22] =	ssyncset.done $0x0  }
0xad: {  	[sflag:s22] =	ssyncadd.s32 $0xFFFFFFB0  }
0xae: {  	_ =	swait.ge [sflag:s8], $0x50  }
0xaf: {  	[sflag:s8] =	ssyncset.done $0x0  }
0xb0: {  	[sflag:s8] =	ssyncadd.s32 $0xFFFFFFB0  }
0xb1: {  	_ =	swait.ge [sflag:s9], $0x2800  }
0xb2: {  	[sflag:s9] =	ssyncset.done $0x0  }
0xb3: {  	[sflag:s9] =	ssyncadd.s32 $0xFFFFD800  }
0xb4: {  	[spmem:s4] =	stream.indirect.scatter.add.f32 [tilespmem:s31], [sflag:$0x7], $0x80, s29, s26, $0xb8;
	[tilespmem:$0x1E400] =	vst v63  }
0xb5: {  	_ =	swait.ge [sflag:s22], $0x2800  }
0xb6: {  	[sflag:s22] =	ssyncset.done $0x0  }
0xb7: {  	[sflag:s22] =	ssyncadd.s32 $0xFFFFD800  }
0xb8: {  	[spmem:s5] =	stream.indirect.scatter.add.f32 [tilespmem:s23], [sflag:$0x7], $0x1, s29, s26, $0xb8;
	[tilespmem:$0x1E400] =	vst v63  }
0xb9: {  	_ =	swait.ge [sflag:s22], $0x50  }
0xba: {  	[sflag:s22] =	ssyncset.done $0x0  }
0xbb: {  	[sflag:s22] =	ssyncadd.s32 $0xFFFFFFB0  }
0xbc: {  	[bflag:$0x0] =	sbarrier.arrive $0xFFFF  }
0xbd: {  	s13 =	rddreg [dreg:$0xc]  }
0xbe: {  	[hbm:s13], [sflag:s10] =	dma.local [spmem:s21], $0x2800  }
0xbf: {  	_ =	swait.ge [sflag:s22], $0x2800  }
0xc0: {  	[sflag:s22] =	ssyncset.done $0x0  }
0xc1: {  	s20 =	rddreg [dreg:$0xd];
	[sflag:s22] =	ssyncadd.s32 $0xFFFFD800  }
0xc2: {  	[hbm:s20], [sflag:s10] =	dma.local [spmem:s15], $0x50  }
0xc3: {  	_ =	swait.ge [sflag:s22], $0x50  }
0xc4: {  	s14 =	sadd.s32 $0x1, s14;
	s24 =	rddreg [dreg:$0xe]  }
0xc5: {  	p0 =	sne.s32 s14, s24  }
.Ltmp1:
0xc6: {  	_ = 	snop;
	(pc) =	sbr.rel @p0 .LBB2_1-.Ltmp1, $3  }
0xc7: {  	_ =	sdelay $0x1  }
0xc8: {  	[sflag:s22] =	ssyncset.done $0x0  }
0xc9: {  	[sflag:s22] =	ssyncadd.s32 $0xFFFFFFB0  }
0xca: {  	_ =	sfence.sel $0x180000  }
0xcb: {  	[bflag:$0x0] =	sbarrier.arrive $0xFFFF  }
0xcc: {  	_ =	strace $0x90000047  }
0xcd: {  	s0 =	stileid.u32;
	[bflag:$0x2] =	sbarrier.arrive $0xFFFF  }
0xce: {  	p0 =	sne.s32 s0, $0x0;
	s0 =	rddreg [dreg:$0x5]  }
0xcf: {  	s0 =	sadd.s32 @!p0 $0x100000, s0  }
0xd0: {  	[sflag:s0] =	ssyncadd.tile.s32 @!p0 $0x1;
	_ =	shalt  }
.Lfunc_end2:
_tile_overlayer_lowered:
.L_overlay_start_2:
0xd1: {  	(tag) =	ssettag $0x2  }
0xd2: {  	s0 =	rddreg [dreg:$0x0];
	s2 =	stileid.u32  }
0xd3: {  	s1 =	rddreg [dreg:$0x1];
	p0 =	sne.s32 s2, $0x0  }
0xd4: {  	s3 =	rddreg [dreg:$0x2];
	[bflag:$0x3] =	sbarrier.arrive $0xFFFF;
	s2 =	simm.s32 @!p0 $0x1C07  }
0xd5: {  	[timem:s3], [sflag:s2] =	dma.local @!p0 [hbm:s0], s1  }
0xd6: {  	s0 =	simm.s32 @!p0 $0x7  }
0xd7: {  	_ =	swait.ge @!p0 [sflag:s0], s1  }
0xd8: {  	s1 =	ssub.s32 @!p0 $0x0, s1;
	[sflag:s0] =	ssyncset.done @!p0 $0x0  }
0xd9: {  	[sflag:s0] =	ssyncadd.s32 @!p0 s1  }
0xda: {  	[bflag:$0x3] =	sbarrier.arrive $0xFFFF  }
0xdb: {  	_ =	shalt  }

</sc_bundles>
